<compile_context>
chip_gen: v7x
topology: tpu7x:2x2x1
jax: 0.10.2.dev20260603
libtpu: 0.0.44.dev20260713+nightly
codegen_flags: <defaults>
</compile_context>

<pallas_src>
import jax
import jax.numpy as jnp
from jax import lax
from jax.experimental import pallas as pl
from jax.experimental.pallas import tpu as pltpu
from jax.experimental.pallas import tpu_sc as plsc

_N = 50000
_N1 = 10000
_N2 = 1024
_D = 128
_NW = 32
_CW = 16
_K = 64
_NB = 4


def _make_sc_segsum(n_tgt, nc0, nc1, grp):
    rpt = n_tgt // 16
    nquads = grp // _NB
    mesh = plsc.VectorSubcoreMesh(core_axis_name="c", subcore_axis_name="s")

    nz64 = rpt // _K
    ztail = rpt % _K

    def body(table, srcs, dsts, out_sum, out_cnt,
             sidx, didx, rows, ones, zc, acc, cnt,
             g0, g1, g2, g3, s0, s1, s2, s3, o0, o1, o2, o3):
        gsems = [g0, g1, g2, g3]
        ssems = [s0, s1, s2, s3]
        osems = [o0, o1, o2, o3]
        c = lax.axis_index("c")
        s = lax.axis_index("s")
        chunk0 = jnp.where(c == 0, s * nc0, 16 * nc0 + s * nc1)
        ngroups_w = jnp.where(c == 0, nc0 // grp, nc1 // grp)

        def init_bufs(i, carry):
            for j in range(_D // 16):
                rows[0, i, pl.ds(16 * j, 16)] = jnp.zeros((16,), jnp.float32)
            ones[i, :] = jnp.ones((16,), jnp.float32)
            zc[i, :] = jnp.zeros((16,), jnp.float32)
            return carry

        lax.fori_loop(0, _K, init_bufs, 0)

        base = s * rpt
        for k in range(nz64):
            pltpu.sync_copy(rows.at[0], acc.at[pl.ds(base + k * _K, _K)])
            pltpu.sync_copy(zc, cnt.at[pl.ds(base + k * _K, _K)])
        if ztail:
            pltpu.sync_copy(rows.at[0, pl.ds(0, ztail)],
                            acc.at[pl.ds(base + nz64 * _K, ztail)])
            pltpu.sync_copy(zc.at[pl.ds(0, ztail)],
                            cnt.at[pl.ds(base + nz64 * _K, ztail)])
        plsc.subcore_barrier()

        def wait_gather(b):
            pltpu.make_async_copy(
                table.at[pl.ds(0, _K)], rows.at[b], gsems[b]).wait()

        def wait_scatter(b):
            pltpu.make_async_copy(
                table.at[pl.ds(0, _K)], rows.at[b], ssems[b]).wait()
            pltpu.make_async_copy(
                out_cnt.at[0, pl.ds(0, _K)], ones, osems[b]).wait()

        def group(g, carry):
            pltpu.sync_copy(srcs.at[pl.ds(chunk0 + g * grp, grp)], sidx)
            pltpu.sync_copy(dsts.at[pl.ds(chunk0 + g * grp, grp)], didx)
            for b in range(_NB - 1):
                pltpu.async_copy(table.at[sidx.at[b]], rows.at[b], gsems[b])

            def quad(q, carry2):
                for b in range(_NB):
                    j = _NB * q + b
                    wait_gather(b)

                    @pl.when(j > 0)
                    def _():
                        wait_scatter((b + _NB - 1) % _NB)

                    @pl.when(j + _NB - 1 < grp)
                    def _():
                        pltpu.async_copy(table.at[sidx.at[j + _NB - 1]],
                                         rows.at[(b + _NB - 1) % _NB],
                                         gsems[(b + _NB - 1) % _NB])

                    pltpu.async_copy(rows.at[b], acc.at[didx.at[j]],
                                     ssems[b], add=True)
                    pltpu.async_copy(ones, cnt.at[didx.at[j]],
                                     osems[b], add=True)
                return carry2

            lax.fori_loop(0, nquads, quad, 0)
            wait_scatter(_NB - 1)
            return carry

        lax.fori_loop(0, ngroups_w, group, 0)
        plsc.subcore_barrier()

        pltpu.sync_copy(acc.at[pl.ds(base, rpt)],
                        out_sum.at[c, pl.ds(base, rpt)])
        pltpu.sync_copy(cnt.at[pl.ds(base, rpt)],
                        out_cnt.at[c, pl.ds(base, rpt)])

    return pl.kernel(
        body,
        out_type=[
            jax.ShapeDtypeStruct((2, n_tgt, _D), jnp.float32),
            jax.ShapeDtypeStruct((2, n_tgt, _CW), jnp.float32),
        ],
        mesh=mesh,
        compiler_params=pltpu.CompilerParams(use_tc_tiling_on_sc=False),
        scratch_types=[
            pltpu.VMEM((grp, _K), jnp.int32),
            pltpu.VMEM((grp, _K), jnp.int32),
            pltpu.VMEM((_NB, _K, _D), jnp.float32),
            pltpu.VMEM((_K, _CW), jnp.float32),
            pltpu.VMEM((_K, _CW), jnp.float32),
            pltpu.VMEM_SHARED((n_tgt, _D), jnp.float32),
            pltpu.VMEM_SHARED((n_tgt, _CW), jnp.float32),
        ] + [pltpu.SemaphoreType.DMA] * 12,
    )


_N1P = 10016
_E1P = _NW * 160 * _K

_sc_segsum1 = _make_sc_segsum(_N1P, 288, 32, 32)
_sc_segsum2 = _make_sc_segsum(_N2, 16, 16, 16)


def _tc1_body(ps, cs, xb, wl, wr, bb, out):
    cnt = jnp.maximum(cs[0][:, 0:1] + cs[1][:, 0:1], 1.0)
    mean = (ps[0] + ps[1]) / cnt
    z = (jnp.dot(mean, wl[:, :], preferred_element_type=jnp.float32)
         + jnp.dot(xb[:, :], wr[:, :], preferred_element_type=jnp.float32)
         + bb[:, :])
    out[:, :] = jnp.maximum(z, 0.0)


def _dense1(ps, cs, x, wlT, wrT, b):
    R = 2000
    return pl.pallas_call(
        _tc1_body,
        grid=(_N1 // R,),
        in_specs=[
            pl.BlockSpec((2, R, _D), lambda i: (0, i, 0)),
            pl.BlockSpec((2, R, _CW), lambda i: (0, i, 0)),
            pl.BlockSpec((R, _D), lambda i: (i, 0)),
            pl.BlockSpec((_D, _D), lambda i: (0, 0)),
            pl.BlockSpec((_D, _D), lambda i: (0, 0)),
            pl.BlockSpec((1, _D), lambda i: (0, 0)),
        ],
        out_specs=pl.BlockSpec((R, _D), lambda i: (i, 0)),
        out_shape=jax.ShapeDtypeStruct((_N1, _D), jnp.float32),
    )(ps, cs, x, wlT, wrT, b)


def _tc2_body(qs, cs, hb, wl, wr, bb, out):
    cnt = jnp.maximum(cs[0][:, 0:1] + cs[1][:, 0:1], 1.0)
    mean = (qs[0] + qs[1]) / cnt
    z = (jnp.dot(mean, wl[:, :], preferred_element_type=jnp.float32)
         + jnp.dot(hb[:, :], wr[:, :], preferred_element_type=jnp.float32)
         + bb[:, :])
    z = z - jnp.max(z, axis=-1, keepdims=True)
    out[:, :] = z - jnp.log(jnp.sum(jnp.exp(z), axis=-1, keepdims=True))


def _dense2(qs, cs, hs, wlT, wrT, b):
    dout = wlT.shape[1]
    return pl.pallas_call(
        _tc2_body,
        grid=(1,),
        in_specs=[
            pl.BlockSpec((2, _N2, _D), lambda i: (0, 0, 0)),
            pl.BlockSpec((2, _N2, _CW), lambda i: (0, 0, 0)),
            pl.BlockSpec((_N2, _D), lambda i: (0, 0)),
            pl.BlockSpec((_D, dout), lambda i: (0, 0)),
            pl.BlockSpec((_D, dout), lambda i: (0, 0)),
            pl.BlockSpec((1, dout), lambda i: (0, 0)),
        ],
        out_specs=pl.BlockSpec((_N2, dout), lambda i: (0, 0)),
        out_shape=jax.ShapeDtypeStruct((_N2, dout), jnp.float32),
    )(qs, cs, hs, wlT, wrT, b)


def kernel(x, W_l1, b_l1, W_r1, W_l2, b_l2, W_r2,
           edge_src1, edge_dst1, edge_src2, edge_dst2):
    pad1 = _E1P - edge_src1.shape[0]
    src1 = jnp.concatenate(
        [edge_src1.astype(jnp.int32), jnp.zeros((pad1,), jnp.int32)]
    ).reshape(-1, _K)
    dst1 = jnp.concatenate(
        [edge_dst1.astype(jnp.int32), jnp.full((pad1,), _N1, jnp.int32)]
    ).reshape(-1, _K)
    src2 = edge_src2.astype(jnp.int32).reshape(-1, _K)
    dst2 = edge_dst2.astype(jnp.int32).reshape(-1, _K)

    sums1, cnts1 = _sc_segsum1(x, src1, dst1)
    h = _dense1(sums1, cnts1, x, W_l1.T, W_r1.T, b_l1.reshape(1, _D))
    sums2, cnts2 = _sc_segsum2(h, src2, dst2)
    return _dense2(sums2, cnts2, h, W_l2.T, W_r2.T, b_l2.reshape(1, -1))

# --- scband reference (transcript-rebuilt; emitter-appended) ---
"""Pipeline reference for scband-sage-58677843198050 (READ-ONLY COPY).

The authoritative reference and input builder live on the scoring server;
editing this copy changes nothing except your own understanding.
"""

import jax, jax.numpy as jnp
import numpy as np

N = 50000   # sampled source nodes for layer 1
N1 = 10000  # layer-1 target nodes
N2 = 1024   # seed (batch) nodes
E1 = 320000
E2 = 32768
DIN = 128
DH = 128
DOUT = 64


def setup_inputs(seed: int = 0) -> dict:
    key = jax.random.key(seed)
    ks = jax.random.split(key, 12)
    x = jax.random.normal(ks[0], (N, DIN), dtype=jnp.float32)
    edge_src1 = jax.random.randint(ks[1], (E1,), 0, N, dtype=jnp.int64) if jax.config.jax_enable_x64 else jax.random.randint(ks[1], (E1,), 0, N).astype(jnp.int32)
    edge_dst1 = jax.random.randint(ks[2], (E1,), 0, N1).astype(edge_src1.dtype)
    edge_src2 = jax.random.randint(ks[3], (E2,), 0, N1).astype(edge_src1.dtype)
    edge_dst2 = jax.random.randint(ks[4], (E2,), 0, N2).astype(edge_src1.dtype)
    s1 = 1.0 / np.sqrt(DIN)
    s2 = 1.0 / np.sqrt(DH)
    W_l1 = jax.random.uniform(ks[5], (DH, DIN), minval=-s1, maxval=s1, dtype=jnp.float32)
    b_l1 = jax.random.uniform(ks[6], (DH,), minval=-s1, maxval=s1, dtype=jnp.float32)
    W_r1 = jax.random.uniform(ks[7], (DH, DIN), minval=-s1, maxval=s1, dtype=jnp.float32)
    W_l2 = jax.random.uniform(ks[8], (DOUT, DH), minval=-s2, maxval=s2, dtype=jnp.float32)
    b_l2 = jax.random.uniform(ks[9], (DOUT,), minval=-s2, maxval=s2, dtype=jnp.float32)
    W_r2 = jax.random.uniform(ks[10], (DOUT, DH), minval=-s2, maxval=s2, dtype=jnp.float32)
    return {
        'x': x,
        'W_l1': W_l1, 'b_l1': b_l1, 'W_r1': W_r1,
        'W_l2': W_l2, 'b_l2': b_l2, 'W_r2': W_r2,
        'edge_src1': edge_src1, 'edge_dst1': edge_dst1,
        'edge_src2': edge_src2, 'edge_dst2': edge_dst2,
    }


def _sage_conv(x_src, x_tgt, src, dst, W_l, b_l, W_r, n_tgt):
    # PyG SAGEConv (mean aggregation, bipartite): lin_l(mean_j x_src[src_j -> i]) + lin_r(x_tgt)
    msgs = jnp.take(x_src, src, axis=0)
    summed = jax.ops.segment_sum(msgs, dst, num_segments=n_tgt)
    cnt = jax.ops.segment_sum(jnp.ones((src.shape[0],), dtype=x_src.dtype), dst, num_segments=n_tgt)
    mean = summed / jnp.clip(cnt, 1.0)[:, None]
    return mean @ W_l.T + b_l + x_tgt @ W_r.T


def reference(x, W_l1, b_l1, W_r1, W_l2, b_l2, W_r2, edge_src1, edge_dst1, edge_src2, edge_dst2):
    # Layer 1: (x, x[:N1]) with adjs[0].edge_index
    h = _sage_conv(x, x[:N1], edge_src1, edge_dst1, W_l1, b_l1, W_r1, N1)
    h = jax.nn.relu(h)
    # dropout(p=0.5) is identity in eval mode (self.training == False)
    # Layer 2: (h, h[:N2]) with adjs[1].edge_index
    out = _sage_conv(h, h[:N2], edge_src2, edge_dst2, W_l2, b_l2, W_r2, N2)
    return jax.nn.log_softmax(out, axis=-1)

if __name__ == "__main__":
    import jax
    _d = setup_inputs()
    print(jax.jit(kernel)(*tuple(_d.values())))

</pallas_src>

<mosaic_0001>
#map = affine_map<(d0, d1) -> (0, 0)>
#map1 = affine_map<(d0, d1) -> (0, 0, 0)>
module attributes {stable_mosaic.version = 14 : i64} {
  func.func @body(%arg0: i32, %arg1: i32, %arg2: memref<50000x128xf32, #tpu.memory_space<hbm>>, %arg3: memref<5120x64xi32, #tpu.memory_space<hbm>>, %arg4: memref<5120x64xi32, #tpu.memory_space<hbm>>, %arg5: memref<2x10016x128xf32, #tpu.memory_space<hbm>>, %arg6: memref<2x10016x16xf32, #tpu.memory_space<hbm>>, %arg7: memref<32x64xi32, #tpu.memory_space<vmem>>, %arg8: memref<32x64xi32, #tpu.memory_space<vmem>>, %arg9: memref<4x64x128xf32, #tpu.memory_space<vmem>>, %arg10: memref<64x16xf32, #tpu.memory_space<vmem>>, %arg11: memref<64x16xf32, #tpu.memory_space<vmem>>, %arg12: memref<10016x128xf32, #tpu.memory_space<vmem_shared>>, %arg13: memref<10016x16xf32, #tpu.memory_space<vmem_shared>>, %arg14: memref<!tpu.dma_semaphore, #tpu.memory_space<semaphore_mem>>, %arg15: memref<!tpu.dma_semaphore, #tpu.memory_space<semaphore_mem>>, %arg16: memref<!tpu.dma_semaphore, #tpu.memory_space<semaphore_mem>>, %arg17: memref<!tpu.dma_semaphore, #tpu.memory_space<semaphore_mem>>, %arg18: memref<!tpu.dma_semaphore, #tpu.memory_space<semaphore_mem>>, %arg19: memref<!tpu.dma_semaphore, #tpu.memory_space<semaphore_mem>>, %arg20: memref<!tpu.dma_semaphore, #tpu.memory_space<semaphore_mem>>, %arg21: memref<!tpu.dma_semaphore, #tpu.memory_space<semaphore_mem>>, %arg22: memref<!tpu.dma_semaphore, #tpu.memory_space<semaphore_mem>>, %arg23: memref<!tpu.dma_semaphore, #tpu.memory_space<semaphore_mem>>, %arg24: memref<!tpu.dma_semaphore, #tpu.memory_space<semaphore_mem>>, %arg25: memref<!tpu.dma_semaphore, #tpu.memory_space<semaphore_mem>>) attributes {dimension_semantics = [#tpu.dimension_semantics<core_parallel>, #tpu.dimension_semantics<subcore_parallel>], iteration_bounds = array<i64: 2, 16>, scalar_prefetch = 0 : i64, scratch_operands = 19 : i64, tpu.core_type = #tpu.core_type<sc_vector_subcore>, window_params = [{transform_indices = #map}, {transform_indices = #map}, {transform_indices = #map}, {transform_indices = #map1}, {transform_indices = #map1}]} {
    %eq3A = arith.constant 0 : i32
    %eq3A_0 = arith.cmpi eq, %arg0, %eq3A : i32
    %mul3A = arith.constant 288 : i32
    %mul3A_1 = arith.muli %arg1, %mul3A : i32
    %mul3A_2 = arith.constant 32 : i32
    %mul3A_3 = arith.muli %arg1, %mul3A_2 : i32
    %add3A = arith.constant 4608 : i32
    %add3A_4 = arith.addi %add3A, %mul3A_3 : i32
    %select_n3A = arith.select %eq3A_0, %mul3A_1, %add3A_4 : i32
    %eq3A_5 = arith.constant 0 : i32
    %eq3A_6 = arith.cmpi eq, %arg0, %eq3A_5 : i32
    %jit3A = arith.constant 9 : i32
    %jit3A_7 = arith.constant 1 : i32
    %select_n3A_8 = arith.select %eq3A_6, %jit3A, %jit3A_7 : i32
    %scan3A = arith.constant 0 : i32
    %scan3A_9 = arith.constant 0 : i32
    %scan3A_10 = arith.constant 64 : i32
    %scan3A_11 = arith.addi %scan3A_9, %scan3A_10 : i32
    %scan3A_12 = arith.constant 1 : i32
    scf.for %scan3A_75 = %scan3A_9 to %scan3A_11 step %scan3A_12  : i32 {
      %broadcast_in_dim3A = arith.constant 0.000000e+00 : f32
      %broadcast_in_dim3A_76 = vector.broadcast %broadcast_in_dim3A : f32 to vector<16xf32>
      %swap3A = arith.constant 0 : i32
      %swap3A_77 = arith.index_cast %swap3A : i32 to index
      %swap3A_78 = arith.index_cast %scan3A_75 : i32 to index
      %swap3A_79 = arith.constant 0 : index
      %swap3A_80 = tpu.vector_load %arg9[%swap3A_77, %swap3A_78, %swap3A_79] {strides = array<i32>} : memref<4x64x128xf32, #tpu.memory_space<vmem>>, vector<1x1x16xf32>,
      %swap3A_81 = vector.shape_cast %swap3A_80 : vector<1x1x16xf32> to vector<16xf32>
      %swap3A_82 = vector.shape_cast %broadcast_in_dim3A_76 : vector<16xf32> to vector<1x1x16xf32>
      tpu.vector_store %arg9[%swap3A_77, %swap3A_78, %swap3A_79], %swap3A_82 {strides = array<i32>} : memref<4x64x128xf32, #tpu.memory_space<vmem>>, vector<1x1x16xf32>,
      %broadcast_in_dim3A_83 = arith.constant 0.000000e+00 : f32
      %broadcast_in_dim3A_84 = vector.broadcast %broadcast_in_dim3A_83 : f32 to vector<16xf32>
      %swap3A_85 = arith.constant 0 : i32
      %swap3A_86 = arith.index_cast %swap3A_85 : i32 to index
      %swap3A_87 = arith.index_cast %scan3A_75 : i32 to index
      %swap3A_88 = arith.constant 16 : index
      %swap3A_89 = tpu.vector_load %arg9[%swap3A_86, %swap3A_87, %swap3A_88] {strides = array<i32>} : memref<4x64x128xf32, #tpu.memory_space<vmem>>, vector<1x1x16xf32>,
      %swap3A_90 = vector.shape_cast %swap3A_89 : vector<1x1x16xf32> to vector<16xf32>
      %swap3A_91 = vector.shape_cast %broadcast_in_dim3A_84 : vector<16xf32> to vector<1x1x16xf32>
      tpu.vector_store %arg9[%swap3A_86, %swap3A_87, %swap3A_88], %swap3A_91 {strides = array<i32>} : memref<4x64x128xf32, #tpu.memory_space<vmem>>, vector<1x1x16xf32>,
      %broadcast_in_dim3A_92 = arith.constant 0.000000e+00 : f32
      %broadcast_in_dim3A_93 = vector.broadcast %broadcast_in_dim3A_92 : f32 to vector<16xf32>
      %swap3A_94 = arith.constant 0 : i32
      %swap3A_95 = arith.index_cast %swap3A_94 : i32 to index
      %swap3A_96 = arith.index_cast %scan3A_75 : i32 to index
      %swap3A_97 = arith.constant 32 : index
      %swap3A_98 = tpu.vector_load %arg9[%swap3A_95, %swap3A_96, %swap3A_97] {strides = array<i32>} : memref<4x64x128xf32, #tpu.memory_space<vmem>>, vector<1x1x16xf32>,
      %swap3A_99 = vector.shape_cast %swap3A_98 : vector<1x1x16xf32> to vector<16xf32>
      %swap3A_100 = vector.shape_cast %broadcast_in_dim3A_93 : vector<16xf32> to vector<1x1x16xf32>
      tpu.vector_store %arg9[%swap3A_95, %swap3A_96, %swap3A_97], %swap3A_100 {strides = array<i32>} : memref<4x64x128xf32, #tpu.memory_space<vmem>>, vector<1x1x16xf32>,
      %broadcast_in_dim3A_101 = arith.constant 0.000000e+00 : f32
      %broadcast_in_dim3A_102 = vector.broadcast %broadcast_in_dim3A_101 : f32 to vector<16xf32>
      %swap3A_103 = arith.constant 0 : i32
      %swap3A_104 = arith.index_cast %swap3A_103 : i32 to index
      %swap3A_105 = arith.index_cast %scan3A_75 : i32 to index
      %swap3A_106 = arith.constant 48 : index
      %swap3A_107 = tpu.vector_load %arg9[%swap3A_104, %swap3A_105, %swap3A_106] {strides = array<i32>} : memref<4x64x128xf32, #tpu.memory_space<vmem>>, vector<1x1x16xf32>,
      %swap3A_108 = vector.shape_cast %swap3A_107 : vector<1x1x16xf32> to vector<16xf32>
      %swap3A_109 = vector.shape_cast %broadcast_in_dim3A_102 : vector<16xf32> to vector<1x1x16xf32>
      tpu.vector_store %arg9[%swap3A_104, %swap3A_105, %swap3A_106], %swap3A_109 {strides = array<i32>} : memref<4x64x128xf32, #tpu.memory_space<vmem>>, vector<1x1x16xf32>,
      %broadcast_in_dim3A_110 = arith.constant 0.000000e+00 : f32
      %broadcast_in_dim3A_111 = vector.broadcast %broadcast_in_dim3A_110 : f32 to vector<16xf32>
      %swap3A_112 = arith.constant 0 : i32
      %swap3A_113 = arith.index_cast %swap3A_112 : i32 to index
      %swap3A_114 = arith.index_cast %scan3A_75 : i32 to index
      %swap3A_115 = arith.constant 64 : index
      %swap3A_116 = tpu.vector_load %arg9[%swap3A_113, %swap3A_114, %swap3A_115] {strides = array<i32>} : memref<4x64x128xf32, #tpu.memory_space<vmem>>, vector<1x1x16xf32>,
      %swap3A_117 = vector.shape_cast %swap3A_116 : vector<1x1x16xf32> to vector<16xf32>
      %swap3A_118 = vector.shape_cast %broadcast_in_dim3A_111 : vector<16xf32> to vector<1x1x16xf32>
      tpu.vector_store %arg9[%swap3A_113, %swap3A_114, %swap3A_115], %swap3A_118 {strides = array<i32>} : memref<4x64x128xf32, #tpu.memory_space<vmem>>, vector<1x1x16xf32>,
      %broadcast_in_dim3A_119 = arith.constant 0.000000e+00 : f32
      %broadcast_in_dim3A_120 = vector.broadcast %broadcast_in_dim3A_119 : f32 to vector<16xf32>
      %swap3A_121 = arith.constant 0 : i32
      %swap3A_122 = arith.index_cast %swap3A_121 : i32 to index
      %swap3A_123 = arith.index_cast %scan3A_75 : i32 to index
      %swap3A_124 = arith.constant 80 : index
      %swap3A_125 = tpu.vector_load %arg9[%swap3A_122, %swap3A_123, %swap3A_124] {strides = array<i32>} : memref<4x64x128xf32, #tpu.memory_space<vmem>>, vector<1x1x16xf32>,
      %swap3A_126 = vector.shape_cast %swap3A_125 : vector<1x1x16xf32> to vector<16xf32>
      %swap3A_127 = vector.shape_cast %broadcast_in_dim3A_120 : vector<16xf32> to vector<1x1x16xf32>
      tpu.vector_store %arg9[%swap3A_122, %swap3A_123, %swap3A_124], %swap3A_127 {strides = array<i32>} : memref<4x64x128xf32, #tpu.memory_space<vmem>>, vector<1x1x16xf32>,
      %broadcast_in_dim3A_128 = arith.constant 0.000000e+00 : f32
      %broadcast_in_dim3A_129 = vector.broadcast %broadcast_in_dim3A_128 : f32 to vector<16xf32>
      %swap3A_130 = arith.constant 0 : i32
      %swap3A_131 = arith.index_cast %swap3A_130 : i32 to index
      %swap3A_132 = arith.index_cast %scan3A_75 : i32 to index
      %swap3A_133 = arith.constant 96 : index
      %swap3A_134 = tpu.vector_load %arg9[%swap3A_131, %swap3A_132, %swap3A_133] {strides = array<i32>} : memref<4x64x128xf32, #tpu.memory_space<vmem>>, vector<1x1x16xf32>,
      %swap3A_135 = vector.shape_cast %swap3A_134 : vector<1x1x16xf32> to vector<16xf32>
      %swap3A_136 = vector.shape_cast %broadcast_in_dim3A_129 : vector<16xf32> to vector<1x1x16xf32>
      tpu.vector_store %arg9[%swap3A_131, %swap3A_132, %swap3A_133], %swap3A_136 {strides = array<i32>} : memref<4x64x128xf32, #tpu.memory_space<vmem>>, vector<1x1x16xf32>,
      %broadcast_in_dim3A_137 = arith.constant 0.000000e+00 : f32
      %broadcast_in_dim3A_138 = vector.broadcast %broadcast_in_dim3A_137 : f32 to vector<16xf32>
      %swap3A_139 = arith.constant 0 : i32
      %swap3A_140 = arith.index_cast %swap3A_139 : i32 to index
      %swap3A_141 = arith.index_cast %scan3A_75 : i32 to index
      %swap3A_142 = arith.constant 112 : index
      %swap3A_143 = tpu.vector_load %arg9[%swap3A_140, %swap3A_141, %swap3A_142] {strides = array<i32>} : memref<4x64x128xf32, #tpu.memory_space<vmem>>, vector<1x1x16xf32>,
      %swap3A_144 = vector.shape_cast %swap3A_143 : vector<1x1x16xf32> to vector<16xf32>
      %swap3A_145 = vector.shape_cast %broadcast_in_dim3A_138 : vector<16xf32> to vector<1x1x16xf32>
      tpu.vector_store %arg9[%swap3A_140, %swap3A_141, %swap3A_142], %swap3A_145 {strides = array<i32>} : memref<4x64x128xf32, #tpu.memory_space<vmem>>, vector<1x1x16xf32>,
      %broadcast_in_dim3A_146 = arith.constant 1.000000e+00 : f32
      %broadcast_in_dim3A_147 = vector.broadcast %broadcast_in_dim3A_146 : f32 to vector<16xf32>
      %swap3A_148 = arith.index_cast %scan3A_75 : i32 to index
      %swap3A_149 = arith.constant 0 : index
      %swap3A_150 = tpu.vector_load %arg10[%swap3A_148, %swap3A_149] {strides = array<i32>} : memref<64x16xf32, #tpu.memory_space<vmem>>, vector<1x16xf32>,
      %swap3A_151 = vector.shape_cast %swap3A_150 : vector<1x16xf32> to vector<16xf32>
      %swap3A_152 = vector.shape_cast %broadcast_in_dim3A_147 : vector<16xf32> to vector<1x16xf32>
      tpu.vector_store %arg10[%swap3A_148, %swap3A_149], %swap3A_152 {strides = array<i32>} : memref<64x16xf32, #tpu.memory_space<vmem>>, vector<1x16xf32>,
      %broadcast_in_dim3A_153 = arith.constant 0.000000e+00 : f32
      %broadcast_in_dim3A_154 = vector.broadcast %broadcast_in_dim3A_153 : f32 to vector<16xf32>
      %swap3A_155 = arith.index_cast %scan3A_75 : i32 to index
      %swap3A_156 = arith.constant 0 : index
      %swap3A_157 = tpu.vector_load %arg11[%swap3A_155, %swap3A_156] {strides = array<i32>} : memref<64x16xf32, #tpu.memory_space<vmem>>, vector<1x16xf32>,
      %swap3A_158 = vector.shape_cast %swap3A_157 : vector<1x16xf32> to vector<16xf32>
      %swap3A_159 = vector.shape_cast %broadcast_in_dim3A_154 : vector<16xf32> to vector<1x16xf32>
      tpu.vector_store %arg11[%swap3A_155, %swap3A_156], %swap3A_159 {strides = array<i32>} : memref<64x16xf32, #tpu.memory_space<vmem>>, vector<1x16xf32>,
    }
    %scan3A_13 = arith.constant 64 : i32
    %mul3A_14 = arith.constant 626 : i32
    %mul3A_15 = arith.muli %arg1, %mul3A_14 : i32
    %add3A_16 = arith.constant 0 : i32
    %add3A_17 = arith.addi %mul3A_15, %add3A_16 : i32
    %run_scoped3A = arith.constant 0 : i32
    "tpu.region"() ({
      %run_scoped3A_75 = tpu.sem_alloc : memref<!tpu.dma_semaphore, #tpu.memory_space<semaphore_mem>>
      %dma_start3A = arith.constant 0 : i32
      %dma_start3A_76 = arith.constant 0 : i32
      %dma_start3A_77 = tpu.memref_slice %arg9[%run_scoped3A, %dma_start3A, %dma_start3A_76] : memref<4x64x128xf32, #tpu.memory_space<vmem>> -> memref<1x64x128xf32, #tpu.memory_space<vmem>>
      %dma_start3A_78 = tpu.memref_squeeze %dma_start3A_77 : memref<1x64x128xf32, #tpu.memory_space<vmem>> -> memref<64x128xf32, #tpu.memory_space<vmem>>
      %dma_start3A_79 = arith.constant 0 : i32
      %dma_start3A_80 = tpu.memref_slice %arg12[%add3A_17, %dma_start3A_79] : memref<10016x128xf32, #tpu.memory_space<vmem_shared>> -> memref<64x128xf32, #tpu.memory_space<vmem_shared>>
      %dma_start3A_81 = arith.constant 0 : i32
      %dma_start3A_82 = tpu.memref_slice %arg12[%add3A_17, %dma_start3A_81] : memref<10016x128xf32, #tpu.memory_space<vmem_shared>> -> memref<64x128xf32, #tpu.memory_space<vmem_shared>>
      %dma_start3A_83 = arith.constant 0 : i32
      %dma_start3A_84 = arith.constant 0 : i32
      %dma_start3A_85 = tpu.memref_slice %arg9[%run_scoped3A, %dma_start3A_83, %dma_start3A_84] : memref<4x64x128xf32, #tpu.memory_space<vmem>> -> memref<1x64x128xf32, #tpu.memory_space<vmem>>
      %dma_start3A_86 = tpu.memref_squeeze %dma_start3A_85 : memref<1x64x128xf32, #tpu.memory_space<vmem>> -> memref<64x128xf32, #tpu.memory_space<vmem>>
      tpu.enqueue_dma source(%dma_start3A_86 : memref<64x128xf32, #tpu.memory_space<vmem>>) target(%dma_start3A_82 : memref<64x128xf32, #tpu.memory_space<vmem_shared>>) target_semaphore(%run_scoped3A_75 : memref<!tpu.dma_semaphore, #tpu.memory_space<semaphore_mem>>)
      %dma_wait3A = arith.constant 0 : i32
      %dma_wait3A_87 = arith.constant 0 : i32
      %dma_wait3A_88 = tpu.memref_slice %arg9[%run_scoped3A, %dma_wait3A, %dma_wait3A_87] : memref<4x64x128xf32, #tpu.memory_space<vmem>> -> memref<1x64x128xf32, #tpu.memory_space<vmem>>
      %dma_wait3A_89 = tpu.memref_squeeze %dma_wait3A_88 : memref<1x64x128xf32, #tpu.memory_space<vmem>> -> memref<64x128xf32, #tpu.memory_space<vmem>>
      %dma_wait3A_90 = arith.constant 0 : i32
      %dma_wait3A_91 = tpu.memref_slice %arg12[%add3A_17, %dma_wait3A_90] : memref<10016x128xf32, #tpu.memory_space<vmem_shared>> -> memref<64x128xf32, #tpu.memory_space<vmem_shared>>
      %dma_wait3A_92 = arith.constant 0 : i32
      %dma_wait3A_93 = tpu.memref_slice %arg12[%add3A_17, %dma_wait3A_92] : memref<10016x128xf32, #tpu.memory_space<vmem_shared>> -> memref<64x128xf32, #tpu.memory_space<vmem_shared>>
      %dma_wait3A_94 = arith.constant 0 : i32
      %dma_wait3A_95 = arith.constant 0 : i32
      %dma_wait3A_96 = tpu.memref_slice %arg9[%run_scoped3A, %dma_wait3A_94, %dma_wait3A_95] : memref<4x64x128xf32, #tpu.memory_space<vmem>> -> memref<1x64x128xf32, #tpu.memory_space<vmem>>
      %dma_wait3A_97 = tpu.memref_squeeze %dma_wait3A_96 : memref<1x64x128xf32, #tpu.memory_space<vmem>> -> memref<64x128xf32, #tpu.memory_space<vmem>>
      tpu.wait_dma2 semaphore(%run_scoped3A_75 : memref<!tpu.dma_semaphore, #tpu.memory_space<semaphore_mem>>) src(%dma_wait3A_97 : memref<64x128xf32, #tpu.memory_space<vmem>>) dst(%dma_wait3A_93 : memref<64x128xf32, #tpu.memory_space<vmem_shared>>)
      tpu.yield
    }) : () -> ()
    %add3A_18 = arith.constant 0 : i32
    %add3A_19 = arith.addi %mul3A_15, %add3A_18 : i32
    "tpu.region"() ({
      %run_scoped3A_75 = tpu.sem_alloc : memref<!tpu.dma_semaphore, #tpu.memory_space<semaphore_mem>>
      %dma_start3A = arith.constant 0 : i32
      %dma_start3A_76 = tpu.memref_slice %arg13[%add3A_19, %dma_start3A] : memref<10016x16xf32, #tpu.memory_space<vmem_shared>> -> memref<64x16xf32, #tpu.memory_space<vmem_shared>>
      %dma_start3A_77 = arith.constant 0 : i32
      %dma_start3A_78 = tpu.memref_slice %arg13[%add3A_19, %dma_start3A_77] : memref<10016x16xf32, #tpu.memory_space<vmem_shared>> -> memref<64x16xf32, #tpu.memory_space<vmem_shared>>
      tpu.enqueue_dma source(%arg11 : memref<64x16xf32, #tpu.memory_space<vmem>>) target(%dma_start3A_78 : memref<64x16xf32, #tpu.memory_space<vmem_shared>>) target_semaphore(%run_scoped3A_75 : memref<!tpu.dma_semaphore, #tpu.memory_space<semaphore_mem>>)
      %dma_wait3A = arith.constant 0 : i32
      %dma_wait3A_79 = tpu.memref_slice %arg13[%add3A_19, %dma_wait3A] : memref<10016x16xf32, #tpu.memory_space<vmem_shared>> -> memref<64x16xf32, #tpu.memory_space<vmem_shared>>
      %dma_wait3A_80 = arith.constant 0 : i32
      %dma_wait3A_81 = tpu.memref_slice %arg13[%add3A_19, %dma_wait3A_80] : memref<10016x16xf32, #tpu.memory_space<vmem_shared>> -> memref<64x16xf32, #tpu.memory_space<vmem_shared>>
      tpu.wait_dma2 semaphore(%run_scoped3A_75 : memref<!tpu.dma_semaphore, #tpu.memory_space<semaphore_mem>>) src(%arg11 : memref<64x16xf32, #tpu.memory_space<vmem>>) dst(%dma_wait3A_81 : memref<64x16xf32, #tpu.memory_space<vmem_shared>>)
      tpu.yield
    }) : () -> ()
    %add3A_20 = arith.constant 64 : i32
    %add3A_21 = arith.addi %mul3A_15, %add3A_20 : i32
    %run_scoped3A_22 = arith.constant 0 : i32
    "tpu.region"() ({
      %run_scoped3A_75 = tpu.sem_alloc : memref<!tpu.dma_semaphore, #tpu.memory_space<semaphore_mem>>
      %dma_start3A = arith.constant 0 : i32
      %dma_start3A_76 = arith.constant 0 : i32
      %dma_start3A_77 = tpu.memref_slice %arg9[%run_scoped3A_22, %dma_start3A, %dma_start3A_76] : memref<4x64x128xf32, #tpu.memory_space<vmem>> -> memref<1x64x128xf32, #tpu.memory_space<vmem>>
      %dma_start3A_78 = tpu.memref_squeeze %dma_start3A_77 : memref<1x64x128xf32, #tpu.memory_space<vmem>> -> memref<64x128xf32, #tpu.memory_space<vmem>>
      %dma_start3A_79 = arith.constant 0 : i32
      %dma_start3A_80 = tpu.memref_slice %arg12[%add3A_21, %dma_start3A_79] : memref<10016x128xf32, #tpu.memory_space<vmem_shared>> -> memref<64x128xf32, #tpu.memory_space<vmem_shared>>
      %dma_start3A_81 = arith.constant 0 : i32
      %dma_start3A_82 = tpu.memref_slice %arg12[%add3A_21, %dma_start3A_81] : memref<10016x128xf32, #tpu.memory_space<vmem_shared>> -> memref<64x128xf32, #tpu.memory_space<vmem_shared>>
      %dma_start3A_83 = arith.constant 0 : i32
      %dma_start3A_84 = arith.constant 0 : i32
      %dma_start3A_85 = tpu.memref_slice %arg9[%run_scoped3A_22, %dma_start3A_83, %dma_start3A_84] : memref<4x64x128xf32, #tpu.memory_space<vmem>> -> memref<1x64x128xf32, #tpu.memory_space<vmem>>
      %dma_start3A_86 = tpu.memref_squeeze %dma_start3A_85 : memref<1x64x128xf32, #tpu.memory_space<vmem>> -> memref<64x128xf32, #tpu.memory_space<vmem>>
      tpu.enqueue_dma source(%dma_start3A_86 : memref<64x128xf32, #tpu.memory_space<vmem>>) target(%dma_start3A_82 : memref<64x128xf32, #tpu.memory_space<vmem_shared>>) target_semaphore(%run_scoped3A_75 : memref<!tpu.dma_semaphore, #tpu.memory_space<semaphore_mem>>)
      %dma_wait3A = arith.constant 0 : i32
      %dma_wait3A_87 = arith.constant 0 : i32
      %dma_wait3A_88 = tpu.memref_slice %arg9[%run_scoped3A_22, %dma_wait3A, %dma_wait3A_87] : memref<4x64x128xf32, #tpu.memory_space<vmem>> -> memref<1x64x128xf32, #tpu.memory_space<vmem>>
      %dma_wait3A_89 = tpu.memref_squeeze %dma_wait3A_88 : memref<1x64x128xf32, #tpu.memory_space<vmem>> -> memref<64x128xf32, #tpu.memory_space<vmem>>
      %dma_wait3A_90 = arith.constant 0 : i32
      %dma_wait3A_91 = tpu.memref_slice %arg12[%add3A_21, %dma_wait3A_90] : memref<10016x128xf32, #tpu.memory_space<vmem_shared>> -> memref<64x128xf32, #tpu.memory_space<vmem_shared>>
      %dma_wait3A_92 = arith.constant 0 : i32
      %dma_wait3A_93 = tpu.memref_slice %arg12[%add3A_21, %dma_wait3A_92] : memref<10016x128xf32, #tpu.memory_space<vmem_shared>> -> memref<64x128xf32, #tpu.memory_space<vmem_shared>>
      %dma_wait3A_94 = arith.constant 0 : i32
      %dma_wait3A_95 = arith.constant 0 : i32
      %dma_wait3A_96 = tpu.memref_slice %arg9[%run_scoped3A_22, %dma_wait3A_94, %dma_wait3A_95] : memref<4x64x128xf32, #tpu.memory_space<vmem>> -> memref<1x64x128xf32, #tpu.memory_space<vmem>>
      %dma_wait3A_97 = tpu.memref_squeeze %dma_wait3A_96 : memref<1x64x128xf32, #tpu.memory_space<vmem>> -> memref<64x128xf32, #tpu.memory_space<vmem>>
      tpu.wait_dma2 semaphore(%run_scoped3A_75 : memref<!tpu.dma_semaphore, #tpu.memory_space<semaphore_mem>>) src(%dma_wait3A_97 : memref<64x128xf32, #tpu.memory_space<vmem>>) dst(%dma_wait3A_93 : memref<64x128xf32, #tpu.memory_space<vmem_shared>>)
      tpu.yield
    }) : () -> ()
    %add3A_23 = arith.constant 64 : i32
    %add3A_24 = arith.addi %mul3A_15, %add3A_23 : i32
    "tpu.region"() ({
      %run_scoped3A_75 = tpu.sem_alloc : memref<!tpu.dma_semaphore, #tpu.memory_space<semaphore_mem>>
      %dma_start3A = arith.constant 0 : i32
      %dma_start3A_76 = tpu.memref_slice %arg13[%add3A_24, %dma_start3A] : memref<10016x16xf32, #tpu.memory_space<vmem_shared>> -> memref<64x16xf32, #tpu.memory_space<vmem_shared>>
      %dma_start3A_77 = arith.constant 0 : i32
      %dma_start3A_78 = tpu.memref_slice %arg13[%add3A_24, %dma_start3A_77] : memref<10016x16xf32, #tpu.memory_space<vmem_shared>> -> memref<64x16xf32, #tpu.memory_space<vmem_shared>>
      tpu.enqueue_dma source(%arg11 : memref<64x16xf32, #tpu.memory_space<vmem>>) target(%dma_start3A_78 : memref<64x16xf32, #tpu.memory_space<vmem_shared>>) target_semaphore(%run_scoped3A_75 : memref<!tpu.dma_semaphore, #tpu.memory_space<semaphore_mem>>)
      %dma_wait3A = arith.constant 0 : i32
      %dma_wait3A_79 = tpu.memref_slice %arg13[%add3A_24, %dma_wait3A] : memref<10016x16xf32, #tpu.memory_space<vmem_shared>> -> memref<64x16xf32, #tpu.memory_space<vmem_shared>>
      %dma_wait3A_80 = arith.constant 0 : i32
      %dma_wait3A_81 = tpu.memref_slice %arg13[%add3A_24, %dma_wait3A_80] : memref<10016x16xf32, #tpu.memory_space<vmem_shared>> -> memref<64x16xf32, #tpu.memory_space<vmem_shared>>
      tpu.wait_dma2 semaphore(%run_scoped3A_75 : memref<!tpu.dma_semaphore, #tpu.memory_space<semaphore_mem>>) src(%arg11 : memref<64x16xf32, #tpu.memory_space<vmem>>) dst(%dma_wait3A_81 : memref<64x16xf32, #tpu.memory_space<vmem_shared>>)
      tpu.yield
    }) : () -> ()
    %add3A_25 = arith.constant 128 : i32
    %add3A_26 = arith.addi %mul3A_15, %add3A_25 : i32
    %run_scoped3A_27 = arith.constant 0 : i32
    "tpu.region"() ({
      %run_scoped3A_75 = tpu.sem_alloc : memref<!tpu.dma_semaphore, #tpu.memory_space<semaphore_mem>>
      %dma_start3A = arith.constant 0 : i32
      %dma_start3A_76 = arith.constant 0 : i32
      %dma_start3A_77 = tpu.memref_slice %arg9[%run_scoped3A_27, %dma_start3A, %dma_start3A_76] : memref<4x64x128xf32, #tpu.memory_space<vmem>> -> memref<1x64x128xf32, #tpu.memory_space<vmem>>
      %dma_start3A_78 = tpu.memref_squeeze %dma_start3A_77 : memref<1x64x128xf32, #tpu.memory_space<vmem>> -> memref<64x128xf32, #tpu.memory_space<vmem>>
      %dma_start3A_79 = arith.constant 0 : i32
      %dma_start3A_80 = tpu.memref_slice %arg12[%add3A_26, %dma_start3A_79] : memref<10016x128xf32, #tpu.memory_space<vmem_shared>> -> memref<64x128xf32, #tpu.memory_space<vmem_shared>>
      %dma_start3A_81 = arith.constant 0 : i32
      %dma_start3A_82 = tpu.memref_slice %arg12[%add3A_26, %dma_start3A_81] : memref<10016x128xf32, #tpu.memory_space<vmem_shared>> -> memref<64x128xf32, #tpu.memory_space<vmem_shared>>
      %dma_start3A_83 = arith.constant 0 : i32
      %dma_start3A_84 = arith.constant 0 : i32
      %dma_start3A_85 = tpu.memref_slice %arg9[%run_scoped3A_27, %dma_start3A_83, %dma_start3A_84] : memref<4x64x128xf32, #tpu.memory_space<vmem>> -> memref<1x64x128xf32, #tpu.memory_space<vmem>>
      %dma_start3A_86 = tpu.memref_squeeze %dma_start3A_85 : memref<1x64x128xf32, #tpu.memory_space<vmem>> -> memref<64x128xf32, #tpu.memory_space<vmem>>
      tpu.enqueue_dma source(%dma_start3A_86 : memref<64x128xf32, #tpu.memory_space<vmem>>) target(%dma_start3A_82 : memref<64x128xf32, #tpu.memory_space<vmem_shared>>) target_semaphore(%run_scoped3A_75 : memref<!tpu.dma_semaphore, #tpu.memory_space<semaphore_mem>>)
      %dma_wait3A = arith.constant 0 : i32
      %dma_wait3A_87 = arith.constant 0 : i32
      %dma_wait3A_88 = tpu.memref_slice %arg9[%run_scoped3A_27, %dma_wait3A, %dma_wait3A_87] : memref<4x64x128xf32, #tpu.memory_space<vmem>> -> memref<1x64x128xf32, #tpu.memory_space<vmem>>
      %dma_wait3A_89 = tpu.memref_squeeze %dma_wait3A_88 : memref<1x64x128xf32, #tpu.memory_space<vmem>> -> memref<64x128xf32, #tpu.memory_space<vmem>>
      %dma_wait3A_90 = arith.constant 0 : i32
      %dma_wait3A_91 = tpu.memref_slice %arg12[%add3A_26, %dma_wait3A_90] : memref<10016x128xf32, #tpu.memory_space<vmem_shared>> -> memref<64x128xf32, #tpu.memory_space<vmem_shared>>
      %dma_wait3A_92 = arith.constant 0 : i32
      %dma_wait3A_93 = tpu.memref_slice %arg12[%add3A_26, %dma_wait3A_92] : memref<10016x128xf32, #tpu.memory_space<vmem_shared>> -> memref<64x128xf32, #tpu.memory_space<vmem_shared>>
      %dma_wait3A_94 = arith.constant 0 : i32
      %dma_wait3A_95 = arith.constant 0 : i32
      %dma_wait3A_96 = tpu.memref_slice %arg9[%run_scoped3A_27, %dma_wait3A_94, %dma_wait3A_95] : memref<4x64x128xf32, #tpu.memory_space<vmem>> -> memref<1x64x128xf32, #tpu.memory_space<vmem>>
      %dma_wait3A_97 = tpu.memref_squeeze %dma_wait3A_96 : memref<1x64x128xf32, #tpu.memory_space<vmem>> -> memref<64x128xf32, #tpu.memory_space<vmem>>
      tpu.wait_dma2 semaphore(%run_scoped3A_75 : memref<!tpu.dma_semaphore, #tpu.memory_space<semaphore_mem>>) src(%dma_wait3A_97 : memref<64x128xf32, #tpu.memory_space<vmem>>) dst(%dma_wait3A_93 : memref<64x128xf32, #tpu.memory_space<vmem_shared>>)
      tpu.yield
    }) : () -> ()
    %add3A_28 = arith.constant 128 : i32
    %add3A_29 = arith.addi %mul3A_15, %add3A_28 : i32
    "tpu.region"() ({
      %run_scoped3A_75 = tpu.sem_alloc : memref<!tpu.dma_semaphore, #tpu.memory_space<semaphore_mem>>
      %dma_start3A = arith.constant 0 : i32
      %dma_start3A_76 = tpu.memref_slice %arg13[%add3A_29, %dma_start3A] : memref<10016x16xf32, #tpu.memory_space<vmem_shared>> -> memref<64x16xf32, #tpu.memory_space<vmem_shared>>
      %dma_start3A_77 = arith.constant 0 : i32
      %dma_start3A_78 = tpu.memref_slice %arg13[%add3A_29, %dma_start3A_77] : memref<10016x16xf32, #tpu.memory_space<vmem_shared>> -> memref<64x16xf32, #tpu.memory_space<vmem_shared>>
      tpu.enqueue_dma source(%arg11 : memref<64x16xf32, #tpu.memory_space<vmem>>) target(%dma_start3A_78 : memref<64x16xf32, #tpu.memory_space<vmem_shared>>) target_semaphore(%run_scoped3A_75 : memref<!tpu.dma_semaphore, #tpu.memory_space<semaphore_mem>>)
      %dma_wait3A = arith.constant 0 : i32
      %dma_wait3A_79 = tpu.memref_slice %arg13[%add3A_29, %dma_wait3A] : memref<10016x16xf32, #tpu.memory_space<vmem_shared>> -> memref<64x16xf32, #tpu.memory_space<vmem_shared>>
      %dma_wait3A_80 = arith.constant 0 : i32
      %dma_wait3A_81 = tpu.memref_slice %arg13[%add3A_29, %dma_wait3A_80] : memref<10016x16xf32, #tpu.memory_space<vmem_shared>> -> memref<64x16xf32, #tpu.memory_space<vmem_shared>>
      tpu.wait_dma2 semaphore(%run_scoped3A_75 : memref<!tpu.dma_semaphore, #tpu.memory_space<semaphore_mem>>) src(%arg11 : memref<64x16xf32, #tpu.memory_space<vmem>>) dst(%dma_wait3A_81 : memref<64x16xf32, #tpu.memory_space<vmem_shared>>)
      tpu.yield
    }) : () -> ()
    %add3A_30 = arith.constant 192 : i32
    %add3A_31 = arith.addi %mul3A_15, %add3A_30 : i32
    %run_scoped3A_32 = arith.constant 0 : i32
    "tpu.region"() ({
      %run_scoped3A_75 = tpu.sem_alloc : memref<!tpu.dma_semaphore, #tpu.memory_space<semaphore_mem>>
      %dma_start3A = arith.constant 0 : i32
      %dma_start3A_76 = arith.constant 0 : i32
      %dma_start3A_77 = tpu.memref_slice %arg9[%run_scoped3A_32, %dma_start3A, %dma_start3A_76] : memref<4x64x128xf32, #tpu.memory_space<vmem>> -> memref<1x64x128xf32, #tpu.memory_space<vmem>>
      %dma_start3A_78 = tpu.memref_squeeze %dma_start3A_77 : memref<1x64x128xf32, #tpu.memory_space<vmem>> -> memref<64x128xf32, #tpu.memory_space<vmem>>
      %dma_start3A_79 = arith.constant 0 : i32
      %dma_start3A_80 = tpu.memref_slice %arg12[%add3A_31, %dma_start3A_79] : memref<10016x128xf32, #tpu.memory_space<vmem_shared>> -> memref<64x128xf32, #tpu.memory_space<vmem_shared>>
      %dma_start3A_81 = arith.constant 0 : i32
      %dma_start3A_82 = tpu.memref_slice %arg12[%add3A_31, %dma_start3A_81] : memref<10016x128xf32, #tpu.memory_space<vmem_shared>> -> memref<64x128xf32, #tpu.memory_space<vmem_shared>>
      %dma_start3A_83 = arith.constant 0 : i32
      %dma_start3A_84 = arith.constant 0 : i32
      %dma_start3A_85 = tpu.memref_slice %arg9[%run_scoped3A_32, %dma_start3A_83, %dma_start3A_84] : memref<4x64x128xf32, #tpu.memory_space<vmem>> -> memref<1x64x128xf32, #tpu.memory_space<vmem>>
      %dma_start3A_86 = tpu.memref_squeeze %dma_start3A_85 : memref<1x64x128xf32, #tpu.memory_space<vmem>> -> memref<64x128xf32, #tpu.memory_space<vmem>>
      tpu.enqueue_dma source(%dma_start3A_86 : memref<64x128xf32, #tpu.memory_space<vmem>>) target(%dma_start3A_82 : memref<64x128xf32, #tpu.memory_space<vmem_shared>>) target_semaphore(%run_scoped3A_75 : memref<!tpu.dma_semaphore, #tpu.memory_space<semaphore_mem>>)
      %dma_wait3A = arith.constant 0 : i32
      %dma_wait3A_87 = arith.constant 0 : i32
      %dma_wait3A_88 = tpu.memref_slice %arg9[%run_scoped3A_32, %dma_wait3A, %dma_wait3A_87] : memref<4x64x128xf32, #tpu.memory_space<vmem>> -> memref<1x64x128xf32, #tpu.memory_space<vmem>>
      %dma_wait3A_89 = tpu.memref_squeeze %dma_wait3A_88 : memref<1x64x128xf32, #tpu.memory_space<vmem>> -> memref<64x128xf32, #tpu.memory_space<vmem>>
      %dma_wait3A_90 = arith.constant 0 : i32
      %dma_wait3A_91 = tpu.memref_slice %arg12[%add3A_31, %dma_wait3A_90] : memref<10016x128xf32, #tpu.memory_space<vmem_shared>> -> memref<64x128xf32, #tpu.memory_space<vmem_shared>>
      %dma_wait3A_92 = arith.constant 0 : i32
      %dma_wait3A_93 = tpu.memref_slice %arg12[%add3A_31, %dma_wait3A_92] : memref<10016x128xf32, #tpu.memory_space<vmem_shared>> -> memref<64x128xf32, #tpu.memory_space<vmem_shared>>
      %dma_wait3A_94 = arith.constant 0 : i32
      %dma_wait3A_95 = arith.constant 0 : i32
      %dma_wait3A_96 = tpu.memref_slice %arg9[%run_scoped3A_32, %dma_wait3A_94, %dma_wait3A_95] : memref<4x64x128xf32, #tpu.memory_space<vmem>> -> memref<1x64x128xf32, #tpu.memory_space<vmem>>
      %dma_wait3A_97 = tpu.memref_squeeze %dma_wait3A_96 : memref<1x64x128xf32, #tpu.memory_space<vmem>> -> memref<64x128xf32, #tpu.memory_space<vmem>>
      tpu.wait_dma2 semaphore(%run_scoped3A_75 : memref<!tpu.dma_semaphore, #tpu.memory_space<semaphore_mem>>) src(%dma_wait3A_97 : memref<64x128xf32, #tpu.memory_space<vmem>>) dst(%dma_wait3A_93 : memref<64x128xf32, #tpu.memory_space<vmem_shared>>)
      tpu.yield
    }) : () -> ()
    %add3A_33 = arith.constant 192 : i32
    %add3A_34 = arith.addi %mul3A_15, %add3A_33 : i32
    "tpu.region"() ({
      %run_scoped3A_75 = tpu.sem_alloc : memref<!tpu.dma_semaphore, #tpu.memory_space<semaphore_mem>>
      %dma_start3A = arith.constant 0 : i32
      %dma_start3A_76 = tpu.memref_slice %arg13[%add3A_34, %dma_start3A] : memref<10016x16xf32, #tpu.memory_space<vmem_shared>> -> memref<64x16xf32, #tpu.memory_space<vmem_shared>>
      %dma_start3A_77 = arith.constant 0 : i32
      %dma_start3A_78 = tpu.memref_slice %arg13[%add3A_34, %dma_start3A_77] : memref<10016x16xf32, #tpu.memory_space<vmem_shared>> -> memref<64x16xf32, #tpu.memory_space<vmem_shared>>
      tpu.enqueue_dma source(%arg11 : memref<64x16xf32, #tpu.memory_space<vmem>>) target(%dma_start3A_78 : memref<64x16xf32, #tpu.memory_space<vmem_shared>>) target_semaphore(%run_scoped3A_75 : memref<!tpu.dma_semaphore, #tpu.memory_space<semaphore_mem>>)
      %dma_wait3A = arith.constant 0 : i32
      %dma_wait3A_79 = tpu.memref_slice %arg13[%add3A_34, %dma_wait3A] : memref<10016x16xf32, #tpu.memory_space<vmem_shared>> -> memref<64x16xf32, #tpu.memory_space<vmem_shared>>
      %dma_wait3A_80 = arith.constant 0 : i32
      %dma_wait3A_81 = tpu.memref_slice %arg13[%add3A_34, %dma_wait3A_80] : memref<10016x16xf32, #tpu.memory_space<vmem_shared>> -> memref<64x16xf32, #tpu.memory_space<vmem_shared>>
      tpu.wait_dma2 semaphore(%run_scoped3A_75 : memref<!tpu.dma_semaphore, #tpu.memory_space<semaphore_mem>>) src(%arg11 : memref<64x16xf32, #tpu.memory_space<vmem>>) dst(%dma_wait3A_81 : memref<64x16xf32, #tpu.memory_space<vmem_shared>>)
      tpu.yield
    }) : () -> ()
    %add3A_35 = arith.constant 256 : i32
    %add3A_36 = arith.addi %mul3A_15, %add3A_35 : i32
    %run_scoped3A_37 = arith.constant 0 : i32
    "tpu.region"() ({
      %run_scoped3A_75 = tpu.sem_alloc : memref<!tpu.dma_semaphore, #tpu.memory_space<semaphore_mem>>
      %dma_start3A = arith.constant 0 : i32
      %dma_start3A_76 = arith.constant 0 : i32
      %dma_start3A_77 = tpu.memref_slice %arg9[%run_scoped3A_37, %dma_start3A, %dma_start3A_76] : memref<4x64x128xf32, #tpu.memory_space<vmem>> -> memref<1x64x128xf32, #tpu.memory_space<vmem>>
      %dma_start3A_78 = tpu.memref_squeeze %dma_start3A_77 : memref<1x64x128xf32, #tpu.memory_space<vmem>> -> memref<64x128xf32, #tpu.memory_space<vmem>>
      %dma_start3A_79 = arith.constant 0 : i32
      %dma_start3A_80 = tpu.memref_slice %arg12[%add3A_36, %dma_start3A_79] : memref<10016x128xf32, #tpu.memory_space<vmem_shared>> -> memref<64x128xf32, #tpu.memory_space<vmem_shared>>
      %dma_start3A_81 = arith.constant 0 : i32
      %dma_start3A_82 = tpu.memref_slice %arg12[%add3A_36, %dma_start3A_81] : memref<10016x128xf32, #tpu.memory_space<vmem_shared>> -> memref<64x128xf32, #tpu.memory_space<vmem_shared>>
      %dma_start3A_83 = arith.constant 0 : i32
      %dma_start3A_84 = arith.constant 0 : i32
      %dma_start3A_85 = tpu.memref_slice %arg9[%run_scoped3A_37, %dma_start3A_83, %dma_start3A_84] : memref<4x64x128xf32, #tpu.memory_space<vmem>> -> memref<1x64x128xf32, #tpu.memory_space<vmem>>
      %dma_start3A_86 = tpu.memref_squeeze %dma_start3A_85 : memref<1x64x128xf32, #tpu.memory_space<vmem>> -> memref<64x128xf32, #tpu.memory_space<vmem>>
      tpu.enqueue_dma source(%dma_start3A_86 : memref<64x128xf32, #tpu.memory_space<vmem>>) target(%dma_start3A_82 : memref<64x128xf32, #tpu.memory_space<vmem_shared>>) target_semaphore(%run_scoped3A_75 : memref<!tpu.dma_semaphore, #tpu.memory_space<semaphore_mem>>)
      %dma_wait3A = arith.constant 0 : i32
      %dma_wait3A_87 = arith.constant 0 : i32
      %dma_wait3A_88 = tpu.memref_slice %arg9[%run_scoped3A_37, %dma_wait3A, %dma_wait3A_87] : memref<4x64x128xf32, #tpu.memory_space<vmem>> -> memref<1x64x128xf32, #tpu.memory_space<vmem>>
      %dma_wait3A_89 = tpu.memref_squeeze %dma_wait3A_88 : memref<1x64x128xf32, #tpu.memory_space<vmem>> -> memref<64x128xf32, #tpu.memory_space<vmem>>
      %dma_wait3A_90 = arith.constant 0 : i32
      %dma_wait3A_91 = tpu.memref_slice %arg12[%add3A_36, %dma_wait3A_90] : memref<10016x128xf32, #tpu.memory_space<vmem_shared>> -> memref<64x128xf32, #tpu.memory_space<vmem_shared>>
      %dma_wait3A_92 = arith.constant 0 : i32
      %dma_wait3A_93 = tpu.memref_slice %arg12[%add3A_36, %dma_wait3A_92] : memref<10016x128xf32, #tpu.memory_space<vmem_shared>> -> memref<64x128xf32, #tpu.memory_space<vmem_shared>>
      %dma_wait3A_94 = arith.constant 0 : i32
      %dma_wait3A_95 = arith.constant 0 : i32
      %dma_wait3A_96 = tpu.memref_slice %arg9[%run_scoped3A_37, %dma_wait3A_94, %dma_wait3A_95] : memref<4x64x128xf32, #tpu.memory_space<vmem>> -> memref<1x64x128xf32, #tpu.memory_space<vmem>>
      %dma_wait3A_97 = tpu.memref_squeeze %dma_wait3A_96 : memref<1x64x128xf32, #tpu.memory_space<vmem>> -> memref<64x128xf32, #tpu.memory_space<vmem>>
      tpu.wait_dma2 semaphore(%run_scoped3A_75 : memref<!tpu.dma_semaphore, #tpu.memory_space<semaphore_mem>>) src(%dma_wait3A_97 : memref<64x128xf32, #tpu.memory_space<vmem>>) dst(%dma_wait3A_93 : memref<64x128xf32, #tpu.memory_space<vmem_shared>>)
      tpu.yield
    }) : () -> ()
    %add3A_38 = arith.constant 256 : i32
    %add3A_39 = arith.addi %mul3A_15, %add3A_38 : i32
    "tpu.region"() ({
      %run_scoped3A_75 = tpu.sem_alloc : memref<!tpu.dma_semaphore, #tpu.memory_space<semaphore_mem>>
      %dma_start3A = arith.constant 0 : i32
      %dma_start3A_76 = tpu.memref_slice %arg13[%add3A_39, %dma_start3A] : memref<10016x16xf32, #tpu.memory_space<vmem_shared>> -> memref<64x16xf32, #tpu.memory_space<vmem_shared>>
      %dma_start3A_77 = arith.constant 0 : i32
      %dma_start3A_78 = tpu.memref_slice %arg13[%add3A_39, %dma_start3A_77] : memref<10016x16xf32, #tpu.memory_space<vmem_shared>> -> memref<64x16xf32, #tpu.memory_space<vmem_shared>>
      tpu.enqueue_dma source(%arg11 : memref<64x16xf32, #tpu.memory_space<vmem>>) target(%dma_start3A_78 : memref<64x16xf32, #tpu.memory_space<vmem_shared>>) target_semaphore(%run_scoped3A_75 : memref<!tpu.dma_semaphore, #tpu.memory_space<semaphore_mem>>)
      %dma_wait3A = arith.constant 0 : i32
      %dma_wait3A_79 = tpu.memref_slice %arg13[%add3A_39, %dma_wait3A] : memref<10016x16xf32, #tpu.memory_space<vmem_shared>> -> memref<64x16xf32, #tpu.memory_space<vmem_shared>>
      %dma_wait3A_80 = arith.constant 0 : i32
      %dma_wait3A_81 = tpu.memref_slice %arg13[%add3A_39, %dma_wait3A_80] : memref<10016x16xf32, #tpu.memory_space<vmem_shared>> -> memref<64x16xf32, #tpu.memory_space<vmem_shared>>
      tpu.wait_dma2 semaphore(%run_scoped3A_75 : memref<!tpu.dma_semaphore, #tpu.memory_space<semaphore_mem>>) src(%arg11 : memref<64x16xf32, #tpu.memory_space<vmem>>) dst(%dma_wait3A_81 : memref<64x16xf32, #tpu.memory_space<vmem_shared>>)
      tpu.yield
    }) : () -> ()
    %add3A_40 = arith.constant 320 : i32
    %add3A_41 = arith.addi %mul3A_15, %add3A_40 : i32
    %run_scoped3A_42 = arith.constant 0 : i32
    "tpu.region"() ({
      %run_scoped3A_75 = tpu.sem_alloc : memref<!tpu.dma_semaphore, #tpu.memory_space<semaphore_mem>>
      %dma_start3A = arith.constant 0 : i32
      %dma_start3A_76 = arith.constant 0 : i32
      %dma_start3A_77 = tpu.memref_slice %arg9[%run_scoped3A_42, %dma_start3A, %dma_start3A_76] : memref<4x64x128xf32, #tpu.memory_space<vmem>> -> memref<1x64x128xf32, #tpu.memory_space<vmem>>
      %dma_start3A_78 = tpu.memref_squeeze %dma_start3A_77 : memref<1x64x128xf32, #tpu.memory_space<vmem>> -> memref<64x128xf32, #tpu.memory_space<vmem>>
      %dma_start3A_79 = arith.constant 0 : i32
      %dma_start3A_80 = tpu.memref_slice %arg12[%add3A_41, %dma_start3A_79] : memref<10016x128xf32, #tpu.memory_space<vmem_shared>> -> memref<64x128xf32, #tpu.memory_space<vmem_shared>>
      %dma_start3A_81 = arith.constant 0 : i32
      %dma_start3A_82 = tpu.memref_slice %arg12[%add3A_41, %dma_start3A_81] : memref<10016x128xf32, #tpu.memory_space<vmem_shared>> -> memref<64x128xf32, #tpu.memory_space<vmem_shared>>
      %dma_start3A_83 = arith.constant 0 : i32
      %dma_start3A_84 = arith.constant 0 : i32
      %dma_start3A_85 = tpu.memref_slice %arg9[%run_scoped3A_42, %dma_start3A_83, %dma_start3A_84] : memref<4x64x128xf32, #tpu.memory_space<vmem>> -> memref<1x64x128xf32, #tpu.memory_space<vmem>>
      %dma_start3A_86 = tpu.memref_squeeze %dma_start3A_85 : memref<1x64x128xf32, #tpu.memory_space<vmem>> -> memref<64x128xf32, #tpu.memory_space<vmem>>
      tpu.enqueue_dma source(%dma_start3A_86 : memref<64x128xf32, #tpu.memory_space<vmem>>) target(%dma_start3A_82 : memref<64x128xf32, #tpu.memory_space<vmem_shared>>) target_semaphore(%run_scoped3A_75 : memref<!tpu.dma_semaphore, #tpu.memory_space<semaphore_mem>>)
      %dma_wait3A = arith.constant 0 : i32
      %dma_wait3A_87 = arith.constant 0 : i32
      %dma_wait3A_88 = tpu.memref_slice %arg9[%run_scoped3A_42, %dma_wait3A, %dma_wait3A_87] : memref<4x64x128xf32, #tpu.memory_space<vmem>> -> memref<1x64x128xf32, #tpu.memory_space<vmem>>
      %dma_wait3A_89 = tpu.memref_squeeze %dma_wait3A_88 : memref<1x64x128xf32, #tpu.memory_space<vmem>> -> memref<64x128xf32, #tpu.memory_space<vmem>>
      %dma_wait3A_90 = arith.constant 0 : i32
      %dma_wait3A_91 = tpu.memref_slice %arg12[%add3A_41, %dma_wait3A_90] : memref<10016x128xf32, #tpu.memory_space<vmem_shared>> -> memref<64x128xf32, #tpu.memory_space<vmem_shared>>
      %dma_wait3A_92 = arith.constant 0 : i32
      %dma_wait3A_93 = tpu.memref_slice %arg12[%add3A_41, %dma_wait3A_92] : memref<10016x128xf32, #tpu.memory_space<vmem_shared>> -> memref<64x128xf32, #tpu.memory_space<vmem_shared>>
      %dma_wait3A_94 = arith.constant 0 : i32
      %dma_wait3A_95 = arith.constant 0 : i32
      %dma_wait3A_96 = tpu.memref_slice %arg9[%run_scoped3A_42, %dma_wait3A_94, %dma_wait3A_95] : memref<4x64x128xf32, #tpu.memory_space<vmem>> -> memref<1x64x128xf32, #tpu.memory_space<vmem>>
      %dma_wait3A_97 = tpu.memref_squeeze %dma_wait3A_96 : memref<1x64x128xf32, #tpu.memory_space<vmem>> -> memref<64x128xf32, #tpu.memory_space<vmem>>
      tpu.wait_dma2 semaphore(%run_scoped3A_75 : memref<!tpu.dma_semaphore, #tpu.memory_space<semaphore_mem>>) src(%dma_wait3A_97 : memref<64x128xf32, #tpu.memory_space<vmem>>) dst(%dma_wait3A_93 : memref<64x128xf32, #tpu.memory_space<vmem_shared>>)
      tpu.yield
    }) : () -> ()
    %add3A_43 = arith.constant 320 : i32
    %add3A_44 = arith.addi %mul3A_15, %add3A_43 : i32
    "tpu.region"() ({
      %run_scoped3A_75 = tpu.sem_alloc : memref<!tpu.dma_semaphore, #tpu.memory_space<semaphore_mem>>
      %dma_start3A = arith.constant 0 : i32
      %dma_start3A_76 = tpu.memref_slice %arg13[%add3A_44, %dma_start3A] : memref<10016x16xf32, #tpu.memory_space<vmem_shared>> -> memref<64x16xf32, #tpu.memory_space<vmem_shared>>
      %dma_start3A_77 = arith.constant 0 : i32
      %dma_start3A_78 = tpu.memref_slice %arg13[%add3A_44, %dma_start3A_77] : memref<10016x16xf32, #tpu.memory_space<vmem_shared>> -> memref<64x16xf32, #tpu.memory_space<vmem_shared>>
      tpu.enqueue_dma source(%arg11 : memref<64x16xf32, #tpu.memory_space<vmem>>) target(%dma_start3A_78 : memref<64x16xf32, #tpu.memory_space<vmem_shared>>) target_semaphore(%run_scoped3A_75 : memref<!tpu.dma_semaphore, #tpu.memory_space<semaphore_mem>>)
      %dma_wait3A = arith.constant 0 : i32
      %dma_wait3A_79 = tpu.memref_slice %arg13[%add3A_44, %dma_wait3A] : memref<10016x16xf32, #tpu.memory_space<vmem_shared>> -> memref<64x16xf32, #tpu.memory_space<vmem_shared>>
      %dma_wait3A_80 = arith.constant 0 : i32
      %dma_wait3A_81 = tpu.memref_slice %arg13[%add3A_44, %dma_wait3A_80] : memref<10016x16xf32, #tpu.memory_space<vmem_shared>> -> memref<64x16xf32, #tpu.memory_space<vmem_shared>>
      tpu.wait_dma2 semaphore(%run_scoped3A_75 : memref<!tpu.dma_semaphore, #tpu.memory_space<semaphore_mem>>) src(%arg11 : memref<64x16xf32, #tpu.memory_space<vmem>>) dst(%dma_wait3A_81 : memref<64x16xf32, #tpu.memory_space<vmem_shared>>)
      tpu.yield
    }) : () -> ()
    %add3A_45 = arith.constant 384 : i32
    %add3A_46 = arith.addi %mul3A_15, %add3A_45 : i32
    %run_scoped3A_47 = arith.constant 0 : i32
    "tpu.region"() ({
      %run_scoped3A_75 = tpu.sem_alloc : memref<!tpu.dma_semaphore, #tpu.memory_space<semaphore_mem>>
      %dma_start3A = arith.constant 0 : i32
      %dma_start3A_76 = arith.constant 0 : i32
      %dma_start3A_77 = tpu.memref_slice %arg9[%run_scoped3A_47, %dma_start3A, %dma_start3A_76] : memref<4x64x128xf32, #tpu.memory_space<vmem>> -> memref<1x64x128xf32, #tpu.memory_space<vmem>>
      %dma_start3A_78 = tpu.memref_squeeze %dma_start3A_77 : memref<1x64x128xf32, #tpu.memory_space<vmem>> -> memref<64x128xf32, #tpu.memory_space<vmem>>
      %dma_start3A_79 = arith.constant 0 : i32
      %dma_start3A_80 = tpu.memref_slice %arg12[%add3A_46, %dma_start3A_79] : memref<10016x128xf32, #tpu.memory_space<vmem_shared>> -> memref<64x128xf32, #tpu.memory_space<vmem_shared>>
      %dma_start3A_81 = arith.constant 0 : i32
      %dma_start3A_82 = tpu.memref_slice %arg12[%add3A_46, %dma_start3A_81] : memref<10016x128xf32, #tpu.memory_space<vmem_shared>> -> memref<64x128xf32, #tpu.memory_space<vmem_shared>>
      %dma_start3A_83 = arith.constant 0 : i32
      %dma_start3A_84 = arith.constant 0 : i32
      %dma_start3A_85 = tpu.memref_slice %arg9[%run_scoped3A_47, %dma_start3A_83, %dma_start3A_84] : memref<4x64x128xf32, #tpu.memory_space<vmem>> -> memref<1x64x128xf32, #tpu.memory_space<vmem>>
      %dma_start3A_86 = tpu.memref_squeeze %dma_start3A_85 : memref<1x64x128xf32, #tpu.memory_space<vmem>> -> memref<64x128xf32, #tpu.memory_space<vmem>>
      tpu.enqueue_dma source(%dma_start3A_86 : memref<64x128xf32, #tpu.memory_space<vmem>>) target(%dma_start3A_82 : memref<64x128xf32, #tpu.memory_space<vmem_shared>>) target_semaphore(%run_scoped3A_75 : memref<!tpu.dma_semaphore, #tpu.memory_space<semaphore_mem>>)
      %dma_wait3A = arith.constant 0 : i32
      %dma_wait3A_87 = arith.constant 0 : i32
      %dma_wait3A_88 = tpu.memref_slice %arg9[%run_scoped3A_47, %dma_wait3A, %dma_wait3A_87] : memref<4x64x128xf32, #tpu.memory_space<vmem>> -> memref<1x64x128xf32, #tpu.memory_space<vmem>>
      %dma_wait3A_89 = tpu.memref_squeeze %dma_wait3A_88 : memref<1x64x128xf32, #tpu.memory_space<vmem>> -> memref<64x128xf32, #tpu.memory_space<vmem>>
      %dma_wait3A_90 = arith.constant 0 : i32
      %dma_wait3A_91 = tpu.memref_slice %arg12[%add3A_46, %dma_wait3A_90] : memref<10016x128xf32, #tpu.memory_space<vmem_shared>> -> memref<64x128xf32, #tpu.memory_space<vmem_shared>>
      %dma_wait3A_92 = arith.constant 0 : i32
      %dma_wait3A_93 = tpu.memref_slice %arg12[%add3A_46, %dma_wait3A_92] : memref<10016x128xf32, #tpu.memory_space<vmem_shared>> -> memref<64x128xf32, #tpu.memory_space<vmem_shared>>
      %dma_wait3A_94 = arith.constant 0 : i32
      %dma_wait3A_95 = arith.constant 0 : i32
      %dma_wait3A_96 = tpu.memref_slice %arg9[%run_scoped3A_47, %dma_wait3A_94, %dma_wait3A_95] : memref<4x64x128xf32, #tpu.memory_space<vmem>> -> memref<1x64x128xf32, #tpu.memory_space<vmem>>
      %dma_wait3A_97 = tpu.memref_squeeze %dma_wait3A_96 : memref<1x64x128xf32, #tpu.memory_space<vmem>> -> memref<64x128xf32, #tpu.memory_space<vmem>>
      tpu.wait_dma2 semaphore(%run_scoped3A_75 : memref<!tpu.dma_semaphore, #tpu.memory_space<semaphore_mem>>) src(%dma_wait3A_97 : memref<64x128xf32, #tpu.memory_space<vmem>>) dst(%dma_wait3A_93 : memref<64x128xf32, #tpu.memory_space<vmem_shared>>)
      tpu.yield
    }) : () -> ()
    %add3A_48 = arith.constant 384 : i32
    %add3A_49 = arith.addi %mul3A_15, %add3A_48 : i32
    "tpu.region"() ({
      %run_scoped3A_75 = tpu.sem_alloc : memref<!tpu.dma_semaphore, #tpu.memory_space<semaphore_mem>>
      %dma_start3A = arith.constant 0 : i32
      %dma_start3A_76 = tpu.memref_slice %arg13[%add3A_49, %dma_start3A] : memref<10016x16xf32, #tpu.memory_space<vmem_shared>> -> memref<64x16xf32, #tpu.memory_space<vmem_shared>>
      %dma_start3A_77 = arith.constant 0 : i32
      %dma_start3A_78 = tpu.memref_slice %arg13[%add3A_49, %dma_start3A_77] : memref<10016x16xf32, #tpu.memory_space<vmem_shared>> -> memref<64x16xf32, #tpu.memory_space<vmem_shared>>
      tpu.enqueue_dma source(%arg11 : memref<64x16xf32, #tpu.memory_space<vmem>>) target(%dma_start3A_78 : memref<64x16xf32, #tpu.memory_space<vmem_shared>>) target_semaphore(%run_scoped3A_75 : memref<!tpu.dma_semaphore, #tpu.memory_space<semaphore_mem>>)
      %dma_wait3A = arith.constant 0 : i32
      %dma_wait3A_79 = tpu.memref_slice %arg13[%add3A_49, %dma_wait3A] : memref<10016x16xf32, #tpu.memory_space<vmem_shared>> -> memref<64x16xf32, #tpu.memory_space<vmem_shared>>
      %dma_wait3A_80 = arith.constant 0 : i32
      %dma_wait3A_81 = tpu.memref_slice %arg13[%add3A_49, %dma_wait3A_80] : memref<10016x16xf32, #tpu.memory_space<vmem_shared>> -> memref<64x16xf32, #tpu.memory_space<vmem_shared>>
      tpu.wait_dma2 semaphore(%run_scoped3A_75 : memref<!tpu.dma_semaphore, #tpu.memory_space<semaphore_mem>>) src(%arg11 : memref<64x16xf32, #tpu.memory_space<vmem>>) dst(%dma_wait3A_81 : memref<64x16xf32, #tpu.memory_space<vmem_shared>>)
      tpu.yield
    }) : () -> ()
    %add3A_50 = arith.constant 448 : i32
    %add3A_51 = arith.addi %mul3A_15, %add3A_50 : i32
    %run_scoped3A_52 = arith.constant 0 : i32
    "tpu.region"() ({
      %run_scoped3A_75 = tpu.sem_alloc : memref<!tpu.dma_semaphore, #tpu.memory_space<semaphore_mem>>
      %dma_start3A = arith.constant 0 : i32
      %dma_start3A_76 = arith.constant 0 : i32
      %dma_start3A_77 = tpu.memref_slice %arg9[%run_scoped3A_52, %dma_start3A, %dma_start3A_76] : memref<4x64x128xf32, #tpu.memory_space<vmem>> -> memref<1x64x128xf32, #tpu.memory_space<vmem>>
      %dma_start3A_78 = tpu.memref_squeeze %dma_start3A_77 : memref<1x64x128xf32, #tpu.memory_space<vmem>> -> memref<64x128xf32, #tpu.memory_space<vmem>>
      %dma_start3A_79 = arith.constant 0 : i32
      %dma_start3A_80 = tpu.memref_slice %arg12[%add3A_51, %dma_start3A_79] : memref<10016x128xf32, #tpu.memory_space<vmem_shared>> -> memref<64x128xf32, #tpu.memory_space<vmem_shared>>
      %dma_start3A_81 = arith.constant 0 : i32
      %dma_start3A_82 = tpu.memref_slice %arg12[%add3A_51, %dma_start3A_81] : memref<10016x128xf32, #tpu.memory_space<vmem_shared>> -> memref<64x128xf32, #tpu.memory_space<vmem_shared>>
      %dma_start3A_83 = arith.constant 0 : i32
      %dma_start3A_84 = arith.constant 0 : i32
      %dma_start3A_85 = tpu.memref_slice %arg9[%run_scoped3A_52, %dma_start3A_83, %dma_start3A_84] : memref<4x64x128xf32, #tpu.memory_space<vmem>> -> memref<1x64x128xf32, #tpu.memory_space<vmem>>
      %dma_start3A_86 = tpu.memref_squeeze %dma_start3A_85 : memref<1x64x128xf32, #tpu.memory_space<vmem>> -> memref<64x128xf32, #tpu.memory_space<vmem>>
      tpu.enqueue_dma source(%dma_start3A_86 : memref<64x128xf32, #tpu.memory_space<vmem>>) target(%dma_start3A_82 : memref<64x128xf32, #tpu.memory_space<vmem_shared>>) target_semaphore(%run_scoped3A_75 : memref<!tpu.dma_semaphore, #tpu.memory_space<semaphore_mem>>)
      %dma_wait3A = arith.constant 0 : i32
      %dma_wait3A_87 = arith.constant 0 : i32
      %dma_wait3A_88 = tpu.memref_slice %arg9[%run_scoped3A_52, %dma_wait3A, %dma_wait3A_87] : memref<4x64x128xf32, #tpu.memory_space<vmem>> -> memref<1x64x128xf32, #tpu.memory_space<vmem>>
      %dma_wait3A_89 = tpu.memref_squeeze %dma_wait3A_88 : memref<1x64x128xf32, #tpu.memory_space<vmem>> -> memref<64x128xf32, #tpu.memory_space<vmem>>
      %dma_wait3A_90 = arith.constant 0 : i32
      %dma_wait3A_91 = tpu.memref_slice %arg12[%add3A_51, %dma_wait3A_90] : memref<10016x128xf32, #tpu.memory_space<vmem_shared>> -> memref<64x128xf32, #tpu.memory_space<vmem_shared>>
      %dma_wait3A_92 = arith.constant 0 : i32
      %dma_wait3A_93 = tpu.memref_slice %arg12[%add3A_51, %dma_wait3A_92] : memref<10016x128xf32, #tpu.memory_space<vmem_shared>> -> memref<64x128xf32, #tpu.memory_space<vmem_shared>>
      %dma_wait3A_94 = arith.constant 0 : i32
      %dma_wait3A_95 = arith.constant 0 : i32
      %dma_wait3A_96 = tpu.memref_slice %arg9[%run_scoped3A_52, %dma_wait3A_94, %dma_wait3A_95] : memref<4x64x128xf32, #tpu.memory_space<vmem>> -> memref<1x64x128xf32, #tpu.memory_space<vmem>>
      %dma_wait3A_97 = tpu.memref_squeeze %dma_wait3A_96 : memref<1x64x128xf32, #tpu.memory_space<vmem>> -> memref<64x128xf32, #tpu.memory_space<vmem>>
      tpu.wait_dma2 semaphore(%run_scoped3A_75 : memref<!tpu.dma_semaphore, #tpu.memory_space<semaphore_mem>>) src(%dma_wait3A_97 : memref<64x128xf32, #tpu.memory_space<vmem>>) dst(%dma_wait3A_93 : memref<64x128xf32, #tpu.memory_space<vmem_shared>>)
      tpu.yield
    }) : () -> ()
    %add3A_53 = arith.constant 448 : i32
    %add3A_54 = arith.addi %mul3A_15, %add3A_53 : i32
    "tpu.region"() ({
      %run_scoped3A_75 = tpu.sem_alloc : memref<!tpu.dma_semaphore, #tpu.memory_space<semaphore_mem>>
      %dma_start3A = arith.constant 0 : i32
      %dma_start3A_76 = tpu.memref_slice %arg13[%add3A_54, %dma_start3A] : memref<10016x16xf32, #tpu.memory_space<vmem_shared>> -> memref<64x16xf32, #tpu.memory_space<vmem_shared>>
      %dma_start3A_77 = arith.constant 0 : i32
      %dma_start3A_78 = tpu.memref_slice %arg13[%add3A_54, %dma_start3A_77] : memref<10016x16xf32, #tpu.memory_space<vmem_shared>> -> memref<64x16xf32, #tpu.memory_space<vmem_shared>>
      tpu.enqueue_dma source(%arg11 : memref<64x16xf32, #tpu.memory_space<vmem>>) target(%dma_start3A_78 : memref<64x16xf32, #tpu.memory_space<vmem_shared>>) target_semaphore(%run_scoped3A_75 : memref<!tpu.dma_semaphore, #tpu.memory_space<semaphore_mem>>)
      %dma_wait3A = arith.constant 0 : i32
      %dma_wait3A_79 = tpu.memref_slice %arg13[%add3A_54, %dma_wait3A] : memref<10016x16xf32, #tpu.memory_space<vmem_shared>> -> memref<64x16xf32, #tpu.memory_space<vmem_shared>>
      %dma_wait3A_80 = arith.constant 0 : i32
      %dma_wait3A_81 = tpu.memref_slice %arg13[%add3A_54, %dma_wait3A_80] : memref<10016x16xf32, #tpu.memory_space<vmem_shared>> -> memref<64x16xf32, #tpu.memory_space<vmem_shared>>
      tpu.wait_dma2 semaphore(%run_scoped3A_75 : memref<!tpu.dma_semaphore, #tpu.memory_space<semaphore_mem>>) src(%arg11 : memref<64x16xf32, #tpu.memory_space<vmem>>) dst(%dma_wait3A_81 : memref<64x16xf32, #tpu.memory_space<vmem_shared>>)
      tpu.yield
    }) : () -> ()
    %add3A_55 = arith.constant 512 : i32
    %add3A_56 = arith.addi %mul3A_15, %add3A_55 : i32
    %run_scoped3A_57 = arith.constant 0 : i32
    "tpu.region"() ({
      %run_scoped3A_75 = tpu.sem_alloc : memref<!tpu.dma_semaphore, #tpu.memory_space<semaphore_mem>>
      %dma_start3A = arith.constant 0 : i32
      %dma_start3A_76 = arith.constant 0 : i32
      %dma_start3A_77 = tpu.memref_slice %arg9[%run_scoped3A_57, %dma_start3A, %dma_start3A_76] : memref<4x64x128xf32, #tpu.memory_space<vmem>> -> memref<1x64x128xf32, #tpu.memory_space<vmem>>
      %dma_start3A_78 = tpu.memref_squeeze %dma_start3A_77 : memref<1x64x128xf32, #tpu.memory_space<vmem>> -> memref<64x128xf32, #tpu.memory_space<vmem>>
      %dma_start3A_79 = arith.constant 0 : i32
      %dma_start3A_80 = tpu.memref_slice %arg12[%add3A_56, %dma_start3A_79] : memref<10016x128xf32, #tpu.memory_space<vmem_shared>> -> memref<64x128xf32, #tpu.memory_space<vmem_shared>>
      %dma_start3A_81 = arith.constant 0 : i32
      %dma_start3A_82 = tpu.memref_slice %arg12[%add3A_56, %dma_start3A_81] : memref<10016x128xf32, #tpu.memory_space<vmem_shared>> -> memref<64x128xf32, #tpu.memory_space<vmem_shared>>
      %dma_start3A_83 = arith.constant 0 : i32
      %dma_start3A_84 = arith.constant 0 : i32
      %dma_start3A_85 = tpu.memref_slice %arg9[%run_scoped3A_57, %dma_start3A_83, %dma_start3A_84] : memref<4x64x128xf32, #tpu.memory_space<vmem>> -> memref<1x64x128xf32, #tpu.memory_space<vmem>>
      %dma_start3A_86 = tpu.memref_squeeze %dma_start3A_85 : memref<1x64x128xf32, #tpu.memory_space<vmem>> -> memref<64x128xf32, #tpu.memory_space<vmem>>
      tpu.enqueue_dma source(%dma_start3A_86 : memref<64x128xf32, #tpu.memory_space<vmem>>) target(%dma_start3A_82 : memref<64x128xf32, #tpu.memory_space<vmem_shared>>) target_semaphore(%run_scoped3A_75 : memref<!tpu.dma_semaphore, #tpu.memory_space<semaphore_mem>>)
      %dma_wait3A = arith.constant 0 : i32
      %dma_wait3A_87 = arith.constant 0 : i32
      %dma_wait3A_88 = tpu.memref_slice %arg9[%run_scoped3A_57, %dma_wait3A, %dma_wait3A_87] : memref<4x64x128xf32, #tpu.memory_space<vmem>> -> memref<1x64x128xf32, #tpu.memory_space<vmem>>
      %dma_wait3A_89 = tpu.memref_squeeze %dma_wait3A_88 : memref<1x64x128xf32, #tpu.memory_space<vmem>> -> memref<64x128xf32, #tpu.memory_space<vmem>>
      %dma_wait3A_90 = arith.constant 0 : i32
      %dma_wait3A_91 = tpu.memref_slice %arg12[%add3A_56, %dma_wait3A_90] : memref<10016x128xf32, #tpu.memory_space<vmem_shared>> -> memref<64x128xf32, #tpu.memory_space<vmem_shared>>
      %dma_wait3A_92 = arith.constant 0 : i32
      %dma_wait3A_93 = tpu.memref_slice %arg12[%add3A_56, %dma_wait3A_92] : memref<10016x128xf32, #tpu.memory_space<vmem_shared>> -> memref<64x128xf32, #tpu.memory_space<vmem_shared>>
      %dma_wait3A_94 = arith.constant 0 : i32
      %dma_wait3A_95 = arith.constant 0 : i32
      %dma_wait3A_96 = tpu.memref_slice %arg9[%run_scoped3A_57, %dma_wait3A_94, %dma_wait3A_95] : memref<4x64x128xf32, #tpu.memory_space<vmem>> -> memref<1x64x128xf32, #tpu.memory_space<vmem>>
      %dma_wait3A_97 = tpu.memref_squeeze %dma_wait3A_96 : memref<1x64x128xf32, #tpu.memory_space<vmem>> -> memref<64x128xf32, #tpu.memory_space<vmem>>
      tpu.wait_dma2 semaphore(%run_scoped3A_75 : memref<!tpu.dma_semaphore, #tpu.memory_space<semaphore_mem>>) src(%dma_wait3A_97 : memref<64x128xf32, #tpu.memory_space<vmem>>) dst(%dma_wait3A_93 : memref<64x128xf32, #tpu.memory_space<vmem_shared>>)
      tpu.yield
    }) : () -> ()
    %add3A_58 = arith.constant 512 : i32
    %add3A_59 = arith.addi %mul3A_15, %add3A_58 : i32
    "tpu.region"() ({
      %run_scoped3A_75 = tpu.sem_alloc : memref<!tpu.dma_semaphore, #tpu.memory_space<semaphore_mem>>
      %dma_start3A = arith.constant 0 : i32
      %dma_start3A_76 = tpu.memref_slice %arg13[%add3A_59, %dma_start3A] : memref<10016x16xf32, #tpu.memory_space<vmem_shared>> -> memref<64x16xf32, #tpu.memory_space<vmem_shared>>
      %dma_start3A_77 = arith.constant 0 : i32
      %dma_start3A_78 = tpu.memref_slice %arg13[%add3A_59, %dma_start3A_77] : memref<10016x16xf32, #tpu.memory_space<vmem_shared>> -> memref<64x16xf32, #tpu.memory_space<vmem_shared>>
      tpu.enqueue_dma source(%arg11 : memref<64x16xf32, #tpu.memory_space<vmem>>) target(%dma_start3A_78 : memref<64x16xf32, #tpu.memory_space<vmem_shared>>) target_semaphore(%run_scoped3A_75 : memref<!tpu.dma_semaphore, #tpu.memory_space<semaphore_mem>>)
      %dma_wait3A = arith.constant 0 : i32
      %dma_wait3A_79 = tpu.memref_slice %arg13[%add3A_59, %dma_wait3A] : memref<10016x16xf32, #tpu.memory_space<vmem_shared>> -> memref<64x16xf32, #tpu.memory_space<vmem_shared>>
      %dma_wait3A_80 = arith.constant 0 : i32
      %dma_wait3A_81 = tpu.memref_slice %arg13[%add3A_59, %dma_wait3A_80] : memref<10016x16xf32, #tpu.memory_space<vmem_shared>> -> memref<64x16xf32, #tpu.memory_space<vmem_shared>>
      tpu.wait_dma2 semaphore(%run_scoped3A_75 : memref<!tpu.dma_semaphore, #tpu.memory_space<semaphore_mem>>) src(%arg11 : memref<64x16xf32, #tpu.memory_space<vmem>>) dst(%dma_wait3A_81 : memref<64x16xf32, #tpu.memory_space<vmem_shared>>)
      tpu.yield
    }) : () -> ()
    %add3A_60 = arith.constant 576 : i32
    %add3A_61 = arith.addi %mul3A_15, %add3A_60 : i32
    %run_scoped3A_62 = arith.constant 0 : i32
    "tpu.region"() ({
      %run_scoped3A_75 = tpu.sem_alloc : memref<!tpu.dma_semaphore, #tpu.memory_space<semaphore_mem>>
      %dma_start3A = arith.constant 0 : i32
      %dma_start3A_76 = arith.constant 0 : i32
      %dma_start3A_77 = tpu.memref_slice %arg9[%run_scoped3A_62, %dma_start3A, %dma_start3A_76] : memref<4x64x128xf32, #tpu.memory_space<vmem>> -> memref<1x50x128xf32, #tpu.memory_space<vmem>>
      %dma_start3A_78 = tpu.memref_squeeze %dma_start3A_77 : memref<1x50x128xf32, #tpu.memory_space<vmem>> -> memref<50x128xf32, #tpu.memory_space<vmem>>
      %dma_start3A_79 = arith.constant 0 : i32
      %dma_start3A_80 = tpu.memref_slice %arg12[%add3A_61, %dma_start3A_79] : memref<10016x128xf32, #tpu.memory_space<vmem_shared>> -> memref<50x128xf32, #tpu.memory_space<vmem_shared>>
      %dma_start3A_81 = arith.constant 0 : i32
      %dma_start3A_82 = tpu.memref_slice %arg12[%add3A_61, %dma_start3A_81] : memref<10016x128xf32, #tpu.memory_space<vmem_shared>> -> memref<50x128xf32, #tpu.memory_space<vmem_shared>>
      %dma_start3A_83 = arith.constant 0 : i32
      %dma_start3A_84 = arith.constant 0 : i32
      %dma_start3A_85 = tpu.memref_slice %arg9[%run_scoped3A_62, %dma_start3A_83, %dma_start3A_84] : memref<4x64x128xf32, #tpu.memory_space<vmem>> -> memref<1x50x128xf32, #tpu.memory_space<vmem>>
      %dma_start3A_86 = tpu.memref_squeeze %dma_start3A_85 : memref<1x50x128xf32, #tpu.memory_space<vmem>> -> memref<50x128xf32, #tpu.memory_space<vmem>>
      tpu.enqueue_dma source(%dma_start3A_86 : memref<50x128xf32, #tpu.memory_space<vmem>>) target(%dma_start3A_82 : memref<50x128xf32, #tpu.memory_space<vmem_shared>>) target_semaphore(%run_scoped3A_75 : memref<!tpu.dma_semaphore, #tpu.memory_space<semaphore_mem>>)
      %dma_wait3A = arith.constant 0 : i32
      %dma_wait3A_87 = arith.constant 0 : i32
      %dma_wait3A_88 = tpu.memref_slice %arg9[%run_scoped3A_62, %dma_wait3A, %dma_wait3A_87] : memref<4x64x128xf32, #tpu.memory_space<vmem>> -> memref<1x50x128xf32, #tpu.memory_space<vmem>>
      %dma_wait3A_89 = tpu.memref_squeeze %dma_wait3A_88 : memref<1x50x128xf32, #tpu.memory_space<vmem>> -> memref<50x128xf32, #tpu.memory_space<vmem>>
      %dma_wait3A_90 = arith.constant 0 : i32
      %dma_wait3A_91 = tpu.memref_slice %arg12[%add3A_61, %dma_wait3A_90] : memref<10016x128xf32, #tpu.memory_space<vmem_shared>> -> memref<50x128xf32, #tpu.memory_space<vmem_shared>>
      %dma_wait3A_92 = arith.constant 0 : i32
      %dma_wait3A_93 = tpu.memref_slice %arg12[%add3A_61, %dma_wait3A_92] : memref<10016x128xf32, #tpu.memory_space<vmem_shared>> -> memref<50x128xf32, #tpu.memory_space<vmem_shared>>
      %dma_wait3A_94 = arith.constant 0 : i32
      %dma_wait3A_95 = arith.constant 0 : i32
      %dma_wait3A_96 = tpu.memref_slice %arg9[%run_scoped3A_62, %dma_wait3A_94, %dma_wait3A_95] : memref<4x64x128xf32, #tpu.memory_space<vmem>> -> memref<1x50x128xf32, #tpu.memory_space<vmem>>
      %dma_wait3A_97 = tpu.memref_squeeze %dma_wait3A_96 : memref<1x50x128xf32, #tpu.memory_space<vmem>> -> memref<50x128xf32, #tpu.memory_space<vmem>>
      tpu.wait_dma2 semaphore(%run_scoped3A_75 : memref<!tpu.dma_semaphore, #tpu.memory_space<semaphore_mem>>) src(%dma_wait3A_97 : memref<50x128xf32, #tpu.memory_space<vmem>>) dst(%dma_wait3A_93 : memref<50x128xf32, #tpu.memory_space<vmem_shared>>)
      tpu.yield
    }) : () -> ()
    %add3A_63 = arith.constant 576 : i32
    %add3A_64 = arith.addi %mul3A_15, %add3A_63 : i32
    "tpu.region"() ({
      %run_scoped3A_75 = tpu.sem_alloc : memref<!tpu.dma_semaphore, #tpu.memory_space<semaphore_mem>>
      %dma_start3A = arith.constant 0 : i32
      %dma_start3A_76 = arith.constant 0 : i32
      %dma_start3A_77 = tpu.memref_slice %arg11[%dma_start3A, %dma_start3A_76] : memref<64x16xf32, #tpu.memory_space<vmem>> -> memref<50x16xf32, #tpu.memory_space<vmem>>
      %dma_start3A_78 = arith.constant 0 : i32
      %dma_start3A_79 = tpu.memref_slice %arg13[%add3A_64, %dma_start3A_78] : memref<10016x16xf32, #tpu.memory_space<vmem_shared>> -> memref<50x16xf32, #tpu.memory_space<vmem_shared>>
      %dma_start3A_80 = arith.constant 0 : i32
      %dma_start3A_81 = tpu.memref_slice %arg13[%add3A_64, %dma_start3A_80] : memref<10016x16xf32, #tpu.memory_space<vmem_shared>> -> memref<50x16xf32, #tpu.memory_space<vmem_shared>>
      %dma_start3A_82 = arith.constant 0 : i32
      %dma_start3A_83 = arith.constant 0 : i32
      %dma_start3A_84 = tpu.memref_slice %arg11[%dma_start3A_82, %dma_start3A_83] : memref<64x16xf32, #tpu.memory_space<vmem>> -> memref<50x16xf32, #tpu.memory_space<vmem>>
      tpu.enqueue_dma source(%dma_start3A_84 : memref<50x16xf32, #tpu.memory_space<vmem>>) target(%dma_start3A_81 : memref<50x16xf32, #tpu.memory_space<vmem_shared>>) target_semaphore(%run_scoped3A_75 : memref<!tpu.dma_semaphore, #tpu.memory_space<semaphore_mem>>)
      %dma_wait3A = arith.constant 0 : i32
      %dma_wait3A_85 = arith.constant 0 : i32
      %dma_wait3A_86 = tpu.memref_slice %arg11[%dma_wait3A, %dma_wait3A_85] : memref<64x16xf32, #tpu.memory_space<vmem>> -> memref<50x16xf32, #tpu.memory_space<vmem>>
      %dma_wait3A_87 = arith.constant 0 : i32
      %dma_wait3A_88 = tpu.memref_slice %arg13[%add3A_64, %dma_wait3A_87] : memref<10016x16xf32, #tpu.memory_space<vmem_shared>> -> memref<50x16xf32, #tpu.memory_space<vmem_shared>>
      %dma_wait3A_89 = arith.constant 0 : i32
      %dma_wait3A_90 = tpu.memref_slice %arg13[%add3A_64, %dma_wait3A_89] : memref<10016x16xf32, #tpu.memory_space<vmem_shared>> -> memref<50x16xf32, #tpu.memory_space<vmem_shared>>
      %dma_wait3A_91 = arith.constant 0 : i32
      %dma_wait3A_92 = arith.constant 0 : i32
      %dma_wait3A_93 = tpu.memref_slice %arg11[%dma_wait3A_91, %dma_wait3A_92] : memref<64x16xf32, #tpu.memory_space<vmem>> -> memref<50x16xf32, #tpu.memory_space<vmem>>
      tpu.wait_dma2 semaphore(%run_scoped3A_75 : memref<!tpu.dma_semaphore, #tpu.memory_space<semaphore_mem>>) src(%dma_wait3A_93 : memref<50x16xf32, #tpu.memory_space<vmem>>) dst(%dma_wait3A_90 : memref<50x16xf32, #tpu.memory_space<vmem_shared>>)
      tpu.yield
    }) : () -> ()
    %barrier3A = arith.constant 0 : index
    tpu.barrier barrier_id(%barrier3A)
    %while3A = arith.constant 0 : i32
    %while3A_65 = arith.constant 0 : i32
    %while3A_66 = arith.subi %select_n3A_8, %while3A_65 : i32
    %while3A_67 = arith.addi %while3A_65, %while3A_66 : i32
    %while3A_68 = arith.constant 1 : i32
    %while3A_69 = arith.divsi %while3A_66, %while3A_68 : i32
    %while3A_70 = arith.muli %while3A_69, %while3A_68 : i32
    %while3A_71 = arith.addi %while3A_65, %while3A_70 : i32
    %while3A_72 = arith.constant 1 : i32
    scf.for %while3A_75 = %while3A_65 to %while3A_71 step %while3A_72  : i32 {
      %mul3A_76 = arith.constant 32 : i32
      %mul3A_77 = arith.muli %while3A_75, %mul3A_76 : i32
      %add3A_78 = arith.addi %select_n3A, %mul3A_77 : i32
      "tpu.region"() ({
        %run_scoped3A_146 = tpu.sem_alloc : memref<!tpu.dma_semaphore, #tpu.memory_space<semaphore_mem>>
        %dma_start3A_147 = arith.constant 0 : i32
        %dma_start3A_148 = tpu.memref_slice %arg3[%add3A_78, %dma_start3A_147] : memref<5120x64xi32, #tpu.memory_space<hbm>> -> memref<32x64xi32, #tpu.memory_space<hbm>>
        %dma_start3A_149 = arith.constant 0 : i32
        %dma_start3A_150 = tpu.memref_slice %arg3[%add3A_78, %dma_start3A_149] : memref<5120x64xi32, #tpu.memory_space<hbm>> -> memref<32x64xi32, #tpu.memory_space<hbm>>
        tpu.enqueue_dma source(%dma_start3A_150 : memref<32x64xi32, #tpu.memory_space<hbm>>) target(%arg7 : memref<32x64xi32, #tpu.memory_space<vmem>>) target_semaphore(%run_scoped3A_146 : memref<!tpu.dma_semaphore, #tpu.memory_space<semaphore_mem>>)
        %dma_wait3A_151 = arith.constant 0 : i32
        %dma_wait3A_152 = tpu.memref_slice %arg3[%add3A_78, %dma_wait3A_151] : memref<5120x64xi32, #tpu.memory_space<hbm>> -> memref<32x64xi32, #tpu.memory_space<hbm>>
        %dma_wait3A_153 = arith.constant 0 : i32
        %dma_wait3A_154 = tpu.memref_slice %arg3[%add3A_78, %dma_wait3A_153] : memref<5120x64xi32, #tpu.memory_space<hbm>> -> memref<32x64xi32, #tpu.memory_space<hbm>>
        tpu.wait_dma2 semaphore(%run_scoped3A_146 : memref<!tpu.dma_semaphore, #tpu.memory_space<semaphore_mem>>) src(%dma_wait3A_154 : memref<32x64xi32, #tpu.memory_space<hbm>>) dst(%arg7 : memref<32x64xi32, #tpu.memory_space<vmem>>)
        tpu.yield
      }) : () -> ()
      %mul3A_79 = arith.constant 32 : i32
      %mul3A_80 = arith.muli %while3A_75, %mul3A_79 : i32
      %add3A_81 = arith.addi %select_n3A, %mul3A_80 : i32
      "tpu.region"() ({
        %run_scoped3A_146 = tpu.sem_alloc : memref<!tpu.dma_semaphore, #tpu.memory_space<semaphore_mem>>
        %dma_start3A_147 = arith.constant 0 : i32
        %dma_start3A_148 = tpu.memref_slice %arg4[%add3A_81, %dma_start3A_147] : memref<5120x64xi32, #tpu.memory_space<hbm>> -> memref<32x64xi32, #tpu.memory_space<hbm>>
        %dma_start3A_149 = arith.constant 0 : i32
        %dma_start3A_150 = tpu.memref_slice %arg4[%add3A_81, %dma_start3A_149] : memref<5120x64xi32, #tpu.memory_space<hbm>> -> memref<32x64xi32, #tpu.memory_space<hbm>>
        tpu.enqueue_dma source(%dma_start3A_150 : memref<32x64xi32, #tpu.memory_space<hbm>>) target(%arg8 : memref<32x64xi32, #tpu.memory_space<vmem>>) target_semaphore(%run_scoped3A_146 : memref<!tpu.dma_semaphore, #tpu.memory_space<semaphore_mem>>)
        %dma_wait3A_151 = arith.constant 0 : i32
        %dma_wait3A_152 = tpu.memref_slice %arg4[%add3A_81, %dma_wait3A_151] : memref<5120x64xi32, #tpu.memory_space<hbm>> -> memref<32x64xi32, #tpu.memory_space<hbm>>
        %dma_wait3A_153 = arith.constant 0 : i32
        %dma_wait3A_154 = tpu.memref_slice %arg4[%add3A_81, %dma_wait3A_153] : memref<5120x64xi32, #tpu.memory_space<hbm>> -> memref<32x64xi32, #tpu.memory_space<hbm>>
        tpu.wait_dma2 semaphore(%run_scoped3A_146 : memref<!tpu.dma_semaphore, #tpu.memory_space<semaphore_mem>>) src(%dma_wait3A_154 : memref<32x64xi32, #tpu.memory_space<hbm>>) dst(%arg8 : memref<32x64xi32, #tpu.memory_space<vmem>>)
        tpu.yield
      }) : () -> ()
      %dma_start3A = arith.constant 0 : i32
      %dma_start3A_82 = arith.constant 0 : i32
      %dma_start3A_83 = arith.constant 0 : i32
      %dma_start3A_84 = arith.constant 0 : i32
      %dma_start3A_85 = tpu.memref_slice %arg9[%dma_start3A_82, %dma_start3A_83, %dma_start3A_84] : memref<4x64x128xf32, #tpu.memory_space<vmem>> -> memref<1x64x128xf32, #tpu.memory_space<vmem>>
      %dma_start3A_86 = tpu.memref_squeeze %dma_start3A_85 : memref<1x64x128xf32, #tpu.memory_space<vmem>> -> memref<64x128xf32, #tpu.memory_space<vmem>>
      %dma_start3A_87 = arith.constant 0 : i32
      %dma_start3A_88 = tpu.memref_slice %arg7[%dma_start3A, %dma_start3A_87] : memref<32x64xi32, #tpu.memory_space<vmem>> -> memref<1x64xi32, #tpu.memory_space<vmem>>
      %dma_start3A_89 = tpu.memref_squeeze %dma_start3A_88 : memref<1x64xi32, #tpu.memory_space<vmem>> -> memref<64xi32, #tpu.memory_space<vmem>>
      %dma_start3A_90 = arith.constant 0 : i32
      %dma_start3A_91 = arith.constant 0 : i32
      %dma_start3A_92 = tpu.memref_slice %arg2[%dma_start3A_90, %dma_start3A_91] : memref<50000x128xf32, #tpu.memory_space<hbm>> -> memref<50000x128xf32, #tpu.memory_space<hbm>>
      tpu.enqueue_indirect_dma source(%dma_start3A_92 : memref<50000x128xf32, #tpu.memory_space<hbm>>) target(%dma_start3A_86 : memref<64x128xf32, #tpu.memory_space<vmem>>) offsets(%dma_start3A_89 : memref<64xi32, #tpu.memory_space<vmem>>) semaphore(%arg14 : memref<!tpu.dma_semaphore, #tpu.memory_space<semaphore_mem>>)
      %dma_start3A_93 = arith.constant 1 : i32
      %dma_start3A_94 = arith.constant 1 : i32
      %dma_start3A_95 = arith.constant 0 : i32
      %dma_start3A_96 = arith.constant 0 : i32
      %dma_start3A_97 = tpu.memref_slice %arg9[%dma_start3A_94, %dma_start3A_95, %dma_start3A_96] : memref<4x64x128xf32, #tpu.memory_space<vmem>> -> memref<1x64x128xf32, #tpu.memory_space<vmem>>
      %dma_start3A_98 = tpu.memref_squeeze %dma_start3A_97 : memref<1x64x128xf32, #tpu.memory_space<vmem>> -> memref<64x128xf32, #tpu.memory_space<vmem>>
      %dma_start3A_99 = arith.constant 0 : i32
      %dma_start3A_100 = tpu.memref_slice %arg7[%dma_start3A_93, %dma_start3A_99] : memref<32x64xi32, #tpu.memory_space<vmem>> -> memref<1x64xi32, #tpu.memory_space<vmem>>
      %dma_start3A_101 = tpu.memref_squeeze %dma_start3A_100 : memref<1x64xi32, #tpu.memory_space<vmem>> -> memref<64xi32, #tpu.memory_space<vmem>>
      %dma_start3A_102 = arith.constant 0 : i32
      %dma_start3A_103 = arith.constant 0 : i32
      %dma_start3A_104 = tpu.memref_slice %arg2[%dma_start3A_102, %dma_start3A_103] : memref<50000x128xf32, #tpu.memory_space<hbm>> -> memref<50000x128xf32, #tpu.memory_space<hbm>>
      tpu.enqueue_indirect_dma source(%dma_start3A_104 : memref<50000x128xf32, #tpu.memory_space<hbm>>) target(%dma_start3A_98 : memref<64x128xf32, #tpu.memory_space<vmem>>) offsets(%dma_start3A_101 : memref<64xi32, #tpu.memory_space<vmem>>) semaphore(%arg15 : memref<!tpu.dma_semaphore, #tpu.memory_space<semaphore_mem>>)
      %dma_start3A_105 = arith.constant 2 : i32
      %dma_start3A_106 = arith.constant 2 : i32
      %dma_start3A_107 = arith.constant 0 : i32
      %dma_start3A_108 = arith.constant 0 : i32
      %dma_start3A_109 = tpu.memref_slice %arg9[%dma_start3A_106, %dma_start3A_107, %dma_start3A_108] : memref<4x64x128xf32, #tpu.memory_space<vmem>> -> memref<1x64x128xf32, #tpu.memory_space<vmem>>
      %dma_start3A_110 = tpu.memref_squeeze %dma_start3A_109 : memref<1x64x128xf32, #tpu.memory_space<vmem>> -> memref<64x128xf32, #tpu.memory_space<vmem>>
      %dma_start3A_111 = arith.constant 0 : i32
      %dma_start3A_112 = tpu.memref_slice %arg7[%dma_start3A_105, %dma_start3A_111] : memref<32x64xi32, #tpu.memory_space<vmem>> -> memref<1x64xi32, #tpu.memory_space<vmem>>
      %dma_start3A_113 = tpu.memref_squeeze %dma_start3A_112 : memref<1x64xi32, #tpu.memory_space<vmem>> -> memref<64xi32, #tpu.memory_space<vmem>>
      %dma_start3A_114 = arith.constant 0 : i32
      %dma_start3A_115 = arith.constant 0 : i32
      %dma_start3A_116 = tpu.memref_slice %arg2[%dma_start3A_114, %dma_start3A_115] : memref<50000x128xf32, #tpu.memory_space<hbm>> -> memref<50000x128xf32, #tpu.memory_space<hbm>>
      tpu.enqueue_indirect_dma source(%dma_start3A_116 : memref<50000x128xf32, #tpu.memory_space<hbm>>) target(%dma_start3A_110 : memref<64x128xf32, #tpu.memory_space<vmem>>) offsets(%dma_start3A_113 : memref<64xi32, #tpu.memory_space<vmem>>) semaphore(%arg16 : memref<!tpu.dma_semaphore, #tpu.memory_space<semaphore_mem>>)
      %scan3A_117 = arith.constant 0 : i32
      %scan3A_118 = arith.constant 0 : i32
      %scan3A_119 = arith.constant 8 : i32
      %scan3A_120 = arith.addi %scan3A_118, %scan3A_119 : i32
      %scan3A_121 = arith.constant 1 : i32
      scf.for %scan3A_146 = %scan3A_118 to %scan3A_120 step %scan3A_121  : i32 {
        %mul3A_147 = arith.constant 4 : i32
        %mul3A_148 = arith.muli %mul3A_147, %scan3A_146 : i32
        %add3A_149 = arith.constant 0 : i32
        %add3A_150 = arith.addi %mul3A_148, %add3A_149 : i32
        %dma_wait3A_151 = arith.constant 0 : i32
        %dma_wait3A_152 = arith.constant 0 : i32
        %dma_wait3A_153 = arith.constant 0 : i32
        %dma_wait3A_154 = tpu.memref_slice %arg9[%dma_wait3A_151, %dma_wait3A_152, %dma_wait3A_153] : memref<4x64x128xf32, #tpu.memory_space<vmem>> -> memref<1x64x128xf32, #tpu.memory_space<vmem>>
        %dma_wait3A_155 = tpu.memref_squeeze %dma_wait3A_154 : memref<1x64x128xf32, #tpu.memory_space<vmem>> -> memref<64x128xf32, #tpu.memory_space<vmem>>
        %dma_wait3A_156 = arith.constant 0 : i32
        %dma_wait3A_157 = arith.constant 0 : i32
        %dma_wait3A_158 = tpu.memref_slice %arg2[%dma_wait3A_156, %dma_wait3A_157] : memref<50000x128xf32, #tpu.memory_space<hbm>> -> memref<64x128xf32, #tpu.memory_space<hbm>>
        %dma_wait3A_159 = arith.constant 0 : i32
        %dma_wait3A_160 = arith.constant 0 : i32
        %dma_wait3A_161 = tpu.memref_slice %arg9[%dma_wait3A_151, %dma_wait3A_159, %dma_wait3A_160] : memref<4x64x128xf32, #tpu.memory_space<vmem>> -> memref<1x64x128xf32, #tpu.memory_space<vmem>>
        %dma_wait3A_162 = tpu.memref_squeeze %dma_wait3A_161 : memref<1x64x128xf32, #tpu.memory_space<vmem>> -> memref<64x128xf32, #tpu.memory_space<vmem>>
        %dma_wait3A_163 = arith.constant 0 : i32
        %dma_wait3A_164 = arith.constant 0 : i32
        %dma_wait3A_165 = tpu.memref_slice %arg2[%dma_wait3A_163, %dma_wait3A_164] : memref<50000x128xf32, #tpu.memory_space<hbm>> -> memref<64x128xf32, #tpu.memory_space<hbm>>
        tpu.wait_dma2 semaphore(%arg14 : memref<!tpu.dma_semaphore, #tpu.memory_space<semaphore_mem>>) src(%dma_wait3A_165 : memref<64x128xf32, #tpu.memory_space<hbm>>) dst(%dma_wait3A_162 : memref<64x128xf32, #tpu.memory_space<vmem>>)
        %gt3A = arith.constant 0 : i32
        %gt3A_166 = arith.cmpi sgt, %add3A_150, %gt3A : i32
        %convert_element_type3A = arith.extui %gt3A_166 : i1 to i32
        %cond3A = arith.constant 0 : i32
        %cond3A_167 = arith.cmpi ne, %convert_element_type3A, %cond3A : i32
        scf.if %cond3A_167 {
          %dma_wait3A_342 = arith.constant 3 : i32
          %dma_wait3A_343 = arith.constant 0 : i32
          %dma_wait3A_344 = arith.constant 0 : i32
          %dma_wait3A_345 = tpu.memref_slice %arg9[%dma_wait3A_342, %dma_wait3A_343, %dma_wait3A_344] : memref<4x64x128xf32, #tpu.memory_space<vmem>> -> memref<1x64x128xf32, #tpu.memory_space<vmem>>
          %dma_wait3A_346 = tpu.memref_squeeze %dma_wait3A_345 : memref<1x64x128xf32, #tpu.memory_space<vmem>> -> memref<64x128xf32, #tpu.memory_space<vmem>>
          %dma_wait3A_347 = arith.constant 0 : i32
          %dma_wait3A_348 = arith.constant 0 : i32
          %dma_wait3A_349 = tpu.memref_slice %arg2[%dma_wait3A_347, %dma_wait3A_348] : memref<50000x128xf32, #tpu.memory_space<hbm>> -> memref<64x128xf32, #tpu.memory_space<hbm>>
          %dma_wait3A_350 = arith.constant 0 : i32
          %dma_wait3A_351 = arith.constant 0 : i32
          %dma_wait3A_352 = tpu.memref_slice %arg9[%dma_wait3A_342, %dma_wait3A_350, %dma_wait3A_351] : memref<4x64x128xf32, #tpu.memory_space<vmem>> -> memref<1x64x128xf32, #tpu.memory_space<vmem>>
          %dma_wait3A_353 = tpu.memref_squeeze %dma_wait3A_352 : memref<1x64x128xf32, #tpu.memory_space<vmem>> -> memref<64x128xf32, #tpu.memory_space<vmem>>
          %dma_wait3A_354 = arith.constant 0 : i32
          %dma_wait3A_355 = arith.constant 0 : i32
          %dma_wait3A_356 = tpu.memref_slice %arg2[%dma_wait3A_354, %dma_wait3A_355] : memref<50000x128xf32, #tpu.memory_space<hbm>> -> memref<64x128xf32, #tpu.memory_space<hbm>>
          tpu.wait_dma2 semaphore(%arg21 : memref<!tpu.dma_semaphore, #tpu.memory_space<semaphore_mem>>) src(%dma_wait3A_356 : memref<64x128xf32, #tpu.memory_space<hbm>>) dst(%dma_wait3A_353 : memref<64x128xf32, #tpu.memory_space<vmem>>)
          %dma_wait3A_357 = arith.constant 0 : i32
          %dma_wait3A_358 = arith.constant 0 : i32
          %dma_wait3A_359 = arith.constant 0 : i32
          %dma_wait3A_360 = tpu.memref_slice %arg6[%dma_wait3A_357, %dma_wait3A_358, %dma_wait3A_359] : memref<2x10016x16xf32, #tpu.memory_space<hbm>> -> memref<1x64x16xf32, #tpu.memory_space<hbm>>
          %dma_wait3A_361 = tpu.memref_squeeze %dma_wait3A_360 : memref<1x64x16xf32, #tpu.memory_space<hbm>> -> memref<64x16xf32, #tpu.memory_space<hbm>>
          %dma_wait3A_362 = arith.constant 0 : i32
          %dma_wait3A_363 = arith.constant 0 : i32
          %dma_wait3A_364 = tpu.memref_slice %arg6[%dma_wait3A_357, %dma_wait3A_362, %dma_wait3A_363] : memref<2x10016x16xf32, #tpu.memory_space<hbm>> -> memref<1x64x16xf32, #tpu.memory_space<hbm>>
          %dma_wait3A_365 = tpu.memref_squeeze %dma_wait3A_364 : memref<1x64x16xf32, #tpu.memory_space<hbm>> -> memref<64x16xf32, #tpu.memory_space<hbm>>
          tpu.wait_dma2 semaphore(%arg25 : memref<!tpu.dma_semaphore, #tpu.memory_space<semaphore_mem>>) src(%dma_wait3A_365 : memref<64x16xf32, #tpu.memory_space<hbm>>) dst(%arg10 : memref<64x16xf32, #tpu.memory_space<vmem>>)
        } else {
        }
        %add3A_168 = arith.constant 4 : i32
        %add3A_169 = arith.addi %add3A_150, %add3A_168 : i32
        %sub3A = arith.constant 1 : i32
        %sub3A_170 = arith.subi %add3A_169, %sub3A : i32
        %lt3A = arith.constant 32 : i32
        %lt3A_171 = arith.cmpi slt, %sub3A_170, %lt3A : i32
        %convert_element_type3A_172 = arith.extui %lt3A_171 : i1 to i32
        %cond3A_173 = arith.constant 0 : i32
        %cond3A_174 = arith.cmpi ne, %convert_element_type3A_172, %cond3A_173 : i32
        scf.if %cond3A_174 {
          %add3A_342 = arith.constant 4 : i32
          %add3A_343 = arith.addi %add3A_150, %add3A_342 : i32
          %sub3A_344 = arith.constant 1 : i32
          %sub3A_345 = arith.subi %add3A_343, %sub3A_344 : i32
          %dma_start3A_346 = arith.constant 3 : i32
          %dma_start3A_347 = arith.constant 0 : i32
          %dma_start3A_348 = arith.constant 0 : i32
          %dma_start3A_349 = tpu.memref_slice %arg9[%dma_start3A_346, %dma_start3A_347, %dma_start3A_348] : memref<4x64x128xf32, #tpu.memory_space<vmem>> -> memref<1x64x128xf32, #tpu.memory_space<vmem>>
          %dma_start3A_350 = tpu.memref_squeeze %dma_start3A_349 : memref<1x64x128xf32, #tpu.memory_space<vmem>> -> memref<64x128xf32, #tpu.memory_space<vmem>>
          %dma_start3A_351 = arith.constant 0 : i32
          %dma_start3A_352 = tpu.memref_slice %arg7[%sub3A_345, %dma_start3A_351] : memref<32x64xi32, #tpu.memory_space<vmem>> -> memref<1x64xi32, #tpu.memory_space<vmem>>
          %dma_start3A_353 = tpu.memref_squeeze %dma_start3A_352 : memref<1x64xi32, #tpu.memory_space<vmem>> -> memref<64xi32, #tpu.memory_space<vmem>>
          %dma_start3A_354 = arith.constant 0 : i32
          %dma_start3A_355 = arith.constant 0 : i32
          %dma_start3A_356 = tpu.memref_slice %arg2[%dma_start3A_354, %dma_start3A_355] : memref<50000x128xf32, #tpu.memory_space<hbm>> -> memref<50000x128xf32, #tpu.memory_space<hbm>>
          tpu.enqueue_indirect_dma source(%dma_start3A_356 : memref<50000x128xf32, #tpu.memory_space<hbm>>) target(%dma_start3A_350 : memref<64x128xf32, #tpu.memory_space<vmem>>) offsets(%dma_start3A_353 : memref<64xi32, #tpu.memory_space<vmem>>) semaphore(%arg17 : memref<!tpu.dma_semaphore, #tpu.memory_space<semaphore_mem>>)
        } else {
        }
        %dma_start3A_175 = arith.constant 0 : i32
        %dma_start3A_176 = arith.constant 0 : i32
        %dma_start3A_177 = arith.constant 0 : i32
        %dma_start3A_178 = tpu.memref_slice %arg9[%dma_start3A_175, %dma_start3A_176, %dma_start3A_177] : memref<4x64x128xf32, #tpu.memory_space<vmem>> -> memref<1x64x128xf32, #tpu.memory_space<vmem>>
        %dma_start3A_179 = tpu.memref_squeeze %dma_start3A_178 : memref<1x64x128xf32, #tpu.memory_space<vmem>> -> memref<64x128xf32, #tpu.memory_space<vmem>>
        %dma_start3A_180 = arith.constant 0 : i32
        %dma_start3A_181 = tpu.memref_slice %arg8[%add3A_150, %dma_start3A_180] : memref<32x64xi32, #tpu.memory_space<vmem>> -> memref<1x64xi32, #tpu.memory_space<vmem>>
        %dma_start3A_182 = tpu.memref_squeeze %dma_start3A_181 : memref<1x64xi32, #tpu.memory_space<vmem>> -> memref<64xi32, #tpu.memory_space<vmem>>
        %dma_start3A_183 = arith.constant 0 : i32
        %dma_start3A_184 = arith.constant 0 : i32
        %dma_start3A_185 = tpu.memref_slice %arg12[%dma_start3A_183, %dma_start3A_184] : memref<10016x128xf32, #tpu.memory_space<vmem_shared>> -> memref<10016x128xf32, #tpu.memory_space<vmem_shared>>
        tpu.enqueue_indirect_dma source(%dma_start3A_179 : memref<64x128xf32, #tpu.memory_space<vmem>>) target(%dma_start3A_185 : memref<10016x128xf32, #tpu.memory_space<vmem_shared>>) offsets(%dma_start3A_182 : memref<64xi32, #tpu.memory_space<vmem>>) semaphore(%arg18 : memref<!tpu.dma_semaphore, #tpu.memory_space<semaphore_mem>>) {add = true}
        %dma_start3A_186 = arith.constant 0 : i32
        %dma_start3A_187 = tpu.memref_slice %arg8[%add3A_150, %dma_start3A_186] : memref<32x64xi32, #tpu.memory_space<vmem>> -> memref<1x64xi32, #tpu.memory_space<vmem>>
        %dma_start3A_188 = tpu.memref_squeeze %dma_start3A_187 : memref<1x64xi32, #tpu.memory_space<vmem>> -> memref<64xi32, #tpu.memory_space<vmem>>
        %dma_start3A_189 = arith.constant 0 : i32
        %dma_start3A_190 = arith.constant 0 : i32
        %dma_start3A_191 = tpu.memref_slice %arg13[%dma_start3A_189, %dma_start3A_190] : memref<10016x16xf32, #tpu.memory_space<vmem_shared>> -> memref<10016x16xf32, #tpu.memory_space<vmem_shared>>
        tpu.enqueue_indirect_dma source(%arg10 : memref<64x16xf32, #tpu.memory_space<vmem>>) target(%dma_start3A_191 : memref<10016x16xf32, #tpu.memory_space<vmem_shared>>) offsets(%dma_start3A_188 : memref<64xi32, #tpu.memory_space<vmem>>) semaphore(%arg22 : memref<!tpu.dma_semaphore, #tpu.memory_space<semaphore_mem>>) {add = true}
        %mul3A_192 = arith.constant 4 : i32
        %mul3A_193 = arith.muli %mul3A_192, %scan3A_146 : i32
        %add3A_194 = arith.constant 1 : i32
        %add3A_195 = arith.addi %mul3A_193, %add3A_194 : i32
        %dma_wait3A_196 = arith.constant 1 : i32
        %dma_wait3A_197 = arith.constant 0 : i32
        %dma_wait3A_198 = arith.constant 0 : i32
        %dma_wait3A_199 = tpu.memref_slice %arg9[%dma_wait3A_196, %dma_wait3A_197, %dma_wait3A_198] : memref<4x64x128xf32, #tpu.memory_space<vmem>> -> memref<1x64x128xf32, #tpu.memory_space<vmem>>
        %dma_wait3A_200 = tpu.memref_squeeze %dma_wait3A_199 : memref<1x64x128xf32, #tpu.memory_space<vmem>> -> memref<64x128xf32, #tpu.memory_space<vmem>>
        %dma_wait3A_201 = arith.constant 0 : i32
        %dma_wait3A_202 = arith.constant 0 : i32
        %dma_wait3A_203 = tpu.memref_slice %arg2[%dma_wait3A_201, %dma_wait3A_202] : memref<50000x128xf32, #tpu.memory_space<hbm>> -> memref<64x128xf32, #tpu.memory_space<hbm>>
        %dma_wait3A_204 = arith.constant 0 : i32
        %dma_wait3A_205 = arith.constant 0 : i32
        %dma_wait3A_206 = tpu.memref_slice %arg9[%dma_wait3A_196, %dma_wait3A_204, %dma_wait3A_205] : memref<4x64x128xf32, #tpu.memory_space<vmem>> -> memref<1x64x128xf32, #tpu.memory_space<vmem>>
        %dma_wait3A_207 = tpu.memref_squeeze %dma_wait3A_206 : memref<1x64x128xf32, #tpu.memory_space<vmem>> -> memref<64x128xf32, #tpu.memory_space<vmem>>
        %dma_wait3A_208 = arith.constant 0 : i32
        %dma_wait3A_209 = arith.constant 0 : i32
        %dma_wait3A_210 = tpu.memref_slice %arg2[%dma_wait3A_208, %dma_wait3A_209] : memref<50000x128xf32, #tpu.memory_space<hbm>> -> memref<64x128xf32, #tpu.memory_space<hbm>>
        tpu.wait_dma2 semaphore(%arg15 : memref<!tpu.dma_semaphore, #tpu.memory_space<semaphore_mem>>) src(%dma_wait3A_210 : memref<64x128xf32, #tpu.memory_space<hbm>>) dst(%dma_wait3A_207 : memref<64x128xf32, #tpu.memory_space<vmem>>)
        %gt3A_211 = arith.constant 0 : i32
        %gt3A_212 = arith.cmpi sgt, %add3A_195, %gt3A_211 : i32
        %convert_element_type3A_213 = arith.extui %gt3A_212 : i1 to i32
        %cond3A_214 = arith.constant 0 : i32
        %cond3A_215 = arith.cmpi ne, %convert_element_type3A_213, %cond3A_214 : i32
        scf.if %cond3A_215 {
          %dma_wait3A_342 = arith.constant 0 : i32
          %dma_wait3A_343 = arith.constant 0 : i32
          %dma_wait3A_344 = arith.constant 0 : i32
          %dma_wait3A_345 = tpu.memref_slice %arg9[%dma_wait3A_342, %dma_wait3A_343, %dma_wait3A_344] : memref<4x64x128xf32, #tpu.memory_space<vmem>> -> memref<1x64x128xf32, #tpu.memory_space<vmem>>
          %dma_wait3A_346 = tpu.memref_squeeze %dma_wait3A_345 : memref<1x64x128xf32, #tpu.memory_space<vmem>> -> memref<64x128xf32, #tpu.memory_space<vmem>>
          %dma_wait3A_347 = arith.constant 0 : i32
          %dma_wait3A_348 = arith.constant 0 : i32
          %dma_wait3A_349 = tpu.memref_slice %arg2[%dma_wait3A_347, %dma_wait3A_348] : memref<50000x128xf32, #tpu.memory_space<hbm>> -> memref<64x128xf32, #tpu.memory_space<hbm>>
          %dma_wait3A_350 = arith.constant 0 : i32
          %dma_wait3A_351 = arith.constant 0 : i32
          %dma_wait3A_352 = tpu.memref_slice %arg9[%dma_wait3A_342, %dma_wait3A_350, %dma_wait3A_351] : memref<4x64x128xf32, #tpu.memory_space<vmem>> -> memref<1x64x128xf32, #tpu.memory_space<vmem>>
          %dma_wait3A_353 = tpu.memref_squeeze %dma_wait3A_352 : memref<1x64x128xf32, #tpu.memory_space<vmem>> -> memref<64x128xf32, #tpu.memory_space<vmem>>
          %dma_wait3A_354 = arith.constant 0 : i32
          %dma_wait3A_355 = arith.constant 0 : i32
          %dma_wait3A_356 = tpu.memref_slice %arg2[%dma_wait3A_354, %dma_wait3A_355] : memref<50000x128xf32, #tpu.memory_space<hbm>> -> memref<64x128xf32, #tpu.memory_space<hbm>>
          tpu.wait_dma2 semaphore(%arg18 : memref<!tpu.dma_semaphore, #tpu.memory_space<semaphore_mem>>) src(%dma_wait3A_356 : memref<64x128xf32, #tpu.memory_space<hbm>>) dst(%dma_wait3A_353 : memref<64x128xf32, #tpu.memory_space<vmem>>)
          %dma_wait3A_357 = arith.constant 0 : i32
          %dma_wait3A_358 = arith.constant 0 : i32
          %dma_wait3A_359 = arith.constant 0 : i32
          %dma_wait3A_360 = tpu.memref_slice %arg6[%dma_wait3A_357, %dma_wait3A_358, %dma_wait3A_359] : memref<2x10016x16xf32, #tpu.memory_space<hbm>> -> memref<1x64x16xf32, #tpu.memory_space<hbm>>
          %dma_wait3A_361 = tpu.memref_squeeze %dma_wait3A_360 : memref<1x64x16xf32, #tpu.memory_space<hbm>> -> memref<64x16xf32, #tpu.memory_space<hbm>>
          %dma_wait3A_362 = arith.constant 0 : i32
          %dma_wait3A_363 = arith.constant 0 : i32
          %dma_wait3A_364 = tpu.memref_slice %arg6[%dma_wait3A_357, %dma_wait3A_362, %dma_wait3A_363] : memref<2x10016x16xf32, #tpu.memory_space<hbm>> -> memref<1x64x16xf32, #tpu.memory_space<hbm>>
          %dma_wait3A_365 = tpu.memref_squeeze %dma_wait3A_364 : memref<1x64x16xf32, #tpu.memory_space<hbm>> -> memref<64x16xf32, #tpu.memory_space<hbm>>
          tpu.wait_dma2 semaphore(%arg22 : memref<!tpu.dma_semaphore, #tpu.memory_space<semaphore_mem>>) src(%dma_wait3A_365 : memref<64x16xf32, #tpu.memory_space<hbm>>) dst(%arg10 : memref<64x16xf32, #tpu.memory_space<vmem>>)
        } else {
        }
        %add3A_216 = arith.constant 4 : i32
        %add3A_217 = arith.addi %add3A_195, %add3A_216 : i32
        %sub3A_218 = arith.constant 1 : i32
        %sub3A_219 = arith.subi %add3A_217, %sub3A_218 : i32
        %lt3A_220 = arith.constant 32 : i32
        %lt3A_221 = arith.cmpi slt, %sub3A_219, %lt3A_220 : i32
        %convert_element_type3A_222 = arith.extui %lt3A_221 : i1 to i32
        %cond3A_223 = arith.constant 0 : i32
        %cond3A_224 = arith.cmpi ne, %convert_element_type3A_222, %cond3A_223 : i32
        scf.if %cond3A_224 {
          %add3A_342 = arith.constant 4 : i32
          %add3A_343 = arith.addi %add3A_195, %add3A_342 : i32
          %sub3A_344 = arith.constant 1 : i32
          %sub3A_345 = arith.subi %add3A_343, %sub3A_344 : i32
          %dma_start3A_346 = arith.constant 0 : i32
          %dma_start3A_347 = arith.constant 0 : i32
          %dma_start3A_348 = arith.constant 0 : i32
          %dma_start3A_349 = tpu.memref_slice %arg9[%dma_start3A_346, %dma_start3A_347, %dma_start3A_348] : memref<4x64x128xf32, #tpu.memory_space<vmem>> -> memref<1x64x128xf32, #tpu.memory_space<vmem>>
          %dma_start3A_350 = tpu.memref_squeeze %dma_start3A_349 : memref<1x64x128xf32, #tpu.memory_space<vmem>> -> memref<64x128xf32, #tpu.memory_space<vmem>>
          %dma_start3A_351 = arith.constant 0 : i32
          %dma_start3A_352 = tpu.memref_slice %arg7[%sub3A_345, %dma_start3A_351] : memref<32x64xi32, #tpu.memory_space<vmem>> -> memref<1x64xi32, #tpu.memory_space<vmem>>
          %dma_start3A_353 = tpu.memref_squeeze %dma_start3A_352 : memref<1x64xi32, #tpu.memory_space<vmem>> -> memref<64xi32, #tpu.memory_space<vmem>>
          %dma_start3A_354 = arith.constant 0 : i32
          %dma_start3A_355 = arith.constant 0 : i32
          %dma_start3A_356 = tpu.memref_slice %arg2[%dma_start3A_354, %dma_start3A_355] : memref<50000x128xf32, #tpu.memory_space<hbm>> -> memref<50000x128xf32, #tpu.memory_space<hbm>>
          tpu.enqueue_indirect_dma source(%dma_start3A_356 : memref<50000x128xf32, #tpu.memory_space<hbm>>) target(%dma_start3A_350 : memref<64x128xf32, #tpu.memory_space<vmem>>) offsets(%dma_start3A_353 : memref<64xi32, #tpu.memory_space<vmem>>) semaphore(%arg14 : memref<!tpu.dma_semaphore, #tpu.memory_space<semaphore_mem>>)
        } else {
        }
        %dma_start3A_225 = arith.constant 1 : i32
        %dma_start3A_226 = arith.constant 0 : i32
        %dma_start3A_227 = arith.constant 0 : i32
        %dma_start3A_228 = tpu.memref_slice %arg9[%dma_start3A_225, %dma_start3A_226, %dma_start3A_227] : memref<4x64x128xf32, #tpu.memory_space<vmem>> -> memref<1x64x128xf32, #tpu.memory_space<vmem>>
        %dma_start3A_229 = tpu.memref_squeeze %dma_start3A_228 : memref<1x64x128xf32, #tpu.memory_space<vmem>> -> memref<64x128xf32, #tpu.memory_space<vmem>>
        %dma_start3A_230 = arith.constant 0 : i32
        %dma_start3A_231 = tpu.memref_slice %arg8[%add3A_195, %dma_start3A_230] : memref<32x64xi32, #tpu.memory_space<vmem>> -> memref<1x64xi32, #tpu.memory_space<vmem>>
        %dma_start3A_232 = tpu.memref_squeeze %dma_start3A_231 : memref<1x64xi32, #tpu.memory_space<vmem>> -> memref<64xi32, #tpu.memory_space<vmem>>
        %dma_start3A_233 = arith.constant 0 : i32
        %dma_start3A_234 = arith.constant 0 : i32
        %dma_start3A_235 = tpu.memref_slice %arg12[%dma_start3A_233, %dma_start3A_234] : memref<10016x128xf32, #tpu.memory_space<vmem_shared>> -> memref<10016x128xf32, #tpu.memory_space<vmem_shared>>
        tpu.enqueue_indirect_dma source(%dma_start3A_229 : memref<64x128xf32, #tpu.memory_space<vmem>>) target(%dma_start3A_235 : memref<10016x128xf32, #tpu.memory_space<vmem_shared>>) offsets(%dma_start3A_232 : memref<64xi32, #tpu.memory_space<vmem>>) semaphore(%arg19 : memref<!tpu.dma_semaphore, #tpu.memory_space<semaphore_mem>>) {add = true}
        %dma_start3A_236 = arith.constant 0 : i32
        %dma_start3A_237 = tpu.memref_slice %arg8[%add3A_195, %dma_start3A_236] : memref<32x64xi32, #tpu.memory_space<vmem>> -> memref<1x64xi32, #tpu.memory_space<vmem>>
        %dma_start3A_238 = tpu.memref_squeeze %dma_start3A_237 : memref<1x64xi32, #tpu.memory_space<vmem>> -> memref<64xi32, #tpu.memory_space<vmem>>
        %dma_start3A_239 = arith.constant 0 : i32
        %dma_start3A_240 = arith.constant 0 : i32
        %dma_start3A_241 = tpu.memref_slice %arg13[%dma_start3A_239, %dma_start3A_240] : memref<10016x16xf32, #tpu.memory_space<vmem_shared>> -> memref<10016x16xf32, #tpu.memory_space<vmem_shared>>
        tpu.enqueue_indirect_dma source(%arg10 : memref<64x16xf32, #tpu.memory_space<vmem>>) target(%dma_start3A_241 : memref<10016x16xf32, #tpu.memory_space<vmem_shared>>) offsets(%dma_start3A_238 : memref<64xi32, #tpu.memory_space<vmem>>) semaphore(%arg23 : memref<!tpu.dma_semaphore, #tpu.memory_space<semaphore_mem>>) {add = true}
        %mul3A_242 = arith.constant 4 : i32
        %mul3A_243 = arith.muli %mul3A_242, %scan3A_146 : i32
        %add3A_244 = arith.constant 2 : i32
        %add3A_245 = arith.addi %mul3A_243, %add3A_244 : i32
        %dma_wait3A_246 = arith.constant 2 : i32
        %dma_wait3A_247 = arith.constant 0 : i32
        %dma_wait3A_248 = arith.constant 0 : i32
        %dma_wait3A_249 = tpu.memref_slice %arg9[%dma_wait3A_246, %dma_wait3A_247, %dma_wait3A_248] : memref<4x64x128xf32, #tpu.memory_space<vmem>> -> memref<1x64x128xf32, #tpu.memory_space<vmem>>
        %dma_wait3A_250 = tpu.memref_squeeze %dma_wait3A_249 : memref<1x64x128xf32, #tpu.memory_space<vmem>> -> memref<64x128xf32, #tpu.memory_space<vmem>>
        %dma_wait3A_251 = arith.constant 0 : i32
        %dma_wait3A_252 = arith.constant 0 : i32
        %dma_wait3A_253 = tpu.memref_slice %arg2[%dma_wait3A_251, %dma_wait3A_252] : memref<50000x128xf32, #tpu.memory_space<hbm>> -> memref<64x128xf32, #tpu.memory_space<hbm>>
        %dma_wait3A_254 = arith.constant 0 : i32
        %dma_wait3A_255 = arith.constant 0 : i32
        %dma_wait3A_256 = tpu.memref_slice %arg9[%dma_wait3A_246, %dma_wait3A_254, %dma_wait3A_255] : memref<4x64x128xf32, #tpu.memory_space<vmem>> -> memref<1x64x128xf32, #tpu.memory_space<vmem>>
        %dma_wait3A_257 = tpu.memref_squeeze %dma_wait3A_256 : memref<1x64x128xf32, #tpu.memory_space<vmem>> -> memref<64x128xf32, #tpu.memory_space<vmem>>
        %dma_wait3A_258 = arith.constant 0 : i32
        %dma_wait3A_259 = arith.constant 0 : i32
        %dma_wait3A_260 = tpu.memref_slice %arg2[%dma_wait3A_258, %dma_wait3A_259] : memref<50000x128xf32, #tpu.memory_space<hbm>> -> memref<64x128xf32, #tpu.memory_space<hbm>>
        tpu.wait_dma2 semaphore(%arg16 : memref<!tpu.dma_semaphore, #tpu.memory_space<semaphore_mem>>) src(%dma_wait3A_260 : memref<64x128xf32, #tpu.memory_space<hbm>>) dst(%dma_wait3A_257 : memref<64x128xf32, #tpu.memory_space<vmem>>)
        %gt3A_261 = arith.constant 0 : i32
        %gt3A_262 = arith.cmpi sgt, %add3A_245, %gt3A_261 : i32
        %convert_element_type3A_263 = arith.extui %gt3A_262 : i1 to i32
        %cond3A_264 = arith.constant 0 : i32
        %cond3A_265 = arith.cmpi ne, %convert_element_type3A_263, %cond3A_264 : i32
        scf.if %cond3A_265 {
          %dma_wait3A_342 = arith.constant 1 : i32
          %dma_wait3A_343 = arith.constant 0 : i32
          %dma_wait3A_344 = arith.constant 0 : i32
          %dma_wait3A_345 = tpu.memref_slice %arg9[%dma_wait3A_342, %dma_wait3A_343, %dma_wait3A_344] : memref<4x64x128xf32, #tpu.memory_space<vmem>> -> memref<1x64x128xf32, #tpu.memory_space<vmem>>
          %dma_wait3A_346 = tpu.memref_squeeze %dma_wait3A_345 : memref<1x64x128xf32, #tpu.memory_space<vmem>> -> memref<64x128xf32, #tpu.memory_space<vmem>>
          %dma_wait3A_347 = arith.constant 0 : i32
          %dma_wait3A_348 = arith.constant 0 : i32
          %dma_wait3A_349 = tpu.memref_slice %arg2[%dma_wait3A_347, %dma_wait3A_348] : memref<50000x128xf32, #tpu.memory_space<hbm>> -> memref<64x128xf32, #tpu.memory_space<hbm>>
          %dma_wait3A_350 = arith.constant 0 : i32
          %dma_wait3A_351 = arith.constant 0 : i32
          %dma_wait3A_352 = tpu.memref_slice %arg9[%dma_wait3A_342, %dma_wait3A_350, %dma_wait3A_351] : memref<4x64x128xf32, #tpu.memory_space<vmem>> -> memref<1x64x128xf32, #tpu.memory_space<vmem>>
          %dma_wait3A_353 = tpu.memref_squeeze %dma_wait3A_352 : memref<1x64x128xf32, #tpu.memory_space<vmem>> -> memref<64x128xf32, #tpu.memory_space<vmem>>
          %dma_wait3A_354 = arith.constant 0 : i32
          %dma_wait3A_355 = arith.constant 0 : i32
          %dma_wait3A_356 = tpu.memref_slice %arg2[%dma_wait3A_354, %dma_wait3A_355] : memref<50000x128xf32, #tpu.memory_space<hbm>> -> memref<64x128xf32, #tpu.memory_space<hbm>>
          tpu.wait_dma2 semaphore(%arg19 : memref<!tpu.dma_semaphore, #tpu.memory_space<semaphore_mem>>) src(%dma_wait3A_356 : memref<64x128xf32, #tpu.memory_space<hbm>>) dst(%dma_wait3A_353 : memref<64x128xf32, #tpu.memory_space<vmem>>)
          %dma_wait3A_357 = arith.constant 0 : i32
          %dma_wait3A_358 = arith.constant 0 : i32
          %dma_wait3A_359 = arith.constant 0 : i32
          %dma_wait3A_360 = tpu.memref_slice %arg6[%dma_wait3A_357, %dma_wait3A_358, %dma_wait3A_359] : memref<2x10016x16xf32, #tpu.memory_space<hbm>> -> memref<1x64x16xf32, #tpu.memory_space<hbm>>
          %dma_wait3A_361 = tpu.memref_squeeze %dma_wait3A_360 : memref<1x64x16xf32, #tpu.memory_space<hbm>> -> memref<64x16xf32, #tpu.memory_space<hbm>>
          %dma_wait3A_362 = arith.constant 0 : i32
          %dma_wait3A_363 = arith.constant 0 : i32
          %dma_wait3A_364 = tpu.memref_slice %arg6[%dma_wait3A_357, %dma_wait3A_362, %dma_wait3A_363] : memref<2x10016x16xf32, #tpu.memory_space<hbm>> -> memref<1x64x16xf32, #tpu.memory_space<hbm>>
          %dma_wait3A_365 = tpu.memref_squeeze %dma_wait3A_364 : memref<1x64x16xf32, #tpu.memory_space<hbm>> -> memref<64x16xf32, #tpu.memory_space<hbm>>
          tpu.wait_dma2 semaphore(%arg23 : memref<!tpu.dma_semaphore, #tpu.memory_space<semaphore_mem>>) src(%dma_wait3A_365 : memref<64x16xf32, #tpu.memory_space<hbm>>) dst(%arg10 : memref<64x16xf32, #tpu.memory_space<vmem>>)
        } else {
        }
        %add3A_266 = arith.constant 4 : i32
        %add3A_267 = arith.addi %add3A_245, %add3A_266 : i32
        %sub3A_268 = arith.constant 1 : i32
        %sub3A_269 = arith.subi %add3A_267, %sub3A_268 : i32
        %lt3A_270 = arith.constant 32 : i32
        %lt3A_271 = arith.cmpi slt, %sub3A_269, %lt3A_270 : i32
        %convert_element_type3A_272 = arith.extui %lt3A_271 : i1 to i32
        %cond3A_273 = arith.constant 0 : i32
        %cond3A_274 = arith.cmpi ne, %convert_element_type3A_272, %cond3A_273 : i32
        scf.if %cond3A_274 {
          %add3A_342 = arith.constant 4 : i32
          %add3A_343 = arith.addi %add3A_245, %add3A_342 : i32
          %sub3A_344 = arith.constant 1 : i32
          %sub3A_345 = arith.subi %add3A_343, %sub3A_344 : i32
          %dma_start3A_346 = arith.constant 1 : i32
          %dma_start3A_347 = arith.constant 0 : i32
          %dma_start3A_348 = arith.constant 0 : i32
          %dma_start3A_349 = tpu.memref_slice %arg9[%dma_start3A_346, %dma_start3A_347, %dma_start3A_348] : memref<4x64x128xf32, #tpu.memory_space<vmem>> -> memref<1x64x128xf32, #tpu.memory_space<vmem>>
          %dma_start3A_350 = tpu.memref_squeeze %dma_start3A_349 : memref<1x64x128xf32, #tpu.memory_space<vmem>> -> memref<64x128xf32, #tpu.memory_space<vmem>>
          %dma_start3A_351 = arith.constant 0 : i32
          %dma_start3A_352 = tpu.memref_slice %arg7[%sub3A_345, %dma_start3A_351] : memref<32x64xi32, #tpu.memory_space<vmem>> -> memref<1x64xi32, #tpu.memory_space<vmem>>
          %dma_start3A_353 = tpu.memref_squeeze %dma_start3A_352 : memref<1x64xi32, #tpu.memory_space<vmem>> -> memref<64xi32, #tpu.memory_space<vmem>>
          %dma_start3A_354 = arith.constant 0 : i32
          %dma_start3A_355 = arith.constant 0 : i32
          %dma_start3A_356 = tpu.memref_slice %arg2[%dma_start3A_354, %dma_start3A_355] : memref<50000x128xf32, #tpu.memory_space<hbm>> -> memref<50000x128xf32, #tpu.memory_space<hbm>>
          tpu.enqueue_indirect_dma source(%dma_start3A_356 : memref<50000x128xf32, #tpu.memory_space<hbm>>) target(%dma_start3A_350 : memref<64x128xf32, #tpu.memory_space<vmem>>) offsets(%dma_start3A_353 : memref<64xi32, #tpu.memory_space<vmem>>) semaphore(%arg15 : memref<!tpu.dma_semaphore, #tpu.memory_space<semaphore_mem>>)
        } else {
        }
        %dma_start3A_275 = arith.constant 2 : i32
        %dma_start3A_276 = arith.constant 0 : i32
        %dma_start3A_277 = arith.constant 0 : i32
        %dma_start3A_278 = tpu.memref_slice %arg9[%dma_start3A_275, %dma_start3A_276, %dma_start3A_277] : memref<4x64x128xf32, #tpu.memory_space<vmem>> -> memref<1x64x128xf32, #tpu.memory_space<vmem>>
        %dma_start3A_279 = tpu.memref_squeeze %dma_start3A_278 : memref<1x64x128xf32, #tpu.memory_space<vmem>> -> memref<64x128xf32, #tpu.memory_space<vmem>>
        %dma_start3A_280 = arith.constant 0 : i32
        %dma_start3A_281 = tpu.memref_slice %arg8[%add3A_245, %dma_start3A_280] : memref<32x64xi32, #tpu.memory_space<vmem>> -> memref<1x64xi32, #tpu.memory_space<vmem>>
        %dma_start3A_282 = tpu.memref_squeeze %dma_start3A_281 : memref<1x64xi32, #tpu.memory_space<vmem>> -> memref<64xi32, #tpu.memory_space<vmem>>
        %dma_start3A_283 = arith.constant 0 : i32
        %dma_start3A_284 = arith.constant 0 : i32
        %dma_start3A_285 = tpu.memref_slice %arg12[%dma_start3A_283, %dma_start3A_284] : memref<10016x128xf32, #tpu.memory_space<vmem_shared>> -> memref<10016x128xf32, #tpu.memory_space<vmem_shared>>
        tpu.enqueue_indirect_dma source(%dma_start3A_279 : memref<64x128xf32, #tpu.memory_space<vmem>>) target(%dma_start3A_285 : memref<10016x128xf32, #tpu.memory_space<vmem_shared>>) offsets(%dma_start3A_282 : memref<64xi32, #tpu.memory_space<vmem>>) semaphore(%arg20 : memref<!tpu.dma_semaphore, #tpu.memory_space<semaphore_mem>>) {add = true}
        %dma_start3A_286 = arith.constant 0 : i32
        %dma_start3A_287 = tpu.memref_slice %arg8[%add3A_245, %dma_start3A_286] : memref<32x64xi32, #tpu.memory_space<vmem>> -> memref<1x64xi32, #tpu.memory_space<vmem>>
        %dma_start3A_288 = tpu.memref_squeeze %dma_start3A_287 : memref<1x64xi32, #tpu.memory_space<vmem>> -> memref<64xi32, #tpu.memory_space<vmem>>
        %dma_start3A_289 = arith.constant 0 : i32
        %dma_start3A_290 = arith.constant 0 : i32
        %dma_start3A_291 = tpu.memref_slice %arg13[%dma_start3A_289, %dma_start3A_290] : memref<10016x16xf32, #tpu.memory_space<vmem_shared>> -> memref<10016x16xf32, #tpu.memory_space<vmem_shared>>
        tpu.enqueue_indirect_dma source(%arg10 : memref<64x16xf32, #tpu.memory_space<vmem>>) target(%dma_start3A_291 : memref<10016x16xf32, #tpu.memory_space<vmem_shared>>) offsets(%dma_start3A_288 : memref<64xi32, #tpu.memory_space<vmem>>) semaphore(%arg24 : memref<!tpu.dma_semaphore, #tpu.memory_space<semaphore_mem>>) {add = true}
        %mul3A_292 = arith.constant 4 : i32
        %mul3A_293 = arith.muli %mul3A_292, %scan3A_146 : i32
        %add3A_294 = arith.constant 3 : i32
        %add3A_295 = arith.addi %mul3A_293, %add3A_294 : i32
        %dma_wait3A_296 = arith.constant 3 : i32
        %dma_wait3A_297 = arith.constant 0 : i32
        %dma_wait3A_298 = arith.constant 0 : i32
        %dma_wait3A_299 = tpu.memref_slice %arg9[%dma_wait3A_296, %dma_wait3A_297, %dma_wait3A_298] : memref<4x64x128xf32, #tpu.memory_space<vmem>> -> memref<1x64x128xf32, #tpu.memory_space<vmem>>
        %dma_wait3A_300 = tpu.memref_squeeze %dma_wait3A_299 : memref<1x64x128xf32, #tpu.memory_space<vmem>> -> memref<64x128xf32, #tpu.memory_space<vmem>>
        %dma_wait3A_301 = arith.constant 0 : i32
        %dma_wait3A_302 = arith.constant 0 : i32
        %dma_wait3A_303 = tpu.memref_slice %arg2[%dma_wait3A_301, %dma_wait3A_302] : memref<50000x128xf32, #tpu.memory_space<hbm>> -> memref<64x128xf32, #tpu.memory_space<hbm>>
        %dma_wait3A_304 = arith.constant 0 : i32
        %dma_wait3A_305 = arith.constant 0 : i32
        %dma_wait3A_306 = tpu.memref_slice %arg9[%dma_wait3A_296, %dma_wait3A_304, %dma_wait3A_305] : memref<4x64x128xf32, #tpu.memory_space<vmem>> -> memref<1x64x128xf32, #tpu.memory_space<vmem>>
        %dma_wait3A_307 = tpu.memref_squeeze %dma_wait3A_306 : memref<1x64x128xf32, #tpu.memory_space<vmem>> -> memref<64x128xf32, #tpu.memory_space<vmem>>
        %dma_wait3A_308 = arith.constant 0 : i32
        %dma_wait3A_309 = arith.constant 0 : i32
        %dma_wait3A_310 = tpu.memref_slice %arg2[%dma_wait3A_308, %dma_wait3A_309] : memref<50000x128xf32, #tpu.memory_space<hbm>> -> memref<64x128xf32, #tpu.memory_space<hbm>>
        tpu.wait_dma2 semaphore(%arg17 : memref<!tpu.dma_semaphore, #tpu.memory_space<semaphore_mem>>) src(%dma_wait3A_310 : memref<64x128xf32, #tpu.memory_space<hbm>>) dst(%dma_wait3A_307 : memref<64x128xf32, #tpu.memory_space<vmem>>)
        %gt3A_311 = arith.constant 0 : i32
        %gt3A_312 = arith.cmpi sgt, %add3A_295, %gt3A_311 : i32
        %convert_element_type3A_313 = arith.extui %gt3A_312 : i1 to i32
        %cond3A_314 = arith.constant 0 : i32
        %cond3A_315 = arith.cmpi ne, %convert_element_type3A_313, %cond3A_314 : i32
        scf.if %cond3A_315 {
          %dma_wait3A_342 = arith.constant 2 : i32
          %dma_wait3A_343 = arith.constant 0 : i32
          %dma_wait3A_344 = arith.constant 0 : i32
          %dma_wait3A_345 = tpu.memref_slice %arg9[%dma_wait3A_342, %dma_wait3A_343, %dma_wait3A_344] : memref<4x64x128xf32, #tpu.memory_space<vmem>> -> memref<1x64x128xf32, #tpu.memory_space<vmem>>
          %dma_wait3A_346 = tpu.memref_squeeze %dma_wait3A_345 : memref<1x64x128xf32, #tpu.memory_space<vmem>> -> memref<64x128xf32, #tpu.memory_space<vmem>>
          %dma_wait3A_347 = arith.constant 0 : i32
          %dma_wait3A_348 = arith.constant 0 : i32
          %dma_wait3A_349 = tpu.memref_slice %arg2[%dma_wait3A_347, %dma_wait3A_348] : memref<50000x128xf32, #tpu.memory_space<hbm>> -> memref<64x128xf32, #tpu.memory_space<hbm>>
          %dma_wait3A_350 = arith.constant 0 : i32
          %dma_wait3A_351 = arith.constant 0 : i32
          %dma_wait3A_352 = tpu.memref_slice %arg9[%dma_wait3A_342, %dma_wait3A_350, %dma_wait3A_351] : memref<4x64x128xf32, #tpu.memory_space<vmem>> -> memref<1x64x128xf32, #tpu.memory_space<vmem>>
          %dma_wait3A_353 = tpu.memref_squeeze %dma_wait3A_352 : memref<1x64x128xf32, #tpu.memory_space<vmem>> -> memref<64x128xf32, #tpu.memory_space<vmem>>
          %dma_wait3A_354 = arith.constant 0 : i32
          %dma_wait3A_355 = arith.constant 0 : i32
          %dma_wait3A_356 = tpu.memref_slice %arg2[%dma_wait3A_354, %dma_wait3A_355] : memref<50000x128xf32, #tpu.memory_space<hbm>> -> memref<64x128xf32, #tpu.memory_space<hbm>>
          tpu.wait_dma2 semaphore(%arg20 : memref<!tpu.dma_semaphore, #tpu.memory_space<semaphore_mem>>) src(%dma_wait3A_356 : memref<64x128xf32, #tpu.memory_space<hbm>>) dst(%dma_wait3A_353 : memref<64x128xf32, #tpu.memory_space<vmem>>)
          %dma_wait3A_357 = arith.constant 0 : i32
          %dma_wait3A_358 = arith.constant 0 : i32
          %dma_wait3A_359 = arith.constant 0 : i32
          %dma_wait3A_360 = tpu.memref_slice %arg6[%dma_wait3A_357, %dma_wait3A_358, %dma_wait3A_359] : memref<2x10016x16xf32, #tpu.memory_space<hbm>> -> memref<1x64x16xf32, #tpu.memory_space<hbm>>
          %dma_wait3A_361 = tpu.memref_squeeze %dma_wait3A_360 : memref<1x64x16xf32, #tpu.memory_space<hbm>> -> memref<64x16xf32, #tpu.memory_space<hbm>>
          %dma_wait3A_362 = arith.constant 0 : i32
          %dma_wait3A_363 = arith.constant 0 : i32
          %dma_wait3A_364 = tpu.memref_slice %arg6[%dma_wait3A_357, %dma_wait3A_362, %dma_wait3A_363] : memref<2x10016x16xf32, #tpu.memory_space<hbm>> -> memref<1x64x16xf32, #tpu.memory_space<hbm>>
          %dma_wait3A_365 = tpu.memref_squeeze %dma_wait3A_364 : memref<1x64x16xf32, #tpu.memory_space<hbm>> -> memref<64x16xf32, #tpu.memory_space<hbm>>
          tpu.wait_dma2 semaphore(%arg24 : memref<!tpu.dma_semaphore, #tpu.memory_space<semaphore_mem>>) src(%dma_wait3A_365 : memref<64x16xf32, #tpu.memory_space<hbm>>) dst(%arg10 : memref<64x16xf32, #tpu.memory_space<vmem>>)
        } else {
        }
        %add3A_316 = arith.constant 4 : i32
        %add3A_317 = arith.addi %add3A_295, %add3A_316 : i32
        %sub3A_318 = arith.constant 1 : i32
        %sub3A_319 = arith.subi %add3A_317, %sub3A_318 : i32
        %lt3A_320 = arith.constant 32 : i32
        %lt3A_321 = arith.cmpi slt, %sub3A_319, %lt3A_320 : i32
        %convert_element_type3A_322 = arith.extui %lt3A_321 : i1 to i32
        %cond3A_323 = arith.constant 0 : i32
        %cond3A_324 = arith.cmpi ne, %convert_element_type3A_322, %cond3A_323 : i32
        scf.if %cond3A_324 {
          %add3A_342 = arith.constant 4 : i32
          %add3A_343 = arith.addi %add3A_295, %add3A_342 : i32
          %sub3A_344 = arith.constant 1 : i32
          %sub3A_345 = arith.subi %add3A_343, %sub3A_344 : i32
          %dma_start3A_346 = arith.constant 2 : i32
          %dma_start3A_347 = arith.constant 0 : i32
          %dma_start3A_348 = arith.constant 0 : i32
          %dma_start3A_349 = tpu.memref_slice %arg9[%dma_start3A_346, %dma_start3A_347, %dma_start3A_348] : memref<4x64x128xf32, #tpu.memory_space<vmem>> -> memref<1x64x128xf32, #tpu.memory_space<vmem>>
          %dma_start3A_350 = tpu.memref_squeeze %dma_start3A_349 : memref<1x64x128xf32, #tpu.memory_space<vmem>> -> memref<64x128xf32, #tpu.memory_space<vmem>>
          %dma_start3A_351 = arith.constant 0 : i32
          %dma_start3A_352 = tpu.memref_slice %arg7[%sub3A_345, %dma_start3A_351] : memref<32x64xi32, #tpu.memory_space<vmem>> -> memref<1x64xi32, #tpu.memory_space<vmem>>
          %dma_start3A_353 = tpu.memref_squeeze %dma_start3A_352 : memref<1x64xi32, #tpu.memory_space<vmem>> -> memref<64xi32, #tpu.memory_space<vmem>>
          %dma_start3A_354 = arith.constant 0 : i32
          %dma_start3A_355 = arith.constant 0 : i32
          %dma_start3A_356 = tpu.memref_slice %arg2[%dma_start3A_354, %dma_start3A_355] : memref<50000x128xf32, #tpu.memory_space<hbm>> -> memref<50000x128xf32, #tpu.memory_space<hbm>>
          tpu.enqueue_indirect_dma source(%dma_start3A_356 : memref<50000x128xf32, #tpu.memory_space<hbm>>) target(%dma_start3A_350 : memref<64x128xf32, #tpu.memory_space<vmem>>) offsets(%dma_start3A_353 : memref<64xi32, #tpu.memory_space<vmem>>) semaphore(%arg16 : memref<!tpu.dma_semaphore, #tpu.memory_space<semaphore_mem>>)
        } else {
        }
        %dma_start3A_325 = arith.constant 3 : i32
        %dma_start3A_326 = arith.constant 0 : i32
        %dma_start3A_327 = arith.constant 0 : i32
        %dma_start3A_328 = tpu.memref_slice %arg9[%dma_start3A_325, %dma_start3A_326, %dma_start3A_327] : memref<4x64x128xf32, #tpu.memory_space<vmem>> -> memref<1x64x128xf32, #tpu.memory_space<vmem>>
        %dma_start3A_329 = tpu.memref_squeeze %dma_start3A_328 : memref<1x64x128xf32, #tpu.memory_space<vmem>> -> memref<64x128xf32, #tpu.memory_space<vmem>>
        %dma_start3A_330 = arith.constant 0 : i32
        %dma_start3A_331 = tpu.memref_slice %arg8[%add3A_295, %dma_start3A_330] : memref<32x64xi32, #tpu.memory_space<vmem>> -> memref<1x64xi32, #tpu.memory_space<vmem>>
        %dma_start3A_332 = tpu.memref_squeeze %dma_start3A_331 : memref<1x64xi32, #tpu.memory_space<vmem>> -> memref<64xi32, #tpu.memory_space<vmem>>
        %dma_start3A_333 = arith.constant 0 : i32
        %dma_start3A_334 = arith.constant 0 : i32
        %dma_start3A_335 = tpu.memref_slice %arg12[%dma_start3A_333, %dma_start3A_334] : memref<10016x128xf32, #tpu.memory_space<vmem_shared>> -> memref<10016x128xf32, #tpu.memory_space<vmem_shared>>
        tpu.enqueue_indirect_dma source(%dma_start3A_329 : memref<64x128xf32, #tpu.memory_space<vmem>>) target(%dma_start3A_335 : memref<10016x128xf32, #tpu.memory_space<vmem_shared>>) offsets(%dma_start3A_332 : memref<64xi32, #tpu.memory_space<vmem>>) semaphore(%arg21 : memref<!tpu.dma_semaphore, #tpu.memory_space<semaphore_mem>>) {add = true}
        %dma_start3A_336 = arith.constant 0 : i32
        %dma_start3A_337 = tpu.memref_slice %arg8[%add3A_295, %dma_start3A_336] : memref<32x64xi32, #tpu.memory_space<vmem>> -> memref<1x64xi32, #tpu.memory_space<vmem>>
        %dma_start3A_338 = tpu.memref_squeeze %dma_start3A_337 : memref<1x64xi32, #tpu.memory_space<vmem>> -> memref<64xi32, #tpu.memory_space<vmem>>
        %dma_start3A_339 = arith.constant 0 : i32
        %dma_start3A_340 = arith.constant 0 : i32
        %dma_start3A_341 = tpu.memref_slice %arg13[%dma_start3A_339, %dma_start3A_340] : memref<10016x16xf32, #tpu.memory_space<vmem_shared>> -> memref<10016x16xf32, #tpu.memory_space<vmem_shared>>
        tpu.enqueue_indirect_dma source(%arg10 : memref<64x16xf32, #tpu.memory_space<vmem>>) target(%dma_start3A_341 : memref<10016x16xf32, #tpu.memory_space<vmem_shared>>) offsets(%dma_start3A_338 : memref<64xi32, #tpu.memory_space<vmem>>) semaphore(%arg25 : memref<!tpu.dma_semaphore, #tpu.memory_space<semaphore_mem>>) {add = true}
      }
      %scan3A_122 = arith.constant 8 : i32
      %dma_wait3A = arith.constant 3 : i32
      %dma_wait3A_123 = arith.constant 0 : i32
      %dma_wait3A_124 = arith.constant 0 : i32
      %dma_wait3A_125 = tpu.memref_slice %arg9[%dma_wait3A, %dma_wait3A_123, %dma_wait3A_124] : memref<4x64x128xf32, #tpu.memory_space<vmem>> -> memref<1x64x128xf32, #tpu.memory_space<vmem>>
      %dma_wait3A_126 = tpu.memref_squeeze %dma_wait3A_125 : memref<1x64x128xf32, #tpu.memory_space<vmem>> -> memref<64x128xf32, #tpu.memory_space<vmem>>
      %dma_wait3A_127 = arith.constant 0 : i32
      %dma_wait3A_128 = arith.constant 0 : i32
      %dma_wait3A_129 = tpu.memref_slice %arg2[%dma_wait3A_127, %dma_wait3A_128] : memref<50000x128xf32, #tpu.memory_space<hbm>> -> memref<64x128xf32, #tpu.memory_space<hbm>>
      %dma_wait3A_130 = arith.constant 0 : i32
      %dma_wait3A_131 = arith.constant 0 : i32
      %dma_wait3A_132 = tpu.memref_slice %arg9[%dma_wait3A, %dma_wait3A_130, %dma_wait3A_131] : memref<4x64x128xf32, #tpu.memory_space<vmem>> -> memref<1x64x128xf32, #tpu.memory_space<vmem>>
      %dma_wait3A_133 = tpu.memref_squeeze %dma_wait3A_132 : memref<1x64x128xf32, #tpu.memory_space<vmem>> -> memref<64x128xf32, #tpu.memory_space<vmem>>
      %dma_wait3A_134 = arith.constant 0 : i32
      %dma_wait3A_135 = arith.constant 0 : i32
      %dma_wait3A_136 = tpu.memref_slice %arg2[%dma_wait3A_134, %dma_wait3A_135] : memref<50000x128xf32, #tpu.memory_space<hbm>> -> memref<64x128xf32, #tpu.memory_space<hbm>>
      tpu.wait_dma2 semaphore(%arg21 : memref<!tpu.dma_semaphore, #tpu.memory_space<semaphore_mem>>) src(%dma_wait3A_136 : memref<64x128xf32, #tpu.memory_space<hbm>>) dst(%dma_wait3A_133 : memref<64x128xf32, #tpu.memory_space<vmem>>)
      %dma_wait3A_137 = arith.constant 0 : i32
      %dma_wait3A_138 = arith.constant 0 : i32
      %dma_wait3A_139 = arith.constant 0 : i32
      %dma_wait3A_140 = tpu.memref_slice %arg6[%dma_wait3A_137, %dma_wait3A_138, %dma_wait3A_139] : memref<2x10016x16xf32, #tpu.memory_space<hbm>> -> memref<1x64x16xf32, #tpu.memory_space<hbm>>
      %dma_wait3A_141 = tpu.memref_squeeze %dma_wait3A_140 : memref<1x64x16xf32, #tpu.memory_space<hbm>> -> memref<64x16xf32, #tpu.memory_space<hbm>>
      %dma_wait3A_142 = arith.constant 0 : i32
      %dma_wait3A_143 = arith.constant 0 : i32
      %dma_wait3A_144 = tpu.memref_slice %arg6[%dma_wait3A_137, %dma_wait3A_142, %dma_wait3A_143] : memref<2x10016x16xf32, #tpu.memory_space<hbm>> -> memref<1x64x16xf32, #tpu.memory_space<hbm>>
      %dma_wait3A_145 = tpu.memref_squeeze %dma_wait3A_144 : memref<1x64x16xf32, #tpu.memory_space<hbm>> -> memref<64x16xf32, #tpu.memory_space<hbm>>
      tpu.wait_dma2 semaphore(%arg25 : memref<!tpu.dma_semaphore, #tpu.memory_space<semaphore_mem>>) src(%dma_wait3A_145 : memref<64x16xf32, #tpu.memory_space<hbm>>) dst(%arg10 : memref<64x16xf32, #tpu.memory_space<vmem>>)
    }
    %while3A_73 = arith.constant 1 : i32
    scf.for %while3A_75 = %while3A_71 to %while3A_67 step %while3A_73  : i32 {
      %mul3A_76 = arith.constant 32 : i32
      %mul3A_77 = arith.muli %while3A_75, %mul3A_76 : i32
      %add3A_78 = arith.addi %select_n3A, %mul3A_77 : i32
      "tpu.region"() ({
        %run_scoped3A_146 = tpu.sem_alloc : memref<!tpu.dma_semaphore, #tpu.memory_space<semaphore_mem>>
        %dma_start3A_147 = arith.constant 0 : i32
        %dma_start3A_148 = tpu.memref_slice %arg3[%add3A_78, %dma_start3A_147] : memref<5120x64xi32, #tpu.memory_space<hbm>> -> memref<32x64xi32, #tpu.memory_space<hbm>>
        %dma_start3A_149 = arith.constant 0 : i32
        %dma_start3A_150 = tpu.memref_slice %arg3[%add3A_78, %dma_start3A_149] : memref<5120x64xi32, #tpu.memory_space<hbm>> -> memref<32x64xi32, #tpu.memory_space<hbm>>
        tpu.enqueue_dma source(%dma_start3A_150 : memref<32x64xi32, #tpu.memory_space<hbm>>) target(%arg7 : memref<32x64xi32, #tpu.memory_space<vmem>>) target_semaphore(%run_scoped3A_146 : memref<!tpu.dma_semaphore, #tpu.memory_space<semaphore_mem>>)
        %dma_wait3A_151 = arith.constant 0 : i32
        %dma_wait3A_152 = tpu.memref_slice %arg3[%add3A_78, %dma_wait3A_151] : memref<5120x64xi32, #tpu.memory_space<hbm>> -> memref<32x64xi32, #tpu.memory_space<hbm>>
        %dma_wait3A_153 = arith.constant 0 : i32
        %dma_wait3A_154 = tpu.memref_slice %arg3[%add3A_78, %dma_wait3A_153] : memref<5120x64xi32, #tpu.memory_space<hbm>> -> memref<32x64xi32, #tpu.memory_space<hbm>>
        tpu.wait_dma2 semaphore(%run_scoped3A_146 : memref<!tpu.dma_semaphore, #tpu.memory_space<semaphore_mem>>) src(%dma_wait3A_154 : memref<32x64xi32, #tpu.memory_space<hbm>>) dst(%arg7 : memref<32x64xi32, #tpu.memory_space<vmem>>)
        tpu.yield
      }) : () -> ()
      %mul3A_79 = arith.constant 32 : i32
      %mul3A_80 = arith.muli %while3A_75, %mul3A_79 : i32
      %add3A_81 = arith.addi %select_n3A, %mul3A_80 : i32
      "tpu.region"() ({
        %run_scoped3A_146 = tpu.sem_alloc : memref<!tpu.dma_semaphore, #tpu.memory_space<semaphore_mem>>
        %dma_start3A_147 = arith.constant 0 : i32
        %dma_start3A_148 = tpu.memref_slice %arg4[%add3A_81, %dma_start3A_147] : memref<5120x64xi32, #tpu.memory_space<hbm>> -> memref<32x64xi32, #tpu.memory_space<hbm>>
        %dma_start3A_149 = arith.constant 0 : i32
        %dma_start3A_150 = tpu.memref_slice %arg4[%add3A_81, %dma_start3A_149] : memref<5120x64xi32, #tpu.memory_space<hbm>> -> memref<32x64xi32, #tpu.memory_space<hbm>>
        tpu.enqueue_dma source(%dma_start3A_150 : memref<32x64xi32, #tpu.memory_space<hbm>>) target(%arg8 : memref<32x64xi32, #tpu.memory_space<vmem>>) target_semaphore(%run_scoped3A_146 : memref<!tpu.dma_semaphore, #tpu.memory_space<semaphore_mem>>)
        %dma_wait3A_151 = arith.constant 0 : i32
        %dma_wait3A_152 = tpu.memref_slice %arg4[%add3A_81, %dma_wait3A_151] : memref<5120x64xi32, #tpu.memory_space<hbm>> -> memref<32x64xi32, #tpu.memory_space<hbm>>
        %dma_wait3A_153 = arith.constant 0 : i32
        %dma_wait3A_154 = tpu.memref_slice %arg4[%add3A_81, %dma_wait3A_153] : memref<5120x64xi32, #tpu.memory_space<hbm>> -> memref<32x64xi32, #tpu.memory_space<hbm>>
        tpu.wait_dma2 semaphore(%run_scoped3A_146 : memref<!tpu.dma_semaphore, #tpu.memory_space<semaphore_mem>>) src(%dma_wait3A_154 : memref<32x64xi32, #tpu.memory_space<hbm>>) dst(%arg8 : memref<32x64xi32, #tpu.memory_space<vmem>>)
        tpu.yield
      }) : () -> ()
      %dma_start3A = arith.constant 0 : i32
      %dma_start3A_82 = arith.constant 0 : i32
      %dma_start3A_83 = arith.constant 0 : i32
      %dma_start3A_84 = arith.constant 0 : i32
      %dma_start3A_85 = tpu.memref_slice %arg9[%dma_start3A_82, %dma_start3A_83, %dma_start3A_84] : memref<4x64x128xf32, #tpu.memory_space<vmem>> -> memref<1x64x128xf32, #tpu.memory_space<vmem>>
      %dma_start3A_86 = tpu.memref_squeeze %dma_start3A_85 : memref<1x64x128xf32, #tpu.memory_space<vmem>> -> memref<64x128xf32, #tpu.memory_space<vmem>>
      %dma_start3A_87 = arith.constant 0 : i32
      %dma_start3A_88 = tpu.memref_slice %arg7[%dma_start3A, %dma_start3A_87] : memref<32x64xi32, #tpu.memory_space<vmem>> -> memref<1x64xi32, #tpu.memory_space<vmem>>
      %dma_start3A_89 = tpu.memref_squeeze %dma_start3A_88 : memref<1x64xi32, #tpu.memory_space<vmem>> -> memref<64xi32, #tpu.memory_space<vmem>>
      %dma_start3A_90 = arith.constant 0 : i32
      %dma_start3A_91 = arith.constant 0 : i32
      %dma_start3A_92 = tpu.memref_slice %arg2[%dma_start3A_90, %dma_start3A_91] : memref<50000x128xf32, #tpu.memory_space<hbm>> -> memref<50000x128xf32, #tpu.memory_space<hbm>>
      tpu.enqueue_indirect_dma source(%dma_start3A_92 : memref<50000x128xf32, #tpu.memory_space<hbm>>) target(%dma_start3A_86 : memref<64x128xf32, #tpu.memory_space<vmem>>) offsets(%dma_start3A_89 : memref<64xi32, #tpu.memory_space<vmem>>) semaphore(%arg14 : memref<!tpu.dma_semaphore, #tpu.memory_space<semaphore_mem>>)
      %dma_start3A_93 = arith.constant 1 : i32
      %dma_start3A_94 = arith.constant 1 : i32
      %dma_start3A_95 = arith.constant 0 : i32
      %dma_start3A_96 = arith.constant 0 : i32
      %dma_start3A_97 = tpu.memref_slice %arg9[%dma_start3A_94, %dma_start3A_95, %dma_start3A_96] : memref<4x64x128xf32, #tpu.memory_space<vmem>> -> memref<1x64x128xf32, #tpu.memory_space<vmem>>
      %dma_start3A_98 = tpu.memref_squeeze %dma_start3A_97 : memref<1x64x128xf32, #tpu.memory_space<vmem>> -> memref<64x128xf32, #tpu.memory_space<vmem>>
      %dma_start3A_99 = arith.constant 0 : i32
      %dma_start3A_100 = tpu.memref_slice %arg7[%dma_start3A_93, %dma_start3A_99] : memref<32x64xi32, #tpu.memory_space<vmem>> -> memref<1x64xi32, #tpu.memory_space<vmem>>
      %dma_start3A_101 = tpu.memref_squeeze %dma_start3A_100 : memref<1x64xi32, #tpu.memory_space<vmem>> -> memref<64xi32, #tpu.memory_space<vmem>>
      %dma_start3A_102 = arith.constant 0 : i32
      %dma_start3A_103 = arith.constant 0 : i32
      %dma_start3A_104 = tpu.memref_slice %arg2[%dma_start3A_102, %dma_start3A_103] : memref<50000x128xf32, #tpu.memory_space<hbm>> -> memref<50000x128xf32, #tpu.memory_space<hbm>>
      tpu.enqueue_indirect_dma source(%dma_start3A_104 : memref<50000x128xf32, #tpu.memory_space<hbm>>) target(%dma_start3A_98 : memref<64x128xf32, #tpu.memory_space<vmem>>) offsets(%dma_start3A_101 : memref<64xi32, #tpu.memory_space<vmem>>) semaphore(%arg15 : memref<!tpu.dma_semaphore, #tpu.memory_space<semaphore_mem>>)
      %dma_start3A_105 = arith.constant 2 : i32
      %dma_start3A_106 = arith.constant 2 : i32
      %dma_start3A_107 = arith.constant 0 : i32
      %dma_start3A_108 = arith.constant 0 : i32
      %dma_start3A_109 = tpu.memref_slice %arg9[%dma_start3A_106, %dma_start3A_107, %dma_start3A_108] : memref<4x64x128xf32, #tpu.memory_space<vmem>> -> memref<1x64x128xf32, #tpu.memory_space<vmem>>
      %dma_start3A_110 = tpu.memref_squeeze %dma_start3A_109 : memref<1x64x128xf32, #tpu.memory_space<vmem>> -> memref<64x128xf32, #tpu.memory_space<vmem>>
      %dma_start3A_111 = arith.constant 0 : i32
      %dma_start3A_112 = tpu.memref_slice %arg7[%dma_start3A_105, %dma_start3A_111] : memref<32x64xi32, #tpu.memory_space<vmem>> -> memref<1x64xi32, #tpu.memory_space<vmem>>
      %dma_start3A_113 = tpu.memref_squeeze %dma_start3A_112 : memref<1x64xi32, #tpu.memory_space<vmem>> -> memref<64xi32, #tpu.memory_space<vmem>>
      %dma_start3A_114 = arith.constant 0 : i32
      %dma_start3A_115 = arith.constant 0 : i32
      %dma_start3A_116 = tpu.memref_slice %arg2[%dma_start3A_114, %dma_start3A_115] : memref<50000x128xf32, #tpu.memory_space<hbm>> -> memref<50000x128xf32, #tpu.memory_space<hbm>>
      tpu.enqueue_indirect_dma source(%dma_start3A_116 : memref<50000x128xf32, #tpu.memory_space<hbm>>) target(%dma_start3A_110 : memref<64x128xf32, #tpu.memory_space<vmem>>) offsets(%dma_start3A_113 : memref<64xi32, #tpu.memory_space<vmem>>) semaphore(%arg16 : memref<!tpu.dma_semaphore, #tpu.memory_space<semaphore_mem>>)
      %scan3A_117 = arith.constant 0 : i32
      %scan3A_118 = arith.constant 0 : i32
      %scan3A_119 = arith.constant 8 : i32
      %scan3A_120 = arith.addi %scan3A_118, %scan3A_119 : i32
      %scan3A_121 = arith.constant 1 : i32
      scf.for %scan3A_146 = %scan3A_118 to %scan3A_120 step %scan3A_121  : i32 {
        %mul3A_147 = arith.constant 4 : i32
        %mul3A_148 = arith.muli %mul3A_147, %scan3A_146 : i32
        %add3A_149 = arith.constant 0 : i32
        %add3A_150 = arith.addi %mul3A_148, %add3A_149 : i32
        %dma_wait3A_151 = arith.constant 0 : i32
        %dma_wait3A_152 = arith.constant 0 : i32
        %dma_wait3A_153 = arith.constant 0 : i32
        %dma_wait3A_154 = tpu.memref_slice %arg9[%dma_wait3A_151, %dma_wait3A_152, %dma_wait3A_153] : memref<4x64x128xf32, #tpu.memory_space<vmem>> -> memref<1x64x128xf32, #tpu.memory_space<vmem>>
        %dma_wait3A_155 = tpu.memref_squeeze %dma_wait3A_154 : memref<1x64x128xf32, #tpu.memory_space<vmem>> -> memref<64x128xf32, #tpu.memory_space<vmem>>
        %dma_wait3A_156 = arith.constant 0 : i32
        %dma_wait3A_157 = arith.constant 0 : i32
        %dma_wait3A_158 = tpu.memref_slice %arg2[%dma_wait3A_156, %dma_wait3A_157] : memref<50000x128xf32, #tpu.memory_space<hbm>> -> memref<64x128xf32, #tpu.memory_space<hbm>>
        %dma_wait3A_159 = arith.constant 0 : i32
        %dma_wait3A_160 = arith.constant 0 : i32
        %dma_wait3A_161 = tpu.memref_slice %arg9[%dma_wait3A_151, %dma_wait3A_159, %dma_wait3A_160] : memref<4x64x128xf32, #tpu.memory_space<vmem>> -> memref<1x64x128xf32, #tpu.memory_space<vmem>>
        %dma_wait3A_162 = tpu.memref_squeeze %dma_wait3A_161 : memref<1x64x128xf32, #tpu.memory_space<vmem>> -> memref<64x128xf32, #tpu.memory_space<vmem>>
        %dma_wait3A_163 = arith.constant 0 : i32
        %dma_wait3A_164 = arith.constant 0 : i32
        %dma_wait3A_165 = tpu.memref_slice %arg2[%dma_wait3A_163, %dma_wait3A_164] : memref<50000x128xf32, #tpu.memory_space<hbm>> -> memref<64x128xf32, #tpu.memory_space<hbm>>
        tpu.wait_dma2 semaphore(%arg14 : memref<!tpu.dma_semaphore, #tpu.memory_space<semaphore_mem>>) src(%dma_wait3A_165 : memref<64x128xf32, #tpu.memory_space<hbm>>) dst(%dma_wait3A_162 : memref<64x128xf32, #tpu.memory_space<vmem>>)
        %gt3A = arith.constant 0 : i32
        %gt3A_166 = arith.cmpi sgt, %add3A_150, %gt3A : i32
        %convert_element_type3A = arith.extui %gt3A_166 : i1 to i32
        %cond3A = arith.constant 0 : i32
        %cond3A_167 = arith.cmpi ne, %convert_element_type3A, %cond3A : i32
        scf.if %cond3A_167 {
          %dma_wait3A_342 = arith.constant 3 : i32
          %dma_wait3A_343 = arith.constant 0 : i32
          %dma_wait3A_344 = arith.constant 0 : i32
          %dma_wait3A_345 = tpu.memref_slice %arg9[%dma_wait3A_342, %dma_wait3A_343, %dma_wait3A_344] : memref<4x64x128xf32, #tpu.memory_space<vmem>> -> memref<1x64x128xf32, #tpu.memory_space<vmem>>
          %dma_wait3A_346 = tpu.memref_squeeze %dma_wait3A_345 : memref<1x64x128xf32, #tpu.memory_space<vmem>> -> memref<64x128xf32, #tpu.memory_space<vmem>>
          %dma_wait3A_347 = arith.constant 0 : i32
          %dma_wait3A_348 = arith.constant 0 : i32
          %dma_wait3A_349 = tpu.memref_slice %arg2[%dma_wait3A_347, %dma_wait3A_348] : memref<50000x128xf32, #tpu.memory_space<hbm>> -> memref<64x128xf32, #tpu.memory_space<hbm>>
          %dma_wait3A_350 = arith.constant 0 : i32
          %dma_wait3A_351 = arith.constant 0 : i32
          %dma_wait3A_352 = tpu.memref_slice %arg9[%dma_wait3A_342, %dma_wait3A_350, %dma_wait3A_351] : memref<4x64x128xf32, #tpu.memory_space<vmem>> -> memref<1x64x128xf32, #tpu.memory_space<vmem>>
          %dma_wait3A_353 = tpu.memref_squeeze %dma_wait3A_352 : memref<1x64x128xf32, #tpu.memory_space<vmem>> -> memref<64x128xf32, #tpu.memory_space<vmem>>
          %dma_wait3A_354 = arith.constant 0 : i32
          %dma_wait3A_355 = arith.constant 0 : i32
          %dma_wait3A_356 = tpu.memref_slice %arg2[%dma_wait3A_354, %dma_wait3A_355] : memref<50000x128xf32, #tpu.memory_space<hbm>> -> memref<64x128xf32, #tpu.memory_space<hbm>>
          tpu.wait_dma2 semaphore(%arg21 : memref<!tpu.dma_semaphore, #tpu.memory_space<semaphore_mem>>) src(%dma_wait3A_356 : memref<64x128xf32, #tpu.memory_space<hbm>>) dst(%dma_wait3A_353 : memref<64x128xf32, #tpu.memory_space<vmem>>)
          %dma_wait3A_357 = arith.constant 0 : i32
          %dma_wait3A_358 = arith.constant 0 : i32
          %dma_wait3A_359 = arith.constant 0 : i32
          %dma_wait3A_360 = tpu.memref_slice %arg6[%dma_wait3A_357, %dma_wait3A_358, %dma_wait3A_359] : memref<2x10016x16xf32, #tpu.memory_space<hbm>> -> memref<1x64x16xf32, #tpu.memory_space<hbm>>
          %dma_wait3A_361 = tpu.memref_squeeze %dma_wait3A_360 : memref<1x64x16xf32, #tpu.memory_space<hbm>> -> memref<64x16xf32, #tpu.memory_space<hbm>>
          %dma_wait3A_362 = arith.constant 0 : i32
          %dma_wait3A_363 = arith.constant 0 : i32
          %dma_wait3A_364 = tpu.memref_slice %arg6[%dma_wait3A_357, %dma_wait3A_362, %dma_wait3A_363] : memref<2x10016x16xf32, #tpu.memory_space<hbm>> -> memref<1x64x16xf32, #tpu.memory_space<hbm>>
          %dma_wait3A_365 = tpu.memref_squeeze %dma_wait3A_364 : memref<1x64x16xf32, #tpu.memory_space<hbm>> -> memref<64x16xf32, #tpu.memory_space<hbm>>
          tpu.wait_dma2 semaphore(%arg25 : memref<!tpu.dma_semaphore, #tpu.memory_space<semaphore_mem>>) src(%dma_wait3A_365 : memref<64x16xf32, #tpu.memory_space<hbm>>) dst(%arg10 : memref<64x16xf32, #tpu.memory_space<vmem>>)
        } else {
        }
        %add3A_168 = arith.constant 4 : i32
        %add3A_169 = arith.addi %add3A_150, %add3A_168 : i32
        %sub3A = arith.constant 1 : i32
        %sub3A_170 = arith.subi %add3A_169, %sub3A : i32
        %lt3A = arith.constant 32 : i32
        %lt3A_171 = arith.cmpi slt, %sub3A_170, %lt3A : i32
        %convert_element_type3A_172 = arith.extui %lt3A_171 : i1 to i32
        %cond3A_173 = arith.constant 0 : i32
        %cond3A_174 = arith.cmpi ne, %convert_element_type3A_172, %cond3A_173 : i32
        scf.if %cond3A_174 {
          %add3A_342 = arith.constant 4 : i32
          %add3A_343 = arith.addi %add3A_150, %add3A_342 : i32
          %sub3A_344 = arith.constant 1 : i32
          %sub3A_345 = arith.subi %add3A_343, %sub3A_344 : i32
          %dma_start3A_346 = arith.constant 3 : i32
          %dma_start3A_347 = arith.constant 0 : i32
          %dma_start3A_348 = arith.constant 0 : i32
          %dma_start3A_349 = tpu.memref_slice %arg9[%dma_start3A_346, %dma_start3A_347, %dma_start3A_348] : memref<4x64x128xf32, #tpu.memory_space<vmem>> -> memref<1x64x128xf32, #tpu.memory_space<vmem>>
          %dma_start3A_350 = tpu.memref_squeeze %dma_start3A_349 : memref<1x64x128xf32, #tpu.memory_space<vmem>> -> memref<64x128xf32, #tpu.memory_space<vmem>>
          %dma_start3A_351 = arith.constant 0 : i32
          %dma_start3A_352 = tpu.memref_slice %arg7[%sub3A_345, %dma_start3A_351] : memref<32x64xi32, #tpu.memory_space<vmem>> -> memref<1x64xi32, #tpu.memory_space<vmem>>
          %dma_start3A_353 = tpu.memref_squeeze %dma_start3A_352 : memref<1x64xi32, #tpu.memory_space<vmem>> -> memref<64xi32, #tpu.memory_space<vmem>>
          %dma_start3A_354 = arith.constant 0 : i32
          %dma_start3A_355 = arith.constant 0 : i32
          %dma_start3A_356 = tpu.memref_slice %arg2[%dma_start3A_354, %dma_start3A_355] : memref<50000x128xf32, #tpu.memory_space<hbm>> -> memref<50000x128xf32, #tpu.memory_space<hbm>>
          tpu.enqueue_indirect_dma source(%dma_start3A_356 : memref<50000x128xf32, #tpu.memory_space<hbm>>) target(%dma_start3A_350 : memref<64x128xf32, #tpu.memory_space<vmem>>) offsets(%dma_start3A_353 : memref<64xi32, #tpu.memory_space<vmem>>) semaphore(%arg17 : memref<!tpu.dma_semaphore, #tpu.memory_space<semaphore_mem>>)
        } else {
        }
        %dma_start3A_175 = arith.constant 0 : i32
        %dma_start3A_176 = arith.constant 0 : i32
        %dma_start3A_177 = arith.constant 0 : i32
        %dma_start3A_178 = tpu.memref_slice %arg9[%dma_start3A_175, %dma_start3A_176, %dma_start3A_177] : memref<4x64x128xf32, #tpu.memory_space<vmem>> -> memref<1x64x128xf32, #tpu.memory_space<vmem>>
        %dma_start3A_179 = tpu.memref_squeeze %dma_start3A_178 : memref<1x64x128xf32, #tpu.memory_space<vmem>> -> memref<64x128xf32, #tpu.memory_space<vmem>>
        %dma_start3A_180 = arith.constant 0 : i32
        %dma_start3A_181 = tpu.memref_slice %arg8[%add3A_150, %dma_start3A_180] : memref<32x64xi32, #tpu.memory_space<vmem>> -> memref<1x64xi32, #tpu.memory_space<vmem>>
        %dma_start3A_182 = tpu.memref_squeeze %dma_start3A_181 : memref<1x64xi32, #tpu.memory_space<vmem>> -> memref<64xi32, #tpu.memory_space<vmem>>
        %dma_start3A_183 = arith.constant 0 : i32
        %dma_start3A_184 = arith.constant 0 : i32
        %dma_start3A_185 = tpu.memref_slice %arg12[%dma_start3A_183, %dma_start3A_184] : memref<10016x128xf32, #tpu.memory_space<vmem_shared>> -> memref<10016x128xf32, #tpu.memory_space<vmem_shared>>
        tpu.enqueue_indirect_dma source(%dma_start3A_179 : memref<64x128xf32, #tpu.memory_space<vmem>>) target(%dma_start3A_185 : memref<10016x128xf32, #tpu.memory_space<vmem_shared>>) offsets(%dma_start3A_182 : memref<64xi32, #tpu.memory_space<vmem>>) semaphore(%arg18 : memref<!tpu.dma_semaphore, #tpu.memory_space<semaphore_mem>>) {add = true}
        %dma_start3A_186 = arith.constant 0 : i32
        %dma_start3A_187 = tpu.memref_slice %arg8[%add3A_150, %dma_start3A_186] : memref<32x64xi32, #tpu.memory_space<vmem>> -> memref<1x64xi32, #tpu.memory_space<vmem>>
        %dma_start3A_188 = tpu.memref_squeeze %dma_start3A_187 : memref<1x64xi32, #tpu.memory_space<vmem>> -> memref<64xi32, #tpu.memory_space<vmem>>
        %dma_start3A_189 = arith.constant 0 : i32
        %dma_start3A_190 = arith.constant 0 : i32
        %dma_start3A_191 = tpu.memref_slice %arg13[%dma_start3A_189, %dma_start3A_190] : memref<10016x16xf32, #tpu.memory_space<vmem_shared>> -> memref<10016x16xf32, #tpu.memory_space<vmem_shared>>
        tpu.enqueue_indirect_dma source(%arg10 : memref<64x16xf32, #tpu.memory_space<vmem>>) target(%dma_start3A_191 : memref<10016x16xf32, #tpu.memory_space<vmem_shared>>) offsets(%dma_start3A_188 : memref<64xi32, #tpu.memory_space<vmem>>) semaphore(%arg22 : memref<!tpu.dma_semaphore, #tpu.memory_space<semaphore_mem>>) {add = true}
        %mul3A_192 = arith.constant 4 : i32
        %mul3A_193 = arith.muli %mul3A_192, %scan3A_146 : i32
        %add3A_194 = arith.constant 1 : i32
        %add3A_195 = arith.addi %mul3A_193, %add3A_194 : i32
        %dma_wait3A_196 = arith.constant 1 : i32
        %dma_wait3A_197 = arith.constant 0 : i32
        %dma_wait3A_198 = arith.constant 0 : i32
        %dma_wait3A_199 = tpu.memref_slice %arg9[%dma_wait3A_196, %dma_wait3A_197, %dma_wait3A_198] : memref<4x64x128xf32, #tpu.memory_space<vmem>> -> memref<1x64x128xf32, #tpu.memory_space<vmem>>
        %dma_wait3A_200 = tpu.memref_squeeze %dma_wait3A_199 : memref<1x64x128xf32, #tpu.memory_space<vmem>> -> memref<64x128xf32, #tpu.memory_space<vmem>>
        %dma_wait3A_201 = arith.constant 0 : i32
        %dma_wait3A_202 = arith.constant 0 : i32
        %dma_wait3A_203 = tpu.memref_slice %arg2[%dma_wait3A_201, %dma_wait3A_202] : memref<50000x128xf32, #tpu.memory_space<hbm>> -> memref<64x128xf32, #tpu.memory_space<hbm>>
        %dma_wait3A_204 = arith.constant 0 : i32
        %dma_wait3A_205 = arith.constant 0 : i32
        %dma_wait3A_206 = tpu.memref_slice %arg9[%dma_wait3A_196, %dma_wait3A_204, %dma_wait3A_205] : memref<4x64x128xf32, #tpu.memory_space<vmem>> -> memref<1x64x128xf32, #tpu.memory_space<vmem>>
        %dma_wait3A_207 = tpu.memref_squeeze %dma_wait3A_206 : memref<1x64x128xf32, #tpu.memory_space<vmem>> -> memref<64x128xf32, #tpu.memory_space<vmem>>
        %dma_wait3A_208 = arith.constant 0 : i32
        %dma_wait3A_209 = arith.constant 0 : i32
        %dma_wait3A_210 = tpu.memref_slice %arg2[%dma_wait3A_208, %dma_wait3A_209] : memref<50000x128xf32, #tpu.memory_space<hbm>> -> memref<64x128xf32, #tpu.memory_space<hbm>>
        tpu.wait_dma2 semaphore(%arg15 : memref<!tpu.dma_semaphore, #tpu.memory_space<semaphore_mem>>) src(%dma_wait3A_210 : memref<64x128xf32, #tpu.memory_space<hbm>>) dst(%dma_wait3A_207 : memref<64x128xf32, #tpu.memory_space<vmem>>)
        %gt3A_211 = arith.constant 0 : i32
        %gt3A_212 = arith.cmpi sgt, %add3A_195, %gt3A_211 : i32
        %convert_element_type3A_213 = arith.extui %gt3A_212 : i1 to i32
        %cond3A_214 = arith.constant 0 : i32
        %cond3A_215 = arith.cmpi ne, %convert_element_type3A_213, %cond3A_214 : i32
        scf.if %cond3A_215 {
          %dma_wait3A_342 = arith.constant 0 : i32
          %dma_wait3A_343 = arith.constant 0 : i32
          %dma_wait3A_344 = arith.constant 0 : i32
          %dma_wait3A_345 = tpu.memref_slice %arg9[%dma_wait3A_342, %dma_wait3A_343, %dma_wait3A_344] : memref<4x64x128xf32, #tpu.memory_space<vmem>> -> memref<1x64x128xf32, #tpu.memory_space<vmem>>
          %dma_wait3A_346 = tpu.memref_squeeze %dma_wait3A_345 : memref<1x64x128xf32, #tpu.memory_space<vmem>> -> memref<64x128xf32, #tpu.memory_space<vmem>>
          %dma_wait3A_347 = arith.constant 0 : i32
          %dma_wait3A_348 = arith.constant 0 : i32
          %dma_wait3A_349 = tpu.memref_slice %arg2[%dma_wait3A_347, %dma_wait3A_348] : memref<50000x128xf32, #tpu.memory_space<hbm>> -> memref<64x128xf32, #tpu.memory_space<hbm>>
          %dma_wait3A_350 = arith.constant 0 : i32
          %dma_wait3A_351 = arith.constant 0 : i32
          %dma_wait3A_352 = tpu.memref_slice %arg9[%dma_wait3A_342, %dma_wait3A_350, %dma_wait3A_351] : memref<4x64x128xf32, #tpu.memory_space<vmem>> -> memref<1x64x128xf32, #tpu.memory_space<vmem>>
          %dma_wait3A_353 = tpu.memref_squeeze %dma_wait3A_352 : memref<1x64x128xf32, #tpu.memory_space<vmem>> -> memref<64x128xf32, #tpu.memory_space<vmem>>
          %dma_wait3A_354 = arith.constant 0 : i32
          %dma_wait3A_355 = arith.constant 0 : i32
          %dma_wait3A_356 = tpu.memref_slice %arg2[%dma_wait3A_354, %dma_wait3A_355] : memref<50000x128xf32, #tpu.memory_space<hbm>> -> memref<64x128xf32, #tpu.memory_space<hbm>>
          tpu.wait_dma2 semaphore(%arg18 : memref<!tpu.dma_semaphore, #tpu.memory_space<semaphore_mem>>) src(%dma_wait3A_356 : memref<64x128xf32, #tpu.memory_space<hbm>>) dst(%dma_wait3A_353 : memref<64x128xf32, #tpu.memory_space<vmem>>)
          %dma_wait3A_357 = arith.constant 0 : i32
          %dma_wait3A_358 = arith.constant 0 : i32
          %dma_wait3A_359 = arith.constant 0 : i32
          %dma_wait3A_360 = tpu.memref_slice %arg6[%dma_wait3A_357, %dma_wait3A_358, %dma_wait3A_359] : memref<2x10016x16xf32, #tpu.memory_space<hbm>> -> memref<1x64x16xf32, #tpu.memory_space<hbm>>
          %dma_wait3A_361 = tpu.memref_squeeze %dma_wait3A_360 : memref<1x64x16xf32, #tpu.memory_space<hbm>> -> memref<64x16xf32, #tpu.memory_space<hbm>>
          %dma_wait3A_362 = arith.constant 0 : i32
          %dma_wait3A_363 = arith.constant 0 : i32
          %dma_wait3A_364 = tpu.memref_slice %arg6[%dma_wait3A_357, %dma_wait3A_362, %dma_wait3A_363] : memref<2x10016x16xf32, #tpu.memory_space<hbm>> -> memref<1x64x16xf32, #tpu.memory_space<hbm>>
          %dma_wait3A_365 = tpu.memref_squeeze %dma_wait3A_364 : memref<1x64x16xf32, #tpu.memory_space<hbm>> -> memref<64x16xf32, #tpu.memory_space<hbm>>
          tpu.wait_dma2 semaphore(%arg22 : memref<!tpu.dma_semaphore, #tpu.memory_space<semaphore_mem>>) src(%dma_wait3A_365 : memref<64x16xf32, #tpu.memory_space<hbm>>) dst(%arg10 : memref<64x16xf32, #tpu.memory_space<vmem>>)
        } else {
        }
        %add3A_216 = arith.constant 4 : i32
        %add3A_217 = arith.addi %add3A_195, %add3A_216 : i32
        %sub3A_218 = arith.constant 1 : i32
        %sub3A_219 = arith.subi %add3A_217, %sub3A_218 : i32
        %lt3A_220 = arith.constant 32 : i32
        %lt3A_221 = arith.cmpi slt, %sub3A_219, %lt3A_220 : i32
        %convert_element_type3A_222 = arith.extui %lt3A_221 : i1 to i32
        %cond3A_223 = arith.constant 0 : i32
        %cond3A_224 = arith.cmpi ne, %convert_element_type3A_222, %cond3A_223 : i32
        scf.if %cond3A_224 {
          %add3A_342 = arith.constant 4 : i32
          %add3A_343 = arith.addi %add3A_195, %add3A_342 : i32
          %sub3A_344 = arith.constant 1 : i32
          %sub3A_345 = arith.subi %add3A_343, %sub3A_344 : i32
          %dma_start3A_346 = arith.constant 0 : i32
          %dma_start3A_347 = arith.constant 0 : i32
          %dma_start3A_348 = arith.constant 0 : i32
          %dma_start3A_349 = tpu.memref_slice %arg9[%dma_start3A_346, %dma_start3A_347, %dma_start3A_348] : memref<4x64x128xf32, #tpu.memory_space<vmem>> -> memref<1x64x128xf32, #tpu.memory_space<vmem>>
          %dma_start3A_350 = tpu.memref_squeeze %dma_start3A_349 : memref<1x64x128xf32, #tpu.memory_space<vmem>> -> memref<64x128xf32, #tpu.memory_space<vmem>>
          %dma_start3A_351 = arith.constant 0 : i32
          %dma_start3A_352 = tpu.memref_slice %arg7[%sub3A_345, %dma_start3A_351] : memref<32x64xi32, #tpu.memory_space<vmem>> -> memref<1x64xi32, #tpu.memory_space<vmem>>
          %dma_start3A_353 = tpu.memref_squeeze %dma_start3A_352 : memref<1x64xi32, #tpu.memory_space<vmem>> -> memref<64xi32, #tpu.memory_space<vmem>>
          %dma_start3A_354 = arith.constant 0 : i32
          %dma_start3A_355 = arith.constant 0 : i32
          %dma_start3A_356 = tpu.memref_slice %arg2[%dma_start3A_354, %dma_start3A_355] : memref<50000x128xf32, #tpu.memory_space<hbm>> -> memref<50000x128xf32, #tpu.memory_space<hbm>>
          tpu.enqueue_indirect_dma source(%dma_start3A_356 : memref<50000x128xf32, #tpu.memory_space<hbm>>) target(%dma_start3A_350 : memref<64x128xf32, #tpu.memory_space<vmem>>) offsets(%dma_start3A_353 : memref<64xi32, #tpu.memory_space<vmem>>) semaphore(%arg14 : memref<!tpu.dma_semaphore, #tpu.memory_space<semaphore_mem>>)
        } else {
        }
        %dma_start3A_225 = arith.constant 1 : i32
        %dma_start3A_226 = arith.constant 0 : i32
        %dma_start3A_227 = arith.constant 0 : i32
        %dma_start3A_228 = tpu.memref_slice %arg9[%dma_start3A_225, %dma_start3A_226, %dma_start3A_227] : memref<4x64x128xf32, #tpu.memory_space<vmem>> -> memref<1x64x128xf32, #tpu.memory_space<vmem>>
        %dma_start3A_229 = tpu.memref_squeeze %dma_start3A_228 : memref<1x64x128xf32, #tpu.memory_space<vmem>> -> memref<64x128xf32, #tpu.memory_space<vmem>>
        %dma_start3A_230 = arith.constant 0 : i32
        %dma_start3A_231 = tpu.memref_slice %arg8[%add3A_195, %dma_start3A_230] : memref<32x64xi32, #tpu.memory_space<vmem>> -> memref<1x64xi32, #tpu.memory_space<vmem>>
        %dma_start3A_232 = tpu.memref_squeeze %dma_start3A_231 : memref<1x64xi32, #tpu.memory_space<vmem>> -> memref<64xi32, #tpu.memory_space<vmem>>
        %dma_start3A_233 = arith.constant 0 : i32
        %dma_start3A_234 = arith.constant 0 : i32
        %dma_start3A_235 = tpu.memref_slice %arg12[%dma_start3A_233, %dma_start3A_234] : memref<10016x128xf32, #tpu.memory_space<vmem_shared>> -> memref<10016x128xf32, #tpu.memory_space<vmem_shared>>
        tpu.enqueue_indirect_dma source(%dma_start3A_229 : memref<64x128xf32, #tpu.memory_space<vmem>>) target(%dma_start3A_235 : memref<10016x128xf32, #tpu.memory_space<vmem_shared>>) offsets(%dma_start3A_232 : memref<64xi32, #tpu.memory_space<vmem>>) semaphore(%arg19 : memref<!tpu.dma_semaphore, #tpu.memory_space<semaphore_mem>>) {add = true}
        %dma_start3A_236 = arith.constant 0 : i32
        %dma_start3A_237 = tpu.memref_slice %arg8[%add3A_195, %dma_start3A_236] : memref<32x64xi32, #tpu.memory_space<vmem>> -> memref<1x64xi32, #tpu.memory_space<vmem>>
        %dma_start3A_238 = tpu.memref_squeeze %dma_start3A_237 : memref<1x64xi32, #tpu.memory_space<vmem>> -> memref<64xi32, #tpu.memory_space<vmem>>
        %dma_start3A_239 = arith.constant 0 : i32
        %dma_start3A_240 = arith.constant 0 : i32
        %dma_start3A_241 = tpu.memref_slice %arg13[%dma_start3A_239, %dma_start3A_240] : memref<10016x16xf32, #tpu.memory_space<vmem_shared>> -> memref<10016x16xf32, #tpu.memory_space<vmem_shared>>
        tpu.enqueue_indirect_dma source(%arg10 : memref<64x16xf32, #tpu.memory_space<vmem>>) target(%dma_start3A_241 : memref<10016x16xf32, #tpu.memory_space<vmem_shared>>) offsets(%dma_start3A_238 : memref<64xi32, #tpu.memory_space<vmem>>) semaphore(%arg23 : memref<!tpu.dma_semaphore, #tpu.memory_space<semaphore_mem>>) {add = true}
        %mul3A_242 = arith.constant 4 : i32
        %mul3A_243 = arith.muli %mul3A_242, %scan3A_146 : i32
        %add3A_244 = arith.constant 2 : i32
        %add3A_245 = arith.addi %mul3A_243, %add3A_244 : i32
        %dma_wait3A_246 = arith.constant 2 : i32
        %dma_wait3A_247 = arith.constant 0 : i32
        %dma_wait3A_248 = arith.constant 0 : i32
        %dma_wait3A_249 = tpu.memref_slice %arg9[%dma_wait3A_246, %dma_wait3A_247, %dma_wait3A_248] : memref<4x64x128xf32, #tpu.memory_space<vmem>> -> memref<1x64x128xf32, #tpu.memory_space<vmem>>
        %dma_wait3A_250 = tpu.memref_squeeze %dma_wait3A_249 : memref<1x64x128xf32, #tpu.memory_space<vmem>> -> memref<64x128xf32, #tpu.memory_space<vmem>>
        %dma_wait3A_251 = arith.constant 0 : i32
        %dma_wait3A_252 = arith.constant 0 : i32
        %dma_wait3A_253 = tpu.memref_slice %arg2[%dma_wait3A_251, %dma_wait3A_252] : memref<50000x128xf32, #tpu.memory_space<hbm>> -> memref<64x128xf32, #tpu.memory_space<hbm>>
        %dma_wait3A_254 = arith.constant 0 : i32
        %dma_wait3A_255 = arith.constant 0 : i32
        %dma_wait3A_256 = tpu.memref_slice %arg9[%dma_wait3A_246, %dma_wait3A_254, %dma_wait3A_255] : memref<4x64x128xf32, #tpu.memory_space<vmem>> -> memref<1x64x128xf32, #tpu.memory_space<vmem>>
        %dma_wait3A_257 = tpu.memref_squeeze %dma_wait3A_256 : memref<1x64x128xf32, #tpu.memory_space<vmem>> -> memref<64x128xf32, #tpu.memory_space<vmem>>
        %dma_wait3A_258 = arith.constant 0 : i32
        %dma_wait3A_259 = arith.constant 0 : i32
        %dma_wait3A_260 = tpu.memref_slice %arg2[%dma_wait3A_258, %dma_wait3A_259] : memref<50000x128xf32, #tpu.memory_space<hbm>> -> memref<64x128xf32, #tpu.memory_space<hbm>>
        tpu.wait_dma2 semaphore(%arg16 : memref<!tpu.dma_semaphore, #tpu.memory_space<semaphore_mem>>) src(%dma_wait3A_260 : memref<64x128xf32, #tpu.memory_space<hbm>>) dst(%dma_wait3A_257 : memref<64x128xf32, #tpu.memory_space<vmem>>)
        %gt3A_261 = arith.constant 0 : i32
        %gt3A_262 = arith.cmpi sgt, %add3A_245, %gt3A_261 : i32
        %convert_element_type3A_263 = arith.extui %gt3A_262 : i1 to i32
        %cond3A_264 = arith.constant 0 : i32
        %cond3A_265 = arith.cmpi ne, %convert_element_type3A_263, %cond3A_264 : i32
        scf.if %cond3A_265 {
          %dma_wait3A_342 = arith.constant 1 : i32
          %dma_wait3A_343 = arith.constant 0 : i32
          %dma_wait3A_344 = arith.constant 0 : i32
          %dma_wait3A_345 = tpu.memref_slice %arg9[%dma_wait3A_342, %dma_wait3A_343, %dma_wait3A_344] : memref<4x64x128xf32, #tpu.memory_space<vmem>> -> memref<1x64x128xf32, #tpu.memory_space<vmem>>
          %dma_wait3A_346 = tpu.memref_squeeze %dma_wait3A_345 : memref<1x64x128xf32, #tpu.memory_space<vmem>> -> memref<64x128xf32, #tpu.memory_space<vmem>>
          %dma_wait3A_347 = arith.constant 0 : i32
          %dma_wait3A_348 = arith.constant 0 : i32
          %dma_wait3A_349 = tpu.memref_slice %arg2[%dma_wait3A_347, %dma_wait3A_348] : memref<50000x128xf32, #tpu.memory_space<hbm>> -> memref<64x128xf32, #tpu.memory_space<hbm>>
          %dma_wait3A_350 = arith.constant 0 : i32
          %dma_wait3A_351 = arith.constant 0 : i32
          %dma_wait3A_352 = tpu.memref_slice %arg9[%dma_wait3A_342, %dma_wait3A_350, %dma_wait3A_351] : memref<4x64x128xf32, #tpu.memory_space<vmem>> -> memref<1x64x128xf32, #tpu.memory_space<vmem>>
          %dma_wait3A_353 = tpu.memref_squeeze %dma_wait3A_352 : memref<1x64x128xf32, #tpu.memory_space<vmem>> -> memref<64x128xf32, #tpu.memory_space<vmem>>
          %dma_wait3A_354 = arith.constant 0 : i32
          %dma_wait3A_355 = arith.constant 0 : i32
          %dma_wait3A_356 = tpu.memref_slice %arg2[%dma_wait3A_354, %dma_wait3A_355] : memref<50000x128xf32, #tpu.memory_space<hbm>> -> memref<64x128xf32, #tpu.memory_space<hbm>>
          tpu.wait_dma2 semaphore(%arg19 : memref<!tpu.dma_semaphore, #tpu.memory_space<semaphore_mem>>) src(%dma_wait3A_356 : memref<64x128xf32, #tpu.memory_space<hbm>>) dst(%dma_wait3A_353 : memref<64x128xf32, #tpu.memory_space<vmem>>)
          %dma_wait3A_357 = arith.constant 0 : i32
          %dma_wait3A_358 = arith.constant 0 : i32
          %dma_wait3A_359 = arith.constant 0 : i32
          %dma_wait3A_360 = tpu.memref_slice %arg6[%dma_wait3A_357, %dma_wait3A_358, %dma_wait3A_359] : memref<2x10016x16xf32, #tpu.memory_space<hbm>> -> memref<1x64x16xf32, #tpu.memory_space<hbm>>
          %dma_wait3A_361 = tpu.memref_squeeze %dma_wait3A_360 : memref<1x64x16xf32, #tpu.memory_space<hbm>> -> memref<64x16xf32, #tpu.memory_space<hbm>>
          %dma_wait3A_362 = arith.constant 0 : i32
          %dma_wait3A_363 = arith.constant 0 : i32
          %dma_wait3A_364 = tpu.memref_slice %arg6[%dma_wait3A_357, %dma_wait3A_362, %dma_wait3A_363] : memref<2x10016x16xf32, #tpu.memory_space<hbm>> -> memref<1x64x16xf32, #tpu.memory_space<hbm>>
          %dma_wait3A_365 = tpu.memref_squeeze %dma_wait3A_364 : memref<1x64x16xf32, #tpu.memory_space<hbm>> -> memref<64x16xf32, #tpu.memory_space<hbm>>
          tpu.wait_dma2 semaphore(%arg23 : memref<!tpu.dma_semaphore, #tpu.memory_space<semaphore_mem>>) src(%dma_wait3A_365 : memref<64x16xf32, #tpu.memory_space<hbm>>) dst(%arg10 : memref<64x16xf32, #tpu.memory_space<vmem>>)
        } else {
        }
        %add3A_266 = arith.constant 4 : i32
        %add3A_267 = arith.addi %add3A_245, %add3A_266 : i32
        %sub3A_268 = arith.constant 1 : i32
        %sub3A_269 = arith.subi %add3A_267, %sub3A_268 : i32
        %lt3A_270 = arith.constant 32 : i32
        %lt3A_271 = arith.cmpi slt, %sub3A_269, %lt3A_270 : i32
        %convert_element_type3A_272 = arith.extui %lt3A_271 : i1 to i32
        %cond3A_273 = arith.constant 0 : i32
        %cond3A_274 = arith.cmpi ne, %convert_element_type3A_272, %cond3A_273 : i32
        scf.if %cond3A_274 {
          %add3A_342 = arith.constant 4 : i32
          %add3A_343 = arith.addi %add3A_245, %add3A_342 : i32
          %sub3A_344 = arith.constant 1 : i32
          %sub3A_345 = arith.subi %add3A_343, %sub3A_344 : i32
          %dma_start3A_346 = arith.constant 1 : i32
          %dma_start3A_347 = arith.constant 0 : i32
          %dma_start3A_348 = arith.constant 0 : i32
          %dma_start3A_349 = tpu.memref_slice %arg9[%dma_start3A_346, %dma_start3A_347, %dma_start3A_348] : memref<4x64x128xf32, #tpu.memory_space<vmem>> -> memref<1x64x128xf32, #tpu.memory_space<vmem>>
          %dma_start3A_350 = tpu.memref_squeeze %dma_start3A_349 : memref<1x64x128xf32, #tpu.memory_space<vmem>> -> memref<64x128xf32, #tpu.memory_space<vmem>>
          %dma_start3A_351 = arith.constant 0 : i32
          %dma_start3A_352 = tpu.memref_slice %arg7[%sub3A_345, %dma_start3A_351] : memref<32x64xi32, #tpu.memory_space<vmem>> -> memref<1x64xi32, #tpu.memory_space<vmem>>
          %dma_start3A_353 = tpu.memref_squeeze %dma_start3A_352 : memref<1x64xi32, #tpu.memory_space<vmem>> -> memref<64xi32, #tpu.memory_space<vmem>>
          %dma_start3A_354 = arith.constant 0 : i32
          %dma_start3A_355 = arith.constant 0 : i32
          %dma_start3A_356 = tpu.memref_slice %arg2[%dma_start3A_354, %dma_start3A_355] : memref<50000x128xf32, #tpu.memory_space<hbm>> -> memref<50000x128xf32, #tpu.memory_space<hbm>>
          tpu.enqueue_indirect_dma source(%dma_start3A_356 : memref<50000x128xf32, #tpu.memory_space<hbm>>) target(%dma_start3A_350 : memref<64x128xf32, #tpu.memory_space<vmem>>) offsets(%dma_start3A_353 : memref<64xi32, #tpu.memory_space<vmem>>) semaphore(%arg15 : memref<!tpu.dma_semaphore, #tpu.memory_space<semaphore_mem>>)
        } else {
        }
        %dma_start3A_275 = arith.constant 2 : i32
        %dma_start3A_276 = arith.constant 0 : i32
        %dma_start3A_277 = arith.constant 0 : i32
        %dma_start3A_278 = tpu.memref_slice %arg9[%dma_start3A_275, %dma_start3A_276, %dma_start3A_277] : memref<4x64x128xf32, #tpu.memory_space<vmem>> -> memref<1x64x128xf32, #tpu.memory_space<vmem>>
        %dma_start3A_279 = tpu.memref_squeeze %dma_start3A_278 : memref<1x64x128xf32, #tpu.memory_space<vmem>> -> memref<64x128xf32, #tpu.memory_space<vmem>>
        %dma_start3A_280 = arith.constant 0 : i32
        %dma_start3A_281 = tpu.memref_slice %arg8[%add3A_245, %dma_start3A_280] : memref<32x64xi32, #tpu.memory_space<vmem>> -> memref<1x64xi32, #tpu.memory_space<vmem>>
        %dma_start3A_282 = tpu.memref_squeeze %dma_start3A_281 : memref<1x64xi32, #tpu.memory_space<vmem>> -> memref<64xi32, #tpu.memory_space<vmem>>
        %dma_start3A_283 = arith.constant 0 : i32
        %dma_start3A_284 = arith.constant 0 : i32
        %dma_start3A_285 = tpu.memref_slice %arg12[%dma_start3A_283, %dma_start3A_284] : memref<10016x128xf32, #tpu.memory_space<vmem_shared>> -> memref<10016x128xf32, #tpu.memory_space<vmem_shared>>
        tpu.enqueue_indirect_dma source(%dma_start3A_279 : memref<64x128xf32, #tpu.memory_space<vmem>>) target(%dma_start3A_285 : memref<10016x128xf32, #tpu.memory_space<vmem_shared>>) offsets(%dma_start3A_282 : memref<64xi32, #tpu.memory_space<vmem>>) semaphore(%arg20 : memref<!tpu.dma_semaphore, #tpu.memory_space<semaphore_mem>>) {add = true}
        %dma_start3A_286 = arith.constant 0 : i32
        %dma_start3A_287 = tpu.memref_slice %arg8[%add3A_245, %dma_start3A_286] : memref<32x64xi32, #tpu.memory_space<vmem>> -> memref<1x64xi32, #tpu.memory_space<vmem>>
        %dma_start3A_288 = tpu.memref_squeeze %dma_start3A_287 : memref<1x64xi32, #tpu.memory_space<vmem>> -> memref<64xi32, #tpu.memory_space<vmem>>
        %dma_start3A_289 = arith.constant 0 : i32
        %dma_start3A_290 = arith.constant 0 : i32
        %dma_start3A_291 = tpu.memref_slice %arg13[%dma_start3A_289, %dma_start3A_290] : memref<10016x16xf32, #tpu.memory_space<vmem_shared>> -> memref<10016x16xf32, #tpu.memory_space<vmem_shared>>
        tpu.enqueue_indirect_dma source(%arg10 : memref<64x16xf32, #tpu.memory_space<vmem>>) target(%dma_start3A_291 : memref<10016x16xf32, #tpu.memory_space<vmem_shared>>) offsets(%dma_start3A_288 : memref<64xi32, #tpu.memory_space<vmem>>) semaphore(%arg24 : memref<!tpu.dma_semaphore, #tpu.memory_space<semaphore_mem>>) {add = true}
        %mul3A_292 = arith.constant 4 : i32
        %mul3A_293 = arith.muli %mul3A_292, %scan3A_146 : i32
        %add3A_294 = arith.constant 3 : i32
        %add3A_295 = arith.addi %mul3A_293, %add3A_294 : i32
        %dma_wait3A_296 = arith.constant 3 : i32
        %dma_wait3A_297 = arith.constant 0 : i32
        %dma_wait3A_298 = arith.constant 0 : i32
        %dma_wait3A_299 = tpu.memref_slice %arg9[%dma_wait3A_296, %dma_wait3A_297, %dma_wait3A_298] : memref<4x64x128xf32, #tpu.memory_space<vmem>> -> memref<1x64x128xf32, #tpu.memory_space<vmem>>
        %dma_wait3A_300 = tpu.memref_squeeze %dma_wait3A_299 : memref<1x64x128xf32, #tpu.memory_space<vmem>> -> memref<64x128xf32, #tpu.memory_space<vmem>>
        %dma_wait3A_301 = arith.constant 0 : i32
        %dma_wait3A_302 = arith.constant 0 : i32
        %dma_wait3A_303 = tpu.memref_slice %arg2[%dma_wait3A_301, %dma_wait3A_302] : memref<50000x128xf32, #tpu.memory_space<hbm>> -> memref<64x128xf32, #tpu.memory_space<hbm>>
        %dma_wait3A_304 = arith.constant 0 : i32
        %dma_wait3A_305 = arith.constant 0 : i32
        %dma_wait3A_306 = tpu.memref_slice %arg9[%dma_wait3A_296, %dma_wait3A_304, %dma_wait3A_305] : memref<4x64x128xf32, #tpu.memory_space<vmem>> -> memref<1x64x128xf32, #tpu.memory_space<vmem>>
        %dma_wait3A_307 = tpu.memref_squeeze %dma_wait3A_306 : memref<1x64x128xf32, #tpu.memory_space<vmem>> -> memref<64x128xf32, #tpu.memory_space<vmem>>
        %dma_wait3A_308 = arith.constant 0 : i32
        %dma_wait3A_309 = arith.constant 0 : i32
        %dma_wait3A_310 = tpu.memref_slice %arg2[%dma_wait3A_308, %dma_wait3A_309] : memref<50000x128xf32, #tpu.memory_space<hbm>> -> memref<64x128xf32, #tpu.memory_space<hbm>>
        tpu.wait_dma2 semaphore(%arg17 : memref<!tpu.dma_semaphore, #tpu.memory_space<semaphore_mem>>) src(%dma_wait3A_310 : memref<64x128xf32, #tpu.memory_space<hbm>>) dst(%dma_wait3A_307 : memref<64x128xf32, #tpu.memory_space<vmem>>)
        %gt3A_311 = arith.constant 0 : i32
        %gt3A_312 = arith.cmpi sgt, %add3A_295, %gt3A_311 : i32
        %convert_element_type3A_313 = arith.extui %gt3A_312 : i1 to i32
        %cond3A_314 = arith.constant 0 : i32
        %cond3A_315 = arith.cmpi ne, %convert_element_type3A_313, %cond3A_314 : i32
        scf.if %cond3A_315 {
          %dma_wait3A_342 = arith.constant 2 : i32
          %dma_wait3A_343 = arith.constant 0 : i32
          %dma_wait3A_344 = arith.constant 0 : i32
          %dma_wait3A_345 = tpu.memref_slice %arg9[%dma_wait3A_342, %dma_wait3A_343, %dma_wait3A_344] : memref<4x64x128xf32, #tpu.memory_space<vmem>> -> memref<1x64x128xf32, #tpu.memory_space<vmem>>
          %dma_wait3A_346 = tpu.memref_squeeze %dma_wait3A_345 : memref<1x64x128xf32, #tpu.memory_space<vmem>> -> memref<64x128xf32, #tpu.memory_space<vmem>>
          %dma_wait3A_347 = arith.constant 0 : i32
          %dma_wait3A_348 = arith.constant 0 : i32
          %dma_wait3A_349 = tpu.memref_slice %arg2[%dma_wait3A_347, %dma_wait3A_348] : memref<50000x128xf32, #tpu.memory_space<hbm>> -> memref<64x128xf32, #tpu.memory_space<hbm>>
          %dma_wait3A_350 = arith.constant 0 : i32
          %dma_wait3A_351 = arith.constant 0 : i32
          %dma_wait3A_352 = tpu.memref_slice %arg9[%dma_wait3A_342, %dma_wait3A_350, %dma_wait3A_351] : memref<4x64x128xf32, #tpu.memory_space<vmem>> -> memref<1x64x128xf32, #tpu.memory_space<vmem>>
          %dma_wait3A_353 = tpu.memref_squeeze %dma_wait3A_352 : memref<1x64x128xf32, #tpu.memory_space<vmem>> -> memref<64x128xf32, #tpu.memory_space<vmem>>
          %dma_wait3A_354 = arith.constant 0 : i32
          %dma_wait3A_355 = arith.constant 0 : i32
          %dma_wait3A_356 = tpu.memref_slice %arg2[%dma_wait3A_354, %dma_wait3A_355] : memref<50000x128xf32, #tpu.memory_space<hbm>> -> memref<64x128xf32, #tpu.memory_space<hbm>>
          tpu.wait_dma2 semaphore(%arg20 : memref<!tpu.dma_semaphore, #tpu.memory_space<semaphore_mem>>) src(%dma_wait3A_356 : memref<64x128xf32, #tpu.memory_space<hbm>>) dst(%dma_wait3A_353 : memref<64x128xf32, #tpu.memory_space<vmem>>)
          %dma_wait3A_357 = arith.constant 0 : i32
          %dma_wait3A_358 = arith.constant 0 : i32
          %dma_wait3A_359 = arith.constant 0 : i32
          %dma_wait3A_360 = tpu.memref_slice %arg6[%dma_wait3A_357, %dma_wait3A_358, %dma_wait3A_359] : memref<2x10016x16xf32, #tpu.memory_space<hbm>> -> memref<1x64x16xf32, #tpu.memory_space<hbm>>
          %dma_wait3A_361 = tpu.memref_squeeze %dma_wait3A_360 : memref<1x64x16xf32, #tpu.memory_space<hbm>> -> memref<64x16xf32, #tpu.memory_space<hbm>>
          %dma_wait3A_362 = arith.constant 0 : i32
          %dma_wait3A_363 = arith.constant 0 : i32
          %dma_wait3A_364 = tpu.memref_slice %arg6[%dma_wait3A_357, %dma_wait3A_362, %dma_wait3A_363] : memref<2x10016x16xf32, #tpu.memory_space<hbm>> -> memref<1x64x16xf32, #tpu.memory_space<hbm>>
          %dma_wait3A_365 = tpu.memref_squeeze %dma_wait3A_364 : memref<1x64x16xf32, #tpu.memory_space<hbm>> -> memref<64x16xf32, #tpu.memory_space<hbm>>
          tpu.wait_dma2 semaphore(%arg24 : memref<!tpu.dma_semaphore, #tpu.memory_space<semaphore_mem>>) src(%dma_wait3A_365 : memref<64x16xf32, #tpu.memory_space<hbm>>) dst(%arg10 : memref<64x16xf32, #tpu.memory_space<vmem>>)
        } else {
        }
        %add3A_316 = arith.constant 4 : i32
        %add3A_317 = arith.addi %add3A_295, %add3A_316 : i32
        %sub3A_318 = arith.constant 1 : i32
        %sub3A_319 = arith.subi %add3A_317, %sub3A_318 : i32
        %lt3A_320 = arith.constant 32 : i32
        %lt3A_321 = arith.cmpi slt, %sub3A_319, %lt3A_320 : i32
        %convert_element_type3A_322 = arith.extui %lt3A_321 : i1 to i32
        %cond3A_323 = arith.constant 0 : i32
        %cond3A_324 = arith.cmpi ne, %convert_element_type3A_322, %cond3A_323 : i32
        scf.if %cond3A_324 {
          %add3A_342 = arith.constant 4 : i32
          %add3A_343 = arith.addi %add3A_295, %add3A_342 : i32
          %sub3A_344 = arith.constant 1 : i32
          %sub3A_345 = arith.subi %add3A_343, %sub3A_344 : i32
          %dma_start3A_346 = arith.constant 2 : i32
          %dma_start3A_347 = arith.constant 0 : i32
          %dma_start3A_348 = arith.constant 0 : i32
          %dma_start3A_349 = tpu.memref_slice %arg9[%dma_start3A_346, %dma_start3A_347, %dma_start3A_348] : memref<4x64x128xf32, #tpu.memory_space<vmem>> -> memref<1x64x128xf32, #tpu.memory_space<vmem>>
          %dma_start3A_350 = tpu.memref_squeeze %dma_start3A_349 : memref<1x64x128xf32, #tpu.memory_space<vmem>> -> memref<64x128xf32, #tpu.memory_space<vmem>>
          %dma_start3A_351 = arith.constant 0 : i32
          %dma_start3A_352 = tpu.memref_slice %arg7[%sub3A_345, %dma_start3A_351] : memref<32x64xi32, #tpu.memory_space<vmem>> -> memref<1x64xi32, #tpu.memory_space<vmem>>
          %dma_start3A_353 = tpu.memref_squeeze %dma_start3A_352 : memref<1x64xi32, #tpu.memory_space<vmem>> -> memref<64xi32, #tpu.memory_space<vmem>>
          %dma_start3A_354 = arith.constant 0 : i32
          %dma_start3A_355 = arith.constant 0 : i32
          %dma_start3A_356 = tpu.memref_slice %arg2[%dma_start3A_354, %dma_start3A_355] : memref<50000x128xf32, #tpu.memory_space<hbm>> -> memref<50000x128xf32, #tpu.memory_space<hbm>>
          tpu.enqueue_indirect_dma source(%dma_start3A_356 : memref<50000x128xf32, #tpu.memory_space<hbm>>) target(%dma_start3A_350 : memref<64x128xf32, #tpu.memory_space<vmem>>) offsets(%dma_start3A_353 : memref<64xi32, #tpu.memory_space<vmem>>) semaphore(%arg16 : memref<!tpu.dma_semaphore, #tpu.memory_space<semaphore_mem>>)
        } else {
        }
        %dma_start3A_325 = arith.constant 3 : i32
        %dma_start3A_326 = arith.constant 0 : i32
        %dma_start3A_327 = arith.constant 0 : i32
        %dma_start3A_328 = tpu.memref_slice %arg9[%dma_start3A_325, %dma_start3A_326, %dma_start3A_327] : memref<4x64x128xf32, #tpu.memory_space<vmem>> -> memref<1x64x128xf32, #tpu.memory_space<vmem>>
        %dma_start3A_329 = tpu.memref_squeeze %dma_start3A_328 : memref<1x64x128xf32, #tpu.memory_space<vmem>> -> memref<64x128xf32, #tpu.memory_space<vmem>>
        %dma_start3A_330 = arith.constant 0 : i32
        %dma_start3A_331 = tpu.memref_slice %arg8[%add3A_295, %dma_start3A_330] : memref<32x64xi32, #tpu.memory_space<vmem>> -> memref<1x64xi32, #tpu.memory_space<vmem>>
        %dma_start3A_332 = tpu.memref_squeeze %dma_start3A_331 : memref<1x64xi32, #tpu.memory_space<vmem>> -> memref<64xi32, #tpu.memory_space<vmem>>
        %dma_start3A_333 = arith.constant 0 : i32
        %dma_start3A_334 = arith.constant 0 : i32
        %dma_start3A_335 = tpu.memref_slice %arg12[%dma_start3A_333, %dma_start3A_334] : memref<10016x128xf32, #tpu.memory_space<vmem_shared>> -> memref<10016x128xf32, #tpu.memory_space<vmem_shared>>
        tpu.enqueue_indirect_dma source(%dma_start3A_329 : memref<64x128xf32, #tpu.memory_space<vmem>>) target(%dma_start3A_335 : memref<10016x128xf32, #tpu.memory_space<vmem_shared>>) offsets(%dma_start3A_332 : memref<64xi32, #tpu.memory_space<vmem>>) semaphore(%arg21 : memref<!tpu.dma_semaphore, #tpu.memory_space<semaphore_mem>>) {add = true}
        %dma_start3A_336 = arith.constant 0 : i32
        %dma_start3A_337 = tpu.memref_slice %arg8[%add3A_295, %dma_start3A_336] : memref<32x64xi32, #tpu.memory_space<vmem>> -> memref<1x64xi32, #tpu.memory_space<vmem>>
        %dma_start3A_338 = tpu.memref_squeeze %dma_start3A_337 : memref<1x64xi32, #tpu.memory_space<vmem>> -> memref<64xi32, #tpu.memory_space<vmem>>
        %dma_start3A_339 = arith.constant 0 : i32
        %dma_start3A_340 = arith.constant 0 : i32
        %dma_start3A_341 = tpu.memref_slice %arg13[%dma_start3A_339, %dma_start3A_340] : memref<10016x16xf32, #tpu.memory_space<vmem_shared>> -> memref<10016x16xf32, #tpu.memory_space<vmem_shared>>
        tpu.enqueue_indirect_dma source(%arg10 : memref<64x16xf32, #tpu.memory_space<vmem>>) target(%dma_start3A_341 : memref<10016x16xf32, #tpu.memory_space<vmem_shared>>) offsets(%dma_start3A_338 : memref<64xi32, #tpu.memory_space<vmem>>) semaphore(%arg25 : memref<!tpu.dma_semaphore, #tpu.memory_space<semaphore_mem>>) {add = true}
      }
      %scan3A_122 = arith.constant 8 : i32
      %dma_wait3A = arith.constant 3 : i32
      %dma_wait3A_123 = arith.constant 0 : i32
      %dma_wait3A_124 = arith.constant 0 : i32
      %dma_wait3A_125 = tpu.memref_slice %arg9[%dma_wait3A, %dma_wait3A_123, %dma_wait3A_124] : memref<4x64x128xf32, #tpu.memory_space<vmem>> -> memref<1x64x128xf32, #tpu.memory_space<vmem>>
      %dma_wait3A_126 = tpu.memref_squeeze %dma_wait3A_125 : memref<1x64x128xf32, #tpu.memory_space<vmem>> -> memref<64x128xf32, #tpu.memory_space<vmem>>
      %dma_wait3A_127 = arith.constant 0 : i32
      %dma_wait3A_128 = arith.constant 0 : i32
      %dma_wait3A_129 = tpu.memref_slice %arg2[%dma_wait3A_127, %dma_wait3A_128] : memref<50000x128xf32, #tpu.memory_space<hbm>> -> memref<64x128xf32, #tpu.memory_space<hbm>>
      %dma_wait3A_130 = arith.constant 0 : i32
      %dma_wait3A_131 = arith.constant 0 : i32
      %dma_wait3A_132 = tpu.memref_slice %arg9[%dma_wait3A, %dma_wait3A_130, %dma_wait3A_131] : memref<4x64x128xf32, #tpu.memory_space<vmem>> -> memref<1x64x128xf32, #tpu.memory_space<vmem>>
      %dma_wait3A_133 = tpu.memref_squeeze %dma_wait3A_132 : memref<1x64x128xf32, #tpu.memory_space<vmem>> -> memref<64x128xf32, #tpu.memory_space<vmem>>
      %dma_wait3A_134 = arith.constant 0 : i32
      %dma_wait3A_135 = arith.constant 0 : i32
      %dma_wait3A_136 = tpu.memref_slice %arg2[%dma_wait3A_134, %dma_wait3A_135] : memref<50000x128xf32, #tpu.memory_space<hbm>> -> memref<64x128xf32, #tpu.memory_space<hbm>>
      tpu.wait_dma2 semaphore(%arg21 : memref<!tpu.dma_semaphore, #tpu.memory_space<semaphore_mem>>) src(%dma_wait3A_136 : memref<64x128xf32, #tpu.memory_space<hbm>>) dst(%dma_wait3A_133 : memref<64x128xf32, #tpu.memory_space<vmem>>)
      %dma_wait3A_137 = arith.constant 0 : i32
      %dma_wait3A_138 = arith.constant 0 : i32
      %dma_wait3A_139 = arith.constant 0 : i32
      %dma_wait3A_140 = tpu.memref_slice %arg6[%dma_wait3A_137, %dma_wait3A_138, %dma_wait3A_139] : memref<2x10016x16xf32, #tpu.memory_space<hbm>> -> memref<1x64x16xf32, #tpu.memory_space<hbm>>
      %dma_wait3A_141 = tpu.memref_squeeze %dma_wait3A_140 : memref<1x64x16xf32, #tpu.memory_space<hbm>> -> memref<64x16xf32, #tpu.memory_space<hbm>>
      %dma_wait3A_142 = arith.constant 0 : i32
      %dma_wait3A_143 = arith.constant 0 : i32
      %dma_wait3A_144 = tpu.memref_slice %arg6[%dma_wait3A_137, %dma_wait3A_142, %dma_wait3A_143] : memref<2x10016x16xf32, #tpu.memory_space<hbm>> -> memref<1x64x16xf32, #tpu.memory_space<hbm>>
      %dma_wait3A_145 = tpu.memref_squeeze %dma_wait3A_144 : memref<1x64x16xf32, #tpu.memory_space<hbm>> -> memref<64x16xf32, #tpu.memory_space<hbm>>
      tpu.wait_dma2 semaphore(%arg25 : memref<!tpu.dma_semaphore, #tpu.memory_space<semaphore_mem>>) src(%dma_wait3A_145 : memref<64x16xf32, #tpu.memory_space<hbm>>) dst(%arg10 : memref<64x16xf32, #tpu.memory_space<vmem>>)
    }
    %barrier3A_74 = arith.constant 0 : index
    tpu.barrier barrier_id(%barrier3A_74)
    "tpu.region"() ({
      %run_scoped3A_75 = tpu.sem_alloc : memref<!tpu.dma_semaphore, #tpu.memory_space<semaphore_mem>>
      %dma_start3A = arith.constant 0 : i32
      %dma_start3A_76 = tpu.memref_slice %arg5[%arg0, %mul3A_15, %dma_start3A] : memref<2x10016x128xf32, #tpu.memory_space<hbm>> -> memref<1x626x128xf32, #tpu.memory_space<hbm>>
      %dma_start3A_77 = tpu.memref_squeeze %dma_start3A_76 : memref<1x626x128xf32, #tpu.memory_space<hbm>> -> memref<626x128xf32, #tpu.memory_space<hbm>>
      %dma_start3A_78 = arith.constant 0 : i32
      %dma_start3A_79 = tpu.memref_slice %arg12[%mul3A_15, %dma_start3A_78] : memref<10016x128xf32, #tpu.memory_space<vmem_shared>> -> memref<626x128xf32, #tpu.memory_space<vmem_shared>>
      tpu.enqueue_dma source(%dma_start3A_79 : memref<626x128xf32, #tpu.memory_space<vmem_shared>>) target(%dma_start3A_77 : memref<626x128xf32, #tpu.memory_space<hbm>>) target_semaphore(%run_scoped3A_75 : memref<!tpu.dma_semaphore, #tpu.memory_space<semaphore_mem>>)
      %dma_wait3A = arith.constant 0 : i32
      %dma_wait3A_80 = tpu.memref_slice %arg5[%arg0, %mul3A_15, %dma_wait3A] : memref<2x10016x128xf32, #tpu.memory_space<hbm>> -> memref<1x626x128xf32, #tpu.memory_space<hbm>>
      %dma_wait3A_81 = tpu.memref_squeeze %dma_wait3A_80 : memref<1x626x128xf32, #tpu.memory_space<hbm>> -> memref<626x128xf32, #tpu.memory_space<hbm>>
      %dma_wait3A_82 = arith.constant 0 : i32
      %dma_wait3A_83 = tpu.memref_slice %arg12[%mul3A_15, %dma_wait3A_82] : memref<10016x128xf32, #tpu.memory_space<vmem_shared>> -> memref<626x128xf32, #tpu.memory_space<vmem_shared>>
      tpu.wait_dma2 semaphore(%run_scoped3A_75 : memref<!tpu.dma_semaphore, #tpu.memory_space<semaphore_mem>>) src(%dma_wait3A_83 : memref<626x128xf32, #tpu.memory_space<vmem_shared>>) dst(%dma_wait3A_81 : memref<626x128xf32, #tpu.memory_space<hbm>>)
      tpu.yield
    }) : () -> ()
    "tpu.region"() ({
      %run_scoped3A_75 = tpu.sem_alloc : memref<!tpu.dma_semaphore, #tpu.memory_space<semaphore_mem>>
      %dma_start3A = arith.constant 0 : i32
      %dma_start3A_76 = tpu.memref_slice %arg6[%arg0, %mul3A_15, %dma_start3A] : memref<2x10016x16xf32, #tpu.memory_space<hbm>> -> memref<1x626x16xf32, #tpu.memory_space<hbm>>
      %dma_start3A_77 = tpu.memref_squeeze %dma_start3A_76 : memref<1x626x16xf32, #tpu.memory_space<hbm>> -> memref<626x16xf32, #tpu.memory_space<hbm>>
      %dma_start3A_78 = arith.constant 0 : i32
      %dma_start3A_79 = tpu.memref_slice %arg13[%mul3A_15, %dma_start3A_78] : memref<10016x16xf32, #tpu.memory_space<vmem_shared>> -> memref<626x16xf32, #tpu.memory_space<vmem_shared>>
      tpu.enqueue_dma source(%dma_start3A_79 : memref<626x16xf32, #tpu.memory_space<vmem_shared>>) target(%dma_start3A_77 : memref<626x16xf32, #tpu.memory_space<hbm>>) target_semaphore(%run_scoped3A_75 : memref<!tpu.dma_semaphore, #tpu.memory_space<semaphore_mem>>)
      %dma_wait3A = arith.constant 0 : i32
      %dma_wait3A_80 = tpu.memref_slice %arg6[%arg0, %mul3A_15, %dma_wait3A] : memref<2x10016x16xf32, #tpu.memory_space<hbm>> -> memref<1x626x16xf32, #tpu.memory_space<hbm>>
      %dma_wait3A_81 = tpu.memref_squeeze %dma_wait3A_80 : memref<1x626x16xf32, #tpu.memory_space<hbm>> -> memref<626x16xf32, #tpu.memory_space<hbm>>
      %dma_wait3A_82 = arith.constant 0 : i32
      %dma_wait3A_83 = tpu.memref_slice %arg13[%mul3A_15, %dma_wait3A_82] : memref<10016x16xf32, #tpu.memory_space<vmem_shared>> -> memref<626x16xf32, #tpu.memory_space<vmem_shared>>
      tpu.wait_dma2 semaphore(%run_scoped3A_75 : memref<!tpu.dma_semaphore, #tpu.memory_space<semaphore_mem>>) src(%dma_wait3A_83 : memref<626x16xf32, #tpu.memory_space<vmem_shared>>) dst(%dma_wait3A_81 : memref<626x16xf32, #tpu.memory_space<hbm>>)
      tpu.yield
    }) : () -> ()
    return
  }
}

#map = affine_map<(d0, d1) -> (0, 0)>
#map1 = affine_map<(d0, d1) -> (0, 0, 0)>
module attributes {stable_mosaic.version = 14 : i64} {
  func.func @body(%arg0: i32, %arg1: i32, %arg2: memref<10000x128xf32, #tpu.memory_space<hbm>>, %arg3: memref<512x64xi32, #tpu.memory_space<hbm>>, %arg4: memref<512x64xi32, #tpu.memory_space<hbm>>, %arg5: memref<2x1024x128xf32, #tpu.memory_space<hbm>>, %arg6: memref<2x1024x16xf32, #tpu.memory_space<hbm>>, %arg7: memref<16x64xi32, #tpu.memory_space<vmem>>, %arg8: memref<16x64xi32, #tpu.memory_space<vmem>>, %arg9: memref<4x64x128xf32, #tpu.memory_space<vmem>>, %arg10: memref<64x16xf32, #tpu.memory_space<vmem>>, %arg11: memref<64x16xf32, #tpu.memory_space<vmem>>, %arg12: memref<1024x128xf32, #tpu.memory_space<vmem_shared>>, %arg13: memref<1024x16xf32, #tpu.memory_space<vmem_shared>>, %arg14: memref<!tpu.dma_semaphore, #tpu.memory_space<semaphore_mem>>, %arg15: memref<!tpu.dma_semaphore, #tpu.memory_space<semaphore_mem>>, %arg16: memref<!tpu.dma_semaphore, #tpu.memory_space<semaphore_mem>>, %arg17: memref<!tpu.dma_semaphore, #tpu.memory_space<semaphore_mem>>, %arg18: memref<!tpu.dma_semaphore, #tpu.memory_space<semaphore_mem>>, %arg19: memref<!tpu.dma_semaphore, #tpu.memory_space<semaphore_mem>>, %arg20: memref<!tpu.dma_semaphore, #tpu.memory_space<semaphore_mem>>, %arg21: memref<!tpu.dma_semaphore, #tpu.memory_space<semaphore_mem>>, %arg22: memref<!tpu.dma_semaphore, #tpu.memory_space<semaphore_mem>>, %arg23: memref<!tpu.dma_semaphore, #tpu.memory_space<semaphore_mem>>, %arg24: memref<!tpu.dma_semaphore, #tpu.memory_space<semaphore_mem>>, %arg25: memref<!tpu.dma_semaphore, #tpu.memory_space<semaphore_mem>>) attributes {dimension_semantics = [#tpu.dimension_semantics<core_parallel>, #tpu.dimension_semantics<subcore_parallel>], iteration_bounds = array<i64: 2, 16>, scalar_prefetch = 0 : i64, scratch_operands = 19 : i64, tpu.core_type = #tpu.core_type<sc_vector_subcore>, window_params = [{transform_indices = #map}, {transform_indices = #map}, {transform_indices = #map}, {transform_indices = #map1}, {transform_indices = #map1}]} {
    %eq3A = arith.constant 0 : i32
    %eq3A_0 = arith.cmpi eq, %arg0, %eq3A : i32
    %mul3A = arith.constant 16 : i32
    %mul3A_1 = arith.muli %arg1, %mul3A : i32
    %mul3A_2 = arith.constant 16 : i32
    %mul3A_3 = arith.muli %arg1, %mul3A_2 : i32
    %add3A = arith.constant 256 : i32
    %add3A_4 = arith.addi %add3A, %mul3A_3 : i32
    %select_n3A = arith.select %eq3A_0, %mul3A_1, %add3A_4 : i32
    %eq3A_5 = arith.constant 0 : i32
    %eq3A_6 = arith.cmpi eq, %arg0, %eq3A_5 : i32
    %jit3A = arith.constant 1 : i32
    %jit3A_7 = arith.constant 1 : i32
    %select_n3A_8 = arith.select %eq3A_6, %jit3A, %jit3A_7 : i32
    %scan3A = arith.constant 0 : i32
    %scan3A_9 = arith.constant 0 : i32
    %scan3A_10 = arith.constant 64 : i32
    %scan3A_11 = arith.addi %scan3A_9, %scan3A_10 : i32
    %scan3A_12 = arith.constant 1 : i32
    scf.for %scan3A_30 = %scan3A_9 to %scan3A_11 step %scan3A_12  : i32 {
      %broadcast_in_dim3A = arith.constant 0.000000e+00 : f32
      %broadcast_in_dim3A_31 = vector.broadcast %broadcast_in_dim3A : f32 to vector<16xf32>
      %swap3A = arith.constant 0 : i32
      %swap3A_32 = arith.index_cast %swap3A : i32 to index
      %swap3A_33 = arith.index_cast %scan3A_30 : i32 to index
      %swap3A_34 = arith.constant 0 : index
      %swap3A_35 = tpu.vector_load %arg9[%swap3A_32, %swap3A_33, %swap3A_34] {strides = array<i32>} : memref<4x64x128xf32, #tpu.memory_space<vmem>>, vector<1x1x16xf32>,
      %swap3A_36 = vector.shape_cast %swap3A_35 : vector<1x1x16xf32> to vector<16xf32>
      %swap3A_37 = vector.shape_cast %broadcast_in_dim3A_31 : vector<16xf32> to vector<1x1x16xf32>
      tpu.vector_store %arg9[%swap3A_32, %swap3A_33, %swap3A_34], %swap3A_37 {strides = array<i32>} : memref<4x64x128xf32, #tpu.memory_space<vmem>>, vector<1x1x16xf32>,
      %broadcast_in_dim3A_38 = arith.constant 0.000000e+00 : f32
      %broadcast_in_dim3A_39 = vector.broadcast %broadcast_in_dim3A_38 : f32 to vector<16xf32>
      %swap3A_40 = arith.constant 0 : i32
      %swap3A_41 = arith.index_cast %swap3A_40 : i32 to index
      %swap3A_42 = arith.index_cast %scan3A_30 : i32 to index
      %swap3A_43 = arith.constant 16 : index
      %swap3A_44 = tpu.vector_load %arg9[%swap3A_41, %swap3A_42, %swap3A_43] {strides = array<i32>} : memref<4x64x128xf32, #tpu.memory_space<vmem>>, vector<1x1x16xf32>,
      %swap3A_45 = vector.shape_cast %swap3A_44 : vector<1x1x16xf32> to vector<16xf32>
      %swap3A_46 = vector.shape_cast %broadcast_in_dim3A_39 : vector<16xf32> to vector<1x1x16xf32>
      tpu.vector_store %arg9[%swap3A_41, %swap3A_42, %swap3A_43], %swap3A_46 {strides = array<i32>} : memref<4x64x128xf32, #tpu.memory_space<vmem>>, vector<1x1x16xf32>,
      %broadcast_in_dim3A_47 = arith.constant 0.000000e+00 : f32
      %broadcast_in_dim3A_48 = vector.broadcast %broadcast_in_dim3A_47 : f32 to vector<16xf32>
      %swap3A_49 = arith.constant 0 : i32
      %swap3A_50 = arith.index_cast %swap3A_49 : i32 to index
      %swap3A_51 = arith.index_cast %scan3A_30 : i32 to index
      %swap3A_52 = arith.constant 32 : index
      %swap3A_53 = tpu.vector_load %arg9[%swap3A_50, %swap3A_51, %swap3A_52] {strides = array<i32>} : memref<4x64x128xf32, #tpu.memory_space<vmem>>, vector<1x1x16xf32>,
      %swap3A_54 = vector.shape_cast %swap3A_53 : vector<1x1x16xf32> to vector<16xf32>
      %swap3A_55 = vector.shape_cast %broadcast_in_dim3A_48 : vector<16xf32> to vector<1x1x16xf32>
      tpu.vector_store %arg9[%swap3A_50, %swap3A_51, %swap3A_52], %swap3A_55 {strides = array<i32>} : memref<4x64x128xf32, #tpu.memory_space<vmem>>, vector<1x1x16xf32>,
      %broadcast_in_dim3A_56 = arith.constant 0.000000e+00 : f32
      %broadcast_in_dim3A_57 = vector.broadcast %broadcast_in_dim3A_56 : f32 to vector<16xf32>
      %swap3A_58 = arith.constant 0 : i32
      %swap3A_59 = arith.index_cast %swap3A_58 : i32 to index
      %swap3A_60 = arith.index_cast %scan3A_30 : i32 to index
      %swap3A_61 = arith.constant 48 : index
      %swap3A_62 = tpu.vector_load %arg9[%swap3A_59, %swap3A_60, %swap3A_61] {strides = array<i32>} : memref<4x64x128xf32, #tpu.memory_space<vmem>>, vector<1x1x16xf32>,
      %swap3A_63 = vector.shape_cast %swap3A_62 : vector<1x1x16xf32> to vector<16xf32>
      %swap3A_64 = vector.shape_cast %broadcast_in_dim3A_57 : vector<16xf32> to vector<1x1x16xf32>
      tpu.vector_store %arg9[%swap3A_59, %swap3A_60, %swap3A_61], %swap3A_64 {strides = array<i32>} : memref<4x64x128xf32, #tpu.memory_space<vmem>>, vector<1x1x16xf32>,
      %broadcast_in_dim3A_65 = arith.constant 0.000000e+00 : f32
      %broadcast_in_dim3A_66 = vector.broadcast %broadcast_in_dim3A_65 : f32 to vector<16xf32>
      %swap3A_67 = arith.constant 0 : i32
      %swap3A_68 = arith.index_cast %swap3A_67 : i32 to index
      %swap3A_69 = arith.index_cast %scan3A_30 : i32 to index
      %swap3A_70 = arith.constant 64 : index
      %swap3A_71 = tpu.vector_load %arg9[%swap3A_68, %swap3A_69, %swap3A_70] {strides = array<i32>} : memref<4x64x128xf32, #tpu.memory_space<vmem>>, vector<1x1x16xf32>,
      %swap3A_72 = vector.shape_cast %swap3A_71 : vector<1x1x16xf32> to vector<16xf32>
      %swap3A_73 = vector.shape_cast %broadcast_in_dim3A_66 : vector<16xf32> to vector<1x1x16xf32>
      tpu.vector_store %arg9[%swap3A_68, %swap3A_69, %swap3A_70], %swap3A_73 {strides = array<i32>} : memref<4x64x128xf32, #tpu.memory_space<vmem>>, vector<1x1x16xf32>,
      %broadcast_in_dim3A_74 = arith.constant 0.000000e+00 : f32
      %broadcast_in_dim3A_75 = vector.broadcast %broadcast_in_dim3A_74 : f32 to vector<16xf32>
      %swap3A_76 = arith.constant 0 : i32
      %swap3A_77 = arith.index_cast %swap3A_76 : i32 to index
      %swap3A_78 = arith.index_cast %scan3A_30 : i32 to index
      %swap3A_79 = arith.constant 80 : index
      %swap3A_80 = tpu.vector_load %arg9[%swap3A_77, %swap3A_78, %swap3A_79] {strides = array<i32>} : memref<4x64x128xf32, #tpu.memory_space<vmem>>, vector<1x1x16xf32>,
      %swap3A_81 = vector.shape_cast %swap3A_80 : vector<1x1x16xf32> to vector<16xf32>
      %swap3A_82 = vector.shape_cast %broadcast_in_dim3A_75 : vector<16xf32> to vector<1x1x16xf32>
      tpu.vector_store %arg9[%swap3A_77, %swap3A_78, %swap3A_79], %swap3A_82 {strides = array<i32>} : memref<4x64x128xf32, #tpu.memory_space<vmem>>, vector<1x1x16xf32>,
      %broadcast_in_dim3A_83 = arith.constant 0.000000e+00 : f32
      %broadcast_in_dim3A_84 = vector.broadcast %broadcast_in_dim3A_83 : f32 to vector<16xf32>
      %swap3A_85 = arith.constant 0 : i32
      %swap3A_86 = arith.index_cast %swap3A_85 : i32 to index
      %swap3A_87 = arith.index_cast %scan3A_30 : i32 to index
      %swap3A_88 = arith.constant 96 : index
      %swap3A_89 = tpu.vector_load %arg9[%swap3A_86, %swap3A_87, %swap3A_88] {strides = array<i32>} : memref<4x64x128xf32, #tpu.memory_space<vmem>>, vector<1x1x16xf32>,
      %swap3A_90 = vector.shape_cast %swap3A_89 : vector<1x1x16xf32> to vector<16xf32>
      %swap3A_91 = vector.shape_cast %broadcast_in_dim3A_84 : vector<16xf32> to vector<1x1x16xf32>
      tpu.vector_store %arg9[%swap3A_86, %swap3A_87, %swap3A_88], %swap3A_91 {strides = array<i32>} : memref<4x64x128xf32, #tpu.memory_space<vmem>>, vector<1x1x16xf32>,
      %broadcast_in_dim3A_92 = arith.constant 0.000000e+00 : f32
      %broadcast_in_dim3A_93 = vector.broadcast %broadcast_in_dim3A_92 : f32 to vector<16xf32>
      %swap3A_94 = arith.constant 0 : i32
      %swap3A_95 = arith.index_cast %swap3A_94 : i32 to index
      %swap3A_96 = arith.index_cast %scan3A_30 : i32 to index
      %swap3A_97 = arith.constant 112 : index
      %swap3A_98 = tpu.vector_load %arg9[%swap3A_95, %swap3A_96, %swap3A_97] {strides = array<i32>} : memref<4x64x128xf32, #tpu.memory_space<vmem>>, vector<1x1x16xf32>,
      %swap3A_99 = vector.shape_cast %swap3A_98 : vector<1x1x16xf32> to vector<16xf32>
      %swap3A_100 = vector.shape_cast %broadcast_in_dim3A_93 : vector<16xf32> to vector<1x1x16xf32>
      tpu.vector_store %arg9[%swap3A_95, %swap3A_96, %swap3A_97], %swap3A_100 {strides = array<i32>} : memref<4x64x128xf32, #tpu.memory_space<vmem>>, vector<1x1x16xf32>,
      %broadcast_in_dim3A_101 = arith.constant 1.000000e+00 : f32
      %broadcast_in_dim3A_102 = vector.broadcast %broadcast_in_dim3A_101 : f32 to vector<16xf32>
      %swap3A_103 = arith.index_cast %scan3A_30 : i32 to index
      %swap3A_104 = arith.constant 0 : index
      %swap3A_105 = tpu.vector_load %arg10[%swap3A_103, %swap3A_104] {strides = array<i32>} : memref<64x16xf32, #tpu.memory_space<vmem>>, vector<1x16xf32>,
      %swap3A_106 = vector.shape_cast %swap3A_105 : vector<1x16xf32> to vector<16xf32>
      %swap3A_107 = vector.shape_cast %broadcast_in_dim3A_102 : vector<16xf32> to vector<1x16xf32>
      tpu.vector_store %arg10[%swap3A_103, %swap3A_104], %swap3A_107 {strides = array<i32>} : memref<64x16xf32, #tpu.memory_space<vmem>>, vector<1x16xf32>,
      %broadcast_in_dim3A_108 = arith.constant 0.000000e+00 : f32
      %broadcast_in_dim3A_109 = vector.broadcast %broadcast_in_dim3A_108 : f32 to vector<16xf32>
      %swap3A_110 = arith.index_cast %scan3A_30 : i32 to index
      %swap3A_111 = arith.constant 0 : index
      %swap3A_112 = tpu.vector_load %arg11[%swap3A_110, %swap3A_111] {strides = array<i32>} : memref<64x16xf32, #tpu.memory_space<vmem>>, vector<1x16xf32>,
      %swap3A_113 = vector.shape_cast %swap3A_112 : vector<1x16xf32> to vector<16xf32>
      %swap3A_114 = vector.shape_cast %broadcast_in_dim3A_109 : vector<16xf32> to vector<1x16xf32>
      tpu.vector_store %arg11[%swap3A_110, %swap3A_111], %swap3A_114 {strides = array<i32>} : memref<64x16xf32, #tpu.memory_space<vmem>>, vector<1x16xf32>,
    }
    %scan3A_13 = arith.constant 64 : i32
    %mul3A_14 = arith.constant 64 : i32
    %mul3A_15 = arith.muli %arg1, %mul3A_14 : i32
    %add3A_16 = arith.constant 0 : i32
    %add3A_17 = arith.addi %mul3A_15, %add3A_16 : i32
    %run_scoped3A = arith.constant 0 : i32
    "tpu.region"() ({
      %run_scoped3A_30 = tpu.sem_alloc : memref<!tpu.dma_semaphore, #tpu.memory_space<semaphore_mem>>
      %dma_start3A = arith.constant 0 : i32
      %dma_start3A_31 = arith.constant 0 : i32
      %dma_start3A_32 = tpu.memref_slice %arg9[%run_scoped3A, %dma_start3A, %dma_start3A_31] : memref<4x64x128xf32, #tpu.memory_space<vmem>> -> memref<1x64x128xf32, #tpu.memory_space<vmem>>
      %dma_start3A_33 = tpu.memref_squeeze %dma_start3A_32 : memref<1x64x128xf32, #tpu.memory_space<vmem>> -> memref<64x128xf32, #tpu.memory_space<vmem>>
      %dma_start3A_34 = arith.constant 0 : i32
      %dma_start3A_35 = tpu.memref_slice %arg12[%add3A_17, %dma_start3A_34] : memref<1024x128xf32, #tpu.memory_space<vmem_shared>> -> memref<64x128xf32, #tpu.memory_space<vmem_shared>>
      %dma_start3A_36 = arith.constant 0 : i32
      %dma_start3A_37 = tpu.memref_slice %arg12[%add3A_17, %dma_start3A_36] : memref<1024x128xf32, #tpu.memory_space<vmem_shared>> -> memref<64x128xf32, #tpu.memory_space<vmem_shared>>
      %dma_start3A_38 = arith.constant 0 : i32
      %dma_start3A_39 = arith.constant 0 : i32
      %dma_start3A_40 = tpu.memref_slice %arg9[%run_scoped3A, %dma_start3A_38, %dma_start3A_39] : memref<4x64x128xf32, #tpu.memory_space<vmem>> -> memref<1x64x128xf32, #tpu.memory_space<vmem>>
      %dma_start3A_41 = tpu.memref_squeeze %dma_start3A_40 : memref<1x64x128xf32, #tpu.memory_space<vmem>> -> memref<64x128xf32, #tpu.memory_space<vmem>>
      tpu.enqueue_dma source(%dma_start3A_41 : memref<64x128xf32, #tpu.memory_space<vmem>>) target(%dma_start3A_37 : memref<64x128xf32, #tpu.memory_space<vmem_shared>>) target_semaphore(%run_scoped3A_30 : memref<!tpu.dma_semaphore, #tpu.memory_space<semaphore_mem>>)
      %dma_wait3A = arith.constant 0 : i32
      %dma_wait3A_42 = arith.constant 0 : i32
      %dma_wait3A_43 = tpu.memref_slice %arg9[%run_scoped3A, %dma_wait3A, %dma_wait3A_42] : memref<4x64x128xf32, #tpu.memory_space<vmem>> -> memref<1x64x128xf32, #tpu.memory_space<vmem>>
      %dma_wait3A_44 = tpu.memref_squeeze %dma_wait3A_43 : memref<1x64x128xf32, #tpu.memory_space<vmem>> -> memref<64x128xf32, #tpu.memory_space<vmem>>
      %dma_wait3A_45 = arith.constant 0 : i32
      %dma_wait3A_46 = tpu.memref_slice %arg12[%add3A_17, %dma_wait3A_45] : memref<1024x128xf32, #tpu.memory_space<vmem_shared>> -> memref<64x128xf32, #tpu.memory_space<vmem_shared>>
      %dma_wait3A_47 = arith.constant 0 : i32
      %dma_wait3A_48 = tpu.memref_slice %arg12[%add3A_17, %dma_wait3A_47] : memref<1024x128xf32, #tpu.memory_space<vmem_shared>> -> memref<64x128xf32, #tpu.memory_space<vmem_shared>>
      %dma_wait3A_49 = arith.constant 0 : i32
      %dma_wait3A_50 = arith.constant 0 : i32
      %dma_wait3A_51 = tpu.memref_slice %arg9[%run_scoped3A, %dma_wait3A_49, %dma_wait3A_50] : memref<4x64x128xf32, #tpu.memory_space<vmem>> -> memref<1x64x128xf32, #tpu.memory_space<vmem>>
      %dma_wait3A_52 = tpu.memref_squeeze %dma_wait3A_51 : memref<1x64x128xf32, #tpu.memory_space<vmem>> -> memref<64x128xf32, #tpu.memory_space<vmem>>
      tpu.wait_dma2 semaphore(%run_scoped3A_30 : memref<!tpu.dma_semaphore, #tpu.memory_space<semaphore_mem>>) src(%dma_wait3A_52 : memref<64x128xf32, #tpu.memory_space<vmem>>) dst(%dma_wait3A_48 : memref<64x128xf32, #tpu.memory_space<vmem_shared>>)
      tpu.yield
    }) : () -> ()
    %add3A_18 = arith.constant 0 : i32
    %add3A_19 = arith.addi %mul3A_15, %add3A_18 : i32
    "tpu.region"() ({
      %run_scoped3A_30 = tpu.sem_alloc : memref<!tpu.dma_semaphore, #tpu.memory_space<semaphore_mem>>
      %dma_start3A = arith.constant 0 : i32
      %dma_start3A_31 = tpu.memref_slice %arg13[%add3A_19, %dma_start3A] : memref<1024x16xf32, #tpu.memory_space<vmem_shared>> -> memref<64x16xf32, #tpu.memory_space<vmem_shared>>
      %dma_start3A_32 = arith.constant 0 : i32
      %dma_start3A_33 = tpu.memref_slice %arg13[%add3A_19, %dma_start3A_32] : memref<1024x16xf32, #tpu.memory_space<vmem_shared>> -> memref<64x16xf32, #tpu.memory_space<vmem_shared>>
      tpu.enqueue_dma source(%arg11 : memref<64x16xf32, #tpu.memory_space<vmem>>) target(%dma_start3A_33 : memref<64x16xf32, #tpu.memory_space<vmem_shared>>) target_semaphore(%run_scoped3A_30 : memref<!tpu.dma_semaphore, #tpu.memory_space<semaphore_mem>>)
      %dma_wait3A = arith.constant 0 : i32
      %dma_wait3A_34 = tpu.memref_slice %arg13[%add3A_19, %dma_wait3A] : memref<1024x16xf32, #tpu.memory_space<vmem_shared>> -> memref<64x16xf32, #tpu.memory_space<vmem_shared>>
      %dma_wait3A_35 = arith.constant 0 : i32
      %dma_wait3A_36 = tpu.memref_slice %arg13[%add3A_19, %dma_wait3A_35] : memref<1024x16xf32, #tpu.memory_space<vmem_shared>> -> memref<64x16xf32, #tpu.memory_space<vmem_shared>>
      tpu.wait_dma2 semaphore(%run_scoped3A_30 : memref<!tpu.dma_semaphore, #tpu.memory_space<semaphore_mem>>) src(%arg11 : memref<64x16xf32, #tpu.memory_space<vmem>>) dst(%dma_wait3A_36 : memref<64x16xf32, #tpu.memory_space<vmem_shared>>)
      tpu.yield
    }) : () -> ()
    %barrier3A = arith.constant 0 : index
    tpu.barrier barrier_id(%barrier3A)
    %while3A = arith.constant 0 : i32
    %while3A_20 = arith.constant 0 : i32
    %while3A_21 = arith.subi %select_n3A_8, %while3A_20 : i32
    %while3A_22 = arith.addi %while3A_20, %while3A_21 : i32
    %while3A_23 = arith.constant 1 : i32
    %while3A_24 = arith.divsi %while3A_21, %while3A_23 : i32
    %while3A_25 = arith.muli %while3A_24, %while3A_23 : i32
    %while3A_26 = arith.addi %while3A_20, %while3A_25 : i32
    %while3A_27 = arith.constant 1 : i32
    scf.for %while3A_30 = %while3A_20 to %while3A_26 step %while3A_27  : i32 {
      %mul3A_31 = arith.constant 16 : i32
      %mul3A_32 = arith.muli %while3A_30, %mul3A_31 : i32
      %add3A_33 = arith.addi %select_n3A, %mul3A_32 : i32
      "tpu.region"() ({
        %run_scoped3A_101 = tpu.sem_alloc : memref<!tpu.dma_semaphore, #tpu.memory_space<semaphore_mem>>
        %dma_start3A_102 = arith.constant 0 : i32
        %dma_start3A_103 = tpu.memref_slice %arg3[%add3A_33, %dma_start3A_102] : memref<512x64xi32, #tpu.memory_space<hbm>> -> memref<16x64xi32, #tpu.memory_space<hbm>>
        %dma_start3A_104 = arith.constant 0 : i32
        %dma_start3A_105 = tpu.memref_slice %arg3[%add3A_33, %dma_start3A_104] : memref<512x64xi32, #tpu.memory_space<hbm>> -> memref<16x64xi32, #tpu.memory_space<hbm>>
        tpu.enqueue_dma source(%dma_start3A_105 : memref<16x64xi32, #tpu.memory_space<hbm>>) target(%arg7 : memref<16x64xi32, #tpu.memory_space<vmem>>) target_semaphore(%run_scoped3A_101 : memref<!tpu.dma_semaphore, #tpu.memory_space<semaphore_mem>>)
        %dma_wait3A_106 = arith.constant 0 : i32
        %dma_wait3A_107 = tpu.memref_slice %arg3[%add3A_33, %dma_wait3A_106] : memref<512x64xi32, #tpu.memory_space<hbm>> -> memref<16x64xi32, #tpu.memory_space<hbm>>
        %dma_wait3A_108 = arith.constant 0 : i32
        %dma_wait3A_109 = tpu.memref_slice %arg3[%add3A_33, %dma_wait3A_108] : memref<512x64xi32, #tpu.memory_space<hbm>> -> memref<16x64xi32, #tpu.memory_space<hbm>>
        tpu.wait_dma2 semaphore(%run_scoped3A_101 : memref<!tpu.dma_semaphore, #tpu.memory_space<semaphore_mem>>) src(%dma_wait3A_109 : memref<16x64xi32, #tpu.memory_space<hbm>>) dst(%arg7 : memref<16x64xi32, #tpu.memory_space<vmem>>)
        tpu.yield
      }) : () -> ()
      %mul3A_34 = arith.constant 16 : i32
      %mul3A_35 = arith.muli %while3A_30, %mul3A_34 : i32
      %add3A_36 = arith.addi %select_n3A, %mul3A_35 : i32
      "tpu.region"() ({
        %run_scoped3A_101 = tpu.sem_alloc : memref<!tpu.dma_semaphore, #tpu.memory_space<semaphore_mem>>
        %dma_start3A_102 = arith.constant 0 : i32
        %dma_start3A_103 = tpu.memref_slice %arg4[%add3A_36, %dma_start3A_102] : memref<512x64xi32, #tpu.memory_space<hbm>> -> memref<16x64xi32, #tpu.memory_space<hbm>>
        %dma_start3A_104 = arith.constant 0 : i32
        %dma_start3A_105 = tpu.memref_slice %arg4[%add3A_36, %dma_start3A_104] : memref<512x64xi32, #tpu.memory_space<hbm>> -> memref<16x64xi32, #tpu.memory_space<hbm>>
        tpu.enqueue_dma source(%dma_start3A_105 : memref<16x64xi32, #tpu.memory_space<hbm>>) target(%arg8 : memref<16x64xi32, #tpu.memory_space<vmem>>) target_semaphore(%run_scoped3A_101 : memref<!tpu.dma_semaphore, #tpu.memory_space<semaphore_mem>>)
        %dma_wait3A_106 = arith.constant 0 : i32
        %dma_wait3A_107 = tpu.memref_slice %arg4[%add3A_36, %dma_wait3A_106] : memref<512x64xi32, #tpu.memory_space<hbm>> -> memref<16x64xi32, #tpu.memory_space<hbm>>
        %dma_wait3A_108 = arith.constant 0 : i32
        %dma_wait3A_109 = tpu.memref_slice %arg4[%add3A_36, %dma_wait3A_108] : memref<512x64xi32, #tpu.memory_space<hbm>> -> memref<16x64xi32, #tpu.memory_space<hbm>>
        tpu.wait_dma2 semaphore(%run_scoped3A_101 : memref<!tpu.dma_semaphore, #tpu.memory_space<semaphore_mem>>) src(%dma_wait3A_109 : memref<16x64xi32, #tpu.memory_space<hbm>>) dst(%arg8 : memref<16x64xi32, #tpu.memory_space<vmem>>)
        tpu.yield
      }) : () -> ()
      %dma_start3A = arith.constant 0 : i32
      %dma_start3A_37 = arith.constant 0 : i32
      %dma_start3A_38 = arith.constant 0 : i32
      %dma_start3A_39 = arith.constant 0 : i32
      %dma_start3A_40 = tpu.memref_slice %arg9[%dma_start3A_37, %dma_start3A_38, %dma_start3A_39] : memref<4x64x128xf32, #tpu.memory_space<vmem>> -> memref<1x64x128xf32, #tpu.memory_space<vmem>>
      %dma_start3A_41 = tpu.memref_squeeze %dma_start3A_40 : memref<1x64x128xf32, #tpu.memory_space<vmem>> -> memref<64x128xf32, #tpu.memory_space<vmem>>
      %dma_start3A_42 = arith.constant 0 : i32
      %dma_start3A_43 = tpu.memref_slice %arg7[%dma_start3A, %dma_start3A_42] : memref<16x64xi32, #tpu.memory_space<vmem>> -> memref<1x64xi32, #tpu.memory_space<vmem>>
      %dma_start3A_44 = tpu.memref_squeeze %dma_start3A_43 : memref<1x64xi32, #tpu.memory_space<vmem>> -> memref<64xi32, #tpu.memory_space<vmem>>
      %dma_start3A_45 = arith.constant 0 : i32
      %dma_start3A_46 = arith.constant 0 : i32
      %dma_start3A_47 = tpu.memref_slice %arg2[%dma_start3A_45, %dma_start3A_46] : memref<10000x128xf32, #tpu.memory_space<hbm>> -> memref<10000x128xf32, #tpu.memory_space<hbm>>
      tpu.enqueue_indirect_dma source(%dma_start3A_47 : memref<10000x128xf32, #tpu.memory_space<hbm>>) target(%dma_start3A_41 : memref<64x128xf32, #tpu.memory_space<vmem>>) offsets(%dma_start3A_44 : memref<64xi32, #tpu.memory_space<vmem>>) semaphore(%arg14 : memref<!tpu.dma_semaphore, #tpu.memory_space<semaphore_mem>>)
      %dma_start3A_48 = arith.constant 1 : i32
      %dma_start3A_49 = arith.constant 1 : i32
      %dma_start3A_50 = arith.constant 0 : i32
      %dma_start3A_51 = arith.constant 0 : i32
      %dma_start3A_52 = tpu.memref_slice %arg9[%dma_start3A_49, %dma_start3A_50, %dma_start3A_51] : memref<4x64x128xf32, #tpu.memory_space<vmem>> -> memref<1x64x128xf32, #tpu.memory_space<vmem>>
      %dma_start3A_53 = tpu.memref_squeeze %dma_start3A_52 : memref<1x64x128xf32, #tpu.memory_space<vmem>> -> memref<64x128xf32, #tpu.memory_space<vmem>>
      %dma_start3A_54 = arith.constant 0 : i32
      %dma_start3A_55 = tpu.memref_slice %arg7[%dma_start3A_48, %dma_start3A_54] : memref<16x64xi32, #tpu.memory_space<vmem>> -> memref<1x64xi32, #tpu.memory_space<vmem>>
      %dma_start3A_56 = tpu.memref_squeeze %dma_start3A_55 : memref<1x64xi32, #tpu.memory_space<vmem>> -> memref<64xi32, #tpu.memory_space<vmem>>
      %dma_start3A_57 = arith.constant 0 : i32
      %dma_start3A_58 = arith.constant 0 : i32
      %dma_start3A_59 = tpu.memref_slice %arg2[%dma_start3A_57, %dma_start3A_58] : memref<10000x128xf32, #tpu.memory_space<hbm>> -> memref<10000x128xf32, #tpu.memory_space<hbm>>
      tpu.enqueue_indirect_dma source(%dma_start3A_59 : memref<10000x128xf32, #tpu.memory_space<hbm>>) target(%dma_start3A_53 : memref<64x128xf32, #tpu.memory_space<vmem>>) offsets(%dma_start3A_56 : memref<64xi32, #tpu.memory_space<vmem>>) semaphore(%arg15 : memref<!tpu.dma_semaphore, #tpu.memory_space<semaphore_mem>>)
      %dma_start3A_60 = arith.constant 2 : i32
      %dma_start3A_61 = arith.constant 2 : i32
      %dma_start3A_62 = arith.constant 0 : i32
      %dma_start3A_63 = arith.constant 0 : i32
      %dma_start3A_64 = tpu.memref_slice %arg9[%dma_start3A_61, %dma_start3A_62, %dma_start3A_63] : memref<4x64x128xf32, #tpu.memory_space<vmem>> -> memref<1x64x128xf32, #tpu.memory_space<vmem>>
      %dma_start3A_65 = tpu.memref_squeeze %dma_start3A_64 : memref<1x64x128xf32, #tpu.memory_space<vmem>> -> memref<64x128xf32, #tpu.memory_space<vmem>>
      %dma_start3A_66 = arith.constant 0 : i32
      %dma_start3A_67 = tpu.memref_slice %arg7[%dma_start3A_60, %dma_start3A_66] : memref<16x64xi32, #tpu.memory_space<vmem>> -> memref<1x64xi32, #tpu.memory_space<vmem>>
      %dma_start3A_68 = tpu.memref_squeeze %dma_start3A_67 : memref<1x64xi32, #tpu.memory_space<vmem>> -> memref<64xi32, #tpu.memory_space<vmem>>
      %dma_start3A_69 = arith.constant 0 : i32
      %dma_start3A_70 = arith.constant 0 : i32
      %dma_start3A_71 = tpu.memref_slice %arg2[%dma_start3A_69, %dma_start3A_70] : memref<10000x128xf32, #tpu.memory_space<hbm>> -> memref<10000x128xf32, #tpu.memory_space<hbm>>
      tpu.enqueue_indirect_dma source(%dma_start3A_71 : memref<10000x128xf32, #tpu.memory_space<hbm>>) target(%dma_start3A_65 : memref<64x128xf32, #tpu.memory_space<vmem>>) offsets(%dma_start3A_68 : memref<64xi32, #tpu.memory_space<vmem>>) semaphore(%arg16 : memref<!tpu.dma_semaphore, #tpu.memory_space<semaphore_mem>>)
      %scan3A_72 = arith.constant 0 : i32
      %scan3A_73 = arith.constant 0 : i32
      %scan3A_74 = arith.constant 4 : i32
      %scan3A_75 = arith.addi %scan3A_73, %scan3A_74 : i32
      %scan3A_76 = arith.constant 1 : i32
      scf.for %scan3A_101 = %scan3A_73 to %scan3A_75 step %scan3A_76  : i32 {
        %mul3A_102 = arith.constant 4 : i32
        %mul3A_103 = arith.muli %mul3A_102, %scan3A_101 : i32
        %add3A_104 = arith.constant 0 : i32
        %add3A_105 = arith.addi %mul3A_103, %add3A_104 : i32
        %dma_wait3A_106 = arith.constant 0 : i32
        %dma_wait3A_107 = arith.constant 0 : i32
        %dma_wait3A_108 = arith.constant 0 : i32
        %dma_wait3A_109 = tpu.memref_slice %arg9[%dma_wait3A_106, %dma_wait3A_107, %dma_wait3A_108] : memref<4x64x128xf32, #tpu.memory_space<vmem>> -> memref<1x64x128xf32, #tpu.memory_space<vmem>>
        %dma_wait3A_110 = tpu.memref_squeeze %dma_wait3A_109 : memref<1x64x128xf32, #tpu.memory_space<vmem>> -> memref<64x128xf32, #tpu.memory_space<vmem>>
        %dma_wait3A_111 = arith.constant 0 : i32
        %dma_wait3A_112 = arith.constant 0 : i32
        %dma_wait3A_113 = tpu.memref_slice %arg2[%dma_wait3A_111, %dma_wait3A_112] : memref<10000x128xf32, #tpu.memory_space<hbm>> -> memref<64x128xf32, #tpu.memory_space<hbm>>
        %dma_wait3A_114 = arith.constant 0 : i32
        %dma_wait3A_115 = arith.constant 0 : i32
        %dma_wait3A_116 = tpu.memref_slice %arg9[%dma_wait3A_106, %dma_wait3A_114, %dma_wait3A_115] : memref<4x64x128xf32, #tpu.memory_space<vmem>> -> memref<1x64x128xf32, #tpu.memory_space<vmem>>
        %dma_wait3A_117 = tpu.memref_squeeze %dma_wait3A_116 : memref<1x64x128xf32, #tpu.memory_space<vmem>> -> memref<64x128xf32, #tpu.memory_space<vmem>>
        %dma_wait3A_118 = arith.constant 0 : i32
        %dma_wait3A_119 = arith.constant 0 : i32
        %dma_wait3A_120 = tpu.memref_slice %arg2[%dma_wait3A_118, %dma_wait3A_119] : memref<10000x128xf32, #tpu.memory_space<hbm>> -> memref<64x128xf32, #tpu.memory_space<hbm>>
        tpu.wait_dma2 semaphore(%arg14 : memref<!tpu.dma_semaphore, #tpu.memory_space<semaphore_mem>>) src(%dma_wait3A_120 : memref<64x128xf32, #tpu.memory_space<hbm>>) dst(%dma_wait3A_117 : memref<64x128xf32, #tpu.memory_space<vmem>>)
        %gt3A = arith.constant 0 : i32
        %gt3A_121 = arith.cmpi sgt, %add3A_105, %gt3A : i32
        %convert_element_type3A = arith.extui %gt3A_121 : i1 to i32
        %cond3A = arith.constant 0 : i32
        %cond3A_122 = arith.cmpi ne, %convert_element_type3A, %cond3A : i32
        scf.if %cond3A_122 {
          %dma_wait3A_297 = arith.constant 3 : i32
          %dma_wait3A_298 = arith.constant 0 : i32
          %dma_wait3A_299 = arith.constant 0 : i32
          %dma_wait3A_300 = tpu.memref_slice %arg9[%dma_wait3A_297, %dma_wait3A_298, %dma_wait3A_299] : memref<4x64x128xf32, #tpu.memory_space<vmem>> -> memref<1x64x128xf32, #tpu.memory_space<vmem>>
          %dma_wait3A_301 = tpu.memref_squeeze %dma_wait3A_300 : memref<1x64x128xf32, #tpu.memory_space<vmem>> -> memref<64x128xf32, #tpu.memory_space<vmem>>
          %dma_wait3A_302 = arith.constant 0 : i32
          %dma_wait3A_303 = arith.constant 0 : i32
          %dma_wait3A_304 = tpu.memref_slice %arg2[%dma_wait3A_302, %dma_wait3A_303] : memref<10000x128xf32, #tpu.memory_space<hbm>> -> memref<64x128xf32, #tpu.memory_space<hbm>>
          %dma_wait3A_305 = arith.constant 0 : i32
          %dma_wait3A_306 = arith.constant 0 : i32
          %dma_wait3A_307 = tpu.memref_slice %arg9[%dma_wait3A_297, %dma_wait3A_305, %dma_wait3A_306] : memref<4x64x128xf32, #tpu.memory_space<vmem>> -> memref<1x64x128xf32, #tpu.memory_space<vmem>>
          %dma_wait3A_308 = tpu.memref_squeeze %dma_wait3A_307 : memref<1x64x128xf32, #tpu.memory_space<vmem>> -> memref<64x128xf32, #tpu.memory_space<vmem>>
          %dma_wait3A_309 = arith.constant 0 : i32
          %dma_wait3A_310 = arith.constant 0 : i32
          %dma_wait3A_311 = tpu.memref_slice %arg2[%dma_wait3A_309, %dma_wait3A_310] : memref<10000x128xf32, #tpu.memory_space<hbm>> -> memref<64x128xf32, #tpu.memory_space<hbm>>
          tpu.wait_dma2 semaphore(%arg21 : memref<!tpu.dma_semaphore, #tpu.memory_space<semaphore_mem>>) src(%dma_wait3A_311 : memref<64x128xf32, #tpu.memory_space<hbm>>) dst(%dma_wait3A_308 : memref<64x128xf32, #tpu.memory_space<vmem>>)
          %dma_wait3A_312 = arith.constant 0 : i32
          %dma_wait3A_313 = arith.constant 0 : i32
          %dma_wait3A_314 = arith.constant 0 : i32
          %dma_wait3A_315 = tpu.memref_slice %arg6[%dma_wait3A_312, %dma_wait3A_313, %dma_wait3A_314] : memref<2x1024x16xf32, #tpu.memory_space<hbm>> -> memref<1x64x16xf32, #tpu.memory_space<hbm>>
          %dma_wait3A_316 = tpu.memref_squeeze %dma_wait3A_315 : memref<1x64x16xf32, #tpu.memory_space<hbm>> -> memref<64x16xf32, #tpu.memory_space<hbm>>
          %dma_wait3A_317 = arith.constant 0 : i32
          %dma_wait3A_318 = arith.constant 0 : i32
          %dma_wait3A_319 = tpu.memref_slice %arg6[%dma_wait3A_312, %dma_wait3A_317, %dma_wait3A_318] : memref<2x1024x16xf32, #tpu.memory_space<hbm>> -> memref<1x64x16xf32, #tpu.memory_space<hbm>>
          %dma_wait3A_320 = tpu.memref_squeeze %dma_wait3A_319 : memref<1x64x16xf32, #tpu.memory_space<hbm>> -> memref<64x16xf32, #tpu.memory_space<hbm>>
          tpu.wait_dma2 semaphore(%arg25 : memref<!tpu.dma_semaphore, #tpu.memory_space<semaphore_mem>>) src(%dma_wait3A_320 : memref<64x16xf32, #tpu.memory_space<hbm>>) dst(%arg10 : memref<64x16xf32, #tpu.memory_space<vmem>>)
        } else {
        }
        %add3A_123 = arith.constant 4 : i32
        %add3A_124 = arith.addi %add3A_105, %add3A_123 : i32
        %sub3A = arith.constant 1 : i32
        %sub3A_125 = arith.subi %add3A_124, %sub3A : i32
        %lt3A = arith.constant 16 : i32
        %lt3A_126 = arith.cmpi slt, %sub3A_125, %lt3A : i32
        %convert_element_type3A_127 = arith.extui %lt3A_126 : i1 to i32
        %cond3A_128 = arith.constant 0 : i32
        %cond3A_129 = arith.cmpi ne, %convert_element_type3A_127, %cond3A_128 : i32
        scf.if %cond3A_129 {
          %add3A_297 = arith.constant 4 : i32
          %add3A_298 = arith.addi %add3A_105, %add3A_297 : i32
          %sub3A_299 = arith.constant 1 : i32
          %sub3A_300 = arith.subi %add3A_298, %sub3A_299 : i32
          %dma_start3A_301 = arith.constant 3 : i32
          %dma_start3A_302 = arith.constant 0 : i32
          %dma_start3A_303 = arith.constant 0 : i32
          %dma_start3A_304 = tpu.memref_slice %arg9[%dma_start3A_301, %dma_start3A_302, %dma_start3A_303] : memref<4x64x128xf32, #tpu.memory_space<vmem>> -> memref<1x64x128xf32, #tpu.memory_space<vmem>>
          %dma_start3A_305 = tpu.memref_squeeze %dma_start3A_304 : memref<1x64x128xf32, #tpu.memory_space<vmem>> -> memref<64x128xf32, #tpu.memory_space<vmem>>
          %dma_start3A_306 = arith.constant 0 : i32
          %dma_start3A_307 = tpu.memref_slice %arg7[%sub3A_300, %dma_start3A_306] : memref<16x64xi32, #tpu.memory_space<vmem>> -> memref<1x64xi32, #tpu.memory_space<vmem>>
          %dma_start3A_308 = tpu.memref_squeeze %dma_start3A_307 : memref<1x64xi32, #tpu.memory_space<vmem>> -> memref<64xi32, #tpu.memory_space<vmem>>
          %dma_start3A_309 = arith.constant 0 : i32
          %dma_start3A_310 = arith.constant 0 : i32
          %dma_start3A_311 = tpu.memref_slice %arg2[%dma_start3A_309, %dma_start3A_310] : memref<10000x128xf32, #tpu.memory_space<hbm>> -> memref<10000x128xf32, #tpu.memory_space<hbm>>
          tpu.enqueue_indirect_dma source(%dma_start3A_311 : memref<10000x128xf32, #tpu.memory_space<hbm>>) target(%dma_start3A_305 : memref<64x128xf32, #tpu.memory_space<vmem>>) offsets(%dma_start3A_308 : memref<64xi32, #tpu.memory_space<vmem>>) semaphore(%arg17 : memref<!tpu.dma_semaphore, #tpu.memory_space<semaphore_mem>>)
        } else {
        }
        %dma_start3A_130 = arith.constant 0 : i32
        %dma_start3A_131 = arith.constant 0 : i32
        %dma_start3A_132 = arith.constant 0 : i32
        %dma_start3A_133 = tpu.memref_slice %arg9[%dma_start3A_130, %dma_start3A_131, %dma_start3A_132] : memref<4x64x128xf32, #tpu.memory_space<vmem>> -> memref<1x64x128xf32, #tpu.memory_space<vmem>>
        %dma_start3A_134 = tpu.memref_squeeze %dma_start3A_133 : memref<1x64x128xf32, #tpu.memory_space<vmem>> -> memref<64x128xf32, #tpu.memory_space<vmem>>
        %dma_start3A_135 = arith.constant 0 : i32
        %dma_start3A_136 = tpu.memref_slice %arg8[%add3A_105, %dma_start3A_135] : memref<16x64xi32, #tpu.memory_space<vmem>> -> memref<1x64xi32, #tpu.memory_space<vmem>>
        %dma_start3A_137 = tpu.memref_squeeze %dma_start3A_136 : memref<1x64xi32, #tpu.memory_space<vmem>> -> memref<64xi32, #tpu.memory_space<vmem>>
        %dma_start3A_138 = arith.constant 0 : i32
        %dma_start3A_139 = arith.constant 0 : i32
        %dma_start3A_140 = tpu.memref_slice %arg12[%dma_start3A_138, %dma_start3A_139] : memref<1024x128xf32, #tpu.memory_space<vmem_shared>> -> memref<1024x128xf32, #tpu.memory_space<vmem_shared>>
        tpu.enqueue_indirect_dma source(%dma_start3A_134 : memref<64x128xf32, #tpu.memory_space<vmem>>) target(%dma_start3A_140 : memref<1024x128xf32, #tpu.memory_space<vmem_shared>>) offsets(%dma_start3A_137 : memref<64xi32, #tpu.memory_space<vmem>>) semaphore(%arg18 : memref<!tpu.dma_semaphore, #tpu.memory_space<semaphore_mem>>) {add = true}
        %dma_start3A_141 = arith.constant 0 : i32
        %dma_start3A_142 = tpu.memref_slice %arg8[%add3A_105, %dma_start3A_141] : memref<16x64xi32, #tpu.memory_space<vmem>> -> memref<1x64xi32, #tpu.memory_space<vmem>>
        %dma_start3A_143 = tpu.memref_squeeze %dma_start3A_142 : memref<1x64xi32, #tpu.memory_space<vmem>> -> memref<64xi32, #tpu.memory_space<vmem>>
        %dma_start3A_144 = arith.constant 0 : i32
        %dma_start3A_145 = arith.constant 0 : i32
        %dma_start3A_146 = tpu.memref_slice %arg13[%dma_start3A_144, %dma_start3A_145] : memref<1024x16xf32, #tpu.memory_space<vmem_shared>> -> memref<1024x16xf32, #tpu.memory_space<vmem_shared>>
        tpu.enqueue_indirect_dma source(%arg10 : memref<64x16xf32, #tpu.memory_space<vmem>>) target(%dma_start3A_146 : memref<1024x16xf32, #tpu.memory_space<vmem_shared>>) offsets(%dma_start3A_143 : memref<64xi32, #tpu.memory_space<vmem>>) semaphore(%arg22 : memref<!tpu.dma_semaphore, #tpu.memory_space<semaphore_mem>>) {add = true}
        %mul3A_147 = arith.constant 4 : i32
        %mul3A_148 = arith.muli %mul3A_147, %scan3A_101 : i32
        %add3A_149 = arith.constant 1 : i32
        %add3A_150 = arith.addi %mul3A_148, %add3A_149 : i32
        %dma_wait3A_151 = arith.constant 1 : i32
        %dma_wait3A_152 = arith.constant 0 : i32
        %dma_wait3A_153 = arith.constant 0 : i32
        %dma_wait3A_154 = tpu.memref_slice %arg9[%dma_wait3A_151, %dma_wait3A_152, %dma_wait3A_153] : memref<4x64x128xf32, #tpu.memory_space<vmem>> -> memref<1x64x128xf32, #tpu.memory_space<vmem>>
        %dma_wait3A_155 = tpu.memref_squeeze %dma_wait3A_154 : memref<1x64x128xf32, #tpu.memory_space<vmem>> -> memref<64x128xf32, #tpu.memory_space<vmem>>
        %dma_wait3A_156 = arith.constant 0 : i32
        %dma_wait3A_157 = arith.constant 0 : i32
        %dma_wait3A_158 = tpu.memref_slice %arg2[%dma_wait3A_156, %dma_wait3A_157] : memref<10000x128xf32, #tpu.memory_space<hbm>> -> memref<64x128xf32, #tpu.memory_space<hbm>>
        %dma_wait3A_159 = arith.constant 0 : i32
        %dma_wait3A_160 = arith.constant 0 : i32
        %dma_wait3A_161 = tpu.memref_slice %arg9[%dma_wait3A_151, %dma_wait3A_159, %dma_wait3A_160] : memref<4x64x128xf32, #tpu.memory_space<vmem>> -> memref<1x64x128xf32, #tpu.memory_space<vmem>>
        %dma_wait3A_162 = tpu.memref_squeeze %dma_wait3A_161 : memref<1x64x128xf32, #tpu.memory_space<vmem>> -> memref<64x128xf32, #tpu.memory_space<vmem>>
        %dma_wait3A_163 = arith.constant 0 : i32
        %dma_wait3A_164 = arith.constant 0 : i32
        %dma_wait3A_165 = tpu.memref_slice %arg2[%dma_wait3A_163, %dma_wait3A_164] : memref<10000x128xf32, #tpu.memory_space<hbm>> -> memref<64x128xf32, #tpu.memory_space<hbm>>
        tpu.wait_dma2 semaphore(%arg15 : memref<!tpu.dma_semaphore, #tpu.memory_space<semaphore_mem>>) src(%dma_wait3A_165 : memref<64x128xf32, #tpu.memory_space<hbm>>) dst(%dma_wait3A_162 : memref<64x128xf32, #tpu.memory_space<vmem>>)
        %gt3A_166 = arith.constant 0 : i32
        %gt3A_167 = arith.cmpi sgt, %add3A_150, %gt3A_166 : i32
        %convert_element_type3A_168 = arith.extui %gt3A_167 : i1 to i32
        %cond3A_169 = arith.constant 0 : i32
        %cond3A_170 = arith.cmpi ne, %convert_element_type3A_168, %cond3A_169 : i32
        scf.if %cond3A_170 {
          %dma_wait3A_297 = arith.constant 0 : i32
          %dma_wait3A_298 = arith.constant 0 : i32
          %dma_wait3A_299 = arith.constant 0 : i32
          %dma_wait3A_300 = tpu.memref_slice %arg9[%dma_wait3A_297, %dma_wait3A_298, %dma_wait3A_299] : memref<4x64x128xf32, #tpu.memory_space<vmem>> -> memref<1x64x128xf32, #tpu.memory_space<vmem>>
          %dma_wait3A_301 = tpu.memref_squeeze %dma_wait3A_300 : memref<1x64x128xf32, #tpu.memory_space<vmem>> -> memref<64x128xf32, #tpu.memory_space<vmem>>
          %dma_wait3A_302 = arith.constant 0 : i32
          %dma_wait3A_303 = arith.constant 0 : i32
          %dma_wait3A_304 = tpu.memref_slice %arg2[%dma_wait3A_302, %dma_wait3A_303] : memref<10000x128xf32, #tpu.memory_space<hbm>> -> memref<64x128xf32, #tpu.memory_space<hbm>>
          %dma_wait3A_305 = arith.constant 0 : i32
          %dma_wait3A_306 = arith.constant 0 : i32
          %dma_wait3A_307 = tpu.memref_slice %arg9[%dma_wait3A_297, %dma_wait3A_305, %dma_wait3A_306] : memref<4x64x128xf32, #tpu.memory_space<vmem>> -> memref<1x64x128xf32, #tpu.memory_space<vmem>>
          %dma_wait3A_308 = tpu.memref_squeeze %dma_wait3A_307 : memref<1x64x128xf32, #tpu.memory_space<vmem>> -> memref<64x128xf32, #tpu.memory_space<vmem>>
          %dma_wait3A_309 = arith.constant 0 : i32
          %dma_wait3A_310 = arith.constant 0 : i32
          %dma_wait3A_311 = tpu.memref_slice %arg2[%dma_wait3A_309, %dma_wait3A_310] : memref<10000x128xf32, #tpu.memory_space<hbm>> -> memref<64x128xf32, #tpu.memory_space<hbm>>
          tpu.wait_dma2 semaphore(%arg18 : memref<!tpu.dma_semaphore, #tpu.memory_space<semaphore_mem>>) src(%dma_wait3A_311 : memref<64x128xf32, #tpu.memory_space<hbm>>) dst(%dma_wait3A_308 : memref<64x128xf32, #tpu.memory_space<vmem>>)
          %dma_wait3A_312 = arith.constant 0 : i32
          %dma_wait3A_313 = arith.constant 0 : i32
          %dma_wait3A_314 = arith.constant 0 : i32
          %dma_wait3A_315 = tpu.memref_slice %arg6[%dma_wait3A_312, %dma_wait3A_313, %dma_wait3A_314] : memref<2x1024x16xf32, #tpu.memory_space<hbm>> -> memref<1x64x16xf32, #tpu.memory_space<hbm>>
          %dma_wait3A_316 = tpu.memref_squeeze %dma_wait3A_315 : memref<1x64x16xf32, #tpu.memory_space<hbm>> -> memref<64x16xf32, #tpu.memory_space<hbm>>
          %dma_wait3A_317 = arith.constant 0 : i32
          %dma_wait3A_318 = arith.constant 0 : i32
          %dma_wait3A_319 = tpu.memref_slice %arg6[%dma_wait3A_312, %dma_wait3A_317, %dma_wait3A_318] : memref<2x1024x16xf32, #tpu.memory_space<hbm>> -> memref<1x64x16xf32, #tpu.memory_space<hbm>>
          %dma_wait3A_320 = tpu.memref_squeeze %dma_wait3A_319 : memref<1x64x16xf32, #tpu.memory_space<hbm>> -> memref<64x16xf32, #tpu.memory_space<hbm>>
          tpu.wait_dma2 semaphore(%arg22 : memref<!tpu.dma_semaphore, #tpu.memory_space<semaphore_mem>>) src(%dma_wait3A_320 : memref<64x16xf32, #tpu.memory_space<hbm>>) dst(%arg10 : memref<64x16xf32, #tpu.memory_space<vmem>>)
        } else {
        }
        %add3A_171 = arith.constant 4 : i32
        %add3A_172 = arith.addi %add3A_150, %add3A_171 : i32
        %sub3A_173 = arith.constant 1 : i32
        %sub3A_174 = arith.subi %add3A_172, %sub3A_173 : i32
        %lt3A_175 = arith.constant 16 : i32
        %lt3A_176 = arith.cmpi slt, %sub3A_174, %lt3A_175 : i32
        %convert_element_type3A_177 = arith.extui %lt3A_176 : i1 to i32
        %cond3A_178 = arith.constant 0 : i32
        %cond3A_179 = arith.cmpi ne, %convert_element_type3A_177, %cond3A_178 : i32
        scf.if %cond3A_179 {
          %add3A_297 = arith.constant 4 : i32
          %add3A_298 = arith.addi %add3A_150, %add3A_297 : i32
          %sub3A_299 = arith.constant 1 : i32
          %sub3A_300 = arith.subi %add3A_298, %sub3A_299 : i32
          %dma_start3A_301 = arith.constant 0 : i32
          %dma_start3A_302 = arith.constant 0 : i32
          %dma_start3A_303 = arith.constant 0 : i32
          %dma_start3A_304 = tpu.memref_slice %arg9[%dma_start3A_301, %dma_start3A_302, %dma_start3A_303] : memref<4x64x128xf32, #tpu.memory_space<vmem>> -> memref<1x64x128xf32, #tpu.memory_space<vmem>>
          %dma_start3A_305 = tpu.memref_squeeze %dma_start3A_304 : memref<1x64x128xf32, #tpu.memory_space<vmem>> -> memref<64x128xf32, #tpu.memory_space<vmem>>
          %dma_start3A_306 = arith.constant 0 : i32
          %dma_start3A_307 = tpu.memref_slice %arg7[%sub3A_300, %dma_start3A_306] : memref<16x64xi32, #tpu.memory_space<vmem>> -> memref<1x64xi32, #tpu.memory_space<vmem>>
          %dma_start3A_308 = tpu.memref_squeeze %dma_start3A_307 : memref<1x64xi32, #tpu.memory_space<vmem>> -> memref<64xi32, #tpu.memory_space<vmem>>
          %dma_start3A_309 = arith.constant 0 : i32
          %dma_start3A_310 = arith.constant 0 : i32
          %dma_start3A_311 = tpu.memref_slice %arg2[%dma_start3A_309, %dma_start3A_310] : memref<10000x128xf32, #tpu.memory_space<hbm>> -> memref<10000x128xf32, #tpu.memory_space<hbm>>
          tpu.enqueue_indirect_dma source(%dma_start3A_311 : memref<10000x128xf32, #tpu.memory_space<hbm>>) target(%dma_start3A_305 : memref<64x128xf32, #tpu.memory_space<vmem>>) offsets(%dma_start3A_308 : memref<64xi32, #tpu.memory_space<vmem>>) semaphore(%arg14 : memref<!tpu.dma_semaphore, #tpu.memory_space<semaphore_mem>>)
        } else {
        }
        %dma_start3A_180 = arith.constant 1 : i32
        %dma_start3A_181 = arith.constant 0 : i32
        %dma_start3A_182 = arith.constant 0 : i32
        %dma_start3A_183 = tpu.memref_slice %arg9[%dma_start3A_180, %dma_start3A_181, %dma_start3A_182] : memref<4x64x128xf32, #tpu.memory_space<vmem>> -> memref<1x64x128xf32, #tpu.memory_space<vmem>>
        %dma_start3A_184 = tpu.memref_squeeze %dma_start3A_183 : memref<1x64x128xf32, #tpu.memory_space<vmem>> -> memref<64x128xf32, #tpu.memory_space<vmem>>
        %dma_start3A_185 = arith.constant 0 : i32
        %dma_start3A_186 = tpu.memref_slice %arg8[%add3A_150, %dma_start3A_185] : memref<16x64xi32, #tpu.memory_space<vmem>> -> memref<1x64xi32, #tpu.memory_space<vmem>>
        %dma_start3A_187 = tpu.memref_squeeze %dma_start3A_186 : memref<1x64xi32, #tpu.memory_space<vmem>> -> memref<64xi32, #tpu.memory_space<vmem>>
        %dma_start3A_188 = arith.constant 0 : i32
        %dma_start3A_189 = arith.constant 0 : i32
        %dma_start3A_190 = tpu.memref_slice %arg12[%dma_start3A_188, %dma_start3A_189] : memref<1024x128xf32, #tpu.memory_space<vmem_shared>> -> memref<1024x128xf32, #tpu.memory_space<vmem_shared>>
        tpu.enqueue_indirect_dma source(%dma_start3A_184 : memref<64x128xf32, #tpu.memory_space<vmem>>) target(%dma_start3A_190 : memref<1024x128xf32, #tpu.memory_space<vmem_shared>>) offsets(%dma_start3A_187 : memref<64xi32, #tpu.memory_space<vmem>>) semaphore(%arg19 : memref<!tpu.dma_semaphore, #tpu.memory_space<semaphore_mem>>) {add = true}
        %dma_start3A_191 = arith.constant 0 : i32
        %dma_start3A_192 = tpu.memref_slice %arg8[%add3A_150, %dma_start3A_191] : memref<16x64xi32, #tpu.memory_space<vmem>> -> memref<1x64xi32, #tpu.memory_space<vmem>>
        %dma_start3A_193 = tpu.memref_squeeze %dma_start3A_192 : memref<1x64xi32, #tpu.memory_space<vmem>> -> memref<64xi32, #tpu.memory_space<vmem>>
        %dma_start3A_194 = arith.constant 0 : i32
        %dma_start3A_195 = arith.constant 0 : i32
        %dma_start3A_196 = tpu.memref_slice %arg13[%dma_start3A_194, %dma_start3A_195] : memref<1024x16xf32, #tpu.memory_space<vmem_shared>> -> memref<1024x16xf32, #tpu.memory_space<vmem_shared>>
        tpu.enqueue_indirect_dma source(%arg10 : memref<64x16xf32, #tpu.memory_space<vmem>>) target(%dma_start3A_196 : memref<1024x16xf32, #tpu.memory_space<vmem_shared>>) offsets(%dma_start3A_193 : memref<64xi32, #tpu.memory_space<vmem>>) semaphore(%arg23 : memref<!tpu.dma_semaphore, #tpu.memory_space<semaphore_mem>>) {add = true}
        %mul3A_197 = arith.constant 4 : i32
        %mul3A_198 = arith.muli %mul3A_197, %scan3A_101 : i32
        %add3A_199 = arith.constant 2 : i32
        %add3A_200 = arith.addi %mul3A_198, %add3A_199 : i32
        %dma_wait3A_201 = arith.constant 2 : i32
        %dma_wait3A_202 = arith.constant 0 : i32
        %dma_wait3A_203 = arith.constant 0 : i32
        %dma_wait3A_204 = tpu.memref_slice %arg9[%dma_wait3A_201, %dma_wait3A_202, %dma_wait3A_203] : memref<4x64x128xf32, #tpu.memory_space<vmem>> -> memref<1x64x128xf32, #tpu.memory_space<vmem>>
        %dma_wait3A_205 = tpu.memref_squeeze %dma_wait3A_204 : memref<1x64x128xf32, #tpu.memory_space<vmem>> -> memref<64x128xf32, #tpu.memory_space<vmem>>
        %dma_wait3A_206 = arith.constant 0 : i32
        %dma_wait3A_207 = arith.constant 0 : i32
        %dma_wait3A_208 = tpu.memref_slice %arg2[%dma_wait3A_206, %dma_wait3A_207] : memref<10000x128xf32, #tpu.memory_space<hbm>> -> memref<64x128xf32, #tpu.memory_space<hbm>>
        %dma_wait3A_209 = arith.constant 0 : i32
        %dma_wait3A_210 = arith.constant 0 : i32
        %dma_wait3A_211 = tpu.memref_slice %arg9[%dma_wait3A_201, %dma_wait3A_209, %dma_wait3A_210] : memref<4x64x128xf32, #tpu.memory_space<vmem>> -> memref<1x64x128xf32, #tpu.memory_space<vmem>>
        %dma_wait3A_212 = tpu.memref_squeeze %dma_wait3A_211 : memref<1x64x128xf32, #tpu.memory_space<vmem>> -> memref<64x128xf32, #tpu.memory_space<vmem>>
        %dma_wait3A_213 = arith.constant 0 : i32
        %dma_wait3A_214 = arith.constant 0 : i32
        %dma_wait3A_215 = tpu.memref_slice %arg2[%dma_wait3A_213, %dma_wait3A_214] : memref<10000x128xf32, #tpu.memory_space<hbm>> -> memref<64x128xf32, #tpu.memory_space<hbm>>
        tpu.wait_dma2 semaphore(%arg16 : memref<!tpu.dma_semaphore, #tpu.memory_space<semaphore_mem>>) src(%dma_wait3A_215 : memref<64x128xf32, #tpu.memory_space<hbm>>) dst(%dma_wait3A_212 : memref<64x128xf32, #tpu.memory_space<vmem>>)
        %gt3A_216 = arith.constant 0 : i32
        %gt3A_217 = arith.cmpi sgt, %add3A_200, %gt3A_216 : i32
        %convert_element_type3A_218 = arith.extui %gt3A_217 : i1 to i32
        %cond3A_219 = arith.constant 0 : i32
        %cond3A_220 = arith.cmpi ne, %convert_element_type3A_218, %cond3A_219 : i32
        scf.if %cond3A_220 {
          %dma_wait3A_297 = arith.constant 1 : i32
          %dma_wait3A_298 = arith.constant 0 : i32
          %dma_wait3A_299 = arith.constant 0 : i32
          %dma_wait3A_300 = tpu.memref_slice %arg9[%dma_wait3A_297, %dma_wait3A_298, %dma_wait3A_299] : memref<4x64x128xf32, #tpu.memory_space<vmem>> -> memref<1x64x128xf32, #tpu.memory_space<vmem>>
          %dma_wait3A_301 = tpu.memref_squeeze %dma_wait3A_300 : memref<1x64x128xf32, #tpu.memory_space<vmem>> -> memref<64x128xf32, #tpu.memory_space<vmem>>
          %dma_wait3A_302 = arith.constant 0 : i32
          %dma_wait3A_303 = arith.constant 0 : i32
          %dma_wait3A_304 = tpu.memref_slice %arg2[%dma_wait3A_302, %dma_wait3A_303] : memref<10000x128xf32, #tpu.memory_space<hbm>> -> memref<64x128xf32, #tpu.memory_space<hbm>>
          %dma_wait3A_305 = arith.constant 0 : i32
          %dma_wait3A_306 = arith.constant 0 : i32
          %dma_wait3A_307 = tpu.memref_slice %arg9[%dma_wait3A_297, %dma_wait3A_305, %dma_wait3A_306] : memref<4x64x128xf32, #tpu.memory_space<vmem>> -> memref<1x64x128xf32, #tpu.memory_space<vmem>>
          %dma_wait3A_308 = tpu.memref_squeeze %dma_wait3A_307 : memref<1x64x128xf32, #tpu.memory_space<vmem>> -> memref<64x128xf32, #tpu.memory_space<vmem>>
          %dma_wait3A_309 = arith.constant 0 : i32
          %dma_wait3A_310 = arith.constant 0 : i32
          %dma_wait3A_311 = tpu.memref_slice %arg2[%dma_wait3A_309, %dma_wait3A_310] : memref<10000x128xf32, #tpu.memory_space<hbm>> -> memref<64x128xf32, #tpu.memory_space<hbm>>
          tpu.wait_dma2 semaphore(%arg19 : memref<!tpu.dma_semaphore, #tpu.memory_space<semaphore_mem>>) src(%dma_wait3A_311 : memref<64x128xf32, #tpu.memory_space<hbm>>) dst(%dma_wait3A_308 : memref<64x128xf32, #tpu.memory_space<vmem>>)
          %dma_wait3A_312 = arith.constant 0 : i32
          %dma_wait3A_313 = arith.constant 0 : i32
          %dma_wait3A_314 = arith.constant 0 : i32
          %dma_wait3A_315 = tpu.memref_slice %arg6[%dma_wait3A_312, %dma_wait3A_313, %dma_wait3A_314] : memref<2x1024x16xf32, #tpu.memory_space<hbm>> -> memref<1x64x16xf32, #tpu.memory_space<hbm>>
          %dma_wait3A_316 = tpu.memref_squeeze %dma_wait3A_315 : memref<1x64x16xf32, #tpu.memory_space<hbm>> -> memref<64x16xf32, #tpu.memory_space<hbm>>
          %dma_wait3A_317 = arith.constant 0 : i32
          %dma_wait3A_318 = arith.constant 0 : i32
          %dma_wait3A_319 = tpu.memref_slice %arg6[%dma_wait3A_312, %dma_wait3A_317, %dma_wait3A_318] : memref<2x1024x16xf32, #tpu.memory_space<hbm>> -> memref<1x64x16xf32, #tpu.memory_space<hbm>>
          %dma_wait3A_320 = tpu.memref_squeeze %dma_wait3A_319 : memref<1x64x16xf32, #tpu.memory_space<hbm>> -> memref<64x16xf32, #tpu.memory_space<hbm>>
          tpu.wait_dma2 semaphore(%arg23 : memref<!tpu.dma_semaphore, #tpu.memory_space<semaphore_mem>>) src(%dma_wait3A_320 : memref<64x16xf32, #tpu.memory_space<hbm>>) dst(%arg10 : memref<64x16xf32, #tpu.memory_space<vmem>>)
        } else {
        }
        %add3A_221 = arith.constant 4 : i32
        %add3A_222 = arith.addi %add3A_200, %add3A_221 : i32
        %sub3A_223 = arith.constant 1 : i32
        %sub3A_224 = arith.subi %add3A_222, %sub3A_223 : i32
        %lt3A_225 = arith.constant 16 : i32
        %lt3A_226 = arith.cmpi slt, %sub3A_224, %lt3A_225 : i32
        %convert_element_type3A_227 = arith.extui %lt3A_226 : i1 to i32
        %cond3A_228 = arith.constant 0 : i32
        %cond3A_229 = arith.cmpi ne, %convert_element_type3A_227, %cond3A_228 : i32
        scf.if %cond3A_229 {
          %add3A_297 = arith.constant 4 : i32
          %add3A_298 = arith.addi %add3A_200, %add3A_297 : i32
          %sub3A_299 = arith.constant 1 : i32
          %sub3A_300 = arith.subi %add3A_298, %sub3A_299 : i32
          %dma_start3A_301 = arith.constant 1 : i32
          %dma_start3A_302 = arith.constant 0 : i32
          %dma_start3A_303 = arith.constant 0 : i32
          %dma_start3A_304 = tpu.memref_slice %arg9[%dma_start3A_301, %dma_start3A_302, %dma_start3A_303] : memref<4x64x128xf32, #tpu.memory_space<vmem>> -> memref<1x64x128xf32, #tpu.memory_space<vmem>>
          %dma_start3A_305 = tpu.memref_squeeze %dma_start3A_304 : memref<1x64x128xf32, #tpu.memory_space<vmem>> -> memref<64x128xf32, #tpu.memory_space<vmem>>
          %dma_start3A_306 = arith.constant 0 : i32
          %dma_start3A_307 = tpu.memref_slice %arg7[%sub3A_300, %dma_start3A_306] : memref<16x64xi32, #tpu.memory_space<vmem>> -> memref<1x64xi32, #tpu.memory_space<vmem>>
          %dma_start3A_308 = tpu.memref_squeeze %dma_start3A_307 : memref<1x64xi32, #tpu.memory_space<vmem>> -> memref<64xi32, #tpu.memory_space<vmem>>
          %dma_start3A_309 = arith.constant 0 : i32
          %dma_start3A_310 = arith.constant 0 : i32
          %dma_start3A_311 = tpu.memref_slice %arg2[%dma_start3A_309, %dma_start3A_310] : memref<10000x128xf32, #tpu.memory_space<hbm>> -> memref<10000x128xf32, #tpu.memory_space<hbm>>
          tpu.enqueue_indirect_dma source(%dma_start3A_311 : memref<10000x128xf32, #tpu.memory_space<hbm>>) target(%dma_start3A_305 : memref<64x128xf32, #tpu.memory_space<vmem>>) offsets(%dma_start3A_308 : memref<64xi32, #tpu.memory_space<vmem>>) semaphore(%arg15 : memref<!tpu.dma_semaphore, #tpu.memory_space<semaphore_mem>>)
        } else {
        }
        %dma_start3A_230 = arith.constant 2 : i32
        %dma_start3A_231 = arith.constant 0 : i32
        %dma_start3A_232 = arith.constant 0 : i32
        %dma_start3A_233 = tpu.memref_slice %arg9[%dma_start3A_230, %dma_start3A_231, %dma_start3A_232] : memref<4x64x128xf32, #tpu.memory_space<vmem>> -> memref<1x64x128xf32, #tpu.memory_space<vmem>>
        %dma_start3A_234 = tpu.memref_squeeze %dma_start3A_233 : memref<1x64x128xf32, #tpu.memory_space<vmem>> -> memref<64x128xf32, #tpu.memory_space<vmem>>
        %dma_start3A_235 = arith.constant 0 : i32
        %dma_start3A_236 = tpu.memref_slice %arg8[%add3A_200, %dma_start3A_235] : memref<16x64xi32, #tpu.memory_space<vmem>> -> memref<1x64xi32, #tpu.memory_space<vmem>>
        %dma_start3A_237 = tpu.memref_squeeze %dma_start3A_236 : memref<1x64xi32, #tpu.memory_space<vmem>> -> memref<64xi32, #tpu.memory_space<vmem>>
        %dma_start3A_238 = arith.constant 0 : i32
        %dma_start3A_239 = arith.constant 0 : i32
        %dma_start3A_240 = tpu.memref_slice %arg12[%dma_start3A_238, %dma_start3A_239] : memref<1024x128xf32, #tpu.memory_space<vmem_shared>> -> memref<1024x128xf32, #tpu.memory_space<vmem_shared>>
        tpu.enqueue_indirect_dma source(%dma_start3A_234 : memref<64x128xf32, #tpu.memory_space<vmem>>) target(%dma_start3A_240 : memref<1024x128xf32, #tpu.memory_space<vmem_shared>>) offsets(%dma_start3A_237 : memref<64xi32, #tpu.memory_space<vmem>>) semaphore(%arg20 : memref<!tpu.dma_semaphore, #tpu.memory_space<semaphore_mem>>) {add = true}
        %dma_start3A_241 = arith.constant 0 : i32
        %dma_start3A_242 = tpu.memref_slice %arg8[%add3A_200, %dma_start3A_241] : memref<16x64xi32, #tpu.memory_space<vmem>> -> memref<1x64xi32, #tpu.memory_space<vmem>>
        %dma_start3A_243 = tpu.memref_squeeze %dma_start3A_242 : memref<1x64xi32, #tpu.memory_space<vmem>> -> memref<64xi32, #tpu.memory_space<vmem>>
        %dma_start3A_244 = arith.constant 0 : i32
        %dma_start3A_245 = arith.constant 0 : i32
        %dma_start3A_246 = tpu.memref_slice %arg13[%dma_start3A_244, %dma_start3A_245] : memref<1024x16xf32, #tpu.memory_space<vmem_shared>> -> memref<1024x16xf32, #tpu.memory_space<vmem_shared>>
        tpu.enqueue_indirect_dma source(%arg10 : memref<64x16xf32, #tpu.memory_space<vmem>>) target(%dma_start3A_246 : memref<1024x16xf32, #tpu.memory_space<vmem_shared>>) offsets(%dma_start3A_243 : memref<64xi32, #tpu.memory_space<vmem>>) semaphore(%arg24 : memref<!tpu.dma_semaphore, #tpu.memory_space<semaphore_mem>>) {add = true}
        %mul3A_247 = arith.constant 4 : i32
        %mul3A_248 = arith.muli %mul3A_247, %scan3A_101 : i32
        %add3A_249 = arith.constant 3 : i32
        %add3A_250 = arith.addi %mul3A_248, %add3A_249 : i32
        %dma_wait3A_251 = arith.constant 3 : i32
        %dma_wait3A_252 = arith.constant 0 : i32
        %dma_wait3A_253 = arith.constant 0 : i32
        %dma_wait3A_254 = tpu.memref_slice %arg9[%dma_wait3A_251, %dma_wait3A_252, %dma_wait3A_253] : memref<4x64x128xf32, #tpu.memory_space<vmem>> -> memref<1x64x128xf32, #tpu.memory_space<vmem>>
        %dma_wait3A_255 = tpu.memref_squeeze %dma_wait3A_254 : memref<1x64x128xf32, #tpu.memory_space<vmem>> -> memref<64x128xf32, #tpu.memory_space<vmem>>
        %dma_wait3A_256 = arith.constant 0 : i32
        %dma_wait3A_257 = arith.constant 0 : i32
        %dma_wait3A_258 = tpu.memref_slice %arg2[%dma_wait3A_256, %dma_wait3A_257] : memref<10000x128xf32, #tpu.memory_space<hbm>> -> memref<64x128xf32, #tpu.memory_space<hbm>>
        %dma_wait3A_259 = arith.constant 0 : i32
        %dma_wait3A_260 = arith.constant 0 : i32
        %dma_wait3A_261 = tpu.memref_slice %arg9[%dma_wait3A_251, %dma_wait3A_259, %dma_wait3A_260] : memref<4x64x128xf32, #tpu.memory_space<vmem>> -> memref<1x64x128xf32, #tpu.memory_space<vmem>>
        %dma_wait3A_262 = tpu.memref_squeeze %dma_wait3A_261 : memref<1x64x128xf32, #tpu.memory_space<vmem>> -> memref<64x128xf32, #tpu.memory_space<vmem>>
        %dma_wait3A_263 = arith.constant 0 : i32
        %dma_wait3A_264 = arith.constant 0 : i32
        %dma_wait3A_265 = tpu.memref_slice %arg2[%dma_wait3A_263, %dma_wait3A_264] : memref<10000x128xf32, #tpu.memory_space<hbm>> -> memref<64x128xf32, #tpu.memory_space<hbm>>
        tpu.wait_dma2 semaphore(%arg17 : memref<!tpu.dma_semaphore, #tpu.memory_space<semaphore_mem>>) src(%dma_wait3A_265 : memref<64x128xf32, #tpu.memory_space<hbm>>) dst(%dma_wait3A_262 : memref<64x128xf32, #tpu.memory_space<vmem>>)
        %gt3A_266 = arith.constant 0 : i32
        %gt3A_267 = arith.cmpi sgt, %add3A_250, %gt3A_266 : i32
        %convert_element_type3A_268 = arith.extui %gt3A_267 : i1 to i32
        %cond3A_269 = arith.constant 0 : i32
        %cond3A_270 = arith.cmpi ne, %convert_element_type3A_268, %cond3A_269 : i32
        scf.if %cond3A_270 {
          %dma_wait3A_297 = arith.constant 2 : i32
          %dma_wait3A_298 = arith.constant 0 : i32
          %dma_wait3A_299 = arith.constant 0 : i32
          %dma_wait3A_300 = tpu.memref_slice %arg9[%dma_wait3A_297, %dma_wait3A_298, %dma_wait3A_299] : memref<4x64x128xf32, #tpu.memory_space<vmem>> -> memref<1x64x128xf32, #tpu.memory_space<vmem>>
          %dma_wait3A_301 = tpu.memref_squeeze %dma_wait3A_300 : memref<1x64x128xf32, #tpu.memory_space<vmem>> -> memref<64x128xf32, #tpu.memory_space<vmem>>
          %dma_wait3A_302 = arith.constant 0 : i32
          %dma_wait3A_303 = arith.constant 0 : i32
          %dma_wait3A_304 = tpu.memref_slice %arg2[%dma_wait3A_302, %dma_wait3A_303] : memref<10000x128xf32, #tpu.memory_space<hbm>> -> memref<64x128xf32, #tpu.memory_space<hbm>>
          %dma_wait3A_305 = arith.constant 0 : i32
          %dma_wait3A_306 = arith.constant 0 : i32
          %dma_wait3A_307 = tpu.memref_slice %arg9[%dma_wait3A_297, %dma_wait3A_305, %dma_wait3A_306] : memref<4x64x128xf32, #tpu.memory_space<vmem>> -> memref<1x64x128xf32, #tpu.memory_space<vmem>>
          %dma_wait3A_308 = tpu.memref_squeeze %dma_wait3A_307 : memref<1x64x128xf32, #tpu.memory_space<vmem>> -> memref<64x128xf32, #tpu.memory_space<vmem>>
          %dma_wait3A_309 = arith.constant 0 : i32
          %dma_wait3A_310 = arith.constant 0 : i32
          %dma_wait3A_311 = tpu.memref_slice %arg2[%dma_wait3A_309, %dma_wait3A_310] : memref<10000x128xf32, #tpu.memory_space<hbm>> -> memref<64x128xf32, #tpu.memory_space<hbm>>
          tpu.wait_dma2 semaphore(%arg20 : memref<!tpu.dma_semaphore, #tpu.memory_space<semaphore_mem>>) src(%dma_wait3A_311 : memref<64x128xf32, #tpu.memory_space<hbm>>) dst(%dma_wait3A_308 : memref<64x128xf32, #tpu.memory_space<vmem>>)
          %dma_wait3A_312 = arith.constant 0 : i32
          %dma_wait3A_313 = arith.constant 0 : i32
          %dma_wait3A_314 = arith.constant 0 : i32
          %dma_wait3A_315 = tpu.memref_slice %arg6[%dma_wait3A_312, %dma_wait3A_313, %dma_wait3A_314] : memref<2x1024x16xf32, #tpu.memory_space<hbm>> -> memref<1x64x16xf32, #tpu.memory_space<hbm>>
          %dma_wait3A_316 = tpu.memref_squeeze %dma_wait3A_315 : memref<1x64x16xf32, #tpu.memory_space<hbm>> -> memref<64x16xf32, #tpu.memory_space<hbm>>
          %dma_wait3A_317 = arith.constant 0 : i32
          %dma_wait3A_318 = arith.constant 0 : i32
          %dma_wait3A_319 = tpu.memref_slice %arg6[%dma_wait3A_312, %dma_wait3A_317, %dma_wait3A_318] : memref<2x1024x16xf32, #tpu.memory_space<hbm>> -> memref<1x64x16xf32, #tpu.memory_space<hbm>>
          %dma_wait3A_320 = tpu.memref_squeeze %dma_wait3A_319 : memref<1x64x16xf32, #tpu.memory_space<hbm>> -> memref<64x16xf32, #tpu.memory_space<hbm>>
          tpu.wait_dma2 semaphore(%arg24 : memref<!tpu.dma_semaphore, #tpu.memory_space<semaphore_mem>>) src(%dma_wait3A_320 : memref<64x16xf32, #tpu.memory_space<hbm>>) dst(%arg10 : memref<64x16xf32, #tpu.memory_space<vmem>>)
        } else {
        }
        %add3A_271 = arith.constant 4 : i32
        %add3A_272 = arith.addi %add3A_250, %add3A_271 : i32
        %sub3A_273 = arith.constant 1 : i32
        %sub3A_274 = arith.subi %add3A_272, %sub3A_273 : i32
        %lt3A_275 = arith.constant 16 : i32
        %lt3A_276 = arith.cmpi slt, %sub3A_274, %lt3A_275 : i32
        %convert_element_type3A_277 = arith.extui %lt3A_276 : i1 to i32
        %cond3A_278 = arith.constant 0 : i32
        %cond3A_279 = arith.cmpi ne, %convert_element_type3A_277, %cond3A_278 : i32
        scf.if %cond3A_279 {
          %add3A_297 = arith.constant 4 : i32
          %add3A_298 = arith.addi %add3A_250, %add3A_297 : i32
          %sub3A_299 = arith.constant 1 : i32
          %sub3A_300 = arith.subi %add3A_298, %sub3A_299 : i32
          %dma_start3A_301 = arith.constant 2 : i32
          %dma_start3A_302 = arith.constant 0 : i32
          %dma_start3A_303 = arith.constant 0 : i32
          %dma_start3A_304 = tpu.memref_slice %arg9[%dma_start3A_301, %dma_start3A_302, %dma_start3A_303] : memref<4x64x128xf32, #tpu.memory_space<vmem>> -> memref<1x64x128xf32, #tpu.memory_space<vmem>>
          %dma_start3A_305 = tpu.memref_squeeze %dma_start3A_304 : memref<1x64x128xf32, #tpu.memory_space<vmem>> -> memref<64x128xf32, #tpu.memory_space<vmem>>
          %dma_start3A_306 = arith.constant 0 : i32
          %dma_start3A_307 = tpu.memref_slice %arg7[%sub3A_300, %dma_start3A_306] : memref<16x64xi32, #tpu.memory_space<vmem>> -> memref<1x64xi32, #tpu.memory_space<vmem>>
          %dma_start3A_308 = tpu.memref_squeeze %dma_start3A_307 : memref<1x64xi32, #tpu.memory_space<vmem>> -> memref<64xi32, #tpu.memory_space<vmem>>
          %dma_start3A_309 = arith.constant 0 : i32
          %dma_start3A_310 = arith.constant 0 : i32
          %dma_start3A_311 = tpu.memref_slice %arg2[%dma_start3A_309, %dma_start3A_310] : memref<10000x128xf32, #tpu.memory_space<hbm>> -> memref<10000x128xf32, #tpu.memory_space<hbm>>
          tpu.enqueue_indirect_dma source(%dma_start3A_311 : memref<10000x128xf32, #tpu.memory_space<hbm>>) target(%dma_start3A_305 : memref<64x128xf32, #tpu.memory_space<vmem>>) offsets(%dma_start3A_308 : memref<64xi32, #tpu.memory_space<vmem>>) semaphore(%arg16 : memref<!tpu.dma_semaphore, #tpu.memory_space<semaphore_mem>>)
        } else {
        }
        %dma_start3A_280 = arith.constant 3 : i32
        %dma_start3A_281 = arith.constant 0 : i32
        %dma_start3A_282 = arith.constant 0 : i32
        %dma_start3A_283 = tpu.memref_slice %arg9[%dma_start3A_280, %dma_start3A_281, %dma_start3A_282] : memref<4x64x128xf32, #tpu.memory_space<vmem>> -> memref<1x64x128xf32, #tpu.memory_space<vmem>>
        %dma_start3A_284 = tpu.memref_squeeze %dma_start3A_283 : memref<1x64x128xf32, #tpu.memory_space<vmem>> -> memref<64x128xf32, #tpu.memory_space<vmem>>
        %dma_start3A_285 = arith.constant 0 : i32
        %dma_start3A_286 = tpu.memref_slice %arg8[%add3A_250, %dma_start3A_285] : memref<16x64xi32, #tpu.memory_space<vmem>> -> memref<1x64xi32, #tpu.memory_space<vmem>>
        %dma_start3A_287 = tpu.memref_squeeze %dma_start3A_286 : memref<1x64xi32, #tpu.memory_space<vmem>> -> memref<64xi32, #tpu.memory_space<vmem>>
        %dma_start3A_288 = arith.constant 0 : i32
        %dma_start3A_289 = arith.constant 0 : i32
        %dma_start3A_290 = tpu.memref_slice %arg12[%dma_start3A_288, %dma_start3A_289] : memref<1024x128xf32, #tpu.memory_space<vmem_shared>> -> memref<1024x128xf32, #tpu.memory_space<vmem_shared>>
        tpu.enqueue_indirect_dma source(%dma_start3A_284 : memref<64x128xf32, #tpu.memory_space<vmem>>) target(%dma_start3A_290 : memref<1024x128xf32, #tpu.memory_space<vmem_shared>>) offsets(%dma_start3A_287 : memref<64xi32, #tpu.memory_space<vmem>>) semaphore(%arg21 : memref<!tpu.dma_semaphore, #tpu.memory_space<semaphore_mem>>) {add = true}
        %dma_start3A_291 = arith.constant 0 : i32
        %dma_start3A_292 = tpu.memref_slice %arg8[%add3A_250, %dma_start3A_291] : memref<16x64xi32, #tpu.memory_space<vmem>> -> memref<1x64xi32, #tpu.memory_space<vmem>>
        %dma_start3A_293 = tpu.memref_squeeze %dma_start3A_292 : memref<1x64xi32, #tpu.memory_space<vmem>> -> memref<64xi32, #tpu.memory_space<vmem>>
        %dma_start3A_294 = arith.constant 0 : i32
        %dma_start3A_295 = arith.constant 0 : i32
        %dma_start3A_296 = tpu.memref_slice %arg13[%dma_start3A_294, %dma_start3A_295] : memref<1024x16xf32, #tpu.memory_space<vmem_shared>> -> memref<1024x16xf32, #tpu.memory_space<vmem_shared>>
        tpu.enqueue_indirect_dma source(%arg10 : memref<64x16xf32, #tpu.memory_space<vmem>>) target(%dma_start3A_296 : memref<1024x16xf32, #tpu.memory_space<vmem_shared>>) offsets(%dma_start3A_293 : memref<64xi32, #tpu.memory_space<vmem>>) semaphore(%arg25 : memref<!tpu.dma_semaphore, #tpu.memory_space<semaphore_mem>>) {add = true}
      }
      %scan3A_77 = arith.constant 4 : i32
      %dma_wait3A = arith.constant 3 : i32
      %dma_wait3A_78 = arith.constant 0 : i32
      %dma_wait3A_79 = arith.constant 0 : i32
      %dma_wait3A_80 = tpu.memref_slice %arg9[%dma_wait3A, %dma_wait3A_78, %dma_wait3A_79] : memref<4x64x128xf32, #tpu.memory_space<vmem>> -> memref<1x64x128xf32, #tpu.memory_space<vmem>>
      %dma_wait3A_81 = tpu.memref_squeeze %dma_wait3A_80 : memref<1x64x128xf32, #tpu.memory_space<vmem>> -> memref<64x128xf32, #tpu.memory_space<vmem>>
      %dma_wait3A_82 = arith.constant 0 : i32
      %dma_wait3A_83 = arith.constant 0 : i32
      %dma_wait3A_84 = tpu.memref_slice %arg2[%dma_wait3A_82, %dma_wait3A_83] : memref<10000x128xf32, #tpu.memory_space<hbm>> -> memref<64x128xf32, #tpu.memory_space<hbm>>
      %dma_wait3A_85 = arith.constant 0 : i32
      %dma_wait3A_86 = arith.constant 0 : i32
      %dma_wait3A_87 = tpu.memref_slice %arg9[%dma_wait3A, %dma_wait3A_85, %dma_wait3A_86] : memref<4x64x128xf32, #tpu.memory_space<vmem>> -> memref<1x64x128xf32, #tpu.memory_space<vmem>>
      %dma_wait3A_88 = tpu.memref_squeeze %dma_wait3A_87 : memref<1x64x128xf32, #tpu.memory_space<vmem>> -> memref<64x128xf32, #tpu.memory_space<vmem>>
      %dma_wait3A_89 = arith.constant 0 : i32
      %dma_wait3A_90 = arith.constant 0 : i32
      %dma_wait3A_91 = tpu.memref_slice %arg2[%dma_wait3A_89, %dma_wait3A_90] : memref<10000x128xf32, #tpu.memory_space<hbm>> -> memref<64x128xf32, #tpu.memory_space<hbm>>
      tpu.wait_dma2 semaphore(%arg21 : memref<!tpu.dma_semaphore, #tpu.memory_space<semaphore_mem>>) src(%dma_wait3A_91 : memref<64x128xf32, #tpu.memory_space<hbm>>) dst(%dma_wait3A_88 : memref<64x128xf32, #tpu.memory_space<vmem>>)
      %dma_wait3A_92 = arith.constant 0 : i32
      %dma_wait3A_93 = arith.constant 0 : i32
      %dma_wait3A_94 = arith.constant 0 : i32
      %dma_wait3A_95 = tpu.memref_slice %arg6[%dma_wait3A_92, %dma_wait3A_93, %dma_wait3A_94] : memref<2x1024x16xf32, #tpu.memory_space<hbm>> -> memref<1x64x16xf32, #tpu.memory_space<hbm>>
      %dma_wait3A_96 = tpu.memref_squeeze %dma_wait3A_95 : memref<1x64x16xf32, #tpu.memory_space<hbm>> -> memref<64x16xf32, #tpu.memory_space<hbm>>
      %dma_wait3A_97 = arith.constant 0 : i32
      %dma_wait3A_98 = arith.constant 0 : i32
      %dma_wait3A_99 = tpu.memref_slice %arg6[%dma_wait3A_92, %dma_wait3A_97, %dma_wait3A_98] : memref<2x1024x16xf32, #tpu.memory_space<hbm>> -> memref<1x64x16xf32, #tpu.memory_space<hbm>>
      %dma_wait3A_100 = tpu.memref_squeeze %dma_wait3A_99 : memref<1x64x16xf32, #tpu.memory_space<hbm>> -> memref<64x16xf32, #tpu.memory_space<hbm>>
      tpu.wait_dma2 semaphore(%arg25 : memref<!tpu.dma_semaphore, #tpu.memory_space<semaphore_mem>>) src(%dma_wait3A_100 : memref<64x16xf32, #tpu.memory_space<hbm>>) dst(%arg10 : memref<64x16xf32, #tpu.memory_space<vmem>>)
    }
    %while3A_28 = arith.constant 1 : i32
    scf.for %while3A_30 = %while3A_26 to %while3A_22 step %while3A_28  : i32 {
      %mul3A_31 = arith.constant 16 : i32
      %mul3A_32 = arith.muli %while3A_30, %mul3A_31 : i32
      %add3A_33 = arith.addi %select_n3A, %mul3A_32 : i32
      "tpu.region"() ({
        %run_scoped3A_101 = tpu.sem_alloc : memref<!tpu.dma_semaphore, #tpu.memory_space<semaphore_mem>>
        %dma_start3A_102 = arith.constant 0 : i32
        %dma_start3A_103 = tpu.memref_slice %arg3[%add3A_33, %dma_start3A_102] : memref<512x64xi32, #tpu.memory_space<hbm>> -> memref<16x64xi32, #tpu.memory_space<hbm>>
        %dma_start3A_104 = arith.constant 0 : i32
        %dma_start3A_105 = tpu.memref_slice %arg3[%add3A_33, %dma_start3A_104] : memref<512x64xi32, #tpu.memory_space<hbm>> -> memref<16x64xi32, #tpu.memory_space<hbm>>
        tpu.enqueue_dma source(%dma_start3A_105 : memref<16x64xi32, #tpu.memory_space<hbm>>) target(%arg7 : memref<16x64xi32, #tpu.memory_space<vmem>>) target_semaphore(%run_scoped3A_101 : memref<!tpu.dma_semaphore, #tpu.memory_space<semaphore_mem>>)
        %dma_wait3A_106 = arith.constant 0 : i32
        %dma_wait3A_107 = tpu.memref_slice %arg3[%add3A_33, %dma_wait3A_106] : memref<512x64xi32, #tpu.memory_space<hbm>> -> memref<16x64xi32, #tpu.memory_space<hbm>>
        %dma_wait3A_108 = arith.constant 0 : i32
        %dma_wait3A_109 = tpu.memref_slice %arg3[%add3A_33, %dma_wait3A_108] : memref<512x64xi32, #tpu.memory_space<hbm>> -> memref<16x64xi32, #tpu.memory_space<hbm>>
        tpu.wait_dma2 semaphore(%run_scoped3A_101 : memref<!tpu.dma_semaphore, #tpu.memory_space<semaphore_mem>>) src(%dma_wait3A_109 : memref<16x64xi32, #tpu.memory_space<hbm>>) dst(%arg7 : memref<16x64xi32, #tpu.memory_space<vmem>>)
        tpu.yield
      }) : () -> ()
      %mul3A_34 = arith.constant 16 : i32
      %mul3A_35 = arith.muli %while3A_30, %mul3A_34 : i32
      %add3A_36 = arith.addi %select_n3A, %mul3A_35 : i32
      "tpu.region"() ({
        %run_scoped3A_101 = tpu.sem_alloc : memref<!tpu.dma_semaphore, #tpu.memory_space<semaphore_mem>>
        %dma_start3A_102 = arith.constant 0 : i32
        %dma_start3A_103 = tpu.memref_slice %arg4[%add3A_36, %dma_start3A_102] : memref<512x64xi32, #tpu.memory_space<hbm>> -> memref<16x64xi32, #tpu.memory_space<hbm>>
        %dma_start3A_104 = arith.constant 0 : i32
        %dma_start3A_105 = tpu.memref_slice %arg4[%add3A_36, %dma_start3A_104] : memref<512x64xi32, #tpu.memory_space<hbm>> -> memref<16x64xi32, #tpu.memory_space<hbm>>
        tpu.enqueue_dma source(%dma_start3A_105 : memref<16x64xi32, #tpu.memory_space<hbm>>) target(%arg8 : memref<16x64xi32, #tpu.memory_space<vmem>>) target_semaphore(%run_scoped3A_101 : memref<!tpu.dma_semaphore, #tpu.memory_space<semaphore_mem>>)
        %dma_wait3A_106 = arith.constant 0 : i32
        %dma_wait3A_107 = tpu.memref_slice %arg4[%add3A_36, %dma_wait3A_106] : memref<512x64xi32, #tpu.memory_space<hbm>> -> memref<16x64xi32, #tpu.memory_space<hbm>>
        %dma_wait3A_108 = arith.constant 0 : i32
        %dma_wait3A_109 = tpu.memref_slice %arg4[%add3A_36, %dma_wait3A_108] : memref<512x64xi32, #tpu.memory_space<hbm>> -> memref<16x64xi32, #tpu.memory_space<hbm>>
        tpu.wait_dma2 semaphore(%run_scoped3A_101 : memref<!tpu.dma_semaphore, #tpu.memory_space<semaphore_mem>>) src(%dma_wait3A_109 : memref<16x64xi32, #tpu.memory_space<hbm>>) dst(%arg8 : memref<16x64xi32, #tpu.memory_space<vmem>>)
        tpu.yield
      }) : () -> ()
      %dma_start3A = arith.constant 0 : i32
      %dma_start3A_37 = arith.constant 0 : i32
      %dma_start3A_38 = arith.constant 0 : i32
      %dma_start3A_39 = arith.constant 0 : i32
      %dma_start3A_40 = tpu.memref_slice %arg9[%dma_start3A_37, %dma_start3A_38, %dma_start3A_39] : memref<4x64x128xf32, #tpu.memory_space<vmem>> -> memref<1x64x128xf32, #tpu.memory_space<vmem>>
      %dma_start3A_41 = tpu.memref_squeeze %dma_start3A_40 : memref<1x64x128xf32, #tpu.memory_space<vmem>> -> memref<64x128xf32, #tpu.memory_space<vmem>>
      %dma_start3A_42 = arith.constant 0 : i32
      %dma_start3A_43 = tpu.memref_slice %arg7[%dma_start3A, %dma_start3A_42] : memref<16x64xi32, #tpu.memory_space<vmem>> -> memref<1x64xi32, #tpu.memory_space<vmem>>
      %dma_start3A_44 = tpu.memref_squeeze %dma_start3A_43 : memref<1x64xi32, #tpu.memory_space<vmem>> -> memref<64xi32, #tpu.memory_space<vmem>>
      %dma_start3A_45 = arith.constant 0 : i32
      %dma_start3A_46 = arith.constant 0 : i32
      %dma_start3A_47 = tpu.memref_slice %arg2[%dma_start3A_45, %dma_start3A_46] : memref<10000x128xf32, #tpu.memory_space<hbm>> -> memref<10000x128xf32, #tpu.memory_space<hbm>>
      tpu.enqueue_indirect_dma source(%dma_start3A_47 : memref<10000x128xf32, #tpu.memory_space<hbm>>) target(%dma_start3A_41 : memref<64x128xf32, #tpu.memory_space<vmem>>) offsets(%dma_start3A_44 : memref<64xi32, #tpu.memory_space<vmem>>) semaphore(%arg14 : memref<!tpu.dma_semaphore, #tpu.memory_space<semaphore_mem>>)
      %dma_start3A_48 = arith.constant 1 : i32
      %dma_start3A_49 = arith.constant 1 : i32
      %dma_start3A_50 = arith.constant 0 : i32
      %dma_start3A_51 = arith.constant 0 : i32
      %dma_start3A_52 = tpu.memref_slice %arg9[%dma_start3A_49, %dma_start3A_50, %dma_start3A_51] : memref<4x64x128xf32, #tpu.memory_space<vmem>> -> memref<1x64x128xf32, #tpu.memory_space<vmem>>
      %dma_start3A_53 = tpu.memref_squeeze %dma_start3A_52 : memref<1x64x128xf32, #tpu.memory_space<vmem>> -> memref<64x128xf32, #tpu.memory_space<vmem>>
      %dma_start3A_54 = arith.constant 0 : i32
      %dma_start3A_55 = tpu.memref_slice %arg7[%dma_start3A_48, %dma_start3A_54] : memref<16x64xi32, #tpu.memory_space<vmem>> -> memref<1x64xi32, #tpu.memory_space<vmem>>
      %dma_start3A_56 = tpu.memref_squeeze %dma_start3A_55 : memref<1x64xi32, #tpu.memory_space<vmem>> -> memref<64xi32, #tpu.memory_space<vmem>>
      %dma_start3A_57 = arith.constant 0 : i32
      %dma_start3A_58 = arith.constant 0 : i32
      %dma_start3A_59 = tpu.memref_slice %arg2[%dma_start3A_57, %dma_start3A_58] : memref<10000x128xf32, #tpu.memory_space<hbm>> -> memref<10000x128xf32, #tpu.memory_space<hbm>>
      tpu.enqueue_indirect_dma source(%dma_start3A_59 : memref<10000x128xf32, #tpu.memory_space<hbm>>) target(%dma_start3A_53 : memref<64x128xf32, #tpu.memory_space<vmem>>) offsets(%dma_start3A_56 : memref<64xi32, #tpu.memory_space<vmem>>) semaphore(%arg15 : memref<!tpu.dma_semaphore, #tpu.memory_space<semaphore_mem>>)
      %dma_start3A_60 = arith.constant 2 : i32
      %dma_start3A_61 = arith.constant 2 : i32
      %dma_start3A_62 = arith.constant 0 : i32
      %dma_start3A_63 = arith.constant 0 : i32
      %dma_start3A_64 = tpu.memref_slice %arg9[%dma_start3A_61, %dma_start3A_62, %dma_start3A_63] : memref<4x64x128xf32, #tpu.memory_space<vmem>> -> memref<1x64x128xf32, #tpu.memory_space<vmem>>
      %dma_start3A_65 = tpu.memref_squeeze %dma_start3A_64 : memref<1x64x128xf32, #tpu.memory_space<vmem>> -> memref<64x128xf32, #tpu.memory_space<vmem>>
      %dma_start3A_66 = arith.constant 0 : i32
      %dma_start3A_67 = tpu.memref_slice %arg7[%dma_start3A_60, %dma_start3A_66] : memref<16x64xi32, #tpu.memory_space<vmem>> -> memref<1x64xi32, #tpu.memory_space<vmem>>
      %dma_start3A_68 = tpu.memref_squeeze %dma_start3A_67 : memref<1x64xi32, #tpu.memory_space<vmem>> -> memref<64xi32, #tpu.memory_space<vmem>>
      %dma_start3A_69 = arith.constant 0 : i32
      %dma_start3A_70 = arith.constant 0 : i32
      %dma_start3A_71 = tpu.memref_slice %arg2[%dma_start3A_69, %dma_start3A_70] : memref<10000x128xf32, #tpu.memory_space<hbm>> -> memref<10000x128xf32, #tpu.memory_space<hbm>>
      tpu.enqueue_indirect_dma source(%dma_start3A_71 : memref<10000x128xf32, #tpu.memory_space<hbm>>) target(%dma_start3A_65 : memref<64x128xf32, #tpu.memory_space<vmem>>) offsets(%dma_start3A_68 : memref<64xi32, #tpu.memory_space<vmem>>) semaphore(%arg16 : memref<!tpu.dma_semaphore, #tpu.memory_space<semaphore_mem>>)
      %scan3A_72 = arith.constant 0 : i32
      %scan3A_73 = arith.constant 0 : i32
      %scan3A_74 = arith.constant 4 : i32
      %scan3A_75 = arith.addi %scan3A_73, %scan3A_74 : i32
      %scan3A_76 = arith.constant 1 : i32
      scf.for %scan3A_101 = %scan3A_73 to %scan3A_75 step %scan3A_76  : i32 {
        %mul3A_102 = arith.constant 4 : i32
        %mul3A_103 = arith.muli %mul3A_102, %scan3A_101 : i32
        %add3A_104 = arith.constant 0 : i32
        %add3A_105 = arith.addi %mul3A_103, %add3A_104 : i32
        %dma_wait3A_106 = arith.constant 0 : i32
        %dma_wait3A_107 = arith.constant 0 : i32
        %dma_wait3A_108 = arith.constant 0 : i32
        %dma_wait3A_109 = tpu.memref_slice %arg9[%dma_wait3A_106, %dma_wait3A_107, %dma_wait3A_108] : memref<4x64x128xf32, #tpu.memory_space<vmem>> -> memref<1x64x128xf32, #tpu.memory_space<vmem>>
        %dma_wait3A_110 = tpu.memref_squeeze %dma_wait3A_109 : memref<1x64x128xf32, #tpu.memory_space<vmem>> -> memref<64x128xf32, #tpu.memory_space<vmem>>
        %dma_wait3A_111 = arith.constant 0 : i32
        %dma_wait3A_112 = arith.constant 0 : i32
        %dma_wait3A_113 = tpu.memref_slice %arg2[%dma_wait3A_111, %dma_wait3A_112] : memref<10000x128xf32, #tpu.memory_space<hbm>> -> memref<64x128xf32, #tpu.memory_space<hbm>>
        %dma_wait3A_114 = arith.constant 0 : i32
        %dma_wait3A_115 = arith.constant 0 : i32
        %dma_wait3A_116 = tpu.memref_slice %arg9[%dma_wait3A_106, %dma_wait3A_114, %dma_wait3A_115] : memref<4x64x128xf32, #tpu.memory_space<vmem>> -> memref<1x64x128xf32, #tpu.memory_space<vmem>>
        %dma_wait3A_117 = tpu.memref_squeeze %dma_wait3A_116 : memref<1x64x128xf32, #tpu.memory_space<vmem>> -> memref<64x128xf32, #tpu.memory_space<vmem>>
        %dma_wait3A_118 = arith.constant 0 : i32
        %dma_wait3A_119 = arith.constant 0 : i32
        %dma_wait3A_120 = tpu.memref_slice %arg2[%dma_wait3A_118, %dma_wait3A_119] : memref<10000x128xf32, #tpu.memory_space<hbm>> -> memref<64x128xf32, #tpu.memory_space<hbm>>
        tpu.wait_dma2 semaphore(%arg14 : memref<!tpu.dma_semaphore, #tpu.memory_space<semaphore_mem>>) src(%dma_wait3A_120 : memref<64x128xf32, #tpu.memory_space<hbm>>) dst(%dma_wait3A_117 : memref<64x128xf32, #tpu.memory_space<vmem>>)
        %gt3A = arith.constant 0 : i32
        %gt3A_121 = arith.cmpi sgt, %add3A_105, %gt3A : i32
        %convert_element_type3A = arith.extui %gt3A_121 : i1 to i32
        %cond3A = arith.constant 0 : i32
        %cond3A_122 = arith.cmpi ne, %convert_element_type3A, %cond3A : i32
        scf.if %cond3A_122 {
          %dma_wait3A_297 = arith.constant 3 : i32
          %dma_wait3A_298 = arith.constant 0 : i32
          %dma_wait3A_299 = arith.constant 0 : i32
          %dma_wait3A_300 = tpu.memref_slice %arg9[%dma_wait3A_297, %dma_wait3A_298, %dma_wait3A_299] : memref<4x64x128xf32, #tpu.memory_space<vmem>> -> memref<1x64x128xf32, #tpu.memory_space<vmem>>
          %dma_wait3A_301 = tpu.memref_squeeze %dma_wait3A_300 : memref<1x64x128xf32, #tpu.memory_space<vmem>> -> memref<64x128xf32, #tpu.memory_space<vmem>>
          %dma_wait3A_302 = arith.constant 0 : i32
          %dma_wait3A_303 = arith.constant 0 : i32
          %dma_wait3A_304 = tpu.memref_slice %arg2[%dma_wait3A_302, %dma_wait3A_303] : memref<10000x128xf32, #tpu.memory_space<hbm>> -> memref<64x128xf32, #tpu.memory_space<hbm>>
          %dma_wait3A_305 = arith.constant 0 : i32
          %dma_wait3A_306 = arith.constant 0 : i32
          %dma_wait3A_307 = tpu.memref_slice %arg9[%dma_wait3A_297, %dma_wait3A_305, %dma_wait3A_306] : memref<4x64x128xf32, #tpu.memory_space<vmem>> -> memref<1x64x128xf32, #tpu.memory_space<vmem>>
          %dma_wait3A_308 = tpu.memref_squeeze %dma_wait3A_307 : memref<1x64x128xf32, #tpu.memory_space<vmem>> -> memref<64x128xf32, #tpu.memory_space<vmem>>
          %dma_wait3A_309 = arith.constant 0 : i32
          %dma_wait3A_310 = arith.constant 0 : i32
          %dma_wait3A_311 = tpu.memref_slice %arg2[%dma_wait3A_309, %dma_wait3A_310] : memref<10000x128xf32, #tpu.memory_space<hbm>> -> memref<64x128xf32, #tpu.memory_space<hbm>>
          tpu.wait_dma2 semaphore(%arg21 : memref<!tpu.dma_semaphore, #tpu.memory_space<semaphore_mem>>) src(%dma_wait3A_311 : memref<64x128xf32, #tpu.memory_space<hbm>>) dst(%dma_wait3A_308 : memref<64x128xf32, #tpu.memory_space<vmem>>)
          %dma_wait3A_312 = arith.constant 0 : i32
          %dma_wait3A_313 = arith.constant 0 : i32
          %dma_wait3A_314 = arith.constant 0 : i32
          %dma_wait3A_315 = tpu.memref_slice %arg6[%dma_wait3A_312, %dma_wait3A_313, %dma_wait3A_314] : memref<2x1024x16xf32, #tpu.memory_space<hbm>> -> memref<1x64x16xf32, #tpu.memory_space<hbm>>
          %dma_wait3A_316 = tpu.memref_squeeze %dma_wait3A_315 : memref<1x64x16xf32, #tpu.memory_space<hbm>> -> memref<64x16xf32, #tpu.memory_space<hbm>>
          %dma_wait3A_317 = arith.constant 0 : i32
          %dma_wait3A_318 = arith.constant 0 : i32
          %dma_wait3A_319 = tpu.memref_slice %arg6[%dma_wait3A_312, %dma_wait3A_317, %dma_wait3A_318] : memref<2x1024x16xf32, #tpu.memory_space<hbm>> -> memref<1x64x16xf32, #tpu.memory_space<hbm>>
          %dma_wait3A_320 = tpu.memref_squeeze %dma_wait3A_319 : memref<1x64x16xf32, #tpu.memory_space<hbm>> -> memref<64x16xf32, #tpu.memory_space<hbm>>
          tpu.wait_dma2 semaphore(%arg25 : memref<!tpu.dma_semaphore, #tpu.memory_space<semaphore_mem>>) src(%dma_wait3A_320 : memref<64x16xf32, #tpu.memory_space<hbm>>) dst(%arg10 : memref<64x16xf32, #tpu.memory_space<vmem>>)
        } else {
        }
        %add3A_123 = arith.constant 4 : i32
        %add3A_124 = arith.addi %add3A_105, %add3A_123 : i32
        %sub3A = arith.constant 1 : i32
        %sub3A_125 = arith.subi %add3A_124, %sub3A : i32
        %lt3A = arith.constant 16 : i32
        %lt3A_126 = arith.cmpi slt, %sub3A_125, %lt3A : i32
        %convert_element_type3A_127 = arith.extui %lt3A_126 : i1 to i32
        %cond3A_128 = arith.constant 0 : i32
        %cond3A_129 = arith.cmpi ne, %convert_element_type3A_127, %cond3A_128 : i32
        scf.if %cond3A_129 {
          %add3A_297 = arith.constant 4 : i32
          %add3A_298 = arith.addi %add3A_105, %add3A_297 : i32
          %sub3A_299 = arith.constant 1 : i32
          %sub3A_300 = arith.subi %add3A_298, %sub3A_299 : i32
          %dma_start3A_301 = arith.constant 3 : i32
          %dma_start3A_302 = arith.constant 0 : i32
          %dma_start3A_303 = arith.constant 0 : i32
          %dma_start3A_304 = tpu.memref_slice %arg9[%dma_start3A_301, %dma_start3A_302, %dma_start3A_303] : memref<4x64x128xf32, #tpu.memory_space<vmem>> -> memref<1x64x128xf32, #tpu.memory_space<vmem>>
          %dma_start3A_305 = tpu.memref_squeeze %dma_start3A_304 : memref<1x64x128xf32, #tpu.memory_space<vmem>> -> memref<64x128xf32, #tpu.memory_space<vmem>>
          %dma_start3A_306 = arith.constant 0 : i32
          %dma_start3A_307 = tpu.memref_slice %arg7[%sub3A_300, %dma_start3A_306] : memref<16x64xi32, #tpu.memory_space<vmem>> -> memref<1x64xi32, #tpu.memory_space<vmem>>
          %dma_start3A_308 = tpu.memref_squeeze %dma_start3A_307 : memref<1x64xi32, #tpu.memory_space<vmem>> -> memref<64xi32, #tpu.memory_space<vmem>>
          %dma_start3A_309 = arith.constant 0 : i32
          %dma_start3A_310 = arith.constant 0 : i32
          %dma_start3A_311 = tpu.memref_slice %arg2[%dma_start3A_309, %dma_start3A_310] : memref<10000x128xf32, #tpu.memory_space<hbm>> -> memref<10000x128xf32, #tpu.memory_space<hbm>>
          tpu.enqueue_indirect_dma source(%dma_start3A_311 : memref<10000x128xf32, #tpu.memory_space<hbm>>) target(%dma_start3A_305 : memref<64x128xf32, #tpu.memory_space<vmem>>) offsets(%dma_start3A_308 : memref<64xi32, #tpu.memory_space<vmem>>) semaphore(%arg17 : memref<!tpu.dma_semaphore, #tpu.memory_space<semaphore_mem>>)
        } else {
        }
        %dma_start3A_130 = arith.constant 0 : i32
        %dma_start3A_131 = arith.constant 0 : i32
        %dma_start3A_132 = arith.constant 0 : i32
        %dma_start3A_133 = tpu.memref_slice %arg9[%dma_start3A_130, %dma_start3A_131, %dma_start3A_132] : memref<4x64x128xf32, #tpu.memory_space<vmem>> -> memref<1x64x128xf32, #tpu.memory_space<vmem>>
        %dma_start3A_134 = tpu.memref_squeeze %dma_start3A_133 : memref<1x64x128xf32, #tpu.memory_space<vmem>> -> memref<64x128xf32, #tpu.memory_space<vmem>>
        %dma_start3A_135 = arith.constant 0 : i32
        %dma_start3A_136 = tpu.memref_slice %arg8[%add3A_105, %dma_start3A_135] : memref<16x64xi32, #tpu.memory_space<vmem>> -> memref<1x64xi32, #tpu.memory_space<vmem>>
        %dma_start3A_137 = tpu.memref_squeeze %dma_start3A_136 : memref<1x64xi32, #tpu.memory_space<vmem>> -> memref<64xi32, #tpu.memory_space<vmem>>
        %dma_start3A_138 = arith.constant 0 : i32
        %dma_start3A_139 = arith.constant 0 : i32
        %dma_start3A_140 = tpu.memref_slice %arg12[%dma_start3A_138, %dma_start3A_139] : memref<1024x128xf32, #tpu.memory_space<vmem_shared>> -> memref<1024x128xf32, #tpu.memory_space<vmem_shared>>
        tpu.enqueue_indirect_dma source(%dma_start3A_134 : memref<64x128xf32, #tpu.memory_space<vmem>>) target(%dma_start3A_140 : memref<1024x128xf32, #tpu.memory_space<vmem_shared>>) offsets(%dma_start3A_137 : memref<64xi32, #tpu.memory_space<vmem>>) semaphore(%arg18 : memref<!tpu.dma_semaphore, #tpu.memory_space<semaphore_mem>>) {add = true}
        %dma_start3A_141 = arith.constant 0 : i32
        %dma_start3A_142 = tpu.memref_slice %arg8[%add3A_105, %dma_start3A_141] : memref<16x64xi32, #tpu.memory_space<vmem>> -> memref<1x64xi32, #tpu.memory_space<vmem>>
        %dma_start3A_143 = tpu.memref_squeeze %dma_start3A_142 : memref<1x64xi32, #tpu.memory_space<vmem>> -> memref<64xi32, #tpu.memory_space<vmem>>
        %dma_start3A_144 = arith.constant 0 : i32
        %dma_start3A_145 = arith.constant 0 : i32
        %dma_start3A_146 = tpu.memref_slice %arg13[%dma_start3A_144, %dma_start3A_145] : memref<1024x16xf32, #tpu.memory_space<vmem_shared>> -> memref<1024x16xf32, #tpu.memory_space<vmem_shared>>
        tpu.enqueue_indirect_dma source(%arg10 : memref<64x16xf32, #tpu.memory_space<vmem>>) target(%dma_start3A_146 : memref<1024x16xf32, #tpu.memory_space<vmem_shared>>) offsets(%dma_start3A_143 : memref<64xi32, #tpu.memory_space<vmem>>) semaphore(%arg22 : memref<!tpu.dma_semaphore, #tpu.memory_space<semaphore_mem>>) {add = true}
        %mul3A_147 = arith.constant 4 : i32
        %mul3A_148 = arith.muli %mul3A_147, %scan3A_101 : i32
        %add3A_149 = arith.constant 1 : i32
        %add3A_150 = arith.addi %mul3A_148, %add3A_149 : i32
        %dma_wait3A_151 = arith.constant 1 : i32
        %dma_wait3A_152 = arith.constant 0 : i32
        %dma_wait3A_153 = arith.constant 0 : i32
        %dma_wait3A_154 = tpu.memref_slice %arg9[%dma_wait3A_151, %dma_wait3A_152, %dma_wait3A_153] : memref<4x64x128xf32, #tpu.memory_space<vmem>> -> memref<1x64x128xf32, #tpu.memory_space<vmem>>
        %dma_wait3A_155 = tpu.memref_squeeze %dma_wait3A_154 : memref<1x64x128xf32, #tpu.memory_space<vmem>> -> memref<64x128xf32, #tpu.memory_space<vmem>>
        %dma_wait3A_156 = arith.constant 0 : i32
        %dma_wait3A_157 = arith.constant 0 : i32
        %dma_wait3A_158 = tpu.memref_slice %arg2[%dma_wait3A_156, %dma_wait3A_157] : memref<10000x128xf32, #tpu.memory_space<hbm>> -> memref<64x128xf32, #tpu.memory_space<hbm>>
        %dma_wait3A_159 = arith.constant 0 : i32
        %dma_wait3A_160 = arith.constant 0 : i32
        %dma_wait3A_161 = tpu.memref_slice %arg9[%dma_wait3A_151, %dma_wait3A_159, %dma_wait3A_160] : memref<4x64x128xf32, #tpu.memory_space<vmem>> -> memref<1x64x128xf32, #tpu.memory_space<vmem>>
        %dma_wait3A_162 = tpu.memref_squeeze %dma_wait3A_161 : memref<1x64x128xf32, #tpu.memory_space<vmem>> -> memref<64x128xf32, #tpu.memory_space<vmem>>
        %dma_wait3A_163 = arith.constant 0 : i32
        %dma_wait3A_164 = arith.constant 0 : i32
        %dma_wait3A_165 = tpu.memref_slice %arg2[%dma_wait3A_163, %dma_wait3A_164] : memref<10000x128xf32, #tpu.memory_space<hbm>> -> memref<64x128xf32, #tpu.memory_space<hbm>>
        tpu.wait_dma2 semaphore(%arg15 : memref<!tpu.dma_semaphore, #tpu.memory_space<semaphore_mem>>) src(%dma_wait3A_165 : memref<64x128xf32, #tpu.memory_space<hbm>>) dst(%dma_wait3A_162 : memref<64x128xf32, #tpu.memory_space<vmem>>)
        %gt3A_166 = arith.constant 0 : i32
        %gt3A_167 = arith.cmpi sgt, %add3A_150, %gt3A_166 : i32
        %convert_element_type3A_168 = arith.extui %gt3A_167 : i1 to i32
        %cond3A_169 = arith.constant 0 : i32
        %cond3A_170 = arith.cmpi ne, %convert_element_type3A_168, %cond3A_169 : i32
        scf.if %cond3A_170 {
          %dma_wait3A_297 = arith.constant 0 : i32
          %dma_wait3A_298 = arith.constant 0 : i32
          %dma_wait3A_299 = arith.constant 0 : i32
          %dma_wait3A_300 = tpu.memref_slice %arg9[%dma_wait3A_297, %dma_wait3A_298, %dma_wait3A_299] : memref<4x64x128xf32, #tpu.memory_space<vmem>> -> memref<1x64x128xf32, #tpu.memory_space<vmem>>
          %dma_wait3A_301 = tpu.memref_squeeze %dma_wait3A_300 : memref<1x64x128xf32, #tpu.memory_space<vmem>> -> memref<64x128xf32, #tpu.memory_space<vmem>>
          %dma_wait3A_302 = arith.constant 0 : i32
          %dma_wait3A_303 = arith.constant 0 : i32
          %dma_wait3A_304 = tpu.memref_slice %arg2[%dma_wait3A_302, %dma_wait3A_303] : memref<10000x128xf32, #tpu.memory_space<hbm>> -> memref<64x128xf32, #tpu.memory_space<hbm>>
          %dma_wait3A_305 = arith.constant 0 : i32
          %dma_wait3A_306 = arith.constant 0 : i32
          %dma_wait3A_307 = tpu.memref_slice %arg9[%dma_wait3A_297, %dma_wait3A_305, %dma_wait3A_306] : memref<4x64x128xf32, #tpu.memory_space<vmem>> -> memref<1x64x128xf32, #tpu.memory_space<vmem>>
          %dma_wait3A_308 = tpu.memref_squeeze %dma_wait3A_307 : memref<1x64x128xf32, #tpu.memory_space<vmem>> -> memref<64x128xf32, #tpu.memory_space<vmem>>
          %dma_wait3A_309 = arith.constant 0 : i32
          %dma_wait3A_310 = arith.constant 0 : i32
          %dma_wait3A_311 = tpu.memref_slice %arg2[%dma_wait3A_309, %dma_wait3A_310] : memref<10000x128xf32, #tpu.memory_space<hbm>> -> memref<64x128xf32, #tpu.memory_space<hbm>>
          tpu.wait_dma2 semaphore(%arg18 : memref<!tpu.dma_semaphore, #tpu.memory_space<semaphore_mem>>) src(%dma_wait3A_311 : memref<64x128xf32, #tpu.memory_space<hbm>>) dst(%dma_wait3A_308 : memref<64x128xf32, #tpu.memory_space<vmem>>)
          %dma_wait3A_312 = arith.constant 0 : i32
          %dma_wait3A_313 = arith.constant 0 : i32
          %dma_wait3A_314 = arith.constant 0 : i32
          %dma_wait3A_315 = tpu.memref_slice %arg6[%dma_wait3A_312, %dma_wait3A_313, %dma_wait3A_314] : memref<2x1024x16xf32, #tpu.memory_space<hbm>> -> memref<1x64x16xf32, #tpu.memory_space<hbm>>
          %dma_wait3A_316 = tpu.memref_squeeze %dma_wait3A_315 : memref<1x64x16xf32, #tpu.memory_space<hbm>> -> memref<64x16xf32, #tpu.memory_space<hbm>>
          %dma_wait3A_317 = arith.constant 0 : i32
          %dma_wait3A_318 = arith.constant 0 : i32
          %dma_wait3A_319 = tpu.memref_slice %arg6[%dma_wait3A_312, %dma_wait3A_317, %dma_wait3A_318] : memref<2x1024x16xf32, #tpu.memory_space<hbm>> -> memref<1x64x16xf32, #tpu.memory_space<hbm>>
          %dma_wait3A_320 = tpu.memref_squeeze %dma_wait3A_319 : memref<1x64x16xf32, #tpu.memory_space<hbm>> -> memref<64x16xf32, #tpu.memory_space<hbm>>
          tpu.wait_dma2 semaphore(%arg22 : memref<!tpu.dma_semaphore, #tpu.memory_space<semaphore_mem>>) src(%dma_wait3A_320 : memref<64x16xf32, #tpu.memory_space<hbm>>) dst(%arg10 : memref<64x16xf32, #tpu.memory_space<vmem>>)
        } else {
        }
        %add3A_171 = arith.constant 4 : i32
        %add3A_172 = arith.addi %add3A_150, %add3A_171 : i32
        %sub3A_173 = arith.constant 1 : i32
        %sub3A_174 = arith.subi %add3A_172, %sub3A_173 : i32
        %lt3A_175 = arith.constant 16 : i32
        %lt3A_176 = arith.cmpi slt, %sub3A_174, %lt3A_175 : i32
        %convert_element_type3A_177 = arith.extui %lt3A_176 : i1 to i32
        %cond3A_178 = arith.constant 0 : i32
        %cond3A_179 = arith.cmpi ne, %convert_element_type3A_177, %cond3A_178 : i32
        scf.if %cond3A_179 {
          %add3A_297 = arith.constant 4 : i32
          %add3A_298 = arith.addi %add3A_150, %add3A_297 : i32
          %sub3A_299 = arith.constant 1 : i32
          %sub3A_300 = arith.subi %add3A_298, %sub3A_299 : i32
          %dma_start3A_301 = arith.constant 0 : i32
          %dma_start3A_302 = arith.constant 0 : i32
          %dma_start3A_303 = arith.constant 0 : i32
          %dma_start3A_304 = tpu.memref_slice %arg9[%dma_start3A_301, %dma_start3A_302, %dma_start3A_303] : memref<4x64x128xf32, #tpu.memory_space<vmem>> -> memref<1x64x128xf32, #tpu.memory_space<vmem>>
          %dma_start3A_305 = tpu.memref_squeeze %dma_start3A_304 : memref<1x64x128xf32, #tpu.memory_space<vmem>> -> memref<64x128xf32, #tpu.memory_space<vmem>>
          %dma_start3A_306 = arith.constant 0 : i32
          %dma_start3A_307 = tpu.memref_slice %arg7[%sub3A_300, %dma_start3A_306] : memref<16x64xi32, #tpu.memory_space<vmem>> -> memref<1x64xi32, #tpu.memory_space<vmem>>
          %dma_start3A_308 = tpu.memref_squeeze %dma_start3A_307 : memref<1x64xi32, #tpu.memory_space<vmem>> -> memref<64xi32, #tpu.memory_space<vmem>>
          %dma_start3A_309 = arith.constant 0 : i32
          %dma_start3A_310 = arith.constant 0 : i32
          %dma_start3A_311 = tpu.memref_slice %arg2[%dma_start3A_309, %dma_start3A_310] : memref<10000x128xf32, #tpu.memory_space<hbm>> -> memref<10000x128xf32, #tpu.memory_space<hbm>>
          tpu.enqueue_indirect_dma source(%dma_start3A_311 : memref<10000x128xf32, #tpu.memory_space<hbm>>) target(%dma_start3A_305 : memref<64x128xf32, #tpu.memory_space<vmem>>) offsets(%dma_start3A_308 : memref<64xi32, #tpu.memory_space<vmem>>) semaphore(%arg14 : memref<!tpu.dma_semaphore, #tpu.memory_space<semaphore_mem>>)
        } else {
        }
        %dma_start3A_180 = arith.constant 1 : i32
        %dma_start3A_181 = arith.constant 0 : i32
        %dma_start3A_182 = arith.constant 0 : i32
        %dma_start3A_183 = tpu.memref_slice %arg9[%dma_start3A_180, %dma_start3A_181, %dma_start3A_182] : memref<4x64x128xf32, #tpu.memory_space<vmem>> -> memref<1x64x128xf32, #tpu.memory_space<vmem>>
        %dma_start3A_184 = tpu.memref_squeeze %dma_start3A_183 : memref<1x64x128xf32, #tpu.memory_space<vmem>> -> memref<64x128xf32, #tpu.memory_space<vmem>>
        %dma_start3A_185 = arith.constant 0 : i32
        %dma_start3A_186 = tpu.memref_slice %arg8[%add3A_150, %dma_start3A_185] : memref<16x64xi32, #tpu.memory_space<vmem>> -> memref<1x64xi32, #tpu.memory_space<vmem>>
        %dma_start3A_187 = tpu.memref_squeeze %dma_start3A_186 : memref<1x64xi32, #tpu.memory_space<vmem>> -> memref<64xi32, #tpu.memory_space<vmem>>
        %dma_start3A_188 = arith.constant 0 : i32
        %dma_start3A_189 = arith.constant 0 : i32
        %dma_start3A_190 = tpu.memref_slice %arg12[%dma_start3A_188, %dma_start3A_189] : memref<1024x128xf32, #tpu.memory_space<vmem_shared>> -> memref<1024x128xf32, #tpu.memory_space<vmem_shared>>
        tpu.enqueue_indirect_dma source(%dma_start3A_184 : memref<64x128xf32, #tpu.memory_space<vmem>>) target(%dma_start3A_190 : memref<1024x128xf32, #tpu.memory_space<vmem_shared>>) offsets(%dma_start3A_187 : memref<64xi32, #tpu.memory_space<vmem>>) semaphore(%arg19 : memref<!tpu.dma_semaphore, #tpu.memory_space<semaphore_mem>>) {add = true}
        %dma_start3A_191 = arith.constant 0 : i32
        %dma_start3A_192 = tpu.memref_slice %arg8[%add3A_150, %dma_start3A_191] : memref<16x64xi32, #tpu.memory_space<vmem>> -> memref<1x64xi32, #tpu.memory_space<vmem>>
        %dma_start3A_193 = tpu.memref_squeeze %dma_start3A_192 : memref<1x64xi32, #tpu.memory_space<vmem>> -> memref<64xi32, #tpu.memory_space<vmem>>
        %dma_start3A_194 = arith.constant 0 : i32
        %dma_start3A_195 = arith.constant 0 : i32
        %dma_start3A_196 = tpu.memref_slice %arg13[%dma_start3A_194, %dma_start3A_195] : memref<1024x16xf32, #tpu.memory_space<vmem_shared>> -> memref<1024x16xf32, #tpu.memory_space<vmem_shared>>
        tpu.enqueue_indirect_dma source(%arg10 : memref<64x16xf32, #tpu.memory_space<vmem>>) target(%dma_start3A_196 : memref<1024x16xf32, #tpu.memory_space<vmem_shared>>) offsets(%dma_start3A_193 : memref<64xi32, #tpu.memory_space<vmem>>) semaphore(%arg23 : memref<!tpu.dma_semaphore, #tpu.memory_space<semaphore_mem>>) {add = true}
        %mul3A_197 = arith.constant 4 : i32
        %mul3A_198 = arith.muli %mul3A_197, %scan3A_101 : i32
        %add3A_199 = arith.constant 2 : i32
        %add3A_200 = arith.addi %mul3A_198, %add3A_199 : i32
        %dma_wait3A_201 = arith.constant 2 : i32
        %dma_wait3A_202 = arith.constant 0 : i32
        %dma_wait3A_203 = arith.constant 0 : i32
        %dma_wait3A_204 = tpu.memref_slice %arg9[%dma_wait3A_201, %dma_wait3A_202, %dma_wait3A_203] : memref<4x64x128xf32, #tpu.memory_space<vmem>> -> memref<1x64x128xf32, #tpu.memory_space<vmem>>
        %dma_wait3A_205 = tpu.memref_squeeze %dma_wait3A_204 : memref<1x64x128xf32, #tpu.memory_space<vmem>> -> memref<64x128xf32, #tpu.memory_space<vmem>>
        %dma_wait3A_206 = arith.constant 0 : i32
        %dma_wait3A_207 = arith.constant 0 : i32
        %dma_wait3A_208 = tpu.memref_slice %arg2[%dma_wait3A_206, %dma_wait3A_207] : memref<10000x128xf32, #tpu.memory_space<hbm>> -> memref<64x128xf32, #tpu.memory_space<hbm>>
        %dma_wait3A_209 = arith.constant 0 : i32
        %dma_wait3A_210 = arith.constant 0 : i32
        %dma_wait3A_211 = tpu.memref_slice %arg9[%dma_wait3A_201, %dma_wait3A_209, %dma_wait3A_210] : memref<4x64x128xf32, #tpu.memory_space<vmem>> -> memref<1x64x128xf32, #tpu.memory_space<vmem>>
        %dma_wait3A_212 = tpu.memref_squeeze %dma_wait3A_211 : memref<1x64x128xf32, #tpu.memory_space<vmem>> -> memref<64x128xf32, #tpu.memory_space<vmem>>
        %dma_wait3A_213 = arith.constant 0 : i32
        %dma_wait3A_214 = arith.constant 0 : i32
        %dma_wait3A_215 = tpu.memref_slice %arg2[%dma_wait3A_213, %dma_wait3A_214] : memref<10000x128xf32, #tpu.memory_space<hbm>> -> memref<64x128xf32, #tpu.memory_space<hbm>>
        tpu.wait_dma2 semaphore(%arg16 : memref<!tpu.dma_semaphore, #tpu.memory_space<semaphore_mem>>) src(%dma_wait3A_215 : memref<64x128xf32, #tpu.memory_space<hbm>>) dst(%dma_wait3A_212 : memref<64x128xf32, #tpu.memory_space<vmem>>)
        %gt3A_216 = arith.constant 0 : i32
        %gt3A_217 = arith.cmpi sgt, %add3A_200, %gt3A_216 : i32
        %convert_element_type3A_218 = arith.extui %gt3A_217 : i1 to i32
        %cond3A_219 = arith.constant 0 : i32
        %cond3A_220 = arith.cmpi ne, %convert_element_type3A_218, %cond3A_219 : i32
        scf.if %cond3A_220 {
          %dma_wait3A_297 = arith.constant 1 : i32
          %dma_wait3A_298 = arith.constant 0 : i32
          %dma_wait3A_299 = arith.constant 0 : i32
          %dma_wait3A_300 = tpu.memref_slice %arg9[%dma_wait3A_297, %dma_wait3A_298, %dma_wait3A_299] : memref<4x64x128xf32, #tpu.memory_space<vmem>> -> memref<1x64x128xf32, #tpu.memory_space<vmem>>
          %dma_wait3A_301 = tpu.memref_squeeze %dma_wait3A_300 : memref<1x64x128xf32, #tpu.memory_space<vmem>> -> memref<64x128xf32, #tpu.memory_space<vmem>>
          %dma_wait3A_302 = arith.constant 0 : i32
          %dma_wait3A_303 = arith.constant 0 : i32
          %dma_wait3A_304 = tpu.memref_slice %arg2[%dma_wait3A_302, %dma_wait3A_303] : memref<10000x128xf32, #tpu.memory_space<hbm>> -> memref<64x128xf32, #tpu.memory_space<hbm>>
          %dma_wait3A_305 = arith.constant 0 : i32
          %dma_wait3A_306 = arith.constant 0 : i32
          %dma_wait3A_307 = tpu.memref_slice %arg9[%dma_wait3A_297, %dma_wait3A_305, %dma_wait3A_306] : memref<4x64x128xf32, #tpu.memory_space<vmem>> -> memref<1x64x128xf32, #tpu.memory_space<vmem>>
          %dma_wait3A_308 = tpu.memref_squeeze %dma_wait3A_307 : memref<1x64x128xf32, #tpu.memory_space<vmem>> -> memref<64x128xf32, #tpu.memory_space<vmem>>
          %dma_wait3A_309 = arith.constant 0 : i32
          %dma_wait3A_310 = arith.constant 0 : i32
          %dma_wait3A_311 = tpu.memref_slice %arg2[%dma_wait3A_309, %dma_wait3A_310] : memref<10000x128xf32, #tpu.memory_space<hbm>> -> memref<64x128xf32, #tpu.memory_space<hbm>>
          tpu.wait_dma2 semaphore(%arg19 : memref<!tpu.dma_semaphore, #tpu.memory_space<semaphore_mem>>) src(%dma_wait3A_311 : memref<64x128xf32, #tpu.memory_space<hbm>>) dst(%dma_wait3A_308 : memref<64x128xf32, #tpu.memory_space<vmem>>)
          %dma_wait3A_312 = arith.constant 0 : i32
          %dma_wait3A_313 = arith.constant 0 : i32
          %dma_wait3A_314 = arith.constant 0 : i32
          %dma_wait3A_315 = tpu.memref_slice %arg6[%dma_wait3A_312, %dma_wait3A_313, %dma_wait3A_314] : memref<2x1024x16xf32, #tpu.memory_space<hbm>> -> memref<1x64x16xf32, #tpu.memory_space<hbm>>
          %dma_wait3A_316 = tpu.memref_squeeze %dma_wait3A_315 : memref<1x64x16xf32, #tpu.memory_space<hbm>> -> memref<64x16xf32, #tpu.memory_space<hbm>>
          %dma_wait3A_317 = arith.constant 0 : i32
          %dma_wait3A_318 = arith.constant 0 : i32
          %dma_wait3A_319 = tpu.memref_slice %arg6[%dma_wait3A_312, %dma_wait3A_317, %dma_wait3A_318] : memref<2x1024x16xf32, #tpu.memory_space<hbm>> -> memref<1x64x16xf32, #tpu.memory_space<hbm>>
          %dma_wait3A_320 = tpu.memref_squeeze %dma_wait3A_319 : memref<1x64x16xf32, #tpu.memory_space<hbm>> -> memref<64x16xf32, #tpu.memory_space<hbm>>
          tpu.wait_dma2 semaphore(%arg23 : memref<!tpu.dma_semaphore, #tpu.memory_space<semaphore_mem>>) src(%dma_wait3A_320 : memref<64x16xf32, #tpu.memory_space<hbm>>) dst(%arg10 : memref<64x16xf32, #tpu.memory_space<vmem>>)
        } else {
        }
        %add3A_221 = arith.constant 4 : i32
        %add3A_222 = arith.addi %add3A_200, %add3A_221 : i32
        %sub3A_223 = arith.constant 1 : i32
        %sub3A_224 = arith.subi %add3A_222, %sub3A_223 : i32
        %lt3A_225 = arith.constant 16 : i32
        %lt3A_226 = arith.cmpi slt, %sub3A_224, %lt3A_225 : i32
        %convert_element_type3A_227 = arith.extui %lt3A_226 : i1 to i32
        %cond3A_228 = arith.constant 0 : i32
        %cond3A_229 = arith.cmpi ne, %convert_element_type3A_227, %cond3A_228 : i32
        scf.if %cond3A_229 {
          %add3A_297 = arith.constant 4 : i32
          %add3A_298 = arith.addi %add3A_200, %add3A_297 : i32
          %sub3A_299 = arith.constant 1 : i32
          %sub3A_300 = arith.subi %add3A_298, %sub3A_299 : i32
          %dma_start3A_301 = arith.constant 1 : i32
          %dma_start3A_302 = arith.constant 0 : i32
          %dma_start3A_303 = arith.constant 0 : i32
          %dma_start3A_304 = tpu.memref_slice %arg9[%dma_start3A_301, %dma_start3A_302, %dma_start3A_303] : memref<4x64x128xf32, #tpu.memory_space<vmem>> -> memref<1x64x128xf32, #tpu.memory_space<vmem>>
          %dma_start3A_305 = tpu.memref_squeeze %dma_start3A_304 : memref<1x64x128xf32, #tpu.memory_space<vmem>> -> memref<64x128xf32, #tpu.memory_space<vmem>>
          %dma_start3A_306 = arith.constant 0 : i32
          %dma_start3A_307 = tpu.memref_slice %arg7[%sub3A_300, %dma_start3A_306] : memref<16x64xi32, #tpu.memory_space<vmem>> -> memref<1x64xi32, #tpu.memory_space<vmem>>
          %dma_start3A_308 = tpu.memref_squeeze %dma_start3A_307 : memref<1x64xi32, #tpu.memory_space<vmem>> -> memref<64xi32, #tpu.memory_space<vmem>>
          %dma_start3A_309 = arith.constant 0 : i32
          %dma_start3A_310 = arith.constant 0 : i32
          %dma_start3A_311 = tpu.memref_slice %arg2[%dma_start3A_309, %dma_start3A_310] : memref<10000x128xf32, #tpu.memory_space<hbm>> -> memref<10000x128xf32, #tpu.memory_space<hbm>>
          tpu.enqueue_indirect_dma source(%dma_start3A_311 : memref<10000x128xf32, #tpu.memory_space<hbm>>) target(%dma_start3A_305 : memref<64x128xf32, #tpu.memory_space<vmem>>) offsets(%dma_start3A_308 : memref<64xi32, #tpu.memory_space<vmem>>) semaphore(%arg15 : memref<!tpu.dma_semaphore, #tpu.memory_space<semaphore_mem>>)
        } else {
        }
        %dma_start3A_230 = arith.constant 2 : i32
        %dma_start3A_231 = arith.constant 0 : i32
        %dma_start3A_232 = arith.constant 0 : i32
        %dma_start3A_233 = tpu.memref_slice %arg9[%dma_start3A_230, %dma_start3A_231, %dma_start3A_232] : memref<4x64x128xf32, #tpu.memory_space<vmem>> -> memref<1x64x128xf32, #tpu.memory_space<vmem>>
        %dma_start3A_234 = tpu.memref_squeeze %dma_start3A_233 : memref<1x64x128xf32, #tpu.memory_space<vmem>> -> memref<64x128xf32, #tpu.memory_space<vmem>>
        %dma_start3A_235 = arith.constant 0 : i32
        %dma_start3A_236 = tpu.memref_slice %arg8[%add3A_200, %dma_start3A_235] : memref<16x64xi32, #tpu.memory_space<vmem>> -> memref<1x64xi32, #tpu.memory_space<vmem>>
        %dma_start3A_237 = tpu.memref_squeeze %dma_start3A_236 : memref<1x64xi32, #tpu.memory_space<vmem>> -> memref<64xi32, #tpu.memory_space<vmem>>
        %dma_start3A_238 = arith.constant 0 : i32
        %dma_start3A_239 = arith.constant 0 : i32
        %dma_start3A_240 = tpu.memref_slice %arg12[%dma_start3A_238, %dma_start3A_239] : memref<1024x128xf32, #tpu.memory_space<vmem_shared>> -> memref<1024x128xf32, #tpu.memory_space<vmem_shared>>
        tpu.enqueue_indirect_dma source(%dma_start3A_234 : memref<64x128xf32, #tpu.memory_space<vmem>>) target(%dma_start3A_240 : memref<1024x128xf32, #tpu.memory_space<vmem_shared>>) offsets(%dma_start3A_237 : memref<64xi32, #tpu.memory_space<vmem>>) semaphore(%arg20 : memref<!tpu.dma_semaphore, #tpu.memory_space<semaphore_mem>>) {add = true}
        %dma_start3A_241 = arith.constant 0 : i32
        %dma_start3A_242 = tpu.memref_slice %arg8[%add3A_200, %dma_start3A_241] : memref<16x64xi32, #tpu.memory_space<vmem>> -> memref<1x64xi32, #tpu.memory_space<vmem>>
        %dma_start3A_243 = tpu.memref_squeeze %dma_start3A_242 : memref<1x64xi32, #tpu.memory_space<vmem>> -> memref<64xi32, #tpu.memory_space<vmem>>
        %dma_start3A_244 = arith.constant 0 : i32
        %dma_start3A_245 = arith.constant 0 : i32
        %dma_start3A_246 = tpu.memref_slice %arg13[%dma_start3A_244, %dma_start3A_245] : memref<1024x16xf32, #tpu.memory_space<vmem_shared>> -> memref<1024x16xf32, #tpu.memory_space<vmem_shared>>
        tpu.enqueue_indirect_dma source(%arg10 : memref<64x16xf32, #tpu.memory_space<vmem>>) target(%dma_start3A_246 : memref<1024x16xf32, #tpu.memory_space<vmem_shared>>) offsets(%dma_start3A_243 : memref<64xi32, #tpu.memory_space<vmem>>) semaphore(%arg24 : memref<!tpu.dma_semaphore, #tpu.memory_space<semaphore_mem>>) {add = true}
        %mul3A_247 = arith.constant 4 : i32
        %mul3A_248 = arith.muli %mul3A_247, %scan3A_101 : i32
        %add3A_249 = arith.constant 3 : i32
        %add3A_250 = arith.addi %mul3A_248, %add3A_249 : i32
        %dma_wait3A_251 = arith.constant 3 : i32
        %dma_wait3A_252 = arith.constant 0 : i32
        %dma_wait3A_253 = arith.constant 0 : i32
        %dma_wait3A_254 = tpu.memref_slice %arg9[%dma_wait3A_251, %dma_wait3A_252, %dma_wait3A_253] : memref<4x64x128xf32, #tpu.memory_space<vmem>> -> memref<1x64x128xf32, #tpu.memory_space<vmem>>
        %dma_wait3A_255 = tpu.memref_squeeze %dma_wait3A_254 : memref<1x64x128xf32, #tpu.memory_space<vmem>> -> memref<64x128xf32, #tpu.memory_space<vmem>>
        %dma_wait3A_256 = arith.constant 0 : i32
        %dma_wait3A_257 = arith.constant 0 : i32
        %dma_wait3A_258 = tpu.memref_slice %arg2[%dma_wait3A_256, %dma_wait3A_257] : memref<10000x128xf32, #tpu.memory_space<hbm>> -> memref<64x128xf32, #tpu.memory_space<hbm>>
        %dma_wait3A_259 = arith.constant 0 : i32
        %dma_wait3A_260 = arith.constant 0 : i32
        %dma_wait3A_261 = tpu.memref_slice %arg9[%dma_wait3A_251, %dma_wait3A_259, %dma_wait3A_260] : memref<4x64x128xf32, #tpu.memory_space<vmem>> -> memref<1x64x128xf32, #tpu.memory_space<vmem>>
        %dma_wait3A_262 = tpu.memref_squeeze %dma_wait3A_261 : memref<1x64x128xf32, #tpu.memory_space<vmem>> -> memref<64x128xf32, #tpu.memory_space<vmem>>
        %dma_wait3A_263 = arith.constant 0 : i32
        %dma_wait3A_264 = arith.constant 0 : i32
        %dma_wait3A_265 = tpu.memref_slice %arg2[%dma_wait3A_263, %dma_wait3A_264] : memref<10000x128xf32, #tpu.memory_space<hbm>> -> memref<64x128xf32, #tpu.memory_space<hbm>>
        tpu.wait_dma2 semaphore(%arg17 : memref<!tpu.dma_semaphore, #tpu.memory_space<semaphore_mem>>) src(%dma_wait3A_265 : memref<64x128xf32, #tpu.memory_space<hbm>>) dst(%dma_wait3A_262 : memref<64x128xf32, #tpu.memory_space<vmem>>)
        %gt3A_266 = arith.constant 0 : i32
        %gt3A_267 = arith.cmpi sgt, %add3A_250, %gt3A_266 : i32
        %convert_element_type3A_268 = arith.extui %gt3A_267 : i1 to i32
        %cond3A_269 = arith.constant 0 : i32
        %cond3A_270 = arith.cmpi ne, %convert_element_type3A_268, %cond3A_269 : i32
        scf.if %cond3A_270 {
          %dma_wait3A_297 = arith.constant 2 : i32
          %dma_wait3A_298 = arith.constant 0 : i32
          %dma_wait3A_299 = arith.constant 0 : i32
          %dma_wait3A_300 = tpu.memref_slice %arg9[%dma_wait3A_297, %dma_wait3A_298, %dma_wait3A_299] : memref<4x64x128xf32, #tpu.memory_space<vmem>> -> memref<1x64x128xf32, #tpu.memory_space<vmem>>
          %dma_wait3A_301 = tpu.memref_squeeze %dma_wait3A_300 : memref<1x64x128xf32, #tpu.memory_space<vmem>> -> memref<64x128xf32, #tpu.memory_space<vmem>>
          %dma_wait3A_302 = arith.constant 0 : i32
          %dma_wait3A_303 = arith.constant 0 : i32
          %dma_wait3A_304 = tpu.memref_slice %arg2[%dma_wait3A_302, %dma_wait3A_303] : memref<10000x128xf32, #tpu.memory_space<hbm>> -> memref<64x128xf32, #tpu.memory_space<hbm>>
          %dma_wait3A_305 = arith.constant 0 : i32
          %dma_wait3A_306 = arith.constant 0 : i32
          %dma_wait3A_307 = tpu.memref_slice %arg9[%dma_wait3A_297, %dma_wait3A_305, %dma_wait3A_306] : memref<4x64x128xf32, #tpu.memory_space<vmem>> -> memref<1x64x128xf32, #tpu.memory_space<vmem>>
          %dma_wait3A_308 = tpu.memref_squeeze %dma_wait3A_307 : memref<1x64x128xf32, #tpu.memory_space<vmem>> -> memref<64x128xf32, #tpu.memory_space<vmem>>
          %dma_wait3A_309 = arith.constant 0 : i32
          %dma_wait3A_310 = arith.constant 0 : i32
          %dma_wait3A_311 = tpu.memref_slice %arg2[%dma_wait3A_309, %dma_wait3A_310] : memref<10000x128xf32, #tpu.memory_space<hbm>> -> memref<64x128xf32, #tpu.memory_space<hbm>>
          tpu.wait_dma2 semaphore(%arg20 : memref<!tpu.dma_semaphore, #tpu.memory_space<semaphore_mem>>) src(%dma_wait3A_311 : memref<64x128xf32, #tpu.memory_space<hbm>>) dst(%dma_wait3A_308 : memref<64x128xf32, #tpu.memory_space<vmem>>)
          %dma_wait3A_312 = arith.constant 0 : i32
          %dma_wait3A_313 = arith.constant 0 : i32
          %dma_wait3A_314 = arith.constant 0 : i32
          %dma_wait3A_315 = tpu.memref_slice %arg6[%dma_wait3A_312, %dma_wait3A_313, %dma_wait3A_314] : memref<2x1024x16xf32, #tpu.memory_space<hbm>> -> memref<1x64x16xf32, #tpu.memory_space<hbm>>
          %dma_wait3A_316 = tpu.memref_squeeze %dma_wait3A_315 : memref<1x64x16xf32, #tpu.memory_space<hbm>> -> memref<64x16xf32, #tpu.memory_space<hbm>>
          %dma_wait3A_317 = arith.constant 0 : i32
          %dma_wait3A_318 = arith.constant 0 : i32
          %dma_wait3A_319 = tpu.memref_slice %arg6[%dma_wait3A_312, %dma_wait3A_317, %dma_wait3A_318] : memref<2x1024x16xf32, #tpu.memory_space<hbm>> -> memref<1x64x16xf32, #tpu.memory_space<hbm>>
          %dma_wait3A_320 = tpu.memref_squeeze %dma_wait3A_319 : memref<1x64x16xf32, #tpu.memory_space<hbm>> -> memref<64x16xf32, #tpu.memory_space<hbm>>
          tpu.wait_dma2 semaphore(%arg24 : memref<!tpu.dma_semaphore, #tpu.memory_space<semaphore_mem>>) src(%dma_wait3A_320 : memref<64x16xf32, #tpu.memory_space<hbm>>) dst(%arg10 : memref<64x16xf32, #tpu.memory_space<vmem>>)
        } else {
        }
        %add3A_271 = arith.constant 4 : i32
        %add3A_272 = arith.addi %add3A_250, %add3A_271 : i32
        %sub3A_273 = arith.constant 1 : i32
        %sub3A_274 = arith.subi %add3A_272, %sub3A_273 : i32
        %lt3A_275 = arith.constant 16 : i32
        %lt3A_276 = arith.cmpi slt, %sub3A_274, %lt3A_275 : i32
        %convert_element_type3A_277 = arith.extui %lt3A_276 : i1 to i32
        %cond3A_278 = arith.constant 0 : i32
        %cond3A_279 = arith.cmpi ne, %convert_element_type3A_277, %cond3A_278 : i32
        scf.if %cond3A_279 {
          %add3A_297 = arith.constant 4 : i32
          %add3A_298 = arith.addi %add3A_250, %add3A_297 : i32
          %sub3A_299 = arith.constant 1 : i32
          %sub3A_300 = arith.subi %add3A_298, %sub3A_299 : i32
          %dma_start3A_301 = arith.constant 2 : i32
          %dma_start3A_302 = arith.constant 0 : i32
          %dma_start3A_303 = arith.constant 0 : i32
          %dma_start3A_304 = tpu.memref_slice %arg9[%dma_start3A_301, %dma_start3A_302, %dma_start3A_303] : memref<4x64x128xf32, #tpu.memory_space<vmem>> -> memref<1x64x128xf32, #tpu.memory_space<vmem>>
          %dma_start3A_305 = tpu.memref_squeeze %dma_start3A_304 : memref<1x64x128xf32, #tpu.memory_space<vmem>> -> memref<64x128xf32, #tpu.memory_space<vmem>>
          %dma_start3A_306 = arith.constant 0 : i32
          %dma_start3A_307 = tpu.memref_slice %arg7[%sub3A_300, %dma_start3A_306] : memref<16x64xi32, #tpu.memory_space<vmem>> -> memref<1x64xi32, #tpu.memory_space<vmem>>
          %dma_start3A_308 = tpu.memref_squeeze %dma_start3A_307 : memref<1x64xi32, #tpu.memory_space<vmem>> -> memref<64xi32, #tpu.memory_space<vmem>>
          %dma_start3A_309 = arith.constant 0 : i32
          %dma_start3A_310 = arith.constant 0 : i32
          %dma_start3A_311 = tpu.memref_slice %arg2[%dma_start3A_309, %dma_start3A_310] : memref<10000x128xf32, #tpu.memory_space<hbm>> -> memref<10000x128xf32, #tpu.memory_space<hbm>>
          tpu.enqueue_indirect_dma source(%dma_start3A_311 : memref<10000x128xf32, #tpu.memory_space<hbm>>) target(%dma_start3A_305 : memref<64x128xf32, #tpu.memory_space<vmem>>) offsets(%dma_start3A_308 : memref<64xi32, #tpu.memory_space<vmem>>) semaphore(%arg16 : memref<!tpu.dma_semaphore, #tpu.memory_space<semaphore_mem>>)
        } else {
        }
        %dma_start3A_280 = arith.constant 3 : i32
        %dma_start3A_281 = arith.constant 0 : i32
        %dma_start3A_282 = arith.constant 0 : i32
        %dma_start3A_283 = tpu.memref_slice %arg9[%dma_start3A_280, %dma_start3A_281, %dma_start3A_282] : memref<4x64x128xf32, #tpu.memory_space<vmem>> -> memref<1x64x128xf32, #tpu.memory_space<vmem>>
        %dma_start3A_284 = tpu.memref_squeeze %dma_start3A_283 : memref<1x64x128xf32, #tpu.memory_space<vmem>> -> memref<64x128xf32, #tpu.memory_space<vmem>>
        %dma_start3A_285 = arith.constant 0 : i32
        %dma_start3A_286 = tpu.memref_slice %arg8[%add3A_250, %dma_start3A_285] : memref<16x64xi32, #tpu.memory_space<vmem>> -> memref<1x64xi32, #tpu.memory_space<vmem>>
        %dma_start3A_287 = tpu.memref_squeeze %dma_start3A_286 : memref<1x64xi32, #tpu.memory_space<vmem>> -> memref<64xi32, #tpu.memory_space<vmem>>
        %dma_start3A_288 = arith.constant 0 : i32
        %dma_start3A_289 = arith.constant 0 : i32
        %dma_start3A_290 = tpu.memref_slice %arg12[%dma_start3A_288, %dma_start3A_289] : memref<1024x128xf32, #tpu.memory_space<vmem_shared>> -> memref<1024x128xf32, #tpu.memory_space<vmem_shared>>
        tpu.enqueue_indirect_dma source(%dma_start3A_284 : memref<64x128xf32, #tpu.memory_space<vmem>>) target(%dma_start3A_290 : memref<1024x128xf32, #tpu.memory_space<vmem_shared>>) offsets(%dma_start3A_287 : memref<64xi32, #tpu.memory_space<vmem>>) semaphore(%arg21 : memref<!tpu.dma_semaphore, #tpu.memory_space<semaphore_mem>>) {add = true}
        %dma_start3A_291 = arith.constant 0 : i32
        %dma_start3A_292 = tpu.memref_slice %arg8[%add3A_250, %dma_start3A_291] : memref<16x64xi32, #tpu.memory_space<vmem>> -> memref<1x64xi32, #tpu.memory_space<vmem>>
        %dma_start3A_293 = tpu.memref_squeeze %dma_start3A_292 : memref<1x64xi32, #tpu.memory_space<vmem>> -> memref<64xi32, #tpu.memory_space<vmem>>
        %dma_start3A_294 = arith.constant 0 : i32
        %dma_start3A_295 = arith.constant 0 : i32
        %dma_start3A_296 = tpu.memref_slice %arg13[%dma_start3A_294, %dma_start3A_295] : memref<1024x16xf32, #tpu.memory_space<vmem_shared>> -> memref<1024x16xf32, #tpu.memory_space<vmem_shared>>
        tpu.enqueue_indirect_dma source(%arg10 : memref<64x16xf32, #tpu.memory_space<vmem>>) target(%dma_start3A_296 : memref<1024x16xf32, #tpu.memory_space<vmem_shared>>) offsets(%dma_start3A_293 : memref<64xi32, #tpu.memory_space<vmem>>) semaphore(%arg25 : memref<!tpu.dma_semaphore, #tpu.memory_space<semaphore_mem>>) {add = true}
      }
      %scan3A_77 = arith.constant 4 : i32
      %dma_wait3A = arith.constant 3 : i32
      %dma_wait3A_78 = arith.constant 0 : i32
      %dma_wait3A_79 = arith.constant 0 : i32
      %dma_wait3A_80 = tpu.memref_slice %arg9[%dma_wait3A, %dma_wait3A_78, %dma_wait3A_79] : memref<4x64x128xf32, #tpu.memory_space<vmem>> -> memref<1x64x128xf32, #tpu.memory_space<vmem>>
      %dma_wait3A_81 = tpu.memref_squeeze %dma_wait3A_80 : memref<1x64x128xf32, #tpu.memory_space<vmem>> -> memref<64x128xf32, #tpu.memory_space<vmem>>
      %dma_wait3A_82 = arith.constant 0 : i32
      %dma_wait3A_83 = arith.constant 0 : i32
      %dma_wait3A_84 = tpu.memref_slice %arg2[%dma_wait3A_82, %dma_wait3A_83] : memref<10000x128xf32, #tpu.memory_space<hbm>> -> memref<64x128xf32, #tpu.memory_space<hbm>>
      %dma_wait3A_85 = arith.constant 0 : i32
      %dma_wait3A_86 = arith.constant 0 : i32
      %dma_wait3A_87 = tpu.memref_slice %arg9[%dma_wait3A, %dma_wait3A_85, %dma_wait3A_86] : memref<4x64x128xf32, #tpu.memory_space<vmem>> -> memref<1x64x128xf32, #tpu.memory_space<vmem>>
      %dma_wait3A_88 = tpu.memref_squeeze %dma_wait3A_87 : memref<1x64x128xf32, #tpu.memory_space<vmem>> -> memref<64x128xf32, #tpu.memory_space<vmem>>
      %dma_wait3A_89 = arith.constant 0 : i32
      %dma_wait3A_90 = arith.constant 0 : i32
      %dma_wait3A_91 = tpu.memref_slice %arg2[%dma_wait3A_89, %dma_wait3A_90] : memref<10000x128xf32, #tpu.memory_space<hbm>> -> memref<64x128xf32, #tpu.memory_space<hbm>>
      tpu.wait_dma2 semaphore(%arg21 : memref<!tpu.dma_semaphore, #tpu.memory_space<semaphore_mem>>) src(%dma_wait3A_91 : memref<64x128xf32, #tpu.memory_space<hbm>>) dst(%dma_wait3A_88 : memref<64x128xf32, #tpu.memory_space<vmem>>)
      %dma_wait3A_92 = arith.constant 0 : i32
      %dma_wait3A_93 = arith.constant 0 : i32
      %dma_wait3A_94 = arith.constant 0 : i32
      %dma_wait3A_95 = tpu.memref_slice %arg6[%dma_wait3A_92, %dma_wait3A_93, %dma_wait3A_94] : memref<2x1024x16xf32, #tpu.memory_space<hbm>> -> memref<1x64x16xf32, #tpu.memory_space<hbm>>
      %dma_wait3A_96 = tpu.memref_squeeze %dma_wait3A_95 : memref<1x64x16xf32, #tpu.memory_space<hbm>> -> memref<64x16xf32, #tpu.memory_space<hbm>>
      %dma_wait3A_97 = arith.constant 0 : i32
      %dma_wait3A_98 = arith.constant 0 : i32
      %dma_wait3A_99 = tpu.memref_slice %arg6[%dma_wait3A_92, %dma_wait3A_97, %dma_wait3A_98] : memref<2x1024x16xf32, #tpu.memory_space<hbm>> -> memref<1x64x16xf32, #tpu.memory_space<hbm>>
      %dma_wait3A_100 = tpu.memref_squeeze %dma_wait3A_99 : memref<1x64x16xf32, #tpu.memory_space<hbm>> -> memref<64x16xf32, #tpu.memory_space<hbm>>
      tpu.wait_dma2 semaphore(%arg25 : memref<!tpu.dma_semaphore, #tpu.memory_space<semaphore_mem>>) src(%dma_wait3A_100 : memref<64x16xf32, #tpu.memory_space<hbm>>) dst(%arg10 : memref<64x16xf32, #tpu.memory_space<vmem>>)
    }
    %barrier3A_29 = arith.constant 0 : index
    tpu.barrier barrier_id(%barrier3A_29)
    "tpu.region"() ({
      %run_scoped3A_30 = tpu.sem_alloc : memref<!tpu.dma_semaphore, #tpu.memory_space<semaphore_mem>>
      %dma_start3A = arith.constant 0 : i32
      %dma_start3A_31 = tpu.memref_slice %arg5[%arg0, %mul3A_15, %dma_start3A] : memref<2x1024x128xf32, #tpu.memory_space<hbm>> -> memref<1x64x128xf32, #tpu.memory_space<hbm>>
      %dma_start3A_32 = tpu.memref_squeeze %dma_start3A_31 : memref<1x64x128xf32, #tpu.memory_space<hbm>> -> memref<64x128xf32, #tpu.memory_space<hbm>>
      %dma_start3A_33 = arith.constant 0 : i32
      %dma_start3A_34 = tpu.memref_slice %arg12[%mul3A_15, %dma_start3A_33] : memref<1024x128xf32, #tpu.memory_space<vmem_shared>> -> memref<64x128xf32, #tpu.memory_space<vmem_shared>>
      tpu.enqueue_dma source(%dma_start3A_34 : memref<64x128xf32, #tpu.memory_space<vmem_shared>>) target(%dma_start3A_32 : memref<64x128xf32, #tpu.memory_space<hbm>>) target_semaphore(%run_scoped3A_30 : memref<!tpu.dma_semaphore, #tpu.memory_space<semaphore_mem>>)
      %dma_wait3A = arith.constant 0 : i32
      %dma_wait3A_35 = tpu.memref_slice %arg5[%arg0, %mul3A_15, %dma_wait3A] : memref<2x1024x128xf32, #tpu.memory_space<hbm>> -> memref<1x64x128xf32, #tpu.memory_space<hbm>>
      %dma_wait3A_36 = tpu.memref_squeeze %dma_wait3A_35 : memref<1x64x128xf32, #tpu.memory_space<hbm>> -> memref<64x128xf32, #tpu.memory_space<hbm>>
      %dma_wait3A_37 = arith.constant 0 : i32
      %dma_wait3A_38 = tpu.memref_slice %arg12[%mul3A_15, %dma_wait3A_37] : memref<1024x128xf32, #tpu.memory_space<vmem_shared>> -> memref<64x128xf32, #tpu.memory_space<vmem_shared>>
      tpu.wait_dma2 semaphore(%run_scoped3A_30 : memref<!tpu.dma_semaphore, #tpu.memory_space<semaphore_mem>>) src(%dma_wait3A_38 : memref<64x128xf32, #tpu.memory_space<vmem_shared>>) dst(%dma_wait3A_36 : memref<64x128xf32, #tpu.memory_space<hbm>>)
      tpu.yield
    }) : () -> ()
    "tpu.region"() ({
      %run_scoped3A_30 = tpu.sem_alloc : memref<!tpu.dma_semaphore, #tpu.memory_space<semaphore_mem>>
      %dma_start3A = arith.constant 0 : i32
      %dma_start3A_31 = tpu.memref_slice %arg6[%arg0, %mul3A_15, %dma_start3A] : memref<2x1024x16xf32, #tpu.memory_space<hbm>> -> memref<1x64x16xf32, #tpu.memory_space<hbm>>
      %dma_start3A_32 = tpu.memref_squeeze %dma_start3A_31 : memref<1x64x16xf32, #tpu.memory_space<hbm>> -> memref<64x16xf32, #tpu.memory_space<hbm>>
      %dma_start3A_33 = arith.constant 0 : i32
      %dma_start3A_34 = tpu.memref_slice %arg13[%mul3A_15, %dma_start3A_33] : memref<1024x16xf32, #tpu.memory_space<vmem_shared>> -> memref<64x16xf32, #tpu.memory_space<vmem_shared>>
      tpu.enqueue_dma source(%dma_start3A_34 : memref<64x16xf32, #tpu.memory_space<vmem_shared>>) target(%dma_start3A_32 : memref<64x16xf32, #tpu.memory_space<hbm>>) target_semaphore(%run_scoped3A_30 : memref<!tpu.dma_semaphore, #tpu.memory_space<semaphore_mem>>)
      %dma_wait3A = arith.constant 0 : i32
      %dma_wait3A_35 = tpu.memref_slice %arg6[%arg0, %mul3A_15, %dma_wait3A] : memref<2x1024x16xf32, #tpu.memory_space<hbm>> -> memref<1x64x16xf32, #tpu.memory_space<hbm>>
      %dma_wait3A_36 = tpu.memref_squeeze %dma_wait3A_35 : memref<1x64x16xf32, #tpu.memory_space<hbm>> -> memref<64x16xf32, #tpu.memory_space<hbm>>
      %dma_wait3A_37 = arith.constant 0 : i32
      %dma_wait3A_38 = tpu.memref_slice %arg13[%mul3A_15, %dma_wait3A_37] : memref<1024x16xf32, #tpu.memory_space<vmem_shared>> -> memref<64x16xf32, #tpu.memory_space<vmem_shared>>
      tpu.wait_dma2 semaphore(%run_scoped3A_30 : memref<!tpu.dma_semaphore, #tpu.memory_space<semaphore_mem>>) src(%dma_wait3A_38 : memref<64x16xf32, #tpu.memory_space<vmem_shared>>) dst(%dma_wait3A_36 : memref<64x16xf32, #tpu.memory_space<hbm>>)
      tpu.yield
    }) : () -> ()
    return
  }
}

module attributes {stable_mosaic.version = 14 : i64} {
  func.func @_tc1_body(%arg0: i32, %arg1: memref<2x2000x128xf32, #tpu.memory_space<vmem>>, %arg2: memref<2x2000x16xf32, #tpu.memory_space<vmem>>, %arg3: memref<2000x128xf32, #tpu.memory_space<vmem>>, %arg4: memref<128x128xf32, #tpu.memory_space<vmem>>, %arg5: memref<128x128xf32, #tpu.memory_space<vmem>>, %arg6: memref<1x128xf32, #tpu.memory_space<vmem>>, %arg7: memref<2000x128xf32, #tpu.memory_space<vmem>>) attributes {dimension_semantics = [#tpu.dimension_semantics<arbitrary>], iteration_bounds = array<i64: 5>, scalar_prefetch = 0 : i64, scratch_operands = 0 : i64, tpu.core_type = #tpu.core_type<tc>, window_params = [{transform_indices = @transform_0, window_bounds = array<i64: 2, 2000, 128>}, {transform_indices = @transform_1, window_bounds = array<i64: 2, 2000, 16>}, {transform_indices = @transform_2, window_bounds = array<i64: 2000, 128>}, {pipeline_mode = #tpu.pipeline_mode<synchronous>, transform_indices = @transform_3, window_bounds = array<i64: 128, 128>}, {pipeline_mode = #tpu.pipeline_mode<synchronous>, transform_indices = @transform_4, window_bounds = array<i64: 128, 128>}, {pipeline_mode = #tpu.pipeline_mode<synchronous>, transform_indices = @transform_5, window_bounds = array<i64: 1, 128>}, {transform_indices = @transform_6, window_bounds = array<i64: 2000, 128>}]} {
    %get3A = arith.constant 0 : index
    %get3A_0 = arith.constant 0 : index
    %get3A_1 = arith.constant 0 : index
    %get3A_2 = vector.load %arg2[%get3A, %get3A_0, %get3A_1] : memref<2x2000x16xf32, #tpu.memory_space<vmem>>, vector<1x2000x16xf32>
    %get3A_3 = vector.shape_cast %get3A_2 : vector<1x2000x16xf32> to vector<2000x16xf32>
    %slice3A = vector.extract_strided_slice %get3A_3 {offsets = [0, 0], sizes = [2000, 1], strides = [1, 1]} : vector<2000x16xf32> to vector<2000x1xf32>
    %get3A_4 = arith.constant 1 : index
    %get3A_5 = arith.constant 0 : index
    %get3A_6 = arith.constant 0 : index
    %get3A_7 = vector.load %arg2[%get3A_4, %get3A_5, %get3A_6] : memref<2x2000x16xf32, #tpu.memory_space<vmem>>, vector<1x2000x16xf32>
    %get3A_8 = vector.shape_cast %get3A_7 : vector<1x2000x16xf32> to vector<2000x16xf32>
    %slice3A_9 = vector.extract_strided_slice %get3A_8 {offsets = [0, 0], sizes = [2000, 1], strides = [1, 1]} : vector<2000x16xf32> to vector<2000x1xf32>
    %add3A = arith.addf %slice3A, %slice3A_9 : vector<2000x1xf32>
    %max3A = arith.constant 1.000000e+00 : f32
    %max3A_10 = vector.broadcast %max3A : f32 to vector<2000x1xf32>
    %max3A_11 = arith.maximumf %add3A, %max3A_10 : vector<2000x1xf32>
    %get3A_12 = arith.constant 0 : index
    %get3A_13 = arith.constant 0 : index
    %get3A_14 = arith.constant 0 : index
    %get3A_15 = vector.load %arg1[%get3A_12, %get3A_13, %get3A_14] : memref<2x2000x128xf32, #tpu.memory_space<vmem>>, vector<1x2000x128xf32>
    %get3A_16 = vector.shape_cast %get3A_15 : vector<1x2000x128xf32> to vector<2000x128xf32>
    %get3A_17 = arith.constant 1 : index
    %get3A_18 = arith.constant 0 : index
    %get3A_19 = arith.constant 0 : index
    %get3A_20 = vector.load %arg1[%get3A_17, %get3A_18, %get3A_19] : memref<2x2000x128xf32, #tpu.memory_space<vmem>>, vector<1x2000x128xf32>
    %get3A_21 = vector.shape_cast %get3A_20 : vector<1x2000x128xf32> to vector<2000x128xf32>
    %add3A_22 = arith.addf %get3A_16, %get3A_21 : vector<2000x128xf32>
    %div3A = vector.broadcast %max3A_11 : vector<2000x1xf32> to vector<2000x128xf32>
    %div3A_23 = arith.divf %add3A_22, %div3A : vector<2000x128xf32>
    %get3A_24 = arith.constant 0 : index
    %get3A_25 = arith.constant 0 : index
    %get3A_26 = vector.load %arg4[%get3A_24, %get3A_25] : memref<128x128xf32, #tpu.memory_space<vmem>>, vector<128x128xf32>
    %dot_general3A = arith.constant dense<0.000000e+00> : vector<2000x128xf32>
    %dot_general3A_27 = tpu.matmul %div3A_23, %get3A_26, %dot_general3A {dimension_numbers = #tpu.dot_dimension_numbers<[1], [0], [0], [1], [0, 0, 1, 1], [], []>, transpose_lhs_hint = false} : vector<2000x128xf32>, vector<128x128xf32>, vector<2000x128xf32> -> vector<2000x128xf32>
    %get3A_28 = arith.constant 0 : index
    %get3A_29 = arith.constant 0 : index
    %get3A_30 = vector.load %arg3[%get3A_28, %get3A_29] : memref<2000x128xf32, #tpu.memory_space<vmem>>, vector<2000x128xf32>
    %get3A_31 = arith.constant 0 : index
    %get3A_32 = arith.constant 0 : index
    %get3A_33 = vector.load %arg5[%get3A_31, %get3A_32] : memref<128x128xf32, #tpu.memory_space<vmem>>, vector<128x128xf32>
    %dot_general3A_34 = arith.constant dense<0.000000e+00> : vector<2000x128xf32>
    %dot_general3A_35 = tpu.matmul %get3A_30, %get3A_33, %dot_general3A_34 {dimension_numbers = #tpu.dot_dimension_numbers<[1], [0], [0], [1], [0, 0, 1, 1], [], []>, transpose_lhs_hint = false} : vector<2000x128xf32>, vector<128x128xf32>, vector<2000x128xf32> -> vector<2000x128xf32>
    %add3A_36 = arith.addf %dot_general3A_27, %dot_general3A_35 : vector<2000x128xf32>
    %get3A_37 = arith.constant 0 : index
    %get3A_38 = arith.constant 0 : index
    %get3A_39 = vector.load %arg6[%get3A_37, %get3A_38] : memref<1x128xf32, #tpu.memory_space<vmem>>, vector<1x128xf32>
    %add3A_40 = vector.broadcast %get3A_39 : vector<1x128xf32> to vector<2000x128xf32>
    %add3A_41 = arith.addf %add3A_36, %add3A_40 : vector<2000x128xf32>
    %max3A_42 = arith.constant 0.000000e+00 : f32
    %max3A_43 = vector.broadcast %max3A_42 : f32 to vector<2000x128xf32>
    %max3A_44 = arith.maximumf %add3A_41, %max3A_43 : vector<2000x128xf32>
    %swap3A = arith.constant 0 : index
    %swap3A_45 = arith.constant 0 : index
    %swap3A_46 = vector.load %arg7[%swap3A, %swap3A_45] : memref<2000x128xf32, #tpu.memory_space<vmem>>, vector<2000x128xf32>
    tpu.vector_store %arg7[%swap3A, %swap3A_45], %max3A_44 {strides = array<i32>} : memref<2000x128xf32, #tpu.memory_space<vmem>>, vector<2000x128xf32>,
    return
  }
  func.func @transform_0(%arg0: i32) -> (i32, i32, i32) {
    %c0_i32 = arith.constant 0 : i32
    %c0_i32_0 = arith.constant 0 : i32
    %c0_i32_1 = arith.constant 0 : i32
    return %c0_i32, %arg0, %c0_i32_0 : i32, i32, i32
  }
  func.func @transform_1(%arg0: i32) -> (i32, i32, i32) {
    %c0_i32 = arith.constant 0 : i32
    %c0_i32_0 = arith.constant 0 : i32
    %c0_i32_1 = arith.constant 0 : i32
    return %c0_i32, %arg0, %c0_i32_0 : i32, i32, i32
  }
  func.func @transform_2(%arg0: i32) -> (i32, i32) {
    %c0_i32 = arith.constant 0 : i32
    %c0_i32_0 = arith.constant 0 : i32
    return %arg0, %c0_i32 : i32, i32
  }
  func.func @transform_3(%arg0: i32) -> (i32, i32) {
    %c0_i32 = arith.constant 0 : i32
    %c0_i32_0 = arith.constant 0 : i32
    %c0_i32_1 = arith.constant 0 : i32
    return %c0_i32, %c0_i32_0 : i32, i32
  }
  func.func @transform_4(%arg0: i32) -> (i32, i32) {
    %c0_i32 = arith.constant 0 : i32
    %c0_i32_0 = arith.constant 0 : i32
    %c0_i32_1 = arith.constant 0 : i32
    return %c0_i32, %c0_i32_0 : i32, i32
  }
  func.func @transform_5(%arg0: i32) -> (i32, i32) {
    %c0_i32 = arith.constant 0 : i32
    %c0_i32_0 = arith.constant 0 : i32
    %c0_i32_1 = arith.constant 0 : i32
    return %c0_i32, %c0_i32_0 : i32, i32
  }
  func.func @transform_6(%arg0: i32) -> (i32, i32) {
    %c0_i32 = arith.constant 0 : i32
    %c0_i32_0 = arith.constant 0 : i32
    return %arg0, %c0_i32 : i32, i32
  }
}

module attributes {stable_mosaic.version = 14 : i64} {
  func.func @_tc2_body(%arg0: i32, %arg1: memref<2x1024x128xf32, #tpu.memory_space<vmem>>, %arg2: memref<2x1024x16xf32, #tpu.memory_space<vmem>>, %arg3: memref<1024x128xf32, #tpu.memory_space<vmem>>, %arg4: memref<128x64xf32, #tpu.memory_space<vmem>>, %arg5: memref<128x64xf32, #tpu.memory_space<vmem>>, %arg6: memref<1x64xf32, #tpu.memory_space<vmem>>, %arg7: memref<1024x64xf32, #tpu.memory_space<vmem>>) attributes {dimension_semantics = [#tpu.dimension_semantics<arbitrary>], iteration_bounds = array<i64: 1>, scalar_prefetch = 0 : i64, scratch_operands = 0 : i64, tpu.core_type = #tpu.core_type<tc>, window_params = [{pipeline_mode = #tpu.pipeline_mode<synchronous>, transform_indices = @transform_0, window_bounds = array<i64: 2, 1024, 128>}, {pipeline_mode = #tpu.pipeline_mode<synchronous>, transform_indices = @transform_1, window_bounds = array<i64: 2, 1024, 16>}, {transform_indices = @transform_2, window_bounds = array<i64: 1024, 128>}, {pipeline_mode = #tpu.pipeline_mode<synchronous>, transform_indices = @transform_3, window_bounds = array<i64: 128, 64>}, {pipeline_mode = #tpu.pipeline_mode<synchronous>, transform_indices = @transform_4, window_bounds = array<i64: 128, 64>}, {pipeline_mode = #tpu.pipeline_mode<synchronous>, transform_indices = @transform_5, window_bounds = array<i64: 1, 64>}, {pipeline_mode = #tpu.pipeline_mode<synchronous>, transform_indices = @transform_6, window_bounds = array<i64: 1024, 64>}]} {
    %get3A = arith.constant 0 : index
    %get3A_0 = arith.constant 0 : index
    %get3A_1 = arith.constant 0 : index
    %get3A_2 = vector.load %arg2[%get3A, %get3A_0, %get3A_1] : memref<2x1024x16xf32, #tpu.memory_space<vmem>>, vector<1x1024x16xf32>
    %get3A_3 = vector.shape_cast %get3A_2 : vector<1x1024x16xf32> to vector<1024x16xf32>
    %slice3A = vector.extract_strided_slice %get3A_3 {offsets = [0, 0], sizes = [1024, 1], strides = [1, 1]} : vector<1024x16xf32> to vector<1024x1xf32>
    %get3A_4 = arith.constant 1 : index
    %get3A_5 = arith.constant 0 : index
    %get3A_6 = arith.constant 0 : index
    %get3A_7 = vector.load %arg2[%get3A_4, %get3A_5, %get3A_6] : memref<2x1024x16xf32, #tpu.memory_space<vmem>>, vector<1x1024x16xf32>
    %get3A_8 = vector.shape_cast %get3A_7 : vector<1x1024x16xf32> to vector<1024x16xf32>
    %slice3A_9 = vector.extract_strided_slice %get3A_8 {offsets = [0, 0], sizes = [1024, 1], strides = [1, 1]} : vector<1024x16xf32> to vector<1024x1xf32>
    %add3A = arith.addf %slice3A, %slice3A_9 : vector<1024x1xf32>
    %max3A = arith.constant 1.000000e+00 : f32
    %max3A_10 = vector.broadcast %max3A : f32 to vector<1024x1xf32>
    %max3A_11 = arith.maximumf %add3A, %max3A_10 : vector<1024x1xf32>
    %get3A_12 = arith.constant 0 : index
    %get3A_13 = arith.constant 0 : index
    %get3A_14 = arith.constant 0 : index
    %get3A_15 = vector.load %arg1[%get3A_12, %get3A_13, %get3A_14] : memref<2x1024x128xf32, #tpu.memory_space<vmem>>, vector<1x1024x128xf32>
    %get3A_16 = vector.shape_cast %get3A_15 : vector<1x1024x128xf32> to vector<1024x128xf32>
    %get3A_17 = arith.constant 1 : index
    %get3A_18 = arith.constant 0 : index
    %get3A_19 = arith.constant 0 : index
    %get3A_20 = vector.load %arg1[%get3A_17, %get3A_18, %get3A_19] : memref<2x1024x128xf32, #tpu.memory_space<vmem>>, vector<1x1024x128xf32>
    %get3A_21 = vector.shape_cast %get3A_20 : vector<1x1024x128xf32> to vector<1024x128xf32>
    %add3A_22 = arith.addf %get3A_16, %get3A_21 : vector<1024x128xf32>
    %div3A = vector.broadcast %max3A_11 : vector<1024x1xf32> to vector<1024x128xf32>
    %div3A_23 = arith.divf %add3A_22, %div3A : vector<1024x128xf32>
    %get3A_24 = arith.constant 0 : index
    %get3A_25 = arith.constant 0 : index
    %get3A_26 = vector.load %arg4[%get3A_24, %get3A_25] : memref<128x64xf32, #tpu.memory_space<vmem>>, vector<128x64xf32>
    %dot_general3A = arith.constant dense<0.000000e+00> : vector<1024x64xf32>
    %dot_general3A_27 = tpu.matmul %div3A_23, %get3A_26, %dot_general3A {dimension_numbers = #tpu.dot_dimension_numbers<[1], [0], [0], [1], [0, 0, 1, 1], [], []>, transpose_lhs_hint = false} : vector<1024x128xf32>, vector<128x64xf32>, vector<1024x64xf32> -> vector<1024x64xf32>
    %get3A_28 = arith.constant 0 : index
    %get3A_29 = arith.constant 0 : index
    %get3A_30 = vector.load %arg3[%get3A_28, %get3A_29] : memref<1024x128xf32, #tpu.memory_space<vmem>>, vector<1024x128xf32>
    %get3A_31 = arith.constant 0 : index
    %get3A_32 = arith.constant 0 : index
    %get3A_33 = vector.load %arg5[%get3A_31, %get3A_32] : memref<128x64xf32, #tpu.memory_space<vmem>>, vector<128x64xf32>
    %dot_general3A_34 = arith.constant dense<0.000000e+00> : vector<1024x64xf32>
    %dot_general3A_35 = tpu.matmul %get3A_30, %get3A_33, %dot_general3A_34 {dimension_numbers = #tpu.dot_dimension_numbers<[1], [0], [0], [1], [0, 0, 1, 1], [], []>, transpose_lhs_hint = false} : vector<1024x128xf32>, vector<128x64xf32>, vector<1024x64xf32> -> vector<1024x64xf32>
    %add3A_36 = arith.addf %dot_general3A_27, %dot_general3A_35 : vector<1024x64xf32>
    %get3A_37 = arith.constant 0 : index
    %get3A_38 = arith.constant 0 : index
    %get3A_39 = vector.load %arg6[%get3A_37, %get3A_38] : memref<1x64xf32, #tpu.memory_space<vmem>>, vector<1x64xf32>
    %add3A_40 = vector.broadcast %get3A_39 : vector<1x64xf32> to vector<1024x64xf32>
    %add3A_41 = arith.addf %add3A_36, %add3A_40 : vector<1024x64xf32>
    %reduce_max3A = arith.constant dense<0xFF800000> : vector<1024xf32>
    %reduce_max3A_42 = vector.multi_reduction <maximumf>, %add3A_41, %reduce_max3A [1] : vector<1024x64xf32> to vector<1024xf32>
    %broadcast_in_dim3A = vector.shape_cast %reduce_max3A_42 : vector<1024xf32> to vector<1024x1xf32>
    %sub3A = vector.broadcast %broadcast_in_dim3A : vector<1024x1xf32> to vector<1024x64xf32>
    %sub3A_43 = arith.subf %add3A_41, %sub3A : vector<1024x64xf32>
    %exp3A = math.exp %sub3A_43 : vector<1024x64xf32>
    %reduce_sum3A = arith.constant dense<0.000000e+00> : vector<1024xf32>
    %reduce_sum3A_44 = vector.multi_reduction <add>, %exp3A, %reduce_sum3A [1] : vector<1024x64xf32> to vector<1024xf32>
    %broadcast_in_dim3A_45 = vector.shape_cast %reduce_sum3A_44 : vector<1024xf32> to vector<1024x1xf32>
    %log3A = math.log %broadcast_in_dim3A_45 : vector<1024x1xf32>
    %sub3A_46 = vector.broadcast %log3A : vector<1024x1xf32> to vector<1024x64xf32>
    %sub3A_47 = arith.subf %sub3A_43, %sub3A_46 : vector<1024x64xf32>
    %swap3A = arith.constant 0 : index
    %swap3A_48 = arith.constant 0 : index
    %swap3A_49 = vector.load %arg7[%swap3A, %swap3A_48] : memref<1024x64xf32, #tpu.memory_space<vmem>>, vector<1024x64xf32>
    tpu.vector_store %arg7[%swap3A, %swap3A_48], %sub3A_47 {strides = array<i32>} : memref<1024x64xf32, #tpu.memory_space<vmem>>, vector<1024x64xf32>,
    return
  }
  func.func @transform_0(%arg0: i32) -> (i32, i32, i32) {
    %c0_i32 = arith.constant 0 : i32
    %c0_i32_0 = arith.constant 0 : i32
    %c0_i32_1 = arith.constant 0 : i32
    %c0_i32_2 = arith.constant 0 : i32
    return %c0_i32, %c0_i32_0, %c0_i32_1 : i32, i32, i32
  }
  func.func @transform_1(%arg0: i32) -> (i32, i32, i32) {
    %c0_i32 = arith.constant 0 : i32
    %c0_i32_0 = arith.constant 0 : i32
    %c0_i32_1 = arith.constant 0 : i32
    %c0_i32_2 = arith.constant 0 : i32
    return %c0_i32, %c0_i32_0, %c0_i32_1 : i32, i32, i32
  }
  func.func @transform_2(%arg0: i32) -> (i32, i32) {
    %c0_i32 = arith.constant 0 : i32
    %c0_i32_0 = arith.constant 0 : i32
    %c0_i32_1 = arith.constant 0 : i32
    return %c0_i32, %c0_i32_0 : i32, i32
  }
  func.func @transform_3(%arg0: i32) -> (i32, i32) {
    %c0_i32 = arith.constant 0 : i32
    %c0_i32_0 = arith.constant 0 : i32
    %c0_i32_1 = arith.constant 0 : i32
    return %c0_i32, %c0_i32_0 : i32, i32
  }
  func.func @transform_4(%arg0: i32) -> (i32, i32) {
    %c0_i32 = arith.constant 0 : i32
    %c0_i32_0 = arith.constant 0 : i32
    %c0_i32_1 = arith.constant 0 : i32
    return %c0_i32, %c0_i32_0 : i32, i32
  }
  func.func @transform_5(%arg0: i32) -> (i32, i32) {
    %c0_i32 = arith.constant 0 : i32
    %c0_i32_0 = arith.constant 0 : i32
    %c0_i32_1 = arith.constant 0 : i32
    return %c0_i32, %c0_i32_0 : i32, i32
  }
  func.func @transform_6(%arg0: i32) -> (i32, i32) {
    %c0_i32 = arith.constant 0 : i32
    %c0_i32_0 = arith.constant 0 : i32
    %c0_i32_1 = arith.constant 0 : i32
    return %c0_i32, %c0_i32_0 : i32, i32
  }
}

</mosaic_0001>

<sc_bundles>
// kernel: kernel.6.cloned.1.call-start
scs
__scs_entry_jumppad:
0x0: {  	(pc) =	sbr.rel $0x88, $3  }
0x1: {  	(tag) =	ssettag $0x0;
	lr =	simm.s32 $0x1  }
0x2: {  	[smem:$0x3F96] =	sst lr;
	_ =	strace $0xD0000000  }
0x3: {  	_ = 	snop  }
0x4: {  	_ = 	snop  }
0x5: {  	_ = 	snop  }
0x6: {  	_ = 	snop  }
0x7: {  	_ = 	snop  }
__scs_overlays_trampoline_lowered:
0x8: {  	[smem:$0x3FA5] =	sst s0  }
0x9: {  	[smem:$0x3FA6] =	sst s1  }
0xa: {  	[smem:$0x3FA7] =	sst s2  }
0xb: {  	[smem:$0x3FA8] =	sst s3  }
0xc: {  	[smem:$0x3FA9] =	sst s4  }
0xd: {  	[smem:$0x3FAA] =	sst s5  }
0xe: {  	[smem:$0x3FAB] =	sst s6  }
0xf: {  	[smem:$0x3FAC] =	sst s7  }
0x10: {  	[smem:$0x3FAD] =	sst s8  }
0x11: {  	[smem:$0x3FAE] =	sst s9;
	s0 =	simm.s32 @!p0 $0x0  }
0x12: {  	s1 =	sld [smem:$0x3F94];
	s0 =	simm.s32 @p0 $0x1  }
0x13: {  	[smem:$0x3FAF] =	sst s0;
	s0 =	simm.s32 @!p1 $0x0  }
0x14: {  	s2 =	sld [smem:$0x3F93];
	s0 =	simm.s32 @p1 $0x1  }
0x15: {  	[smem:$0x3FB0] =	sst s0;
	s0 =	simm.s32 @!p2 $0x0  }
0x16: {  	s3 =	sld [smem:$0x3FDB];
	s0 =	simm.s32 @p2 $0x1  }
0x17: {  	s4 =	simm.s32 $0x1BF5;
	[smem:$0x3FB2] =	sst s0  }
0x18: {  	s0 =	sld [smem:$0x3F95];
	_ =	swait.ge [sflag:s4], $0x0  }
0x19: {  	s7 =	sld [smem:$0x3F96]  }
0x1a: {  	s8 =	sadd.s32 $0xFFFFE003, lr  }
0x1b: {  	s9 =	sadd.s32 $0xFFFFFEF7, lr;
	s5 =	simm.s32 $0xFFFFFFFF;
	p2 =	slt.u32 s8, $0xFFFFF086  }
0x1c: {  	p1 =	slt.u32 s9, $0xF7A;
	s5 =	simm.s32 @!p2 $0x0  }
0x1d: {  	s5 =	simm.s32 @p1 $0x1;
	p0 =	seq.s32 s7, s2  }
0x1e: {  	s7 =	smul.u32 @!p0 $0xF7A, s2;
	p2 =	seq.s32 @!p0 s5, $0x0  }
0x1f: {  	s9 =	smul.u32 $0xF7A, s1;
	s8 =	simm.s32 @!p0 $0x1BF5;
	p2 =	por !p2, p0  }
0x20: {  	[sflag:s8] =	ssyncset.s32 @!p0 $0xFFFFF086;
	s6 =	sadd.s32 @!p0 s3, s7;
	s7 =	simm.s32 @!p0 $0x108  }
0x21: {  	s3 =	sadd.s32 s3, s9;
	s6 =	sadd.s32 @!p0 $0x88, s6;
	s7 =	simm.s32 @p2 $0x1082  }
0x22: {  	[simem:s7], [sflag:s8] =	dma.local @!p0 [hbm:s6], $0xF7A  }
0x23: {  	s9 =	sor.u32 $0xD0000000, s2;
	s6 =	simm.s32 $0x108;
	_ =	swait.ge @!p0 [sflag:s8], $0x0  }
0x24: {  	s3 =	sadd.s32 $0x88, s3;
	s6 =	simm.s32 @!p1 $0x1082;
	[sflag:s4] =	ssyncset.s32 $0xFFFFF086  }
0x25: {  	[simem:s6], [sflag:s4] =	dma.local [hbm:s3], $0xF7A  }
0x26: {  	[smem:$0x3F96] =	sst s1;
	(tag) =	ssettag s2;
	_ =	strace s9  }
0x27: {  	s1 =	sld [smem:$0x3FA6]  }
0x28: {  	s2 =	sld [smem:$0x3FA7]  }
0x29: {  	s4 =	sld [smem:$0x3FA9]  }
0x2a: {  	p0 =	seq.s32 s5, $0x0;
	s5 =	sld [smem:$0x3FAA]  }
0x2b: {  	s6 =	sld [smem:$0x3FAB]  }
0x2c: {  	s7 =	sld [smem:$0x3FAC]  }
0x2d: {  	s3 =	simm.s32 $0x108;
	s8 =	sld [smem:$0x3FAD]  }
0x2e: {  	s3 =	simm.s32 @!p0 $0x1082;
	s9 =	sld [smem:$0x3FAE]  }
0x2f: {  	lr =	sadd.s32 s0, s3;
	s0 =	sld [smem:$0x3FA5]  }
0x30: {  	s3 =	sld [smem:$0x3FA8]  }
0x31: {  	[smem:$0x3FB1] =	sst s10  }
0x32: {  	s10 =	sld [smem:$0x3FAF];
	_ =	sdelay $0x3  }
0x33: {  	p0 =	seq.s32 s10, $0x1;
	s10 =	sld [smem:$0x3FB1];
	_ =	sdelay $0x3  }
0x34: {  	[smem:$0x3FB1] =	sst s10  }
0x35: {  	s10 =	sld [smem:$0x3FB0];
	_ =	sdelay $0x3  }
0x36: {  	p1 =	seq.s32 s10, $0x1;
	s10 =	sld [smem:$0x3FB1];
	_ =	sdelay $0x3  }
0x37: {  	[smem:$0x3FB1] =	sst s10  }
0x38: {  	s10 =	sld [smem:$0x3FB2]  }
0x39: {  	_ = 	snop;
	(pc) =	sbr.ind lr, $3  }
0x3a: {  	_ = 	snop  }
0x3b: {  	_ = 	snop  }
0x3c: {  	p2 =	seq.s32 s10, $0x1;
	s10 =	sld [smem:$0x3FB1]  }
0x3d: {  	_ =	shalt  }
0x3e: {  	_ =	shalt  }
0x3f: {  	_ =	shalt  }
0x40: {  	_ =	shalt  }
0x41: {  	_ =	shalt  }
0x42: {  	_ =	shalt  }
0x43: {  	_ =	shalt  }
0x44: {  	_ =	shalt  }
0x45: {  	_ =	shalt  }
0x46: {  	_ =	shalt  }
0x47: {  	_ =	shalt  }
0x48: {  	_ =	shalt  }
0x49: {  	_ =	shalt  }
0x4a: {  	_ =	shalt  }
0x4b: {  	_ =	shalt  }
0x4c: {  	_ =	shalt  }
0x4d: {  	_ =	shalt  }
0x4e: {  	_ =	shalt  }
0x4f: {  	_ =	shalt  }
0x50: {  	_ =	shalt  }
0x51: {  	_ =	shalt  }
0x52: {  	_ =	shalt  }
0x53: {  	_ =	shalt  }
0x54: {  	_ =	shalt  }
0x55: {  	_ =	shalt  }
0x56: {  	_ =	shalt  }
0x57: {  	_ =	shalt  }
0x58: {  	_ =	shalt  }
0x59: {  	_ =	shalt  }
0x5a: {  	_ =	shalt  }
0x5b: {  	_ =	shalt  }
0x5c: {  	_ =	shalt  }
0x5d: {  	_ =	shalt  }
0x5e: {  	_ =	shalt  }
0x5f: {  	_ =	shalt  }
0x60: {  	_ =	shalt  }
0x61: {  	_ =	shalt  }
0x62: {  	_ =	shalt  }
0x63: {  	_ =	shalt  }
0x64: {  	_ =	shalt  }
0x65: {  	_ =	shalt  }
0x66: {  	_ =	shalt  }
0x67: {  	_ =	shalt  }
0x68: {  	_ =	shalt  }
0x69: {  	_ =	shalt  }
0x6a: {  	_ =	shalt  }
0x6b: {  	_ =	shalt  }
0x6c: {  	_ =	shalt  }
0x6d: {  	_ =	shalt  }
0x6e: {  	_ =	shalt  }
0x6f: {  	_ =	shalt  }
0x70: {  	_ =	shalt  }
0x71: {  	_ =	shalt  }
0x72: {  	_ =	shalt  }
0x73: {  	_ =	shalt  }
0x74: {  	_ =	shalt  }
0x75: {  	_ =	shalt  }
0x76: {  	_ =	shalt  }
0x77: {  	_ =	shalt  }
0x78: {  	_ =	shalt  }
0x79: {  	_ =	shalt  }
0x7a: {  	_ =	shalt  }
0x7b: {  	_ =	shalt  }
0x7c: {  	_ =	shalt  }
0x7d: {  	_ =	shalt  }
0x7e: {  	_ =	shalt  }
0x7f: {  	_ =	shalt  }
0x80: {  	_ =	shalt  }
0x81: {  	_ =	shalt  }
0x82: {  	_ =	shalt  }
0x83: {  	_ =	shalt  }
0x84: {  	_ =	shalt  }
0x85: {  	_ =	shalt  }
0x86: {  	_ =	shalt  }
0x87: {  	_ =	shalt  }
.Lfunc_end0:
.L_simem_size_0:
called_computation_lowered:
.L_overlay_start_0:
0x88: {  	s2 =	sld [smem:$0x3FD9]  }
0x89: {  	s3 =	sld [smem:$0x3FFE];
	_ =	sdelay $0x1  }
0x8a: {  	s1 =	srdreg.scid  }
0x8b: {  	s0 =	sand.u32 $0x1, s1  }
0x8c: {  	s17 =	sshll.u32 s0, $0xA;
	s2 =	sadd.s32 s3, s2  }
0x8d: {  	s2 =	sadd.s32 s2, s17  }
0x8e: {  	[smem:$0x3FBD] =	sst s2  }
0x8f: {  	_ = 	snop  }
0x90: {  	s2 =	sld [smem:$0x3FC9];
	(tm) =	ssettm $0x1  }
0x91: {  	s18 =	sld [smem:$0x3FFB];
	_ =	sdelay $0x3  }
0x92: {  	_ =	strace s18  }
0x93: {  	s3 =	sld [smem:$0x3FFC];
	_ =	sdelay $0x3  }
0x94: {  	_ =	strace s3  }
0x95: {  	s3 =	sld [smem:$0x3FFD];
	_ =	sdelay $0x3  }
0x96: {  	_ =	strace s3  }
0x97: {  	_ =	strace $0x8FFFFFFF  }
0x98: {  	s19 =	sld [smem:$0x3FDB];
	_ =	sdelay $0x1  }
0x99: {  	s4 =	simm.s32 $_scs_section_size  }
0x9a: {  	s5 =	simm.s32 $_size__tile_overlayer_lowered;
	s6 =	simm.s32 $_tile_overlayer_lowered  }
0x9b: {  	s22 =	simm.s32 $0x1BFF;
	s21 =	sshll.u32 s6, $0x1;
	s3 =	sadd.s32 s4, s19  }
0x9c: {  	s7 =	simm.s32 $0x0;
	s20 =	sshll.u32 s5, $0x1;
	s5 =	sadd.s32 s21, s3  }
0x9d: {  	[timem:s7], [sflag:s22] =	dma.local [hbm:s5], s20  }
0x9e: {  	_ =	swait.ge [sflag:s22], s20  }
0x9f: {  	s4 =	ssub.s32 $0x0, s20;
	[sflag:s22] =	ssyncset.done $0x0  }
0xa0: {  	[sflag:s22] =	ssyncadd.s32 s4;
	_ =	sdelay $0x1  }
0xa1: {  	s23 =	simm.s32 $0x1B8B  }
0xa2: {  	_ =	swait.ge [sflag:s23], $0x1  }
0xa3: {  	[sflag:s23] =	ssyncset.done $0x0  }
0xa4: {  	s25 =	simm.s32 $0x1B8E;
	s24 =	sld [smem:$0x3FFE];
	[sflag:s23] =	ssyncadd.s32 $0xFFFFFFFF  }
0xa5: {  	s26 =	simm.s32 $execute0_lowered;
	[smem:$0x3FD2] =	sst s25  }
0xa6: {  	s5 =	sshll.u32 s26, $0x1;
	_ =	strace $0x80000046;
	[dreg:$0x1] =	wrdreg $0xFFFFFFFF  }
0xa7: {  	s28 =	simm.s32 $_size_execute0_lowered;
	s3 =	sadd.s32 s3, s5;
	[dreg:$0x0] =	wrdreg $0x0  }
0xa8: {  	s5 =	sshll.u32 s28, $0x1;
	[dreg:$0x2] =	wrdreg s3  }
0xa9: {  	[dreg:$0x3] =	wrdreg s5  }
0xaa: {  	[dreg:$0x4] =	wrdreg $0xC0  }
0xab: {  	_ =	task [dreg:s7], $0x5FFFF  }
0xac: {  	[dreg:$0x1] =	wrdreg $0xFFFFFFFF  }
0xad: {  	[dreg:$0x0] =	wrdreg $0x60  }
0xae: {  	[dreg:$0x2] =	wrdreg s2  }
0xaf: {  	[dreg:$0x3] =	wrdreg s24  }
0xb0: {  	[dreg:$0x4] =	wrdreg $0x98000  }
0xb1: {  	[dreg:$0x5] =	wrdreg $0x1D1000  }
0xb2: {  	[dreg:$0x6] =	wrdreg $0x9  }
0xb3: {  	_ =	task.clear_ibuf [dreg:s7], $0x7FFFF;
	_ =	strace $0x90000046  }
0xb4: {  	s29 =	simm.s32 $0x9;
	_ =	strace $0x80000048  }
0xb5: {  	_ =	swait.ge [sflag:s29], $0x1  }
0xb6: {  	[sflag:s29] =	ssyncadd.s32 $0xFFFFFFFF  }
0xb7: {  	_ =	strace $0x90000048  }
0xb8: {  	_ =	sfence  }
0xb9: {  	s30 =	sld [smem:$0x0];
	_ =	sdelay $0x2  }
0xba: {  	s31 =	sshll.u32 s1, $0xD;
	s1 =	sshrl.u32 s1, $0x2  }
0xbb: {  	s3 =	sand.u32 $0x4000, s31;
	s1 =	sadd.s32 s1, s30  }
0xbc: {  	s0 =	sor.u32 s3, s0;
	s1 =	sshll.u32 s1, $0x11  }
0xbd: {  	s0 =	sor.u32 s1, s0  }
0xbe: {  	s0 =	sadd.s32 $0x8F2B, s0  }
0xbf: {  	[sflag:s0] =	ssyncadd.remote.s32 $0x1  }
0xc0: {  	_ =	sfence.sel $0xFFFF  }
0xc1: {  	[dreg:$0x0] =	wrdreg $0xFFFFFFFF;
	(pc) =	sbr.abs _section_cstart, $3  }
0xc2: {  	[dreg:$0x1] =	wrdreg $0xFFFFFFFF  }
0xc3: {  	_ =	task.clear_ibuf [dreg:s7], $0x2FFFF;
	_ =	strace $0x9FFFFFFF  }
0xc4: {  	(tm) =	ssettm $0x7FFFFFFF  }
0xc5: {  	_ =	shalt  }
tec
execute0_lowered:
.L_overlay_start_1:
0x0: {  	(tag) =	ssettag $0x1  }
0x1: {  	s1 =	rddreg [dreg:$0x0]  }
0x2: {  	s0 =	rddreg [dreg:$0x1];
	s2 =	srdreg.scid  }
0x3: {  	s13 =	stileid.u32;
	s3 =	rddreg [dreg:$0x2]  }
0x4: {  	s4 =	rddreg [dreg:$0x3];
	s15 =	simm.s32 $0x0;
	s5 =	smul.u32 $0x13900, s13  }
0x5: {  	s28 =	simm.s32 $0x6;
	s30 =	simm.s32 $0xA;
	s7 =	smul.u32 $0x2720, s13  }
0x6: {  	s31 =	simm.s32 $0x0;
	s2 =	sand.u32 $0x1, s2;
	s11 =	smul.u32 $0x120, s13  }
0x7: {  	[smem:$0x7FF] =	sst s15;
	s12 =	sshll.u32 s13, $0x5;
	s13 =	smul.u32 $0x272, s13  }
0x8: {  	s9 =	sadd.s32 $0xCC00, s0;
	s25 =	sadd.s32 $0x2C00, s0;
	s6 =	smul.u32 $0x139000, s2  }
0x9: {  	s8 =	smul.u32 $0x27200, s2;
	_ =	strace $0x80000047;
	[dreg:$0x6] =	wrdreg s9  }
0xa: {  	s26 =	ssub.s32 $0x2, s2;
	p0 =	seq.s32 s2, $0x0;
	s12 =	sor.u32 $0x1200, s12  }
0xb: {  	[dreg:$0x7] =	wrdreg s25;
	s10 =	sshrl.u32 s26, $0x1;
	s12 =	smov.u32 @p0 s11  }
0xc: {  	s25 =	sadd.s32 s5, s3;
	s29 =	sadd.s32 s7, s4;
	s9 =	sadd.s32 $0x40, s13  }
0xd: {  	s11 =	sadd.s32 $0x80, s13;
	s17 =	sadd.s32 $0xC0, s13;
	s20 =	sadd.s32 $0x100, s13  }
0xe: {  	s22 =	sadd.s32 $0x140, s13;
	p0 =	sne.s32 s2, $0x0;
	s6 =	sadd.s32 s5, s6  }
0xf: {  	s8 =	sadd.s32 s7, s8;
	s5 =	sshll.u32 s9, $0x4;
	s14 =	sshll.u32 s11, $0x7  }
0x10: {  	s16 =	sshll.u32 s11, $0x4;
	s18 =	sshll.u32 s17, $0x7;
	s21 =	sshll.u32 s20, $0x7  }
0x11: {  	s23 =	sshll.u32 s22, $0x7;
	s24 =	sshll.u32 s22, $0x4;
	[dreg:$0x8] =	wrdreg s25  }
0x12: {  	[dreg:$0x9] =	wrdreg s29;
	s6 =	sshrl.u32 s6, $0x3;
	s8 =	sshrl.u32 s8, $0x3  }
0x13: {  	s5 =	sadd.s32 s5, s4;
	s6 =	sadd.s32 s6, s0;
	s0 =	sadd.s32 s8, s0  }
0x14: {  	s8 =	ssub.s32 s26, s10;
	s10 =	sshll.u32 s9, $0x7;
	[dreg:$0xb] =	wrdreg s5  }
0x15: {  	s5 =	sadd.s32 s14, s3;
	s26 =	sadd.s32 $0x180, s13;
	s14 =	sadd.s32 $0x200, s13  }
0x16: {  	s7 =	sadd.s32 s10, s3;
	[dreg:$0xc] =	wrdreg s5;
	s5 =	sadd.s32 s16, s4  }
0x17: {  	s9 =	sshll.u32 s26, $0x7;
	s2 =	sshll.u32 s26, $0x4;
	s10 =	sadd.s32 $0x1C0, s13  }
0x18: {  	s0 =	sadd.s32 $0x16C00, s0;
	s26 =	smax.u32 s8, $0x1;
	[dreg:$0xa] =	wrdreg s7  }
0x19: {  	s8 =	simm.s32 $0x4;
	[dreg:$0xd] =	wrdreg s5;
	s7 =	sshll.u32 s17, $0x4  }
0x1a: {  	s5 =	sadd.s32 s18, s3;
	s2 =	sadd.s32 s2, s4;
	s11 =	sshll.u32 s10, $0x7  }
0x1b: {  	s16 =	sshll.u32 s10, $0x4;
	s17 =	sshll.u32 s14, $0x7;
	[dreg:$0x1e] =	wrdreg s0  }
0x1c: {  	[dreg:$0x1f] =	wrdreg s26;
	s0 =	simm.s32 $0x1000;
	s10 =	simm.s32 $0xD  }
0x1d: {  	s26 =	simm.s32 $0x3;
	[dreg:$0xe] =	wrdreg s5;
	s19 =	sadd.s32 s7, s4  }
0x1e: {  	s5 =	sshll.u32 s20, $0x4;
	s7 =	sadd.s32 s21, s3;
	[dreg:$0x15] =	wrdreg s2  }
0x1f: {  	s2 =	sadd.s32 s11, s3;
	s18 =	sadd.s32 s17, s3;
	s20 =	sshll.u32 s14, $0x4  }
0x20: {  	s14 =	simm.s32 $0x3000;
	s17 =	simm.s32 $0x1;
	[dreg:$0xf] =	wrdreg s19  }
0x21: {  	s11 =	simm.s32 $0xB;
	[dreg:$0x10] =	wrdreg s7;
	s5 =	sadd.s32 s5, s4  }
0x22: {  	s7 =	sadd.s32 s24, s4;
	[dreg:$0x16] =	wrdreg s2;
	s2 =	sadd.s32 s16, s4  }
0x23: {  	[dreg:$0x18] =	wrdreg s18;
	s19 =	sadd.s32 $0x240, s13;
	s24 =	sadd.s32 $0x20A00, s6  }
0x24: {  	s13 =	simm.s32 $0x40;
	s16 =	simm.s32 $0x5000;
	[dreg:$0x11] =	wrdreg s5  }
0x25: {  	s18 =	simm.s32 $0x8;
	s5 =	sadd.s32 s23, s3;
	[dreg:$0x13] =	wrdreg s7  }
0x26: {  	[dreg:$0x17] =	wrdreg s2;
	s21 =	sshll.u32 s19, $0x7;
	s2 =	sshll.u32 s19, $0x4  }
0x27: {  	s23 =	sshll.u32 s12, $0x6;
	[dreg:$0x1d] =	wrdreg s24;
	s12 =	simm.s32 $0x800  }
0x28: {  	s19 =	simm.s32 $0x7000;
	s24 =	simm.s32 $0xC;
	[dreg:$0x12] =	wrdreg s5  }
.Ltmp0:
0x29: {  	s5 =	sadd.s32 s9, s3;
	[dreg:$0x1c] =	wrdreg s23;
	(pc) =	sbr.rel .LBB2_1-.Ltmp0, $4  }
0x2a: {  	s22 =	sadd.s32 s21, s3;
	s2 =	sadd.s32 s2, s4;
	[dreg:$0x14] =	wrdreg s5  }
0x2b: {  	s21 =	simm.s32 $0x2;
	s23 =	simm.s32 $0x9;
	[dreg:$0x1a] =	wrdreg s22  }
0x2c: {  	s9 =	simm.s32 $0x7;
	s5 =	sadd.s32 s20, s4;
	[dreg:$0x1b] =	wrdreg s2  }
0x2d: {  	v0 =	vimm.f32 $0.0e+00;
	v1 =	vimm.f32 $1.000000000e+00;
	s20 =	simm.s32 $0x9000;
	s22 =	simm.s32 $0x5;
	[dreg:$0x19] =	wrdreg s5  }
.LBB2_8:
0x2e: {  	s2 =	stileid.u32;
	[bflag:$0x0] =	sbarrier.arrive $0xFFFF  }
0x2f: {  	s2 =	sshll.u32 s2, $0x6;
	s25 =	rddreg [dreg:$0x8]  }
0x30: {  	s6 =	rddreg [dreg:$0x1d];
	s2 =	sor.u32 $0x1C0D, s2;
	s5 =	sshrl.u32 s25, $0x3  }
0x31: {  	[hbm:s6], [sflag:s2] =	dma.local [spmem:s5], $0x2720  }
0x32: {  	_ =	swait.ge [sflag:s10], $0x2720  }
0x33: {  	[sflag:s10] =	ssyncset.done $0x0;
	s29 =	rddreg [dreg:$0x9]  }
0x34: {  	s15 =	rddreg [dreg:$0x1e];
	[sflag:s10] =	ssyncadd.s32 $0xFFFFD8E0;
	s7 =	sshrl.u32 s29, $0x3  }
0x35: {  	[hbm:s15], [sflag:s2] =	dma.local [spmem:s7], $0x4E4  }
0x36: {  	_ =	swait.ge [sflag:s10], $0x4E4  }
0x37: {  	s15 =	rddreg [dreg:$0x5]  }
0x38: {  	s7 =	rddreg [dreg:$0x1f];
	s15 =	sadd.s32 $0x1, s15  }
0x39: {  	p1 =	sne.s32 s15, s7  }
.Ltmp1:
0x3a: {  	_ = 	snop;
	(pc) =	sbr.rel @!p1 .LBB2_9-.Ltmp1, $3  }
0x3b: {  	_ =	sdelay $0x1  }
0x3c: {  	[sflag:s10] =	ssyncset.done $0x0  }
0x3d: {  	[sflag:s10] =	ssyncadd.s32 $0xFFFFFB1C  }
.LBB2_1:
0x3e: {  	s5 =	simm.s32 $0x1040  }
0x3f: {  	[tilespmem:s5+$0x20] =	vst v0  }
0x40: {  	[tilespmem:s5+$0x10] =	vst v0  }
0x41: {  	[tilespmem:s5+$0x0] =	vst v0  }
0x42: {  	[tilespmem:s5+$0xFFFFFFF0] =	vst v0  }
0x43: {  	[tilespmem:s5+$0xFFFFFFE0] =	vst v0  }
0x44: {  	[tilespmem:s5+$0xFFFFFFD0] =	vst v0  }
0x45: {  	[tilespmem:s5+$0xFFFFFFC0] =	vst v0  }
0x46: {  	[dreg:$0x5] =	wrdreg s15;
	s7 =	simm.s32 $0x0;
	s6 =	simm.s32 $0x40;
	[tilespmem:s5+$0x30] =	vst v0  }
.LBB2_2:
0x47: {  	p1 =	sne.s32 s6, $0xFC0;
	[tilespmem:s7+$0x9400] =	vst v0  }
0x48: {  	s5 =	sadd.s32 $0x80, s5;
	[tilespmem:s7+$0x9000] =	vst v1  }
0x49: {  	[tilespmem:s5+$0x20] =	vst v0  }
0x4a: {  	[tilespmem:s5+$0x10] =	vst v0  }
0x4b: {  	[tilespmem:s5+$0x0] =	vst v0  }
.Ltmp2:
0x4c: {  	[tilespmem:s5+$0xFFFFFFF0] =	vst v0;
	(pc) =	sbr.rel @p1 .LBB2_2-.Ltmp2, $4  }
0x4d: {  	[tilespmem:s5+$0xFFFFFFE0] =	vst v0  }
0x4e: {  	[tilespmem:s5+$0xFFFFFFD0] =	vst v0  }
0x4f: {  	[tilespmem:s5+$0xFFFFFFC0] =	vst v0  }
0x50: {  	s7 =	sshra.s32 s6, $0x2;
	s6 =	sadd.s32 $0x40, s6;
	[tilespmem:s5+$0x30] =	vst v0  }
0x51: {  	[tilespmem:s7+$0x9400] =	vst v0  }
0x52: {  	[tilespmem:s7+$0x9000] =	vst v1  }
0x53: {  	[spmem:s25] =	stream.linear.scatter [tilespmem:s0], [sflag:$0xD], $0x2000, $0x38;
	[tilespmem:$0x1F820] =	vst v63  }
0x54: {  	_ =	swait.ge [sflag:s10], $0x2000  }
0x55: {  	[sflag:s10] =	ssyncset.done $0x0  }
0x56: {  	s5 =	simm.s32 $0x9400;
	[sflag:s10] =	ssyncadd.s32 $0xFFFFE000  }
0x57: {  	[spmem:s29] =	stream.linear.scatter [tilespmem:s5], [sflag:$0xD], $0x400, $0x38;
	[tilespmem:$0x1F820] =	vst v63  }
0x58: {  	_ =	swait.ge [sflag:s10], $0x400  }
0x59: {  	[sflag:s10] =	ssyncset.done $0x0  }
0x5a: {  	s2 =	rddreg [dreg:$0xa];
	[sflag:s10] =	ssyncadd.s32 $0xFFFFFC00  }
0x5b: {  	[spmem:s2] =	stream.linear.scatter [tilespmem:s0], [sflag:$0xD], $0x2000, $0x38;
	[tilespmem:$0x1F820] =	vst v63  }
0x5c: {  	_ =	swait.ge [sflag:s10], $0x2000  }
0x5d: {  	[sflag:s10] =	ssyncset.done $0x0  }
0x5e: {  	s25 =	rddreg [dreg:$0xb];
	[sflag:s10] =	ssyncadd.s32 $0xFFFFE000  }
0x5f: {  	[spmem:s25] =	stream.linear.scatter [tilespmem:s5], [sflag:$0xD], $0x400, $0x38;
	[tilespmem:$0x1F820] =	vst v63  }
0x60: {  	_ =	swait.ge [sflag:s10], $0x400  }
0x61: {  	[sflag:s10] =	ssyncset.done $0x0  }
0x62: {  	s29 =	rddreg [dreg:$0xc];
	[sflag:s10] =	ssyncadd.s32 $0xFFFFFC00  }
0x63: {  	[spmem:s29] =	stream.linear.scatter [tilespmem:s0], [sflag:$0xD], $0x2000, $0x38;
	[tilespmem:$0x1F820] =	vst v63  }
0x64: {  	_ =	swait.ge [sflag:s10], $0x2000  }
0x65: {  	[sflag:s10] =	ssyncset.done $0x0  }
0x66: {  	s6 =	rddreg [dreg:$0xd];
	[sflag:s10] =	ssyncadd.s32 $0xFFFFE000  }
0x67: {  	[spmem:s6] =	stream.linear.scatter [tilespmem:s5], [sflag:$0xD], $0x400, $0x38;
	[tilespmem:$0x1F820] =	vst v63  }
0x68: {  	_ =	swait.ge [sflag:s10], $0x400  }
0x69: {  	[sflag:s10] =	ssyncset.done $0x0  }
0x6a: {  	s7 =	rddreg [dreg:$0xe];
	[sflag:s10] =	ssyncadd.s32 $0xFFFFFC00  }
0x6b: {  	[spmem:s7] =	stream.linear.scatter [tilespmem:s0], [sflag:$0xD], $0x2000, $0x38;
	[tilespmem:$0x1F820] =	vst v63  }
0x6c: {  	_ =	swait.ge [sflag:s10], $0x2000  }
0x6d: {  	[sflag:s10] =	ssyncset.done $0x0  }
0x6e: {  	s15 =	rddreg [dreg:$0xf];
	[sflag:s10] =	ssyncadd.s32 $0xFFFFE000  }
0x6f: {  	[spmem:s15] =	stream.linear.scatter [tilespmem:s5], [sflag:$0xD], $0x400, $0x38;
	[tilespmem:$0x1F820] =	vst v63  }
0x70: {  	_ =	swait.ge [sflag:s10], $0x400  }
0x71: {  	[sflag:s10] =	ssyncset.done $0x0  }
0x72: {  	s25 =	rddreg [dreg:$0x10];
	[sflag:s10] =	ssyncadd.s32 $0xFFFFFC00  }
0x73: {  	[spmem:s25] =	stream.linear.scatter [tilespmem:s0], [sflag:$0xD], $0x2000, $0x38;
	[tilespmem:$0x1F820] =	vst v63  }
0x74: {  	_ =	swait.ge [sflag:s10], $0x2000  }
0x75: {  	[sflag:s10] =	ssyncset.done $0x0  }
0x76: {  	s29 =	rddreg [dreg:$0x11];
	[sflag:s10] =	ssyncadd.s32 $0xFFFFE000  }
0x77: {  	[spmem:s29] =	stream.linear.scatter [tilespmem:s5], [sflag:$0xD], $0x400, $0x38;
	[tilespmem:$0x1F820] =	vst v63  }
0x78: {  	_ =	swait.ge [sflag:s10], $0x400  }
0x79: {  	[sflag:s10] =	ssyncset.done $0x0  }
0x7a: {  	s6 =	rddreg [dreg:$0x12];
	[sflag:s10] =	ssyncadd.s32 $0xFFFFFC00  }
0x7b: {  	[spmem:s6] =	stream.linear.scatter [tilespmem:s0], [sflag:$0xD], $0x2000, $0x38;
	[tilespmem:$0x1F820] =	vst v63  }
0x7c: {  	_ =	swait.ge [sflag:s10], $0x2000  }
0x7d: {  	[sflag:s10] =	ssyncset.done $0x0  }
0x7e: {  	s7 =	rddreg [dreg:$0x13];
	[sflag:s10] =	ssyncadd.s32 $0xFFFFE000  }
0x7f: {  	[spmem:s7] =	stream.linear.scatter [tilespmem:s5], [sflag:$0xD], $0x400, $0x38;
	[tilespmem:$0x1F820] =	vst v63  }
0x80: {  	_ =	swait.ge [sflag:s10], $0x400  }
0x81: {  	[sflag:s10] =	ssyncset.done $0x0  }
0x82: {  	s15 =	rddreg [dreg:$0x14];
	[sflag:s10] =	ssyncadd.s32 $0xFFFFFC00  }
0x83: {  	[spmem:s15] =	stream.linear.scatter [tilespmem:s0], [sflag:$0xD], $0x2000, $0x38;
	[tilespmem:$0x1F820] =	vst v63  }
0x84: {  	_ =	swait.ge [sflag:s10], $0x2000  }
0x85: {  	[sflag:s10] =	ssyncset.done $0x0  }
0x86: {  	s25 =	rddreg [dreg:$0x15];
	[sflag:s10] =	ssyncadd.s32 $0xFFFFE000  }
0x87: {  	[spmem:s25] =	stream.linear.scatter [tilespmem:s5], [sflag:$0xD], $0x400, $0x38;
	[tilespmem:$0x1F820] =	vst v63  }
0x88: {  	_ =	swait.ge [sflag:s10], $0x400  }
0x89: {  	[sflag:s10] =	ssyncset.done $0x0  }
0x8a: {  	s29 =	rddreg [dreg:$0x16];
	[sflag:s10] =	ssyncadd.s32 $0xFFFFFC00  }
0x8b: {  	[spmem:s29] =	stream.linear.scatter [tilespmem:s0], [sflag:$0xD], $0x2000, $0x38;
	[tilespmem:$0x1F820] =	vst v63  }
0x8c: {  	_ =	swait.ge [sflag:s10], $0x2000  }
0x8d: {  	[sflag:s10] =	ssyncset.done $0x0  }
0x8e: {  	s6 =	rddreg [dreg:$0x17];
	[sflag:s10] =	ssyncadd.s32 $0xFFFFE000  }
0x8f: {  	[spmem:s6] =	stream.linear.scatter [tilespmem:s5], [sflag:$0xD], $0x400, $0x38;
	[tilespmem:$0x1F820] =	vst v63  }
0x90: {  	_ =	swait.ge [sflag:s10], $0x400  }
0x91: {  	[sflag:s10] =	ssyncset.done $0x0  }
0x92: {  	s7 =	rddreg [dreg:$0x18];
	[sflag:s10] =	ssyncadd.s32 $0xFFFFFC00  }
0x93: {  	[spmem:s7] =	stream.linear.scatter [tilespmem:s0], [sflag:$0xD], $0x2000, $0x38;
	[tilespmem:$0x1F820] =	vst v63  }
0x94: {  	_ =	swait.ge [sflag:s10], $0x2000  }
0x95: {  	[sflag:s10] =	ssyncset.done $0x0  }
0x96: {  	s15 =	rddreg [dreg:$0x19];
	[sflag:s10] =	ssyncadd.s32 $0xFFFFE000  }
0x97: {  	[spmem:s15] =	stream.linear.scatter [tilespmem:s5], [sflag:$0xD], $0x400, $0x38;
	[tilespmem:$0x1F820] =	vst v63  }
0x98: {  	_ =	swait.ge [sflag:s10], $0x400  }
0x99: {  	[sflag:s10] =	ssyncset.done $0x0  }
0x9a: {  	s25 =	rddreg [dreg:$0x1a];
	[sflag:s10] =	ssyncadd.s32 $0xFFFFFC00  }
0x9b: {  	[spmem:s25] =	stream.linear.scatter [tilespmem:s0], [sflag:$0xD], $0x1900, $0x38;
	[tilespmem:$0x1F820] =	vst v63  }
0x9c: {  	_ =	swait.ge [sflag:s10], $0x1900  }
0x9d: {  	[sflag:s10] =	ssyncset.done $0x0  }
0x9e: {  	s29 =	rddreg [dreg:$0x1b];
	[sflag:s10] =	ssyncadd.s32 $0xFFFFE700  }
0x9f: {  	[spmem:s29] =	stream.linear.scatter [tilespmem:s5], [sflag:$0xD], $0x320, $0x38;
	[tilespmem:$0x1F820] =	vst v63  }
.Ltmp3:
0xa0: {  	_ =	swait.ge [sflag:s10], $0x320;
	(pc) =	sbr.rel .LBB2_4-.Ltmp3, $4  }
0xa1: {  	[sflag:s10] =	ssyncset.done $0x0  }
0xa2: {  	[sflag:s10] =	ssyncadd.s32 $0xFFFFFCE0  }
0xa3: {  	[bflag:$0x0] =	sbarrier.arrive $0xFFFF  }
0xa4: {  	s5 =	simm.s32 $0x0  }
.LBB2_7:
0xa5: {  	[spmem:s3] =	stream.indirect.scatter.add.f32 [tilespmem:s19], [sflag:$0x8], $0x80, s29, s13, $0xb8;
	[tilespmem:$0x1F820] =	vst v63  }
0xa6: {  	p1 =	slt.u32 @!p0 s5, $0x8  }
0xa7: {  	[spmem:s4] =	stream.indirect.scatter.add.f32 [tilespmem:s20], [sflag:$0xC], $0x10, s29, s13, $0xb8;
	[tilespmem:$0x1F820] =	vst v63  }
0xa8: {  	p1 =	por p0, !p1;
	_ =	swait.ge [sflag:s18], $0x2000  }
.Ltmp4:
0xa9: {  	[sflag:s18] =	ssyncset.done $0x0;
	(pc) =	sbr.rel @p1 .LBB2_8-.Ltmp4, $4  }
0xaa: {  	[sflag:s18] =	ssyncadd.s32 $0xFFFFE000  }
0xab: {  	_ =	swait.ge [sflag:s24], $0x400  }
0xac: {  	[sflag:s24] =	ssyncset.done $0x0  }
0xad: {  	s5 =	sadd.s32 $0x1, s5;
	[sflag:s24] =	ssyncadd.s32 $0xFFFFFC00  }
.LBB2_4:
0xae: {  	s6 =	sshll.u32 s5, $0xB;
	s2 =	rddreg [dreg:$0x1c]  }
0xaf: {  	s6 =	sadd.s32 s2, s6  }
0xb0: {  	s29 =	rddreg [dreg:$0x6];
	s6 =	sshrl.u32 s6, $0x3  }
0xb1: {  	s7 =	sadd.s32 s29, s6  }
0xb2: {  	[tilespmem:s31], [sflag:$0xD] =	stream.linear.gather [hbm4b:s7+s31], $0x800, $0x38;
	[tilespmem:$0x1F820] =	vst v63  }
0xb3: {  	_ =	swait.ge [sflag:s10], $0x800  }
0xb4: {  	[sflag:s10] =	ssyncset.done $0x0;
	s7 =	rddreg [dreg:$0x7]  }
0xb5: {  	[sflag:s10] =	ssyncadd.s32 $0xFFFFF800;
	s6 =	sadd.s32 s7, s6  }
0xb6: {  	[tilespmem:s12], [sflag:$0xD] =	stream.linear.gather [hbm4b:s6+s31], $0x800, $0x38;
	[tilespmem:$0x1F820] =	vst v63  }
0xb7: {  	_ =	swait.ge [sflag:s10], $0x800  }
0xb8: {  	[sflag:s10] =	ssyncset.done $0x0  }
0xb9: {  	[sflag:s10] =	ssyncadd.s32 $0xFFFFF800  }
0xba: {  	[tilespmem:s0], [sflag:$0x1] =	stream.indirect.gather [hbm4b:s1+s13], $0x80, s31, s13, $0xb8;
	[tilespmem:$0x1F820] =	vst v63  }
0xbb: {  	_ = 	snop  }
0xbc: {  	[tilespmem:s14], [sflag:$0x2] =	stream.indirect.gather [hbm4b:s1+s13], $0x80, s13, s13, $0xb8;
	[tilespmem:$0x1F820] =	vst v63  }
0xbd: {  	s15 =	simm.s32 $0x80  }
0xbe: {  	[tilespmem:s16], [sflag:$0x3] =	stream.indirect.gather [hbm4b:s1+s13], $0x80, s15, s13, $0xb8;
	[tilespmem:$0x1F820] =	vst v63  }
0xbf: {  	_ =	swait.ge [sflag:s17], $0x2000  }
0xc0: {  	[sflag:s17] =	ssyncset.done $0x0  }
0xc1: {  	s25 =	simm.s32 $0xC0;
	[sflag:s17] =	ssyncadd.s32 $0xFFFFE000  }
0xc2: {  	[tilespmem:s19], [sflag:$0x4] =	stream.indirect.gather [hbm4b:s1+s13], $0x80, s25, s13, $0xb8;
	[tilespmem:$0x1F820] =	vst v63  }
0xc3: {  	_ = 	snop  }
0xc4: {  	[spmem:s3] =	stream.indirect.scatter.add.f32 [tilespmem:s0], [sflag:$0x5], $0x80, s12, s13, $0xb8;
	[tilespmem:$0x1F820] =	vst v63  }
0xc5: {  	_ = 	snop  }
0xc6: {  	[spmem:s4] =	stream.indirect.scatter.add.f32 [tilespmem:s20], [sflag:$0x9], $0x10, s12, s13, $0xb8;
	[tilespmem:$0x1F820] =	vst v63  }
0xc7: {  	_ =	swait.ge [sflag:s21], $0x2000  }
0xc8: {  	[sflag:s21] =	ssyncset.done $0x0  }
0xc9: {  	[sflag:s21] =	ssyncadd.s32 $0xFFFFE000  }
0xca: {  	_ =	swait.ge [sflag:s22], $0x2000  }
0xcb: {  	[sflag:s22] =	ssyncset.done $0x0  }
0xcc: {  	[sflag:s22] =	ssyncadd.s32 $0xFFFFE000  }
0xcd: {  	_ =	swait.ge [sflag:s23], $0x400  }
0xce: {  	[sflag:s23] =	ssyncset.done $0x0  }
0xcf: {  	s29 =	simm.s32 $0x100;
	[sflag:s23] =	ssyncadd.s32 $0xFFFFFC00  }
0xd0: {  	[tilespmem:s0], [sflag:$0x1] =	stream.indirect.gather [hbm4b:s1+s13], $0x80, s29, s13, $0xb8;
	[tilespmem:$0x1F820] =	vst v63  }
0xd1: {  	s6 =	simm.s32 $0x840  }
0xd2: {  	[spmem:s3] =	stream.indirect.scatter.add.f32 [tilespmem:s14], [sflag:$0x6], $0x80, s6, s13, $0xb8;
	[tilespmem:$0x1F820] =	vst v63  }
0xd3: {  	_ = 	snop  }
0xd4: {  	[spmem:s4] =	stream.indirect.scatter.add.f32 [tilespmem:s20], [sflag:$0xA], $0x10, s6, s13, $0xb8;
	[tilespmem:$0x1F820] =	vst v63  }
0xd5: {  	_ =	swait.ge [sflag:s26], $0x2000  }
0xd6: {  	[sflag:s26] =	ssyncset.done $0x0  }
0xd7: {  	[sflag:s26] =	ssyncadd.s32 $0xFFFFE000  }
0xd8: {  	_ =	swait.ge [sflag:s28], $0x2000  }
0xd9: {  	[sflag:s28] =	ssyncset.done $0x0  }
0xda: {  	[sflag:s28] =	ssyncadd.s32 $0xFFFFE000  }
0xdb: {  	_ =	swait.ge [sflag:s30], $0x400  }
0xdc: {  	[sflag:s30] =	ssyncset.done $0x0  }
0xdd: {  	s7 =	simm.s32 $0x140;
	[sflag:s30] =	ssyncadd.s32 $0xFFFFFC00  }
0xde: {  	[tilespmem:s14], [sflag:$0x2] =	stream.indirect.gather [hbm4b:s1+s13], $0x80, s7, s13, $0xb8;
	[tilespmem:$0x1F820] =	vst v63  }
0xdf: {  	s15 =	simm.s32 $0x880  }
0xe0: {  	[spmem:s3] =	stream.indirect.scatter.add.f32 [tilespmem:s16], [sflag:$0x7], $0x80, s15, s13, $0xb8;
	[tilespmem:$0x1F820] =	vst v63  }
0xe1: {  	_ = 	snop  }
0xe2: {  	[spmem:s4] =	stream.indirect.scatter.add.f32 [tilespmem:s20], [sflag:$0xB], $0x10, s15, s13, $0xb8;
	[tilespmem:$0x1F820] =	vst v63  }
0xe3: {  	_ =	swait.ge [sflag:s8], $0x2000  }
0xe4: {  	[sflag:s8] =	ssyncset.done $0x0  }
0xe5: {  	[sflag:s8] =	ssyncadd.s32 $0xFFFFE000  }
0xe6: {  	_ =	swait.ge [sflag:s9], $0x2000  }
0xe7: {  	[sflag:s9] =	ssyncset.done $0x0  }
0xe8: {  	[sflag:s9] =	ssyncadd.s32 $0xFFFFE000  }
0xe9: {  	_ =	swait.ge [sflag:s11], $0x400  }
0xea: {  	[sflag:s11] =	ssyncset.done $0x0  }
0xeb: {  	s25 =	simm.s32 $0x180;
	[sflag:s11] =	ssyncadd.s32 $0xFFFFFC00  }
0xec: {  	[tilespmem:s16], [sflag:$0x3] =	stream.indirect.gather [hbm4b:s1+s13], $0x80, s25, s13, $0xb8;
	[tilespmem:$0x1F820] =	vst v63  }
0xed: {  	s29 =	simm.s32 $0x8C0  }
0xee: {  	[spmem:s3] =	stream.indirect.scatter.add.f32 [tilespmem:s19], [sflag:$0x8], $0x80, s29, s13, $0xb8;
	[tilespmem:$0x1F820] =	vst v63  }
0xef: {  	s6 =	simm.s32 $0x0  }
0xf0: {  	[spmem:s4] =	stream.indirect.scatter.add.f32 [tilespmem:s20], [sflag:$0xC], $0x10, s29, s13, $0xb8;
	[tilespmem:$0x1F820] =	vst v63  }
.LBB2_5:
0xf1: {  	_ =	swait.ge [sflag:s17], $0x2000  }
0xf2: {  	[sflag:s17] =	ssyncset.done $0x0  }
0xf3: {  	[sflag:s17] =	ssyncadd.s32 $0xFFFFE000  }
0xf4: {  	_ =	swait.ge [sflag:s18], $0x2000  }
0xf5: {  	[sflag:s18] =	ssyncset.done $0x0  }
0xf6: {  	[sflag:s18] =	ssyncadd.s32 $0xFFFFE000  }
0xf7: {  	_ =	swait.ge [sflag:s24], $0x400  }
0xf8: {  	s7 =	sshra.s32 s6, $0x2;
	[sflag:s24] =	ssyncset.done $0x0  }
0xf9: {  	s29 =	sadd.s32 $0x1C0, s7;
	[sflag:s24] =	ssyncadd.s32 $0xFFFFFC00  }
0xfa: {  	[tilespmem:s19], [sflag:$0x4] =	stream.indirect.gather [hbm4b:s1+s13], $0x80, s29, s13, $0xb8;
	[tilespmem:$0x1F820] =	vst v63  }
0xfb: {  	s29 =	sadd.s32 $0x900, s7  }
0xfc: {  	[spmem:s3] =	stream.indirect.scatter.add.f32 [tilespmem:s0], [sflag:$0x5], $0x80, s29, s13, $0xb8;
	[tilespmem:$0x1F820] =	vst v63  }
0xfd: {  	_ = 	snop  }
0xfe: {  	[spmem:s4] =	stream.indirect.scatter.add.f32 [tilespmem:s20], [sflag:$0x9], $0x10, s29, s13, $0xb8;
	[tilespmem:$0x1F820] =	vst v63  }
0xff: {  	_ =	swait.ge [sflag:s21], $0x2000  }
0x100: {  	[sflag:s21] =	ssyncset.done $0x0  }
0x101: {  	[sflag:s21] =	ssyncadd.s32 $0xFFFFE000  }
0x102: {  	_ =	swait.ge [sflag:s22], $0x2000  }
0x103: {  	[sflag:s22] =	ssyncset.done $0x0  }
0x104: {  	[sflag:s22] =	ssyncadd.s32 $0xFFFFE000  }
0x105: {  	p1 =	seq.s32 s6, $0x1800;
	_ =	swait.ge [sflag:s23], $0x400  }
0x106: {  	s2 =	simm.s32 @!p1 $0x40;
	s29 =	sshra.s32 @!p1 s6, $0x2;
	[sflag:s23] =	ssyncset.done $0x0  }
0x107: {  	s15 =	simm.s32 @!p1 $0x1000;
	s25 =	sadd.s32 @!p1 $0x200, s29;
	[sflag:s23] =	ssyncadd.s32 $0xFFFFFC00  }
0x108: {  	[tilespmem:s15], [sflag:$0x1] =	stream.indirect.gather @!p1 [hbm4b:s1+s2], $0x80, s25, s2, $0xb8;
	[tilespmem:$0x1F820] =	vst v63  }
0x109: {  	s25 =	sadd.s32 $0x940, s7  }
0x10a: {  	[spmem:s3] =	stream.indirect.scatter.add.f32 [tilespmem:s14], [sflag:$0x6], $0x80, s25, s13, $0xb8;
	[tilespmem:$0x1F820] =	vst v63  }
0x10b: {  	_ = 	snop  }
0x10c: {  	[spmem:s4] =	stream.indirect.scatter.add.f32 [tilespmem:s20], [sflag:$0xA], $0x10, s25, s13, $0xb8;
	[tilespmem:$0x1F820] =	vst v63  }
0x10d: {  	_ =	swait.ge [sflag:s26], $0x2000  }
0x10e: {  	[sflag:s26] =	ssyncset.done $0x0  }
0x10f: {  	[sflag:s26] =	ssyncadd.s32 $0xFFFFE000  }
0x110: {  	_ =	swait.ge [sflag:s28], $0x2000  }
0x111: {  	[sflag:s28] =	ssyncset.done $0x0  }
0x112: {  	[sflag:s28] =	ssyncadd.s32 $0xFFFFE000  }
0x113: {  	_ =	swait.ge [sflag:s30], $0x400  }
0x114: {  	[sflag:s30] =	ssyncset.done $0x0  }
0x115: {  	s15 =	sadd.s32 @!p1 $0x240, s29;
	s25 =	simm.s32 @!p1 $0x3000;
	[sflag:s30] =	ssyncadd.s32 $0xFFFFFC00  }
0x116: {  	[tilespmem:s25], [sflag:$0x2] =	stream.indirect.gather @!p1 [hbm4b:s1+s2], $0x80, s15, s2, $0xb8;
	[tilespmem:$0x1F820] =	vst v63  }
0x117: {  	s25 =	sadd.s32 $0x980, s7  }
0x118: {  	[spmem:s3] =	stream.indirect.scatter.add.f32 [tilespmem:s16], [sflag:$0x7], $0x80, s25, s13, $0xb8;
	[tilespmem:$0x1F820] =	vst v63  }
0x119: {  	_ = 	snop  }
0x11a: {  	[spmem:s4] =	stream.indirect.scatter.add.f32 [tilespmem:s20], [sflag:$0xB], $0x10, s25, s13, $0xb8;
	[tilespmem:$0x1F820] =	vst v63  }
0x11b: {  	_ =	swait.ge [sflag:s8], $0x2000  }
0x11c: {  	[sflag:s8] =	ssyncset.done $0x0  }
0x11d: {  	[sflag:s8] =	ssyncadd.s32 $0xFFFFE000  }
0x11e: {  	_ =	swait.ge [sflag:s9], $0x2000  }
.Ltmp5:
0x11f: {  	[sflag:s9] =	ssyncset.done $0x0;
	(pc) =	sbr.rel @p1 .LBB2_7-.Ltmp5, $4  }
0x120: {  	[sflag:s9] =	ssyncadd.s32 $0xFFFFE000  }
0x121: {  	_ =	swait.ge [sflag:s11], $0x400  }
0x122: {  	[sflag:s11] =	ssyncset.done $0x0  }
0x123: {  	s29 =	sadd.s32 $0x9C0, s7;
	[sflag:s11] =	ssyncadd.s32 $0xFFFFFC00  }
0x124: {  	s2 =	sadd.s32 $0x280, s7  }
0x125: {  	[tilespmem:s16], [sflag:$0x3] =	stream.indirect.gather [hbm4b:s1+s13], $0x80, s2, s13, $0xb8;
	[tilespmem:$0x1F820] =	vst v63  }
.Ltmp6:
0x126: {  	_ = 	snop;
	(pc) =	sbr.rel .LBB2_5-.Ltmp6, $4  }
0x127: {  	_ = 	snop  }
0x128: {  	[spmem:s3] =	stream.indirect.scatter.add.f32 [tilespmem:s19], [sflag:$0x8], $0x80, s29, s13, $0xb8;
	[tilespmem:$0x1F820] =	vst v63  }
0x129: {  	s6 =	sadd.s32 $0x400, s6  }
0x12a: {  	[spmem:s4] =	stream.indirect.scatter.add.f32 [tilespmem:s20], [sflag:$0xC], $0x10, s29, s13, $0xb8;
	[tilespmem:$0x1F820] =	vst v63  }
.LBB2_9:
0x12b: {  	_ =	sfence.sel $0x180000  }
0x12c: {  	[bflag:$0x0] =	sbarrier.arrive $0xFFFF  }
0x12d: {  	_ =	strace $0x90000047  }
0x12e: {  	s0 =	stileid.u32;
	[bflag:$0x2] =	sbarrier.arrive $0xFFFF  }
0x12f: {  	p0 =	sne.s32 s0, $0x0;
	s0 =	rddreg [dreg:$0x4]  }
0x130: {  	s0 =	sadd.s32 @!p0 $0x100000, s0  }
0x131: {  	[sflag:s0] =	ssyncadd.tile.s32 @!p0 $0x1;
	_ =	shalt  }
.Lfunc_end2:
_tile_overlayer_lowered:
.L_overlay_start_2:
0x132: {  	(tag) =	ssettag $0x2  }
0x133: {  	s0 =	rddreg [dreg:$0x0];
	s2 =	stileid.u32  }
0x134: {  	s1 =	rddreg [dreg:$0x1];
	p0 =	sne.s32 s2, $0x0  }
0x135: {  	s3 =	rddreg [dreg:$0x2];
	[bflag:$0x3] =	sbarrier.arrive $0xFFFF;
	s2 =	simm.s32 @!p0 $0x1C0D  }
0x136: {  	[timem:s3], [sflag:s2] =	dma.local @!p0 [hbm:s0], s1  }
0x137: {  	s0 =	simm.s32 @!p0 $0xD  }
0x138: {  	_ =	swait.ge @!p0 [sflag:s0], s1  }
0x139: {  	s1 =	ssub.s32 @!p0 $0x0, s1;
	[sflag:s0] =	ssyncset.done @!p0 $0x0  }
0x13a: {  	[sflag:s0] =	ssyncadd.s32 @!p0 s1  }
0x13b: {  	[bflag:$0x3] =	sbarrier.arrive $0xFFFF  }
0x13c: {  	_ =	shalt  }

// kernel: kernel.9.cloned.1.call-start
scs
__scs_entry_jumppad:
0x0: {  	(pc) =	sbr.rel $0x88, $3  }
0x1: {  	(tag) =	ssettag $0x0;
	lr =	simm.s32 $0x1  }
0x2: {  	[smem:$0x3F96] =	sst lr;
	_ =	strace $0xD0000000  }
0x3: {  	_ = 	snop  }
0x4: {  	_ = 	snop  }
0x5: {  	_ = 	snop  }
0x6: {  	_ = 	snop  }
0x7: {  	_ = 	snop  }
__scs_overlays_trampoline_lowered:
0x8: {  	[smem:$0x3FA5] =	sst s0  }
0x9: {  	[smem:$0x3FA6] =	sst s1  }
0xa: {  	[smem:$0x3FA7] =	sst s2  }
0xb: {  	[smem:$0x3FA8] =	sst s3  }
0xc: {  	[smem:$0x3FA9] =	sst s4  }
0xd: {  	[smem:$0x3FAA] =	sst s5  }
0xe: {  	[smem:$0x3FAB] =	sst s6  }
0xf: {  	[smem:$0x3FAC] =	sst s7  }
0x10: {  	[smem:$0x3FAD] =	sst s8  }
0x11: {  	[smem:$0x3FAE] =	sst s9;
	s0 =	simm.s32 @!p0 $0x0  }
0x12: {  	s1 =	sld [smem:$0x3F94];
	s0 =	simm.s32 @p0 $0x1  }
0x13: {  	[smem:$0x3FAF] =	sst s0;
	s0 =	simm.s32 @!p1 $0x0  }
0x14: {  	s2 =	sld [smem:$0x3F93];
	s0 =	simm.s32 @p1 $0x1  }
0x15: {  	[smem:$0x3FB0] =	sst s0;
	s0 =	simm.s32 @!p2 $0x0  }
0x16: {  	s3 =	sld [smem:$0x3FDB];
	s0 =	simm.s32 @p2 $0x1  }
0x17: {  	s4 =	simm.s32 $0x1BF5;
	[smem:$0x3FB2] =	sst s0  }
0x18: {  	s0 =	sld [smem:$0x3F95];
	_ =	swait.ge [sflag:s4], $0x0  }
0x19: {  	s7 =	sld [smem:$0x3F96]  }
0x1a: {  	s8 =	sadd.s32 $0xFFFFE003, lr  }
0x1b: {  	s9 =	sadd.s32 $0xFFFFFEF7, lr;
	s5 =	simm.s32 $0xFFFFFFFF;
	p2 =	slt.u32 s8, $0xFFFFF086  }
0x1c: {  	p1 =	slt.u32 s9, $0xF7A;
	s5 =	simm.s32 @!p2 $0x0  }
0x1d: {  	s5 =	simm.s32 @p1 $0x1;
	p0 =	seq.s32 s7, s2  }
0x1e: {  	s7 =	smul.u32 @!p0 $0xF7A, s2;
	p2 =	seq.s32 @!p0 s5, $0x0  }
0x1f: {  	s9 =	smul.u32 $0xF7A, s1;
	s8 =	simm.s32 @!p0 $0x1BF5;
	p2 =	por !p2, p0  }
0x20: {  	[sflag:s8] =	ssyncset.s32 @!p0 $0xFFFFF086;
	s6 =	sadd.s32 @!p0 s3, s7;
	s7 =	simm.s32 @!p0 $0x108  }
0x21: {  	s3 =	sadd.s32 s3, s9;
	s6 =	sadd.s32 @!p0 $0x88, s6;
	s7 =	simm.s32 @p2 $0x1082  }
0x22: {  	[simem:s7], [sflag:s8] =	dma.local @!p0 [hbm:s6], $0xF7A  }
0x23: {  	s9 =	sor.u32 $0xD0000000, s2;
	s6 =	simm.s32 $0x108;
	_ =	swait.ge @!p0 [sflag:s8], $0x0  }
0x24: {  	s3 =	sadd.s32 $0x88, s3;
	s6 =	simm.s32 @!p1 $0x1082;
	[sflag:s4] =	ssyncset.s32 $0xFFFFF086  }
0x25: {  	[simem:s6], [sflag:s4] =	dma.local [hbm:s3], $0xF7A  }
0x26: {  	[smem:$0x3F96] =	sst s1;
	(tag) =	ssettag s2;
	_ =	strace s9  }
0x27: {  	s1 =	sld [smem:$0x3FA6]  }
0x28: {  	s2 =	sld [smem:$0x3FA7]  }
0x29: {  	s4 =	sld [smem:$0x3FA9]  }
0x2a: {  	p0 =	seq.s32 s5, $0x0;
	s5 =	sld [smem:$0x3FAA]  }
0x2b: {  	s6 =	sld [smem:$0x3FAB]  }
0x2c: {  	s7 =	sld [smem:$0x3FAC]  }
0x2d: {  	s3 =	simm.s32 $0x108;
	s8 =	sld [smem:$0x3FAD]  }
0x2e: {  	s3 =	simm.s32 @!p0 $0x1082;
	s9 =	sld [smem:$0x3FAE]  }
0x2f: {  	lr =	sadd.s32 s0, s3;
	s0 =	sld [smem:$0x3FA5]  }
0x30: {  	s3 =	sld [smem:$0x3FA8]  }
0x31: {  	[smem:$0x3FB1] =	sst s10  }
0x32: {  	s10 =	sld [smem:$0x3FAF];
	_ =	sdelay $0x3  }
0x33: {  	p0 =	seq.s32 s10, $0x1;
	s10 =	sld [smem:$0x3FB1];
	_ =	sdelay $0x3  }
0x34: {  	[smem:$0x3FB1] =	sst s10  }
0x35: {  	s10 =	sld [smem:$0x3FB0];
	_ =	sdelay $0x3  }
0x36: {  	p1 =	seq.s32 s10, $0x1;
	s10 =	sld [smem:$0x3FB1];
	_ =	sdelay $0x3  }
0x37: {  	[smem:$0x3FB1] =	sst s10  }
0x38: {  	s10 =	sld [smem:$0x3FB2]  }
0x39: {  	_ = 	snop;
	(pc) =	sbr.ind lr, $3  }
0x3a: {  	_ = 	snop  }
0x3b: {  	_ = 	snop  }
0x3c: {  	p2 =	seq.s32 s10, $0x1;
	s10 =	sld [smem:$0x3FB1]  }
0x3d: {  	_ =	shalt  }
0x3e: {  	_ =	shalt  }
0x3f: {  	_ =	shalt  }
0x40: {  	_ =	shalt  }
0x41: {  	_ =	shalt  }
0x42: {  	_ =	shalt  }
0x43: {  	_ =	shalt  }
0x44: {  	_ =	shalt  }
0x45: {  	_ =	shalt  }
0x46: {  	_ =	shalt  }
0x47: {  	_ =	shalt  }
0x48: {  	_ =	shalt  }
0x49: {  	_ =	shalt  }
0x4a: {  	_ =	shalt  }
0x4b: {  	_ =	shalt  }
0x4c: {  	_ =	shalt  }
0x4d: {  	_ =	shalt  }
0x4e: {  	_ =	shalt  }
0x4f: {  	_ =	shalt  }
0x50: {  	_ =	shalt  }
0x51: {  	_ =	shalt  }
0x52: {  	_ =	shalt  }
0x53: {  	_ =	shalt  }
0x54: {  	_ =	shalt  }
0x55: {  	_ =	shalt  }
0x56: {  	_ =	shalt  }
0x57: {  	_ =	shalt  }
0x58: {  	_ =	shalt  }
0x59: {  	_ =	shalt  }
0x5a: {  	_ =	shalt  }
0x5b: {  	_ =	shalt  }
0x5c: {  	_ =	shalt  }
0x5d: {  	_ =	shalt  }
0x5e: {  	_ =	shalt  }
0x5f: {  	_ =	shalt  }
0x60: {  	_ =	shalt  }
0x61: {  	_ =	shalt  }
0x62: {  	_ =	shalt  }
0x63: {  	_ =	shalt  }
0x64: {  	_ =	shalt  }
0x65: {  	_ =	shalt  }
0x66: {  	_ =	shalt  }
0x67: {  	_ =	shalt  }
0x68: {  	_ =	shalt  }
0x69: {  	_ =	shalt  }
0x6a: {  	_ =	shalt  }
0x6b: {  	_ =	shalt  }
0x6c: {  	_ =	shalt  }
0x6d: {  	_ =	shalt  }
0x6e: {  	_ =	shalt  }
0x6f: {  	_ =	shalt  }
0x70: {  	_ =	shalt  }
0x71: {  	_ =	shalt  }
0x72: {  	_ =	shalt  }
0x73: {  	_ =	shalt  }
0x74: {  	_ =	shalt  }
0x75: {  	_ =	shalt  }
0x76: {  	_ =	shalt  }
0x77: {  	_ =	shalt  }
0x78: {  	_ =	shalt  }
0x79: {  	_ =	shalt  }
0x7a: {  	_ =	shalt  }
0x7b: {  	_ =	shalt  }
0x7c: {  	_ =	shalt  }
0x7d: {  	_ =	shalt  }
0x7e: {  	_ =	shalt  }
0x7f: {  	_ =	shalt  }
0x80: {  	_ =	shalt  }
0x81: {  	_ =	shalt  }
0x82: {  	_ =	shalt  }
0x83: {  	_ =	shalt  }
0x84: {  	_ =	shalt  }
0x85: {  	_ =	shalt  }
0x86: {  	_ =	shalt  }
0x87: {  	_ =	shalt  }
.Lfunc_end0:
.L_simem_size_0:
called_computation.1_lowered:
.L_overlay_start_0:
0x88: {  	s2 =	sld [smem:$0x3FD9]  }
0x89: {  	s3 =	sld [smem:$0x3FFE];
	_ =	sdelay $0x1  }
0x8a: {  	s1 =	srdreg.scid  }
0x8b: {  	s0 =	sand.u32 $0x1, s1  }
0x8c: {  	s17 =	sshll.u32 s0, $0xA;
	s2 =	sadd.s32 s3, s2  }
0x8d: {  	s2 =	sadd.s32 s2, s17  }
0x8e: {  	[smem:$0x3FBD] =	sst s2  }
0x8f: {  	_ = 	snop  }
0x90: {  	s2 =	sld [smem:$0x3FC0]  }
0x91: {  	s18 =	sld [smem:$0x3FBF]  }
0x92: {  	s4 =	sld [smem:$0x3FD0];
	(tm) =	ssettm $0x1  }
0x93: {  	s5 =	sld [smem:$0x3FFB];
	_ =	sdelay $0x3  }
0x94: {  	_ =	strace s5  }
0x95: {  	s5 =	sld [smem:$0x3FFC];
	_ =	sdelay $0x3  }
0x96: {  	_ =	strace s5  }
0x97: {  	s5 =	sld [smem:$0x3FFD];
	_ =	sdelay $0x3  }
0x98: {  	_ =	strace s5  }
0x99: {  	_ =	strace $0x8FFFFFFF  }
0x9a: {  	s19 =	sld [smem:$0x3FDB];
	_ =	sdelay $0x1  }
0x9b: {  	s6 =	simm.s32 $_scs_section_size  }
0x9c: {  	s7 =	simm.s32 $_size__tile_overlayer_lowered;
	s8 =	simm.s32 $_tile_overlayer_lowered  }
0x9d: {  	s22 =	simm.s32 $0x1BFF;
	s21 =	sshll.u32 s8, $0x1;
	s5 =	sadd.s32 s6, s19  }
0x9e: {  	s9 =	simm.s32 $0x0;
	s20 =	sshll.u32 s7, $0x1;
	s7 =	sadd.s32 s21, s5  }
0x9f: {  	[timem:s9], [sflag:s22] =	dma.local [hbm:s7], s20  }
0xa0: {  	_ =	swait.ge [sflag:s22], s20  }
0xa1: {  	s6 =	ssub.s32 $0x0, s20;
	[sflag:s22] =	ssyncset.done $0x0  }
0xa2: {  	[sflag:s22] =	ssyncadd.s32 s6;
	_ =	sdelay $0x1  }
0xa3: {  	s23 =	simm.s32 $0x1B8B  }
0xa4: {  	_ =	swait.ge [sflag:s23], $0x1  }
0xa5: {  	[sflag:s23] =	ssyncset.done $0x0  }
0xa6: {  	s25 =	simm.s32 $0x1B8E;
	s24 =	sld [smem:$0x3FFE];
	[sflag:s23] =	ssyncadd.s32 $0xFFFFFFFF  }
0xa7: {  	s26 =	simm.s32 $execute0_lowered;
	[smem:$0x3FD2] =	sst s25  }
0xa8: {  	s7 =	sshll.u32 s26, $0x1;
	_ =	strace $0x80000049;
	[dreg:$0x1] =	wrdreg $0xFFFFFFFF  }
0xa9: {  	s28 =	simm.s32 $_size_execute0_lowered;
	s5 =	sadd.s32 s5, s7;
	[dreg:$0x0] =	wrdreg $0x0  }
0xaa: {  	s7 =	sshll.u32 s28, $0x1;
	[dreg:$0x2] =	wrdreg s5  }
0xab: {  	[dreg:$0x3] =	wrdreg s7  }
0xac: {  	[dreg:$0x4] =	wrdreg $0xC0  }
0xad: {  	_ =	task [dreg:s9], $0x5FFFF  }
0xae: {  	[dreg:$0x1] =	wrdreg $0xFFFFFFFF  }
0xaf: {  	[dreg:$0x0] =	wrdreg $0x60  }
0xb0: {  	[dreg:$0x2] =	wrdreg s24  }
0xb1: {  	[dreg:$0x3] =	wrdreg s2  }
0xb2: {  	[dreg:$0x4] =	wrdreg s18  }
0xb3: {  	[dreg:$0x5] =	wrdreg s4  }
0xb4: {  	[dreg:$0x6] =	wrdreg $0x90000  }
0xb5: {  	[dreg:$0x7] =	wrdreg $0xB0000  }
0xb6: {  	[dreg:$0x8] =	wrdreg $0x9  }
0xb7: {  	_ =	task.clear_ibuf [dreg:s9], $0x9FFFF;
	_ =	strace $0x90000049  }
0xb8: {  	s29 =	simm.s32 $0x9;
	_ =	strace $0x8000004B  }
0xb9: {  	_ =	swait.ge [sflag:s29], $0x1  }
0xba: {  	[sflag:s29] =	ssyncadd.s32 $0xFFFFFFFF  }
0xbb: {  	_ =	strace $0x9000004B  }
0xbc: {  	_ =	sfence  }
0xbd: {  	s30 =	sld [smem:$0x0];
	_ =	sdelay $0x2  }
0xbe: {  	s31 =	sshll.u32 s1, $0xD;
	s1 =	sshrl.u32 s1, $0x2  }
0xbf: {  	s3 =	sand.u32 $0x4000, s31;
	s1 =	sadd.s32 s1, s30  }
0xc0: {  	s0 =	sor.u32 s3, s0;
	s1 =	sshll.u32 s1, $0x11  }
0xc1: {  	s0 =	sor.u32 s1, s0  }
0xc2: {  	s0 =	sadd.s32 $0x8F2B, s0  }
0xc3: {  	[sflag:s0] =	ssyncadd.remote.s32 $0x1  }
0xc4: {  	_ =	sfence.sel $0xFFFF  }
0xc5: {  	[dreg:$0x0] =	wrdreg $0xFFFFFFFF;
	(pc) =	sbr.abs _section_cstart, $3  }
0xc6: {  	[dreg:$0x1] =	wrdreg $0xFFFFFFFF  }
0xc7: {  	_ =	task.clear_ibuf [dreg:s9], $0x2FFFF;
	_ =	strace $0x9FFFFFFF  }
0xc8: {  	(tm) =	ssettm $0x7FFFFFFF  }
0xc9: {  	_ =	shalt  }
tec
execute0_lowered:
.L_overlay_start_1:
0x0: {  	(tag) =	ssettag $0x1  }
0x1: {  	s0 =	rddreg [dreg:$0x0]  }
0x2: {  	s1 =	rddreg [dreg:$0x1]  }
0x3: {  	s8 =	rddreg [dreg:$0x2]  }
0x4: {  	s9 =	rddreg [dreg:$0x3]  }
0x5: {  	s2 =	rddreg [dreg:$0x4]  }
0x6: {  	s3 =	rddreg [dreg:$0x5]  }
0x7: {  	s4 =	srdreg.scid;
	s12 =	stileid.u32  }
0x8: {  	s14 =	simm.s32 $0xD;
	s16 =	simm.s32 $0x400;
	s17 =	simm.s32 $0x40  }
0x9: {  	s18 =	simm.s32 $0x2800;
	s20 =	simm.s32 $0x4800;
	s21 =	simm.s32 $0x1  }
0xa: {  	s28 =	simm.s32 $0x9;
	s31 =	simm.s32 $0x3;
	s15 =	simm.s32 $0xA  }
0xb: {  	s29 =	simm.s32 $0x7;
	s30 =	simm.s32 $0x0;
	s6 =	sand.u32 $0x1, s4  }
0xc: {  	s4 =	simm.s32 $0x0;
	s7 =	sshll.u32 s12, $0xD;
	s12 =	sshll.u32 s12, $0xA  }
0xd: {  	s5 =	sshll.u32 s6, $0x11;
	[smem:$0x7FF] =	sst s4;
	s11 =	ssub.s32 $0x2, s6  }
0xe: {  	s6 =	sshll.u32 s6, $0xE;
	s10 =	sor.u32 s7, s5;
	_ =	strace $0x8000004A  }
0xf: {  	s5 =	sadd.s32 $0x2C00, s0;
	s22 =	sshrl.u32 s11, $0x1;
	s13 =	sor.u32 s6, s12  }
0x10: {  	s6 =	sadd.s32 s7, s2;
	s7 =	sadd.s32 s12, s3;
	s12 =	simm.s32 $0x7C0  }
0x11: {  	s10 =	sshrl.u32 s10, $0x3;
	s23 =	sshrl.u32 s13, $0x3;
	s13 =	simm.s32 $0x800  }
0x12: {  	s0 =	sadd.s32 s10, s0;
	s10 =	ssub.s32 s11, s22;
	s1 =	sadd.s32 s1, s23  }
0x13: {  	s24 =	sadd.s32 s8, s23;
	s25 =	sadd.s32 s9, s23;
	[dreg:$0x7] =	wrdreg s1  }
0x14: {  	s23 =	simm.s32 $0x6800;
	s22 =	simm.s32 $0x4;
	[dreg:$0x8] =	wrdreg s24  }
0x15: {  	s9 =	simm.s32 $0x8;
	s0 =	sadd.s32 $0x29E00, s0;
	[dreg:$0xa] =	wrdreg s25  }
0x16: {  	s26 =	smax.u32 s10, $0x1;
	s24 =	simm.s32 $0x8800;
	s25 =	simm.s32 $0x2  }
0x17: {  	s1 =	simm.s32 $0xB;
	s10 =	simm.s32 $0xC;
	[dreg:$0x9] =	wrdreg s0  }
0x18: {  	v0 =	vimm.f32 $0.0e+00;
	v1 =	vimm.f32 $1.000000000e+00;
	[dreg:$0xb] =	wrdreg s26;
	s26 =	simm.s32 $0x5;
	s0 =	simm.s32 $0x6  }
.LBB2_1:
0x19: {  	s19 =	simm.s32 $0x840  }
0x1a: {  	[tilespmem:s19+$0x20] =	vst v0  }
0x1b: {  	[tilespmem:s19+$0x10] =	vst v0  }
0x1c: {  	[tilespmem:s19+$0x0] =	vst v0  }
0x1d: {  	[tilespmem:s19+$0xFFFFFFF0] =	vst v0  }
0x1e: {  	[tilespmem:s19+$0xFFFFFFE0] =	vst v0  }
0x1f: {  	[tilespmem:s19+$0xFFFFFFD0] =	vst v0  }
0x20: {  	[tilespmem:s19+$0xFFFFFFC0] =	vst v0  }
0x21: {  	s11 =	simm.s32 $0x0;
	s8 =	simm.s32 $0x40;
	[tilespmem:s19+$0x30] =	vst v0  }
.LBB2_2:
0x22: {  	p0 =	sne.s32 s8, $0xFC0;
	[tilespmem:s11+$0x8C00] =	vst v0  }
0x23: {  	s19 =	sadd.s32 $0x80, s19;
	[tilespmem:s11+$0x8800] =	vst v1  }
0x24: {  	[tilespmem:s19+$0x20] =	vst v0  }
0x25: {  	[tilespmem:s19+$0x10] =	vst v0  }
0x26: {  	[tilespmem:s19+$0x0] =	vst v0  }
.Ltmp0:
0x27: {  	[tilespmem:s19+$0xFFFFFFF0] =	vst v0;
	(pc) =	sbr.rel @p0 .LBB2_2-.Ltmp0, $4  }
0x28: {  	[tilespmem:s19+$0xFFFFFFE0] =	vst v0  }
0x29: {  	[tilespmem:s19+$0xFFFFFFD0] =	vst v0  }
0x2a: {  	[tilespmem:s19+$0xFFFFFFC0] =	vst v0  }
0x2b: {  	s11 =	sshra.s32 s8, $0x2;
	s8 =	sadd.s32 $0x40, s8;
	[tilespmem:s19+$0x30] =	vst v0  }
0x2c: {  	[tilespmem:s11+$0x8C00] =	vst v0  }
0x2d: {  	[tilespmem:s11+$0x8800] =	vst v1  }
0x2e: {  	[spmem:s6] =	stream.linear.scatter [tilespmem:s13], [sflag:$0xD], $0x2000, $0x38;
	[tilespmem:$0xB400] =	vst v63  }
0x2f: {  	_ =	swait.ge [sflag:s14], $0x2000  }
0x30: {  	[sflag:s14] =	ssyncset.done $0x0  }
0x31: {  	s8 =	simm.s32 $0x8C00;
	[sflag:s14] =	ssyncadd.s32 $0xFFFFE000  }
0x32: {  	[spmem:s7] =	stream.linear.scatter [tilespmem:s8], [sflag:$0xD], $0x400, $0x38;
	[tilespmem:$0xB400] =	vst v63  }
0x33: {  	_ =	swait.ge [sflag:s14], $0x400  }
0x34: {  	[sflag:s14] =	ssyncset.done $0x0  }
0x35: {  	[sflag:s14] =	ssyncadd.s32 $0xFFFFFC00  }
0x36: {  	[bflag:$0x0] =	sbarrier.arrive $0xFFFF  }
0x37: {  	s11 =	rddreg [dreg:$0x7]  }
0x38: {  	[tilespmem:s4], [sflag:$0xD] =	stream.linear.gather [hbm4b:s11+s4], $0x400, $0x38;
	[tilespmem:$0xB400] =	vst v63  }
0x39: {  	_ =	swait.ge [sflag:s14], $0x400  }
0x3a: {  	[sflag:s14] =	ssyncset.done $0x0  }
0x3b: {  	s19 =	rddreg [dreg:$0x8];
	[sflag:s14] =	ssyncadd.s32 $0xFFFFFC00  }
0x3c: {  	[tilespmem:s16], [sflag:$0xD] =	stream.linear.gather [hbm4b:s19+s4], $0x400, $0x38;
	[tilespmem:$0xB400] =	vst v63  }
0x3d: {  	_ =	swait.ge [sflag:s14], $0x400  }
0x3e: {  	[sflag:s14] =	ssyncset.done $0x0  }
0x3f: {  	[sflag:s14] =	ssyncadd.s32 $0xFFFFFC00  }
0x40: {  	[tilespmem:s13], [sflag:$0x1] =	stream.indirect.gather [hbm4b:s5+s17], $0x80, s4, s17, $0xb8;
	[tilespmem:$0xB400] =	vst v63  }
0x41: {  	_ = 	snop  }
0x42: {  	[tilespmem:s18], [sflag:$0x2] =	stream.indirect.gather [hbm4b:s5+s17], $0x80, s17, s17, $0xb8;
	[tilespmem:$0xB400] =	vst v63  }
0x43: {  	s11 =	simm.s32 $0x80  }
0x44: {  	[tilespmem:s20], [sflag:$0x3] =	stream.indirect.gather [hbm4b:s5+s17], $0x80, s11, s17, $0xb8;
	[tilespmem:$0xB400] =	vst v63  }
0x45: {  	_ =	swait.ge [sflag:s21], $0x2000  }
0x46: {  	[sflag:s21] =	ssyncset.done $0x0  }
0x47: {  	s19 =	simm.s32 $0xC0;
	[sflag:s21] =	ssyncadd.s32 $0xFFFFE000  }
0x48: {  	[tilespmem:s23], [sflag:$0x4] =	stream.indirect.gather [hbm4b:s5+s17], $0x80, s19, s17, $0xb8;
	[tilespmem:$0xB400] =	vst v63  }
0x49: {  	_ = 	snop  }
0x4a: {  	[spmem:s2] =	stream.indirect.scatter.add.f32 [tilespmem:s13], [sflag:$0x5], $0x80, s16, s17, $0xb8;
	[tilespmem:$0xB400] =	vst v63  }
0x4b: {  	_ = 	snop  }
0x4c: {  	[spmem:s3] =	stream.indirect.scatter.add.f32 [tilespmem:s24], [sflag:$0x9], $0x10, s16, s17, $0xb8;
	[tilespmem:$0xB400] =	vst v63  }
0x4d: {  	_ =	swait.ge [sflag:s25], $0x2000  }
0x4e: {  	[sflag:s25] =	ssyncset.done $0x0  }
0x4f: {  	[sflag:s25] =	ssyncadd.s32 $0xFFFFE000  }
0x50: {  	_ =	swait.ge [sflag:s26], $0x2000  }
0x51: {  	[sflag:s26] =	ssyncset.done $0x0  }
0x52: {  	[sflag:s26] =	ssyncadd.s32 $0xFFFFE000  }
0x53: {  	_ =	swait.ge [sflag:s28], $0x400  }
0x54: {  	[sflag:s28] =	ssyncset.done $0x0  }
0x55: {  	s11 =	simm.s32 $0x100;
	[sflag:s28] =	ssyncadd.s32 $0xFFFFFC00  }
0x56: {  	[tilespmem:s13], [sflag:$0x1] =	stream.indirect.gather [hbm4b:s5+s17], $0x80, s11, s17, $0xb8;
	[tilespmem:$0xB400] =	vst v63  }
0x57: {  	s19 =	simm.s32 $0x440  }
0x58: {  	[spmem:s2] =	stream.indirect.scatter.add.f32 [tilespmem:s18], [sflag:$0x6], $0x80, s19, s17, $0xb8;
	[tilespmem:$0xB400] =	vst v63  }
0x59: {  	_ = 	snop  }
0x5a: {  	[spmem:s3] =	stream.indirect.scatter.add.f32 [tilespmem:s24], [sflag:$0xA], $0x10, s19, s17, $0xb8;
	[tilespmem:$0xB400] =	vst v63  }
0x5b: {  	_ =	swait.ge [sflag:s31], $0x2000  }
0x5c: {  	[sflag:s31] =	ssyncset.done $0x0  }
0x5d: {  	[sflag:s31] =	ssyncadd.s32 $0xFFFFE000  }
0x5e: {  	_ =	swait.ge [sflag:s0], $0x2000  }
0x5f: {  	[sflag:s0] =	ssyncset.done $0x0  }
0x60: {  	[sflag:s0] =	ssyncadd.s32 $0xFFFFE000  }
0x61: {  	_ =	swait.ge [sflag:s15], $0x400  }
0x62: {  	[sflag:s15] =	ssyncset.done $0x0  }
0x63: {  	s11 =	simm.s32 $0x140;
	[sflag:s15] =	ssyncadd.s32 $0xFFFFFC00  }
0x64: {  	[tilespmem:s18], [sflag:$0x2] =	stream.indirect.gather [hbm4b:s5+s17], $0x80, s11, s17, $0xb8;
	[tilespmem:$0xB400] =	vst v63  }
0x65: {  	s19 =	simm.s32 $0x480  }
0x66: {  	[spmem:s2] =	stream.indirect.scatter.add.f32 [tilespmem:s20], [sflag:$0x7], $0x80, s19, s17, $0xb8;
	[tilespmem:$0xB400] =	vst v63  }
0x67: {  	_ = 	snop  }
0x68: {  	[spmem:s3] =	stream.indirect.scatter.add.f32 [tilespmem:s24], [sflag:$0xB], $0x10, s19, s17, $0xb8;
	[tilespmem:$0xB400] =	vst v63  }
0x69: {  	_ =	swait.ge [sflag:s22], $0x2000  }
0x6a: {  	[sflag:s22] =	ssyncset.done $0x0  }
0x6b: {  	[sflag:s22] =	ssyncadd.s32 $0xFFFFE000  }
0x6c: {  	_ =	swait.ge [sflag:s29], $0x2000  }
0x6d: {  	[sflag:s29] =	ssyncset.done $0x0  }
0x6e: {  	[sflag:s29] =	ssyncadd.s32 $0xFFFFE000  }
0x6f: {  	_ =	swait.ge [sflag:s1], $0x400  }
0x70: {  	[sflag:s1] =	ssyncset.done $0x0  }
0x71: {  	s11 =	simm.s32 $0x180;
	[sflag:s1] =	ssyncadd.s32 $0xFFFFFC00  }
0x72: {  	[tilespmem:s20], [sflag:$0x3] =	stream.indirect.gather [hbm4b:s5+s17], $0x80, s11, s17, $0xb8;
	[tilespmem:$0xB400] =	vst v63  }
0x73: {  	s19 =	simm.s32 $0x4C0  }
0x74: {  	[spmem:s2] =	stream.indirect.scatter.add.f32 [tilespmem:s23], [sflag:$0x8], $0x80, s19, s17, $0xb8;
	[tilespmem:$0xB400] =	vst v63  }
0x75: {  	_ = 	snop  }
0x76: {  	[spmem:s3] =	stream.indirect.scatter.add.f32 [tilespmem:s24], [sflag:$0xC], $0x10, s19, s17, $0xb8;
	[tilespmem:$0xB400] =	vst v63  }
0x77: {  	_ =	swait.ge [sflag:s21], $0x2000  }
0x78: {  	[sflag:s21] =	ssyncset.done $0x0  }
0x79: {  	[sflag:s21] =	ssyncadd.s32 $0xFFFFE000  }
0x7a: {  	_ =	swait.ge [sflag:s9], $0x2000  }
0x7b: {  	[sflag:s9] =	ssyncset.done $0x0  }
0x7c: {  	[sflag:s9] =	ssyncadd.s32 $0xFFFFE000  }
0x7d: {  	_ =	swait.ge [sflag:s10], $0x400  }
0x7e: {  	[sflag:s10] =	ssyncset.done $0x0  }
0x7f: {  	s11 =	simm.s32 $0x1C0;
	[sflag:s10] =	ssyncadd.s32 $0xFFFFFC00  }
0x80: {  	[tilespmem:s23], [sflag:$0x4] =	stream.indirect.gather [hbm4b:s5+s17], $0x80, s11, s17, $0xb8;
	[tilespmem:$0xB400] =	vst v63  }
0x81: {  	s19 =	simm.s32 $0x500  }
0x82: {  	[spmem:s2] =	stream.indirect.scatter.add.f32 [tilespmem:s13], [sflag:$0x5], $0x80, s19, s17, $0xb8;
	[tilespmem:$0xB400] =	vst v63  }
0x83: {  	_ = 	snop  }
0x84: {  	[spmem:s3] =	stream.indirect.scatter.add.f32 [tilespmem:s24], [sflag:$0x9], $0x10, s19, s17, $0xb8;
	[tilespmem:$0xB400] =	vst v63  }
0x85: {  	_ =	swait.ge [sflag:s25], $0x2000  }
0x86: {  	[sflag:s25] =	ssyncset.done $0x0  }
0x87: {  	[sflag:s25] =	ssyncadd.s32 $0xFFFFE000  }
0x88: {  	_ =	swait.ge [sflag:s26], $0x2000  }
0x89: {  	[sflag:s26] =	ssyncset.done $0x0  }
0x8a: {  	[sflag:s26] =	ssyncadd.s32 $0xFFFFE000  }
0x8b: {  	_ =	swait.ge [sflag:s28], $0x400  }
0x8c: {  	[sflag:s28] =	ssyncset.done $0x0  }
0x8d: {  	s11 =	simm.s32 $0x200;
	[sflag:s28] =	ssyncadd.s32 $0xFFFFFC00  }
0x8e: {  	[tilespmem:s13], [sflag:$0x1] =	stream.indirect.gather [hbm4b:s5+s17], $0x80, s11, s17, $0xb8;
	[tilespmem:$0xB400] =	vst v63  }
0x8f: {  	s19 =	simm.s32 $0x540  }
0x90: {  	[spmem:s2] =	stream.indirect.scatter.add.f32 [tilespmem:s18], [sflag:$0x6], $0x80, s19, s17, $0xb8;
	[tilespmem:$0xB400] =	vst v63  }
0x91: {  	_ = 	snop  }
0x92: {  	[spmem:s3] =	stream.indirect.scatter.add.f32 [tilespmem:s24], [sflag:$0xA], $0x10, s19, s17, $0xb8;
	[tilespmem:$0xB400] =	vst v63  }
0x93: {  	_ =	swait.ge [sflag:s31], $0x2000  }
0x94: {  	[sflag:s31] =	ssyncset.done $0x0  }
0x95: {  	[sflag:s31] =	ssyncadd.s32 $0xFFFFE000  }
0x96: {  	_ =	swait.ge [sflag:s0], $0x2000  }
0x97: {  	[sflag:s0] =	ssyncset.done $0x0  }
0x98: {  	[sflag:s0] =	ssyncadd.s32 $0xFFFFE000  }
0x99: {  	_ =	swait.ge [sflag:s15], $0x400  }
0x9a: {  	[sflag:s15] =	ssyncset.done $0x0  }
0x9b: {  	s11 =	simm.s32 $0x240;
	[sflag:s15] =	ssyncadd.s32 $0xFFFFFC00  }
0x9c: {  	[tilespmem:s18], [sflag:$0x2] =	stream.indirect.gather [hbm4b:s5+s17], $0x80, s11, s17, $0xb8;
	[tilespmem:$0xB400] =	vst v63  }
0x9d: {  	s19 =	simm.s32 $0x580  }
0x9e: {  	[spmem:s2] =	stream.indirect.scatter.add.f32 [tilespmem:s20], [sflag:$0x7], $0x80, s19, s17, $0xb8;
	[tilespmem:$0xB400] =	vst v63  }
0x9f: {  	_ = 	snop  }
0xa0: {  	[spmem:s3] =	stream.indirect.scatter.add.f32 [tilespmem:s24], [sflag:$0xB], $0x10, s19, s17, $0xb8;
	[tilespmem:$0xB400] =	vst v63  }
0xa1: {  	_ =	swait.ge [sflag:s22], $0x2000  }
0xa2: {  	[sflag:s22] =	ssyncset.done $0x0  }
0xa3: {  	[sflag:s22] =	ssyncadd.s32 $0xFFFFE000  }
0xa4: {  	_ =	swait.ge [sflag:s29], $0x2000  }
0xa5: {  	[sflag:s29] =	ssyncset.done $0x0  }
0xa6: {  	[sflag:s29] =	ssyncadd.s32 $0xFFFFE000  }
0xa7: {  	_ =	swait.ge [sflag:s1], $0x400  }
0xa8: {  	[sflag:s1] =	ssyncset.done $0x0  }
0xa9: {  	s11 =	simm.s32 $0x280;
	[sflag:s1] =	ssyncadd.s32 $0xFFFFFC00  }
0xaa: {  	[tilespmem:s20], [sflag:$0x3] =	stream.indirect.gather [hbm4b:s5+s17], $0x80, s11, s17, $0xb8;
	[tilespmem:$0xB400] =	vst v63  }
0xab: {  	s19 =	simm.s32 $0x5C0  }
0xac: {  	[spmem:s2] =	stream.indirect.scatter.add.f32 [tilespmem:s23], [sflag:$0x8], $0x80, s19, s17, $0xb8;
	[tilespmem:$0xB400] =	vst v63  }
0xad: {  	_ = 	snop  }
0xae: {  	[spmem:s3] =	stream.indirect.scatter.add.f32 [tilespmem:s24], [sflag:$0xC], $0x10, s19, s17, $0xb8;
	[tilespmem:$0xB400] =	vst v63  }
0xaf: {  	_ =	swait.ge [sflag:s21], $0x2000  }
0xb0: {  	[sflag:s21] =	ssyncset.done $0x0  }
0xb1: {  	[sflag:s21] =	ssyncadd.s32 $0xFFFFE000  }
0xb2: {  	_ =	swait.ge [sflag:s9], $0x2000  }
0xb3: {  	[sflag:s9] =	ssyncset.done $0x0  }
0xb4: {  	[sflag:s9] =	ssyncadd.s32 $0xFFFFE000  }
0xb5: {  	_ =	swait.ge [sflag:s10], $0x400  }
0xb6: {  	[sflag:s10] =	ssyncset.done $0x0  }
0xb7: {  	s11 =	simm.s32 $0x2C0;
	[sflag:s10] =	ssyncadd.s32 $0xFFFFFC00  }
0xb8: {  	[tilespmem:s23], [sflag:$0x4] =	stream.indirect.gather [hbm4b:s5+s17], $0x80, s11, s17, $0xb8;
	[tilespmem:$0xB400] =	vst v63  }
0xb9: {  	s19 =	simm.s32 $0x600  }
0xba: {  	[spmem:s2] =	stream.indirect.scatter.add.f32 [tilespmem:s13], [sflag:$0x5], $0x80, s19, s17, $0xb8;
	[tilespmem:$0xB400] =	vst v63  }
0xbb: {  	_ = 	snop  }
0xbc: {  	[spmem:s3] =	stream.indirect.scatter.add.f32 [tilespmem:s24], [sflag:$0x9], $0x10, s19, s17, $0xb8;
	[tilespmem:$0xB400] =	vst v63  }
0xbd: {  	_ =	swait.ge [sflag:s25], $0x2000  }
0xbe: {  	[sflag:s25] =	ssyncset.done $0x0  }
0xbf: {  	[sflag:s25] =	ssyncadd.s32 $0xFFFFE000  }
0xc0: {  	_ =	swait.ge [sflag:s26], $0x2000  }
0xc1: {  	[sflag:s26] =	ssyncset.done $0x0  }
0xc2: {  	[sflag:s26] =	ssyncadd.s32 $0xFFFFE000  }
0xc3: {  	_ =	swait.ge [sflag:s28], $0x400  }
0xc4: {  	[sflag:s28] =	ssyncset.done $0x0  }
0xc5: {  	s11 =	simm.s32 $0x300;
	[sflag:s28] =	ssyncadd.s32 $0xFFFFFC00  }
0xc6: {  	[tilespmem:s13], [sflag:$0x1] =	stream.indirect.gather [hbm4b:s5+s17], $0x80, s11, s17, $0xb8;
	[tilespmem:$0xB400] =	vst v63  }
0xc7: {  	s19 =	simm.s32 $0x640  }
0xc8: {  	[spmem:s2] =	stream.indirect.scatter.add.f32 [tilespmem:s18], [sflag:$0x6], $0x80, s19, s17, $0xb8;
	[tilespmem:$0xB400] =	vst v63  }
0xc9: {  	_ = 	snop  }
0xca: {  	[spmem:s3] =	stream.indirect.scatter.add.f32 [tilespmem:s24], [sflag:$0xA], $0x10, s19, s17, $0xb8;
	[tilespmem:$0xB400] =	vst v63  }
0xcb: {  	_ =	swait.ge [sflag:s31], $0x2000  }
0xcc: {  	[sflag:s31] =	ssyncset.done $0x0  }
0xcd: {  	[sflag:s31] =	ssyncadd.s32 $0xFFFFE000  }
0xce: {  	_ =	swait.ge [sflag:s0], $0x2000  }
0xcf: {  	[sflag:s0] =	ssyncset.done $0x0  }
0xd0: {  	[sflag:s0] =	ssyncadd.s32 $0xFFFFE000  }
0xd1: {  	_ =	swait.ge [sflag:s15], $0x400  }
0xd2: {  	[sflag:s15] =	ssyncset.done $0x0  }
0xd3: {  	s11 =	simm.s32 $0x340;
	[sflag:s15] =	ssyncadd.s32 $0xFFFFFC00  }
0xd4: {  	[tilespmem:s18], [sflag:$0x2] =	stream.indirect.gather [hbm4b:s5+s17], $0x80, s11, s17, $0xb8;
	[tilespmem:$0xB400] =	vst v63  }
0xd5: {  	s19 =	simm.s32 $0x680  }
0xd6: {  	[spmem:s2] =	stream.indirect.scatter.add.f32 [tilespmem:s20], [sflag:$0x7], $0x80, s19, s17, $0xb8;
	[tilespmem:$0xB400] =	vst v63  }
0xd7: {  	_ = 	snop  }
0xd8: {  	[spmem:s3] =	stream.indirect.scatter.add.f32 [tilespmem:s24], [sflag:$0xB], $0x10, s19, s17, $0xb8;
	[tilespmem:$0xB400] =	vst v63  }
0xd9: {  	_ =	swait.ge [sflag:s22], $0x2000  }
0xda: {  	[sflag:s22] =	ssyncset.done $0x0  }
0xdb: {  	[sflag:s22] =	ssyncadd.s32 $0xFFFFE000  }
0xdc: {  	_ =	swait.ge [sflag:s29], $0x2000  }
0xdd: {  	[sflag:s29] =	ssyncset.done $0x0  }
0xde: {  	[sflag:s29] =	ssyncadd.s32 $0xFFFFE000  }
0xdf: {  	_ =	swait.ge [sflag:s1], $0x400  }
0xe0: {  	[sflag:s1] =	ssyncset.done $0x0  }
0xe1: {  	s11 =	simm.s32 $0x380;
	[sflag:s1] =	ssyncadd.s32 $0xFFFFFC00  }
0xe2: {  	[tilespmem:s20], [sflag:$0x3] =	stream.indirect.gather [hbm4b:s5+s17], $0x80, s11, s17, $0xb8;
	[tilespmem:$0xB400] =	vst v63  }
0xe3: {  	s19 =	simm.s32 $0x6C0  }
0xe4: {  	[spmem:s2] =	stream.indirect.scatter.add.f32 [tilespmem:s23], [sflag:$0x8], $0x80, s19, s17, $0xb8;
	[tilespmem:$0xB400] =	vst v63  }
0xe5: {  	_ = 	snop  }
0xe6: {  	[spmem:s3] =	stream.indirect.scatter.add.f32 [tilespmem:s24], [sflag:$0xC], $0x10, s19, s17, $0xb8;
	[tilespmem:$0xB400] =	vst v63  }
0xe7: {  	_ =	swait.ge [sflag:s21], $0x2000  }
0xe8: {  	[sflag:s21] =	ssyncset.done $0x0  }
0xe9: {  	[sflag:s21] =	ssyncadd.s32 $0xFFFFE000  }
0xea: {  	_ =	swait.ge [sflag:s9], $0x2000  }
0xeb: {  	[sflag:s9] =	ssyncset.done $0x0  }
0xec: {  	[sflag:s9] =	ssyncadd.s32 $0xFFFFE000  }
0xed: {  	_ =	swait.ge [sflag:s10], $0x400  }
0xee: {  	[sflag:s10] =	ssyncset.done $0x0  }
0xef: {  	s11 =	simm.s32 $0x3C0;
	[sflag:s10] =	ssyncadd.s32 $0xFFFFFC00  }
0xf0: {  	[tilespmem:s23], [sflag:$0x4] =	stream.indirect.gather [hbm4b:s5+s17], $0x80, s11, s17, $0xb8;
	[tilespmem:$0xB400] =	vst v63  }
0xf1: {  	s19 =	simm.s32 $0x700  }
0xf2: {  	[spmem:s2] =	stream.indirect.scatter.add.f32 [tilespmem:s13], [sflag:$0x5], $0x80, s19, s17, $0xb8;
	[tilespmem:$0xB400] =	vst v63  }
0xf3: {  	_ = 	snop  }
0xf4: {  	[spmem:s3] =	stream.indirect.scatter.add.f32 [tilespmem:s24], [sflag:$0x9], $0x10, s19, s17, $0xb8;
	[tilespmem:$0xB400] =	vst v63  }
0xf5: {  	_ =	swait.ge [sflag:s25], $0x2000  }
0xf6: {  	[sflag:s25] =	ssyncset.done $0x0  }
0xf7: {  	[sflag:s25] =	ssyncadd.s32 $0xFFFFE000  }
0xf8: {  	_ =	swait.ge [sflag:s26], $0x2000  }
0xf9: {  	[sflag:s26] =	ssyncset.done $0x0  }
0xfa: {  	[sflag:s26] =	ssyncadd.s32 $0xFFFFE000  }
0xfb: {  	_ =	swait.ge [sflag:s28], $0x400  }
0xfc: {  	[sflag:s28] =	ssyncset.done $0x0  }
0xfd: {  	s11 =	simm.s32 $0x740;
	[sflag:s28] =	ssyncadd.s32 $0xFFFFFC00  }
0xfe: {  	[spmem:s2] =	stream.indirect.scatter.add.f32 [tilespmem:s18], [sflag:$0x6], $0x80, s11, s17, $0xb8;
	[tilespmem:$0xB400] =	vst v63  }
0xff: {  	_ = 	snop  }
0x100: {  	[spmem:s3] =	stream.indirect.scatter.add.f32 [tilespmem:s24], [sflag:$0xA], $0x10, s11, s17, $0xb8;
	[tilespmem:$0xB400] =	vst v63  }
0x101: {  	_ =	swait.ge [sflag:s31], $0x2000  }
0x102: {  	[sflag:s31] =	ssyncset.done $0x0  }
0x103: {  	[sflag:s31] =	ssyncadd.s32 $0xFFFFE000  }
0x104: {  	_ =	swait.ge [sflag:s0], $0x2000  }
0x105: {  	[sflag:s0] =	ssyncset.done $0x0  }
0x106: {  	[sflag:s0] =	ssyncadd.s32 $0xFFFFE000  }
0x107: {  	_ =	swait.ge [sflag:s15], $0x400  }
0x108: {  	[sflag:s15] =	ssyncset.done $0x0  }
0x109: {  	s19 =	simm.s32 $0x780;
	[sflag:s15] =	ssyncadd.s32 $0xFFFFFC00  }
0x10a: {  	[spmem:s2] =	stream.indirect.scatter.add.f32 [tilespmem:s20], [sflag:$0x7], $0x80, s19, s17, $0xb8;
	[tilespmem:$0xB400] =	vst v63  }
0x10b: {  	_ = 	snop  }
0x10c: {  	[spmem:s3] =	stream.indirect.scatter.add.f32 [tilespmem:s24], [sflag:$0xB], $0x10, s19, s17, $0xb8;
	[tilespmem:$0xB400] =	vst v63  }
0x10d: {  	_ =	swait.ge [sflag:s22], $0x2000  }
0x10e: {  	[sflag:s22] =	ssyncset.done $0x0  }
0x10f: {  	[sflag:s22] =	ssyncadd.s32 $0xFFFFE000  }
0x110: {  	_ =	swait.ge [sflag:s29], $0x2000  }
0x111: {  	[sflag:s29] =	ssyncset.done $0x0  }
0x112: {  	[sflag:s29] =	ssyncadd.s32 $0xFFFFE000  }
0x113: {  	_ =	swait.ge [sflag:s1], $0x400  }
0x114: {  	[sflag:s1] =	ssyncset.done $0x0  }
0x115: {  	[sflag:s1] =	ssyncadd.s32 $0xFFFFFC00  }
0x116: {  	[spmem:s2] =	stream.indirect.scatter.add.f32 [tilespmem:s23], [sflag:$0x8], $0x80, s12, s17, $0xb8;
	[tilespmem:$0xB400] =	vst v63  }
0x117: {  	_ = 	snop  }
0x118: {  	[spmem:s3] =	stream.indirect.scatter.add.f32 [tilespmem:s24], [sflag:$0xC], $0x10, s12, s17, $0xb8;
	[tilespmem:$0xB400] =	vst v63  }
0x119: {  	_ =	swait.ge [sflag:s9], $0x2000  }
0x11a: {  	[sflag:s9] =	ssyncset.done $0x0  }
0x11b: {  	[sflag:s9] =	ssyncadd.s32 $0xFFFFE000  }
0x11c: {  	_ =	swait.ge [sflag:s10], $0x400  }
0x11d: {  	[sflag:s10] =	ssyncset.done $0x0  }
0x11e: {  	s11 =	stileid.u32;
	[sflag:s10] =	ssyncadd.s32 $0xFFFFFC00  }
0x11f: {  	s8 =	sshll.u32 s11, $0x6;
	[bflag:$0x0] =	sbarrier.arrive $0xFFFF  }
0x120: {  	s11 =	sshrl.u32 s6, $0x3;
	s8 =	sor.u32 $0x1C0D, s8;
	s19 =	rddreg [dreg:$0x9]  }
0x121: {  	[hbm:s19], [sflag:s8] =	dma.local [spmem:s11], $0x400  }
0x122: {  	_ =	swait.ge [sflag:s14], $0x400  }
0x123: {  	[sflag:s14] =	ssyncset.done $0x0  }
0x124: {  	s11 =	sshrl.u32 s7, $0x3;
	s19 =	rddreg [dreg:$0xa];
	[sflag:s14] =	ssyncadd.s32 $0xFFFFFC00  }
0x125: {  	[hbm:s19], [sflag:s8] =	dma.local [spmem:s11], $0x80  }
0x126: {  	_ =	swait.ge [sflag:s14], $0x80  }
0x127: {  	s30 =	sadd.s32 $0x1, s30;
	s19 =	rddreg [dreg:$0xb]  }
0x128: {  	p0 =	sne.s32 s30, s19  }
.Ltmp1:
0x129: {  	_ = 	snop;
	(pc) =	sbr.rel @p0 .LBB2_1-.Ltmp1, $3  }
0x12a: {  	_ =	sdelay $0x1  }
0x12b: {  	[sflag:s14] =	ssyncset.done $0x0  }
0x12c: {  	[sflag:s14] =	ssyncadd.s32 $0xFFFFFF80  }
0x12d: {  	_ =	sfence.sel $0x180000  }
0x12e: {  	[bflag:$0x0] =	sbarrier.arrive $0xFFFF  }
0x12f: {  	_ =	strace $0x9000004A  }
0x130: {  	s0 =	stileid.u32;
	[bflag:$0x2] =	sbarrier.arrive $0xFFFF  }
0x131: {  	p0 =	sne.s32 s0, $0x0;
	s0 =	rddreg [dreg:$0x6]  }
0x132: {  	s0 =	sadd.s32 @!p0 $0x100000, s0  }
0x133: {  	[sflag:s0] =	ssyncadd.tile.s32 @!p0 $0x1;
	_ =	shalt  }
.Lfunc_end2:
_tile_overlayer_lowered:
.L_overlay_start_2:
0x134: {  	(tag) =	ssettag $0x2  }
0x135: {  	s0 =	rddreg [dreg:$0x0];
	s2 =	stileid.u32  }
0x136: {  	s1 =	rddreg [dreg:$0x1];
	p0 =	sne.s32 s2, $0x0  }
0x137: {  	s3 =	rddreg [dreg:$0x2];
	[bflag:$0x3] =	sbarrier.arrive $0xFFFF;
	s2 =	simm.s32 @!p0 $0x1C0D  }
0x138: {  	[timem:s3], [sflag:s2] =	dma.local @!p0 [hbm:s0], s1  }
0x139: {  	s0 =	simm.s32 @!p0 $0xD  }
0x13a: {  	_ =	swait.ge @!p0 [sflag:s0], s1  }
0x13b: {  	s1 =	ssub.s32 @!p0 $0x0, s1;
	[sflag:s0] =	ssyncset.done @!p0 $0x0  }
0x13c: {  	[sflag:s0] =	ssyncadd.s32 @!p0 s1  }
0x13d: {  	[bflag:$0x3] =	sbarrier.arrive $0xFFFF  }
0x13e: {  	_ =	shalt  }

</sc_bundles>
